<compile_context>
chip_gen: v7x
topology: tpu7x:2x2x1
jax: 0.10.2.dev20260603
libtpu: 0.0.44.dev20260713+nightly
codegen_flags: <defaults>
</compile_context>

<pallas_src>
import functools
import jax
import jax.numpy as jnp
from jax import lax
from jax.experimental import pallas as pl
from jax.experimental.pallas import tpu as pltpu
from jax.experimental.pallas import tpu_sc as plsc

L = 16
NB1 = 4096
NB2 = 4096
NB3 = 256
CAP = 2048
NEG_INF = -1e9


def _splat(x):
    return jnp.broadcast_to(x, (L,))


def _extract(vec, lane_splat):
    io = lax.iota(jnp.int32, L)
    sel = jnp.where(io == lane_splat, vec, jnp.zeros_like(vec))
    return jnp.sum(sel)


def _keys_of(v):
    b = plsc.bitcast(v, jnp.int32)
    return jnp.where(b >= 0, b, b ^ jnp.int32(0x7FFFFFFF))


def _scan_hist(cnt_ref, sum_ref, nb, tg, ts, k_s, pz_s):
    kspl = _splat(k_s)
    pzspl = _splat(pz_s)
    tgspl = _splat(tg)
    tsspl = _splat(ts)

    def body(i, carry):
        found, b, cpre, spre, crun, srun = carry
        c = cnt_ref[pl.ds(i * L, L)]
        s = sum_ref[pl.ds(i * L, L)]
        cincl = _splat(crun) + plsc.cumsum(c)
        sincl = _splat(srun) + plsc.cumsum(s)
        mask = ((tgspl - cincl) < kspl) & ((tsspl - sincl) <= pzspl)
        npop = jnp.sum(plsc.all_reduce_population_count(mask))
        l = jnp.sum(plsc.all_reduce_ffs(mask)) >> 4
        hit = (npop > 0) & (found == 0)
        b = jnp.where(hit, i * L + l, b)
        cpre = jnp.where(hit, crun, cpre)
        spre = jnp.where(hit, srun, spre)
        found = jnp.where(hit, jnp.int32(1), found)
        crun = crun + jnp.sum(c)
        srun = srun + jnp.sum(s)
        return (found, b, cpre, spre, crun, srun)

    init = (jnp.int32(0), jnp.int32(0), jnp.int32(0), jnp.float32(0),
            jnp.int32(0), jnp.float32(0))
    _, b, cpre, spre, _, _ = lax.fori_loop(0, nb // L, body, init,
                                           unroll=2)
    base = (b >> 4) << 4
    lane = _splat(b & (L - 1))
    c = cnt_ref[pl.ds(base, L)]
    s = sum_ref[pl.ds(base, L)]
    cincl = _splat(cpre) + plsc.cumsum(c)
    sincl = _splat(spre) + plsc.cumsum(s)
    g0 = tg - _extract(cincl, lane)
    s0 = ts - _extract(sincl, lane)
    m_at = _extract(c, lane)
    s_at = _extract(s, lane)
    return b, g0, s0, m_at, s_at


def _clear_hists(cnt_ref, sum_ref, nb):
    def body(i, carry):
        cnt_ref[pl.ds(i * L, L)] = jnp.zeros((L,), jnp.int32)
        sum_ref[pl.ds(i * L, L)] = jnp.zeros((L,), jnp.float32)
        return carry
    lax.fori_loop(0, nb // L, body, jnp.int32(0), unroll=8)


def make_sc_kernel(B, V):
    info = plsc.get_sparse_core_info()
    NC, NS = info.num_cores, info.num_subcores
    NW = NC * NS
    assert B % NW == 0 and V % L == 0
    RW = B // NW
    NCH = V // L
    mesh = plsc.VectorSubcoreMesh(core_axis_name="c", subcore_axis_name="s")

    @functools.partial(
        pl.kernel,
        mesh=mesh,
        out_type=jax.ShapeDtypeStruct((B, V), jnp.float32),
        scratch_types=[
            pltpu.VMEM((V,), jnp.float32),
            pltpu.VMEM((B,), jnp.float32),
            pltpu.VMEM((B,), jnp.int32),
            pltpu.VMEM((NB1,), jnp.int32),
            pltpu.VMEM((NB1,), jnp.float32),
            pltpu.VMEM((CAP + L,), jnp.float32),
        ],
        compiler_params=pltpu.CompilerParams(needs_layout_passes=False),
    )
    def sc_kernel(logits_hbm, p_hbm, k_hbm, out_hbm,
                  row_v, p_v, k_v, hcnt, hsum, cand_v):
        wid = lax.axis_index("s") * NC + lax.axis_index("c")
        pltpu.sync_copy(p_hbm, p_v)
        pltpu.sync_copy(k_hbm, k_v)
        ones16 = jnp.ones((L,), jnp.int32)

        def row_body(j, carry):
            row = wid * RW + j
            pltpu.sync_copy(logits_hbm.at[row], row_v)

            lane = _splat(row & (L - 1))
            p_s = _extract(p_v[pl.ds((row >> 4) << 4, L)], lane)
            k_s = _extract(k_v[pl.ds((row >> 4) << 4, L)], lane)

            def max_body(i, acc):
                return jnp.maximum(acc, row_v[pl.ds(i * L, L)])
            maxvec = lax.fori_loop(0, NCH, max_body,
                                   jnp.full((L,), -jnp.inf, jnp.float32),
                                   unroll=8)
            m_s = jnp.max(maxvec)
            m_spl = _splat(m_s)

            _clear_hists(hcnt, hsum, NB1)

            def h1_body(i, zacc):
                v = row_v[pl.ds(i * L, L)]
                key = _keys_of(v)
                e = jnp.exp(v - m_spl)
                bucket = (key >> 20) + 2048
                plsc.addupdate_scatter(hcnt, [bucket], ones16)
                plsc.addupdate_scatter(hsum, [bucket], e)
                return zacc + e
            zacc = lax.fori_loop(0, NCH, h1_body, jnp.zeros((L,), jnp.float32),
                                 unroll=8)
            z_s = jnp.sum(zacc)
            pz_s = p_s * z_s

            b1, g1, s1, m1, sa1 = _scan_hist(
                hcnt, hsum, NB1, jnp.int32(V), z_s, k_s, pz_s)

            _clear_hists(hcnt, hsum, NB1)
            b1s = _splat(b1)
            tg2 = g1 + m1
            ts2 = s1 + sa1
            iolane = lax.iota(jnp.int32, L)

            def hist12_of(src_ref, n_ch, m_valid):
                mval = _splat(m_valid)

                def body(i, carry):
                    v = src_ref[pl.ds(i * L, L)]
                    key = _keys_of(v)
                    e = jnp.exp(v - m_spl)
                    msk = (((key >> 20) + 2048) == b1s) \
                        & ((iolane + i * L) < mval)
                    bucket = (key >> 8) & 0xFFF
                    plsc.addupdate_scatter(hcnt, [bucket], ones16, mask=msk)
                    plsc.addupdate_scatter(hsum, [bucket], e, mask=msk)
                    return carry
                return body

            def hist8_of(src_ref, prefs, m_valid):
                mval = _splat(m_valid)

                def body(i, carry):
                    v = src_ref[pl.ds(i * L, L)]
                    key = _keys_of(v)
                    e = jnp.exp(v - m_spl)
                    msk = ((key >> 8) == prefs) & ((iolane + i * L) < mval)
                    bucket = key & 0xFF
                    plsc.addupdate_scatter(hcnt, [bucket], ones16, mask=msk)
                    plsc.addupdate_scatter(hsum, [bucket], e, mask=msk)
                    return carry
                return body

            def refine_small():
                def comp_body(i, off):
                    v = row_v[pl.ds(i * L, L)]
                    key = _keys_of(v)
                    msk = ((key >> 20) + 2048) == b1s
                    plsc.store_compressed(cand_v.at[pl.ds(off, L)], v,
                                          mask=msk)
                    npop = jnp.sum(plsc.all_reduce_population_count(msk))
                    return off + (npop >> 4)
                lax.fori_loop(0, NCH, comp_body, jnp.int32(0), unroll=2)
                nch2 = (m1 + (L - 1)) >> 4
                lax.fori_loop(0, nch2, hist12_of(cand_v, nch2, m1),
                              jnp.int32(0))
                b2, g2, s2, m2c, sa2 = _scan_hist(
                    hcnt, hsum, NB2, tg2, ts2, k_s, pz_s)
                _clear_hists(hcnt, hsum, NB3)
                pref = ((b1 - 2048) << 12) | b2
                lax.fori_loop(0, nch2, hist8_of(cand_v, _splat(pref), m1),
                              jnp.int32(0))
                b3, gf, sf, mf, _saf = _scan_hist(
                    hcnt, hsum, NB3, g2 + m2c, s2 + sa2, k_s, pz_s)
                return pref, b3, gf, sf, mf

            def refine_full():
                lax.fori_loop(0, NCH, hist12_of(row_v, NCH, jnp.int32(V)),
                              jnp.int32(0), unroll=4)
                b2, g2, s2, m2c, sa2 = _scan_hist(
                    hcnt, hsum, NB2, tg2, ts2, k_s, pz_s)
                _clear_hists(hcnt, hsum, NB3)
                pref = ((b1 - 2048) << 12) | b2
                lax.fori_loop(0, NCH, hist8_of(row_v, _splat(pref),
                                               jnp.int32(V)),
                              jnp.int32(0), unroll=4)
                b3, gf, sf, mf, _saf = _scan_hist(
                    hcnt, hsum, NB3, g2 + m2c, s2 + sa2, k_s, pz_s)
                return pref, b3, gf, sf, mf

            pref, b3, gf, sf, mf = lax.cond(
                m1 <= CAP, refine_small, refine_full)

            kstar = (pref << 8) | b3
            kst_spl = _splat(kstar)
            bst = jnp.where(kst_spl >= 0, kst_spl,
                            kst_spl ^ jnp.int32(0x7FFFFFFF))
            vstar = plsc.bitcast(bst, jnp.float32)
            estar_v = jnp.exp(vstar - m_spl)
            lane0 = _splat(jnp.int32(0))
            estar = _extract(estar_v, lane0)

            mf_f = mf.astype(jnp.float32)
            ratio_v = _splat(pz_s - sf) / estar_v
            ratio_v = jnp.minimum(ratio_v, _splat(mf_f))
            cnt_i = ratio_v.astype(jnp.int32) + 1
            np_in = _extract(jnp.where(estar_v > 0, cnt_i, _splat(mf)), lane0)
            np_in = jnp.maximum(jnp.minimum(np_in, mf), 1)
            n = jnp.minimum(k_s, gf + np_in)
            r = n - gf

            has_masked = n < V
            m2_s = jnp.maximum(m_s, jnp.where(has_masked,
                                              jnp.float32(NEG_INF),
                                              jnp.float32(-jnp.inf)))
            m2_spl = _splat(m2_s)
            u_s = jnp.where(has_masked,
                            _extract(jnp.exp(_splat(jnp.float32(NEG_INF))
                                             - m2_spl), lane0),
                            jnp.float32(0.0))
            scale = _extract(jnp.exp(m_spl - m2_spl), lane0)
            zk = (sf + r.astype(jnp.float32) * estar) * scale \
                + (V - n).astype(jnp.float32) * u_s
            inv_zk = jnp.ones((L,), jnp.float32) / _splat(zk)
            u_over_zk = _splat(u_s) * inv_zk

            rs = _splat(r)

            def out_simple(i, carry):
                v = row_v[pl.ds(i * L, L)]
                key = _keys_of(v)
                kept = key >= kst_spl
                e2 = jnp.exp(v - m2_spl)
                row_v[pl.ds(i * L, L)] = jnp.where(kept, e2 * inv_zk,
                                                   u_over_zk)
                return carry

            def out_tie(i, tie_run):
                v = row_v[pl.ds(i * L, L)]
                key = _keys_of(v)
                gt = key > kst_spl
                eqm = key == kst_spl
                incl = plsc.cumsum(jnp.where(eqm, 1, 0).astype(jnp.int32))
                kept = gt | (eqm & ((tie_run + incl) <= rs))
                e2 = jnp.exp(v - m2_spl)
                out = jnp.where(kept, e2 * inv_zk, u_over_zk)
                row_v[pl.ds(i * L, L)] = out
                return tie_run + plsc.all_reduce_population_count(eqm)

            def do_simple():
                lax.fori_loop(0, NCH, out_simple, jnp.int32(0), unroll=8)
                return jnp.int32(0)

            def do_tie():
                lax.fori_loop(0, NCH, out_tie, jnp.zeros((L,), jnp.int32),
                              unroll=4)
                return jnp.int32(0)

            lax.cond(r == mf, do_simple, do_tie)

            pltpu.sync_copy(row_v, out_hbm.at[row])
            return carry

        lax.fori_loop(0, RW, row_body, jnp.int32(0))

    return sc_kernel


def kernel(logits, top_ps, top_ks):
    B, V = logits.shape
    p2 = top_ps.astype(jnp.float32)
    k2 = top_ks.astype(jnp.int32)
    return make_sc_kernel(B, V)(logits, p2, k2)

# --- scband reference (transcript-rebuilt; emitter-appended) ---
"""Pipeline reference for scband-sampler-32736240730902 (READ-ONLY COPY).

The authoritative reference and input builder live on the scoring server;
editing this copy changes nothing except your own understanding.
"""

import jax, jax.numpy as jnp
import numpy as np

B = 128
V = 100000
NEG_INF = -1e9


def setup_inputs(seed: int = 0) -> dict:
    key = jax.random.key(seed)
    k1, k2, k3 = jax.random.split(key, 3)
    logits = jax.random.normal(k1, (B, V), dtype=jnp.float32)
    top_ps = jax.random.uniform(k2, (B,), dtype=jnp.float32)
    top_ks = jax.random.randint(k3, (B,), 1, 1000, dtype=jnp.int64)
    return {"logits": logits, "top_ps": top_ps, "top_ks": top_ks}


def reference(logits, top_ps, top_ks):
    # Faithful port of _apply_top_p_top_k from the vLLM-style Sampler,
    # followed by the final softmax that produces sampling probabilities.
    # 1) sort logits descending
    sort_idx = jnp.argsort(-logits, axis=-1)
    logits_sort = jnp.take_along_axis(logits, sort_idx, axis=-1)
    # 2) top-p mask over sorted softmax cumsum
    probs_sort = jax.nn.softmax(logits_sort, axis=-1)
    probs_sum = jnp.cumsum(probs_sort, axis=-1)
    top_p_mask = (probs_sum - probs_sort) > top_ps[:, None]
    # 3) top-k mask over rank positions
    ranks = jnp.arange(V, dtype=jnp.int32)[None, :]
    top_k_mask = ranks >= top_ks[:, None].astype(jnp.int32)
    mask = jnp.logical_or(top_p_mask, top_k_mask)
    logits_sort = jnp.where(mask, NEG_INF, logits_sort)
    # 4) scatter back to original vocab order via inverse permutation
    inv_idx = jnp.argsort(sort_idx, axis=-1)
    masked_logits = jnp.take_along_axis(logits_sort, inv_idx, axis=-1)
    # 5) final probabilities used for multinomial sampling
    probs = jax.nn.softmax(masked_logits, axis=-1)
    return probs


if False:  # reference __main__ guard neutralized (emitter)
    out = reference(**setup_inputs())
    print(out.shape, out.dtype)

if __name__ == "__main__":
    import jax
    _d = setup_inputs()
    print(jax.jit(kernel)(*tuple(_d.values())))

</pallas_src>

<mosaic_0001>
#map = affine_map<(d0, d1) -> (0, 0)>
#map1 = affine_map<(d0, d1) -> (0)>
module attributes {stable_mosaic.version = 14 : i64} {
  func.func @sc_kernel(%arg0: i32, %arg1: i32, %arg2: memref<128x100000xf32, #tpu.memory_space<hbm>>, %arg3: memref<128xf32, #tpu.memory_space<hbm>>, %arg4: memref<128xi32, #tpu.memory_space<hbm>>, %arg5: memref<128x100000xf32, #tpu.memory_space<hbm>>, %arg6: memref<100000xf32, #tpu.memory_space<vmem>>, %arg7: memref<128xf32, #tpu.memory_space<vmem>>, %arg8: memref<128xi32, #tpu.memory_space<vmem>>, %arg9: memref<4096xi32, #tpu.memory_space<vmem>>, %arg10: memref<4096xf32, #tpu.memory_space<vmem>>, %arg11: memref<2064xf32, #tpu.memory_space<vmem>>) attributes {dimension_semantics = [#tpu.dimension_semantics<core_parallel>, #tpu.dimension_semantics<subcore_parallel>], iteration_bounds = array<i64: 2, 16>, scalar_prefetch = 0 : i64, scratch_operands = 6 : i64, tpu.core_type = #tpu.core_type<sc_vector_subcore>, window_params = [{transform_indices = #map}, {transform_indices = #map1}, {transform_indices = #map1}, {transform_indices = #map}]} {
    %mul3A = arith.constant 2 : i32
    %mul3A_0 = arith.muli %arg1, %mul3A : i32
    %add3A = arith.addi %mul3A_0, %arg0 : i32
    "tpu.region"() ({
      %run_scoped3A = tpu.sem_alloc : memref<!tpu.dma_semaphore, #tpu.memory_space<semaphore_mem>>
      tpu.enqueue_dma source(%arg3 : memref<128xf32, #tpu.memory_space<hbm>>) target(%arg7 : memref<128xf32, #tpu.memory_space<vmem>>) target_semaphore(%run_scoped3A : memref<!tpu.dma_semaphore, #tpu.memory_space<semaphore_mem>>)
      tpu.wait_dma2 semaphore(%run_scoped3A : memref<!tpu.dma_semaphore, #tpu.memory_space<semaphore_mem>>) src(%arg3 : memref<128xf32, #tpu.memory_space<hbm>>) dst(%arg7 : memref<128xf32, #tpu.memory_space<vmem>>)
      tpu.yield
    }) : () -> ()
    "tpu.region"() ({
      %run_scoped3A = tpu.sem_alloc : memref<!tpu.dma_semaphore, #tpu.memory_space<semaphore_mem>>
      tpu.enqueue_dma source(%arg4 : memref<128xi32, #tpu.memory_space<hbm>>) target(%arg8 : memref<128xi32, #tpu.memory_space<vmem>>) target_semaphore(%run_scoped3A : memref<!tpu.dma_semaphore, #tpu.memory_space<semaphore_mem>>)
      tpu.wait_dma2 semaphore(%run_scoped3A : memref<!tpu.dma_semaphore, #tpu.memory_space<semaphore_mem>>) src(%arg4 : memref<128xi32, #tpu.memory_space<hbm>>) dst(%arg8 : memref<128xi32, #tpu.memory_space<vmem>>)
      tpu.yield
    }) : () -> ()
    %broadcast_in_dim3A = arith.constant 1 : i32
    %broadcast_in_dim3A_1 = vector.broadcast %broadcast_in_dim3A : i32 to vector<16xi32>
    %scan3A = arith.constant 0 : i32
    %scan3A_2 = arith.constant 0 : i32
    %scan3A_3 = arith.constant 4 : i32
    %scan3A_4 = arith.addi %scan3A_2, %scan3A_3 : i32
    %scan3A_5 = arith.constant 1 : i32
    scf.for %scan3A_7 = %scan3A_2 to %scan3A_4 step %scan3A_5  : i32 {
      %mul3A_8 = arith.constant 4 : i32
      %mul3A_9 = arith.muli %add3A, %mul3A_8 : i32
      %add3A_10 = arith.addi %mul3A_9, %scan3A_7 : i32
      "tpu.region"() ({
        %run_scoped3A = tpu.sem_alloc : memref<!tpu.dma_semaphore, #tpu.memory_space<semaphore_mem>>
        %dma_start3A = arith.constant 0 : i32
        %dma_start3A_313 = tpu.memref_slice %arg2[%add3A_10, %dma_start3A] : memref<128x100000xf32, #tpu.memory_space<hbm>> -> memref<1x100000xf32, #tpu.memory_space<hbm>>
        %dma_start3A_314 = tpu.memref_squeeze %dma_start3A_313 : memref<1x100000xf32, #tpu.memory_space<hbm>> -> memref<100000xf32, #tpu.memory_space<hbm>>
        %dma_start3A_315 = arith.constant 0 : i32
        %dma_start3A_316 = tpu.memref_slice %arg2[%add3A_10, %dma_start3A_315] : memref<128x100000xf32, #tpu.memory_space<hbm>> -> memref<1x100000xf32, #tpu.memory_space<hbm>>
        %dma_start3A_317 = tpu.memref_squeeze %dma_start3A_316 : memref<1x100000xf32, #tpu.memory_space<hbm>> -> memref<100000xf32, #tpu.memory_space<hbm>>
        tpu.enqueue_dma source(%dma_start3A_317 : memref<100000xf32, #tpu.memory_space<hbm>>) target(%arg6 : memref<100000xf32, #tpu.memory_space<vmem>>) target_semaphore(%run_scoped3A : memref<!tpu.dma_semaphore, #tpu.memory_space<semaphore_mem>>)
        %dma_wait3A = arith.constant 0 : i32
        %dma_wait3A_318 = tpu.memref_slice %arg2[%add3A_10, %dma_wait3A] : memref<128x100000xf32, #tpu.memory_space<hbm>> -> memref<1x100000xf32, #tpu.memory_space<hbm>>
        %dma_wait3A_319 = tpu.memref_squeeze %dma_wait3A_318 : memref<1x100000xf32, #tpu.memory_space<hbm>> -> memref<100000xf32, #tpu.memory_space<hbm>>
        %dma_wait3A_320 = arith.constant 0 : i32
        %dma_wait3A_321 = tpu.memref_slice %arg2[%add3A_10, %dma_wait3A_320] : memref<128x100000xf32, #tpu.memory_space<hbm>> -> memref<1x100000xf32, #tpu.memory_space<hbm>>
        %dma_wait3A_322 = tpu.memref_squeeze %dma_wait3A_321 : memref<1x100000xf32, #tpu.memory_space<hbm>> -> memref<100000xf32, #tpu.memory_space<hbm>>
        tpu.wait_dma2 semaphore(%run_scoped3A : memref<!tpu.dma_semaphore, #tpu.memory_space<semaphore_mem>>) src(%dma_wait3A_322 : memref<100000xf32, #tpu.memory_space<hbm>>) dst(%arg6 : memref<100000xf32, #tpu.memory_space<vmem>>)
        tpu.yield
      }) : () -> ()
      %and3A = arith.constant 15 : i32
      %and3A_11 = arith.andi %add3A_10, %and3A : i32
      %broadcast_in_dim3A_12 = vector.broadcast %and3A_11 : i32 to vector<16xi32>
      %shift_right_arithmetic3A = arith.constant 4 : i32
      %shift_right_arithmetic3A_13 = arith.shrsi %add3A_10, %shift_right_arithmetic3A : i32
      %shift_left3A = arith.constant 4 : i32
      %shift_left3A_14 = arith.shli %shift_right_arithmetic3A_13, %shift_left3A : i32
      %get3A = arith.index_cast %shift_left3A_14 : i32 to index
      %get3A_15 = tpu.vector_load %arg7[%get3A] {strides = array<i32>} : memref<128xf32, #tpu.memory_space<vmem>>, vector<16xf32>,
      %iota3A = tpu.iota {dimensions = array<i32: 0>} : vector<16xi32>
      %eq3A = arith.cmpi eq, %iota3A, %broadcast_in_dim3A_12 : vector<16xi32>
      %broadcast_in_dim3A_16 = arith.constant 0.000000e+00 : f32
      %broadcast_in_dim3A_17 = vector.broadcast %broadcast_in_dim3A_16 : f32 to vector<16xf32>
      %select_n3A = arith.select %eq3A, %get3A_15, %broadcast_in_dim3A_17 : vector<16xi1>, vector<16xf32>
      %reduce_sum3A = arith.constant true
      %reduce_sum3A_18 = vector.broadcast %reduce_sum3A : i1 to vector<16xi1>
      %reduce_sum3A_19 = tpu.scan <sum>, %select_n3A masked %reduce_sum3A_18 : vector<16xf32>, vector<16xi1> -> vector<16xf32>
      %reduce_sum3A_20 = vector.extract %reduce_sum3A_19[15] : f32 from vector<16xf32>
      %shift_right_arithmetic3A_21 = arith.constant 4 : i32
      %shift_right_arithmetic3A_22 = arith.shrsi %add3A_10, %shift_right_arithmetic3A_21 : i32
      %shift_left3A_23 = arith.constant 4 : i32
      %shift_left3A_24 = arith.shli %shift_right_arithmetic3A_22, %shift_left3A_23 : i32
      %get3A_25 = arith.index_cast %shift_left3A_24 : i32 to index
      %get3A_26 = tpu.vector_load %arg8[%get3A_25] {strides = array<i32>} : memref<128xi32, #tpu.memory_space<vmem>>, vector<16xi32>,
      %iota3A_27 = tpu.iota {dimensions = array<i32: 0>} : vector<16xi32>
      %eq3A_28 = arith.cmpi eq, %iota3A_27, %broadcast_in_dim3A_12 : vector<16xi32>
      %broadcast_in_dim3A_29 = arith.constant 0 : i32
      %broadcast_in_dim3A_30 = vector.broadcast %broadcast_in_dim3A_29 : i32 to vector<16xi32>
      %select_n3A_31 = arith.select %eq3A_28, %get3A_26, %broadcast_in_dim3A_30 : vector<16xi1>, vector<16xi32>
      %reduce_sum3A_32 = arith.constant true
      %reduce_sum3A_33 = vector.broadcast %reduce_sum3A_32 : i1 to vector<16xi1>
      %reduce_sum3A_34 = tpu.scan <sum>, %select_n3A_31 masked %reduce_sum3A_33 : vector<16xi32>, vector<16xi1> -> vector<16xi32>
      %reduce_sum3A_35 = vector.extract %reduce_sum3A_34[15] : i32 from vector<16xi32>
      %broadcast_in_dim3A_36 = arith.constant 0xFF800000 : f32
      %broadcast_in_dim3A_37 = vector.broadcast %broadcast_in_dim3A_36 : f32 to vector<16xf32>
      %scan3A_38 = arith.constant 0 : i32
      %scan3A_39 = arith.constant 6248 : i32
      %scan3A_40 = arith.addi %scan3A_38, %scan3A_39 : i32
      %scan3A_41 = arith.constant 8 : i32
      %scan3A_42 = scf.for %scan3A_313 = %scan3A_38 to %scan3A_40 step %scan3A_41 iter_args(%scan3A_314 = %broadcast_in_dim3A_37) -> (vector<16xf32>)  : i32 {
        %mul3A_315 = arith.constant 16 : i32
        %mul3A_316 = arith.muli %scan3A_313, %mul3A_315 : i32
        %get3A_317 = arith.index_cast %mul3A_316 : i32 to index
        %get3A_318 = tpu.vector_load %arg6[%get3A_317] {strides = array<i32>} : memref<100000xf32, #tpu.memory_space<vmem>>, vector<16xf32>,
        %max3A_319 = arith.maximumf %scan3A_314, %get3A_318 : vector<16xf32>
        %scan3A_320 = arith.constant 1 : i32
        %scan3A_321 = arith.addi %scan3A_313, %scan3A_320 : i32
        %mul3A_322 = arith.constant 16 : i32
        %mul3A_323 = arith.muli %scan3A_321, %mul3A_322 : i32
        %get3A_324 = arith.index_cast %mul3A_323 : i32 to index
        %get3A_325 = tpu.vector_load %arg6[%get3A_324] {strides = array<i32>} : memref<100000xf32, #tpu.memory_space<vmem>>, vector<16xf32>,
        %max3A_326 = arith.maximumf %max3A_319, %get3A_325 : vector<16xf32>
        %scan3A_327 = arith.constant 2 : i32
        %scan3A_328 = arith.addi %scan3A_313, %scan3A_327 : i32
        %mul3A_329 = arith.constant 16 : i32
        %mul3A_330 = arith.muli %scan3A_328, %mul3A_329 : i32
        %get3A_331 = arith.index_cast %mul3A_330 : i32 to index
        %get3A_332 = tpu.vector_load %arg6[%get3A_331] {strides = array<i32>} : memref<100000xf32, #tpu.memory_space<vmem>>, vector<16xf32>,
        %max3A_333 = arith.maximumf %max3A_326, %get3A_332 : vector<16xf32>
        %scan3A_334 = arith.constant 3 : i32
        %scan3A_335 = arith.addi %scan3A_313, %scan3A_334 : i32
        %mul3A_336 = arith.constant 16 : i32
        %mul3A_337 = arith.muli %scan3A_335, %mul3A_336 : i32
        %get3A_338 = arith.index_cast %mul3A_337 : i32 to index
        %get3A_339 = tpu.vector_load %arg6[%get3A_338] {strides = array<i32>} : memref<100000xf32, #tpu.memory_space<vmem>>, vector<16xf32>,
        %max3A_340 = arith.maximumf %max3A_333, %get3A_339 : vector<16xf32>
        %scan3A_341 = arith.constant 4 : i32
        %scan3A_342 = arith.addi %scan3A_313, %scan3A_341 : i32
        %mul3A_343 = arith.constant 16 : i32
        %mul3A_344 = arith.muli %scan3A_342, %mul3A_343 : i32
        %get3A_345 = arith.index_cast %mul3A_344 : i32 to index
        %get3A_346 = tpu.vector_load %arg6[%get3A_345] {strides = array<i32>} : memref<100000xf32, #tpu.memory_space<vmem>>, vector<16xf32>,
        %max3A_347 = arith.maximumf %max3A_340, %get3A_346 : vector<16xf32>
        %scan3A_348 = arith.constant 5 : i32
        %scan3A_349 = arith.addi %scan3A_313, %scan3A_348 : i32
        %mul3A_350 = arith.constant 16 : i32
        %mul3A_351 = arith.muli %scan3A_349, %mul3A_350 : i32
        %get3A_352 = arith.index_cast %mul3A_351 : i32 to index
        %get3A_353 = tpu.vector_load %arg6[%get3A_352] {strides = array<i32>} : memref<100000xf32, #tpu.memory_space<vmem>>, vector<16xf32>,
        %max3A_354 = arith.maximumf %max3A_347, %get3A_353 : vector<16xf32>
        %scan3A_355 = arith.constant 6 : i32
        %scan3A_356 = arith.addi %scan3A_313, %scan3A_355 : i32
        %mul3A_357 = arith.constant 16 : i32
        %mul3A_358 = arith.muli %scan3A_356, %mul3A_357 : i32
        %get3A_359 = arith.index_cast %mul3A_358 : i32 to index
        %get3A_360 = tpu.vector_load %arg6[%get3A_359] {strides = array<i32>} : memref<100000xf32, #tpu.memory_space<vmem>>, vector<16xf32>,
        %max3A_361 = arith.maximumf %max3A_354, %get3A_360 : vector<16xf32>
        %scan3A_362 = arith.constant 7 : i32
        %scan3A_363 = arith.addi %scan3A_313, %scan3A_362 : i32
        %mul3A_364 = arith.constant 16 : i32
        %mul3A_365 = arith.muli %scan3A_363, %mul3A_364 : i32
        %get3A_366 = arith.index_cast %mul3A_365 : i32 to index
        %get3A_367 = tpu.vector_load %arg6[%get3A_366] {strides = array<i32>} : memref<100000xf32, #tpu.memory_space<vmem>>, vector<16xf32>,
        %max3A_368 = arith.maximumf %max3A_361, %get3A_367 : vector<16xf32>
        scf.yield %max3A_368 : vector<16xf32>
      }
      %scan3A_43 = arith.constant 6248 : i32
      %scan3A_44 = arith.addi %scan3A_38, %scan3A_43 : i32
      %mul3A_45 = arith.constant 16 : i32
      %mul3A_46 = arith.muli %scan3A_44, %mul3A_45 : i32
      %get3A_47 = arith.index_cast %mul3A_46 : i32 to index
      %get3A_48 = tpu.vector_load %arg6[%get3A_47] {strides = array<i32>} : memref<100000xf32, #tpu.memory_space<vmem>>, vector<16xf32>,
      %max3A = arith.maximumf %scan3A_42, %get3A_48 : vector<16xf32>
      %scan3A_49 = arith.constant 6249 : i32
      %scan3A_50 = arith.addi %scan3A_38, %scan3A_49 : i32
      %mul3A_51 = arith.constant 16 : i32
      %mul3A_52 = arith.muli %scan3A_50, %mul3A_51 : i32
      %get3A_53 = arith.index_cast %mul3A_52 : i32 to index
      %get3A_54 = tpu.vector_load %arg6[%get3A_53] {strides = array<i32>} : memref<100000xf32, #tpu.memory_space<vmem>>, vector<16xf32>,
      %max3A_55 = arith.maximumf %max3A, %get3A_54 : vector<16xf32>
      %scan3A_56 = arith.constant 6250 : i32
      %reduce_max3A = arith.constant true
      %reduce_max3A_57 = vector.broadcast %reduce_max3A : i1 to vector<16xi1>
      %reduce_max3A_58 = tpu.scan <max>, %max3A_55 masked %reduce_max3A_57 : vector<16xf32>, vector<16xi1> -> vector<16xf32>
      %reduce_max3A_59 = vector.extract %reduce_max3A_58[15] : f32 from vector<16xf32>
      %broadcast_in_dim3A_60 = vector.broadcast %reduce_max3A_59 : f32 to vector<16xf32>
      %scan3A_61 = arith.constant 0 : i32
      %scan3A_62 = arith.constant 0 : i32
      %scan3A_63 = arith.constant 256 : i32
      %scan3A_64 = arith.addi %scan3A_62, %scan3A_63 : i32
      %scan3A_65 = arith.constant 8 : i32
      scf.for %scan3A_313 = %scan3A_62 to %scan3A_64 step %scan3A_65  : i32 {
        %broadcast_in_dim3A_314 = arith.constant 0 : i32
        %broadcast_in_dim3A_315 = vector.broadcast %broadcast_in_dim3A_314 : i32 to vector<16xi32>
        %mul3A_316 = arith.constant 16 : i32
        %mul3A_317 = arith.muli %scan3A_313, %mul3A_316 : i32
        %swap3A = arith.index_cast %mul3A_317 : i32 to index
        %swap3A_318 = tpu.vector_load %arg9[%swap3A] {strides = array<i32>} : memref<4096xi32, #tpu.memory_space<vmem>>, vector<16xi32>,
        tpu.vector_store %arg9[%swap3A], %broadcast_in_dim3A_315 {strides = array<i32>} : memref<4096xi32, #tpu.memory_space<vmem>>, vector<16xi32>,
        %broadcast_in_dim3A_319 = arith.constant 0.000000e+00 : f32
        %broadcast_in_dim3A_320 = vector.broadcast %broadcast_in_dim3A_319 : f32 to vector<16xf32>
        %mul3A_321 = arith.constant 16 : i32
        %mul3A_322 = arith.muli %scan3A_313, %mul3A_321 : i32
        %swap3A_323 = arith.index_cast %mul3A_322 : i32 to index
        %swap3A_324 = tpu.vector_load %arg10[%swap3A_323] {strides = array<i32>} : memref<4096xf32, #tpu.memory_space<vmem>>, vector<16xf32>,
        tpu.vector_store %arg10[%swap3A_323], %broadcast_in_dim3A_320 {strides = array<i32>} : memref<4096xf32, #tpu.memory_space<vmem>>, vector<16xf32>,
        %scan3A_325 = arith.constant 1 : i32
        %scan3A_326 = arith.addi %scan3A_313, %scan3A_325 : i32
        %broadcast_in_dim3A_327 = arith.constant 0 : i32
        %broadcast_in_dim3A_328 = vector.broadcast %broadcast_in_dim3A_327 : i32 to vector<16xi32>
        %mul3A_329 = arith.constant 16 : i32
        %mul3A_330 = arith.muli %scan3A_326, %mul3A_329 : i32
        %swap3A_331 = arith.index_cast %mul3A_330 : i32 to index
        %swap3A_332 = tpu.vector_load %arg9[%swap3A_331] {strides = array<i32>} : memref<4096xi32, #tpu.memory_space<vmem>>, vector<16xi32>,
        tpu.vector_store %arg9[%swap3A_331], %broadcast_in_dim3A_328 {strides = array<i32>} : memref<4096xi32, #tpu.memory_space<vmem>>, vector<16xi32>,
        %broadcast_in_dim3A_333 = arith.constant 0.000000e+00 : f32
        %broadcast_in_dim3A_334 = vector.broadcast %broadcast_in_dim3A_333 : f32 to vector<16xf32>
        %mul3A_335 = arith.constant 16 : i32
        %mul3A_336 = arith.muli %scan3A_326, %mul3A_335 : i32
        %swap3A_337 = arith.index_cast %mul3A_336 : i32 to index
        %swap3A_338 = tpu.vector_load %arg10[%swap3A_337] {strides = array<i32>} : memref<4096xf32, #tpu.memory_space<vmem>>, vector<16xf32>,
        tpu.vector_store %arg10[%swap3A_337], %broadcast_in_dim3A_334 {strides = array<i32>} : memref<4096xf32, #tpu.memory_space<vmem>>, vector<16xf32>,
        %scan3A_339 = arith.constant 2 : i32
        %scan3A_340 = arith.addi %scan3A_313, %scan3A_339 : i32
        %broadcast_in_dim3A_341 = arith.constant 0 : i32
        %broadcast_in_dim3A_342 = vector.broadcast %broadcast_in_dim3A_341 : i32 to vector<16xi32>
        %mul3A_343 = arith.constant 16 : i32
        %mul3A_344 = arith.muli %scan3A_340, %mul3A_343 : i32
        %swap3A_345 = arith.index_cast %mul3A_344 : i32 to index
        %swap3A_346 = tpu.vector_load %arg9[%swap3A_345] {strides = array<i32>} : memref<4096xi32, #tpu.memory_space<vmem>>, vector<16xi32>,
        tpu.vector_store %arg9[%swap3A_345], %broadcast_in_dim3A_342 {strides = array<i32>} : memref<4096xi32, #tpu.memory_space<vmem>>, vector<16xi32>,
        %broadcast_in_dim3A_347 = arith.constant 0.000000e+00 : f32
        %broadcast_in_dim3A_348 = vector.broadcast %broadcast_in_dim3A_347 : f32 to vector<16xf32>
        %mul3A_349 = arith.constant 16 : i32
        %mul3A_350 = arith.muli %scan3A_340, %mul3A_349 : i32
        %swap3A_351 = arith.index_cast %mul3A_350 : i32 to index
        %swap3A_352 = tpu.vector_load %arg10[%swap3A_351] {strides = array<i32>} : memref<4096xf32, #tpu.memory_space<vmem>>, vector<16xf32>,
        tpu.vector_store %arg10[%swap3A_351], %broadcast_in_dim3A_348 {strides = array<i32>} : memref<4096xf32, #tpu.memory_space<vmem>>, vector<16xf32>,
        %scan3A_353 = arith.constant 3 : i32
        %scan3A_354 = arith.addi %scan3A_313, %scan3A_353 : i32
        %broadcast_in_dim3A_355 = arith.constant 0 : i32
        %broadcast_in_dim3A_356 = vector.broadcast %broadcast_in_dim3A_355 : i32 to vector<16xi32>
        %mul3A_357 = arith.constant 16 : i32
        %mul3A_358 = arith.muli %scan3A_354, %mul3A_357 : i32
        %swap3A_359 = arith.index_cast %mul3A_358 : i32 to index
        %swap3A_360 = tpu.vector_load %arg9[%swap3A_359] {strides = array<i32>} : memref<4096xi32, #tpu.memory_space<vmem>>, vector<16xi32>,
        tpu.vector_store %arg9[%swap3A_359], %broadcast_in_dim3A_356 {strides = array<i32>} : memref<4096xi32, #tpu.memory_space<vmem>>, vector<16xi32>,
        %broadcast_in_dim3A_361 = arith.constant 0.000000e+00 : f32
        %broadcast_in_dim3A_362 = vector.broadcast %broadcast_in_dim3A_361 : f32 to vector<16xf32>
        %mul3A_363 = arith.constant 16 : i32
        %mul3A_364 = arith.muli %scan3A_354, %mul3A_363 : i32
        %swap3A_365 = arith.index_cast %mul3A_364 : i32 to index
        %swap3A_366 = tpu.vector_load %arg10[%swap3A_365] {strides = array<i32>} : memref<4096xf32, #tpu.memory_space<vmem>>, vector<16xf32>,
        tpu.vector_store %arg10[%swap3A_365], %broadcast_in_dim3A_362 {strides = array<i32>} : memref<4096xf32, #tpu.memory_space<vmem>>, vector<16xf32>,
        %scan3A_367 = arith.constant 4 : i32
        %scan3A_368 = arith.addi %scan3A_313, %scan3A_367 : i32
        %broadcast_in_dim3A_369 = arith.constant 0 : i32
        %broadcast_in_dim3A_370 = vector.broadcast %broadcast_in_dim3A_369 : i32 to vector<16xi32>
        %mul3A_371 = arith.constant 16 : i32
        %mul3A_372 = arith.muli %scan3A_368, %mul3A_371 : i32
        %swap3A_373 = arith.index_cast %mul3A_372 : i32 to index
        %swap3A_374 = tpu.vector_load %arg9[%swap3A_373] {strides = array<i32>} : memref<4096xi32, #tpu.memory_space<vmem>>, vector<16xi32>,
        tpu.vector_store %arg9[%swap3A_373], %broadcast_in_dim3A_370 {strides = array<i32>} : memref<4096xi32, #tpu.memory_space<vmem>>, vector<16xi32>,
        %broadcast_in_dim3A_375 = arith.constant 0.000000e+00 : f32
        %broadcast_in_dim3A_376 = vector.broadcast %broadcast_in_dim3A_375 : f32 to vector<16xf32>
        %mul3A_377 = arith.constant 16 : i32
        %mul3A_378 = arith.muli %scan3A_368, %mul3A_377 : i32
        %swap3A_379 = arith.index_cast %mul3A_378 : i32 to index
        %swap3A_380 = tpu.vector_load %arg10[%swap3A_379] {strides = array<i32>} : memref<4096xf32, #tpu.memory_space<vmem>>, vector<16xf32>,
        tpu.vector_store %arg10[%swap3A_379], %broadcast_in_dim3A_376 {strides = array<i32>} : memref<4096xf32, #tpu.memory_space<vmem>>, vector<16xf32>,
        %scan3A_381 = arith.constant 5 : i32
        %scan3A_382 = arith.addi %scan3A_313, %scan3A_381 : i32
        %broadcast_in_dim3A_383 = arith.constant 0 : i32
        %broadcast_in_dim3A_384 = vector.broadcast %broadcast_in_dim3A_383 : i32 to vector<16xi32>
        %mul3A_385 = arith.constant 16 : i32
        %mul3A_386 = arith.muli %scan3A_382, %mul3A_385 : i32
        %swap3A_387 = arith.index_cast %mul3A_386 : i32 to index
        %swap3A_388 = tpu.vector_load %arg9[%swap3A_387] {strides = array<i32>} : memref<4096xi32, #tpu.memory_space<vmem>>, vector<16xi32>,
        tpu.vector_store %arg9[%swap3A_387], %broadcast_in_dim3A_384 {strides = array<i32>} : memref<4096xi32, #tpu.memory_space<vmem>>, vector<16xi32>,
        %broadcast_in_dim3A_389 = arith.constant 0.000000e+00 : f32
        %broadcast_in_dim3A_390 = vector.broadcast %broadcast_in_dim3A_389 : f32 to vector<16xf32>
        %mul3A_391 = arith.constant 16 : i32
        %mul3A_392 = arith.muli %scan3A_382, %mul3A_391 : i32
        %swap3A_393 = arith.index_cast %mul3A_392 : i32 to index
        %swap3A_394 = tpu.vector_load %arg10[%swap3A_393] {strides = array<i32>} : memref<4096xf32, #tpu.memory_space<vmem>>, vector<16xf32>,
        tpu.vector_store %arg10[%swap3A_393], %broadcast_in_dim3A_390 {strides = array<i32>} : memref<4096xf32, #tpu.memory_space<vmem>>, vector<16xf32>,
        %scan3A_395 = arith.constant 6 : i32
        %scan3A_396 = arith.addi %scan3A_313, %scan3A_395 : i32
        %broadcast_in_dim3A_397 = arith.constant 0 : i32
        %broadcast_in_dim3A_398 = vector.broadcast %broadcast_in_dim3A_397 : i32 to vector<16xi32>
        %mul3A_399 = arith.constant 16 : i32
        %mul3A_400 = arith.muli %scan3A_396, %mul3A_399 : i32
        %swap3A_401 = arith.index_cast %mul3A_400 : i32 to index
        %swap3A_402 = tpu.vector_load %arg9[%swap3A_401] {strides = array<i32>} : memref<4096xi32, #tpu.memory_space<vmem>>, vector<16xi32>,
        tpu.vector_store %arg9[%swap3A_401], %broadcast_in_dim3A_398 {strides = array<i32>} : memref<4096xi32, #tpu.memory_space<vmem>>, vector<16xi32>,
        %broadcast_in_dim3A_403 = arith.constant 0.000000e+00 : f32
        %broadcast_in_dim3A_404 = vector.broadcast %broadcast_in_dim3A_403 : f32 to vector<16xf32>
        %mul3A_405 = arith.constant 16 : i32
        %mul3A_406 = arith.muli %scan3A_396, %mul3A_405 : i32
        %swap3A_407 = arith.index_cast %mul3A_406 : i32 to index
        %swap3A_408 = tpu.vector_load %arg10[%swap3A_407] {strides = array<i32>} : memref<4096xf32, #tpu.memory_space<vmem>>, vector<16xf32>,
        tpu.vector_store %arg10[%swap3A_407], %broadcast_in_dim3A_404 {strides = array<i32>} : memref<4096xf32, #tpu.memory_space<vmem>>, vector<16xf32>,
        %scan3A_409 = arith.constant 7 : i32
        %scan3A_410 = arith.addi %scan3A_313, %scan3A_409 : i32
        %broadcast_in_dim3A_411 = arith.constant 0 : i32
        %broadcast_in_dim3A_412 = vector.broadcast %broadcast_in_dim3A_411 : i32 to vector<16xi32>
        %mul3A_413 = arith.constant 16 : i32
        %mul3A_414 = arith.muli %scan3A_410, %mul3A_413 : i32
        %swap3A_415 = arith.index_cast %mul3A_414 : i32 to index
        %swap3A_416 = tpu.vector_load %arg9[%swap3A_415] {strides = array<i32>} : memref<4096xi32, #tpu.memory_space<vmem>>, vector<16xi32>,
        tpu.vector_store %arg9[%swap3A_415], %broadcast_in_dim3A_412 {strides = array<i32>} : memref<4096xi32, #tpu.memory_space<vmem>>, vector<16xi32>,
        %broadcast_in_dim3A_417 = arith.constant 0.000000e+00 : f32
        %broadcast_in_dim3A_418 = vector.broadcast %broadcast_in_dim3A_417 : f32 to vector<16xf32>
        %mul3A_419 = arith.constant 16 : i32
        %mul3A_420 = arith.muli %scan3A_410, %mul3A_419 : i32
        %swap3A_421 = arith.index_cast %mul3A_420 : i32 to index
        %swap3A_422 = tpu.vector_load %arg10[%swap3A_421] {strides = array<i32>} : memref<4096xf32, #tpu.memory_space<vmem>>, vector<16xf32>,
        tpu.vector_store %arg10[%swap3A_421], %broadcast_in_dim3A_418 {strides = array<i32>} : memref<4096xf32, #tpu.memory_space<vmem>>, vector<16xf32>,
      }
      %scan3A_66 = arith.constant 256 : i32
      %broadcast_in_dim3A_67 = arith.constant 0.000000e+00 : f32
      %broadcast_in_dim3A_68 = vector.broadcast %broadcast_in_dim3A_67 : f32 to vector<16xf32>
      %scan3A_69 = arith.constant 0 : i32
      %scan3A_70 = arith.constant 6248 : i32
      %scan3A_71 = arith.addi %scan3A_69, %scan3A_70 : i32
      %scan3A_72 = arith.constant 8 : i32
      %scan3A_73 = scf.for %scan3A_313 = %scan3A_69 to %scan3A_71 step %scan3A_72 iter_args(%scan3A_314 = %broadcast_in_dim3A_68) -> (vector<16xf32>)  : i32 {
        %mul3A_315 = arith.constant 16 : i32
        %mul3A_316 = arith.muli %scan3A_313, %mul3A_315 : i32
        %get3A_317 = arith.index_cast %mul3A_316 : i32 to index
        %get3A_318 = tpu.vector_load %arg6[%get3A_317] {strides = array<i32>} : memref<100000xf32, #tpu.memory_space<vmem>>, vector<16xf32>,
        %bitcast3A_319 = vector.bitcast %get3A_318 : vector<16xf32> to vector<16xi32>
        %ge3A_320 = arith.constant 0 : i32
        %ge3A_321 = vector.broadcast %ge3A_320 : i32 to vector<16xi32>
        %ge3A_322 = arith.cmpi sge, %bitcast3A_319, %ge3A_321 : vector<16xi32>
        %xor3A_323 = arith.constant 2147483647 : i32
        %xor3A_324 = vector.broadcast %xor3A_323 : i32 to vector<16xi32>
        %xor3A_325 = arith.xori %bitcast3A_319, %xor3A_324 : vector<16xi32>
        %select_n3A_326 = arith.select %ge3A_322, %bitcast3A_319, %xor3A_325 : vector<16xi1>, vector<16xi32>
        %sub3A_327 = arith.subf %get3A_318, %broadcast_in_dim3A_60 : vector<16xf32>
        %exp3A_328 = math.exp %sub3A_327 : vector<16xf32>
        %shift_right_arithmetic3A_329 = arith.constant 20 : i32
        %shift_right_arithmetic3A_330 = vector.broadcast %shift_right_arithmetic3A_329 : i32 to vector<16xi32>
        %shift_right_arithmetic3A_331 = arith.shrsi %select_n3A_326, %shift_right_arithmetic3A_330 : vector<16xi32>
        %add3A_332 = arith.constant 2048 : i32
        %add3A_333 = vector.broadcast %add3A_332 : i32 to vector<16xi32>
        %add3A_334 = arith.addi %shift_right_arithmetic3A_331, %add3A_333 : vector<16xi32>
        tpu.vector_store_idx %arg9[%add3A_334], %broadcast_in_dim3A_1 {add = true} : memref<4096xi32, #tpu.memory_space<vmem>>[vector<16xi32>], vector<16xi32>,
        tpu.vector_store_idx %arg10[%add3A_334], %exp3A_328 {add = true} : memref<4096xf32, #tpu.memory_space<vmem>>[vector<16xi32>], vector<16xf32>,
        %add3A_335 = arith.addf %scan3A_314, %exp3A_328 : vector<16xf32>
        %scan3A_336 = arith.constant 1 : i32
        %scan3A_337 = arith.addi %scan3A_313, %scan3A_336 : i32
        %mul3A_338 = arith.constant 16 : i32
        %mul3A_339 = arith.muli %scan3A_337, %mul3A_338 : i32
        %get3A_340 = arith.index_cast %mul3A_339 : i32 to index
        %get3A_341 = tpu.vector_load %arg6[%get3A_340] {strides = array<i32>} : memref<100000xf32, #tpu.memory_space<vmem>>, vector<16xf32>,
        %bitcast3A_342 = vector.bitcast %get3A_341 : vector<16xf32> to vector<16xi32>
        %ge3A_343 = arith.constant 0 : i32
        %ge3A_344 = vector.broadcast %ge3A_343 : i32 to vector<16xi32>
        %ge3A_345 = arith.cmpi sge, %bitcast3A_342, %ge3A_344 : vector<16xi32>
        %xor3A_346 = arith.constant 2147483647 : i32
        %xor3A_347 = vector.broadcast %xor3A_346 : i32 to vector<16xi32>
        %xor3A_348 = arith.xori %bitcast3A_342, %xor3A_347 : vector<16xi32>
        %select_n3A_349 = arith.select %ge3A_345, %bitcast3A_342, %xor3A_348 : vector<16xi1>, vector<16xi32>
        %sub3A_350 = arith.subf %get3A_341, %broadcast_in_dim3A_60 : vector<16xf32>
        %exp3A_351 = math.exp %sub3A_350 : vector<16xf32>
        %shift_right_arithmetic3A_352 = arith.constant 20 : i32
        %shift_right_arithmetic3A_353 = vector.broadcast %shift_right_arithmetic3A_352 : i32 to vector<16xi32>
        %shift_right_arithmetic3A_354 = arith.shrsi %select_n3A_349, %shift_right_arithmetic3A_353 : vector<16xi32>
        %add3A_355 = arith.constant 2048 : i32
        %add3A_356 = vector.broadcast %add3A_355 : i32 to vector<16xi32>
        %add3A_357 = arith.addi %shift_right_arithmetic3A_354, %add3A_356 : vector<16xi32>
        tpu.vector_store_idx %arg9[%add3A_357], %broadcast_in_dim3A_1 {add = true} : memref<4096xi32, #tpu.memory_space<vmem>>[vector<16xi32>], vector<16xi32>,
        tpu.vector_store_idx %arg10[%add3A_357], %exp3A_351 {add = true} : memref<4096xf32, #tpu.memory_space<vmem>>[vector<16xi32>], vector<16xf32>,
        %add3A_358 = arith.addf %add3A_335, %exp3A_351 : vector<16xf32>
        %scan3A_359 = arith.constant 2 : i32
        %scan3A_360 = arith.addi %scan3A_313, %scan3A_359 : i32
        %mul3A_361 = arith.constant 16 : i32
        %mul3A_362 = arith.muli %scan3A_360, %mul3A_361 : i32
        %get3A_363 = arith.index_cast %mul3A_362 : i32 to index
        %get3A_364 = tpu.vector_load %arg6[%get3A_363] {strides = array<i32>} : memref<100000xf32, #tpu.memory_space<vmem>>, vector<16xf32>,
        %bitcast3A_365 = vector.bitcast %get3A_364 : vector<16xf32> to vector<16xi32>
        %ge3A_366 = arith.constant 0 : i32
        %ge3A_367 = vector.broadcast %ge3A_366 : i32 to vector<16xi32>
        %ge3A_368 = arith.cmpi sge, %bitcast3A_365, %ge3A_367 : vector<16xi32>
        %xor3A_369 = arith.constant 2147483647 : i32
        %xor3A_370 = vector.broadcast %xor3A_369 : i32 to vector<16xi32>
        %xor3A_371 = arith.xori %bitcast3A_365, %xor3A_370 : vector<16xi32>
        %select_n3A_372 = arith.select %ge3A_368, %bitcast3A_365, %xor3A_371 : vector<16xi1>, vector<16xi32>
        %sub3A_373 = arith.subf %get3A_364, %broadcast_in_dim3A_60 : vector<16xf32>
        %exp3A_374 = math.exp %sub3A_373 : vector<16xf32>
        %shift_right_arithmetic3A_375 = arith.constant 20 : i32
        %shift_right_arithmetic3A_376 = vector.broadcast %shift_right_arithmetic3A_375 : i32 to vector<16xi32>
        %shift_right_arithmetic3A_377 = arith.shrsi %select_n3A_372, %shift_right_arithmetic3A_376 : vector<16xi32>
        %add3A_378 = arith.constant 2048 : i32
        %add3A_379 = vector.broadcast %add3A_378 : i32 to vector<16xi32>
        %add3A_380 = arith.addi %shift_right_arithmetic3A_377, %add3A_379 : vector<16xi32>
        tpu.vector_store_idx %arg9[%add3A_380], %broadcast_in_dim3A_1 {add = true} : memref<4096xi32, #tpu.memory_space<vmem>>[vector<16xi32>], vector<16xi32>,
        tpu.vector_store_idx %arg10[%add3A_380], %exp3A_374 {add = true} : memref<4096xf32, #tpu.memory_space<vmem>>[vector<16xi32>], vector<16xf32>,
        %add3A_381 = arith.addf %add3A_358, %exp3A_374 : vector<16xf32>
        %scan3A_382 = arith.constant 3 : i32
        %scan3A_383 = arith.addi %scan3A_313, %scan3A_382 : i32
        %mul3A_384 = arith.constant 16 : i32
        %mul3A_385 = arith.muli %scan3A_383, %mul3A_384 : i32
        %get3A_386 = arith.index_cast %mul3A_385 : i32 to index
        %get3A_387 = tpu.vector_load %arg6[%get3A_386] {strides = array<i32>} : memref<100000xf32, #tpu.memory_space<vmem>>, vector<16xf32>,
        %bitcast3A_388 = vector.bitcast %get3A_387 : vector<16xf32> to vector<16xi32>
        %ge3A_389 = arith.constant 0 : i32
        %ge3A_390 = vector.broadcast %ge3A_389 : i32 to vector<16xi32>
        %ge3A_391 = arith.cmpi sge, %bitcast3A_388, %ge3A_390 : vector<16xi32>
        %xor3A_392 = arith.constant 2147483647 : i32
        %xor3A_393 = vector.broadcast %xor3A_392 : i32 to vector<16xi32>
        %xor3A_394 = arith.xori %bitcast3A_388, %xor3A_393 : vector<16xi32>
        %select_n3A_395 = arith.select %ge3A_391, %bitcast3A_388, %xor3A_394 : vector<16xi1>, vector<16xi32>
        %sub3A_396 = arith.subf %get3A_387, %broadcast_in_dim3A_60 : vector<16xf32>
        %exp3A_397 = math.exp %sub3A_396 : vector<16xf32>
        %shift_right_arithmetic3A_398 = arith.constant 20 : i32
        %shift_right_arithmetic3A_399 = vector.broadcast %shift_right_arithmetic3A_398 : i32 to vector<16xi32>
        %shift_right_arithmetic3A_400 = arith.shrsi %select_n3A_395, %shift_right_arithmetic3A_399 : vector<16xi32>
        %add3A_401 = arith.constant 2048 : i32
        %add3A_402 = vector.broadcast %add3A_401 : i32 to vector<16xi32>
        %add3A_403 = arith.addi %shift_right_arithmetic3A_400, %add3A_402 : vector<16xi32>
        tpu.vector_store_idx %arg9[%add3A_403], %broadcast_in_dim3A_1 {add = true} : memref<4096xi32, #tpu.memory_space<vmem>>[vector<16xi32>], vector<16xi32>,
        tpu.vector_store_idx %arg10[%add3A_403], %exp3A_397 {add = true} : memref<4096xf32, #tpu.memory_space<vmem>>[vector<16xi32>], vector<16xf32>,
        %add3A_404 = arith.addf %add3A_381, %exp3A_397 : vector<16xf32>
        %scan3A_405 = arith.constant 4 : i32
        %scan3A_406 = arith.addi %scan3A_313, %scan3A_405 : i32
        %mul3A_407 = arith.constant 16 : i32
        %mul3A_408 = arith.muli %scan3A_406, %mul3A_407 : i32
        %get3A_409 = arith.index_cast %mul3A_408 : i32 to index
        %get3A_410 = tpu.vector_load %arg6[%get3A_409] {strides = array<i32>} : memref<100000xf32, #tpu.memory_space<vmem>>, vector<16xf32>,
        %bitcast3A_411 = vector.bitcast %get3A_410 : vector<16xf32> to vector<16xi32>
        %ge3A_412 = arith.constant 0 : i32
        %ge3A_413 = vector.broadcast %ge3A_412 : i32 to vector<16xi32>
        %ge3A_414 = arith.cmpi sge, %bitcast3A_411, %ge3A_413 : vector<16xi32>
        %xor3A_415 = arith.constant 2147483647 : i32
        %xor3A_416 = vector.broadcast %xor3A_415 : i32 to vector<16xi32>
        %xor3A_417 = arith.xori %bitcast3A_411, %xor3A_416 : vector<16xi32>
        %select_n3A_418 = arith.select %ge3A_414, %bitcast3A_411, %xor3A_417 : vector<16xi1>, vector<16xi32>
        %sub3A_419 = arith.subf %get3A_410, %broadcast_in_dim3A_60 : vector<16xf32>
        %exp3A_420 = math.exp %sub3A_419 : vector<16xf32>
        %shift_right_arithmetic3A_421 = arith.constant 20 : i32
        %shift_right_arithmetic3A_422 = vector.broadcast %shift_right_arithmetic3A_421 : i32 to vector<16xi32>
        %shift_right_arithmetic3A_423 = arith.shrsi %select_n3A_418, %shift_right_arithmetic3A_422 : vector<16xi32>
        %add3A_424 = arith.constant 2048 : i32
        %add3A_425 = vector.broadcast %add3A_424 : i32 to vector<16xi32>
        %add3A_426 = arith.addi %shift_right_arithmetic3A_423, %add3A_425 : vector<16xi32>
        tpu.vector_store_idx %arg9[%add3A_426], %broadcast_in_dim3A_1 {add = true} : memref<4096xi32, #tpu.memory_space<vmem>>[vector<16xi32>], vector<16xi32>,
        tpu.vector_store_idx %arg10[%add3A_426], %exp3A_420 {add = true} : memref<4096xf32, #tpu.memory_space<vmem>>[vector<16xi32>], vector<16xf32>,
        %add3A_427 = arith.addf %add3A_404, %exp3A_420 : vector<16xf32>
        %scan3A_428 = arith.constant 5 : i32
        %scan3A_429 = arith.addi %scan3A_313, %scan3A_428 : i32
        %mul3A_430 = arith.constant 16 : i32
        %mul3A_431 = arith.muli %scan3A_429, %mul3A_430 : i32
        %get3A_432 = arith.index_cast %mul3A_431 : i32 to index
        %get3A_433 = tpu.vector_load %arg6[%get3A_432] {strides = array<i32>} : memref<100000xf32, #tpu.memory_space<vmem>>, vector<16xf32>,
        %bitcast3A_434 = vector.bitcast %get3A_433 : vector<16xf32> to vector<16xi32>
        %ge3A_435 = arith.constant 0 : i32
        %ge3A_436 = vector.broadcast %ge3A_435 : i32 to vector<16xi32>
        %ge3A_437 = arith.cmpi sge, %bitcast3A_434, %ge3A_436 : vector<16xi32>
        %xor3A_438 = arith.constant 2147483647 : i32
        %xor3A_439 = vector.broadcast %xor3A_438 : i32 to vector<16xi32>
        %xor3A_440 = arith.xori %bitcast3A_434, %xor3A_439 : vector<16xi32>
        %select_n3A_441 = arith.select %ge3A_437, %bitcast3A_434, %xor3A_440 : vector<16xi1>, vector<16xi32>
        %sub3A_442 = arith.subf %get3A_433, %broadcast_in_dim3A_60 : vector<16xf32>
        %exp3A_443 = math.exp %sub3A_442 : vector<16xf32>
        %shift_right_arithmetic3A_444 = arith.constant 20 : i32
        %shift_right_arithmetic3A_445 = vector.broadcast %shift_right_arithmetic3A_444 : i32 to vector<16xi32>
        %shift_right_arithmetic3A_446 = arith.shrsi %select_n3A_441, %shift_right_arithmetic3A_445 : vector<16xi32>
        %add3A_447 = arith.constant 2048 : i32
        %add3A_448 = vector.broadcast %add3A_447 : i32 to vector<16xi32>
        %add3A_449 = arith.addi %shift_right_arithmetic3A_446, %add3A_448 : vector<16xi32>
        tpu.vector_store_idx %arg9[%add3A_449], %broadcast_in_dim3A_1 {add = true} : memref<4096xi32, #tpu.memory_space<vmem>>[vector<16xi32>], vector<16xi32>,
        tpu.vector_store_idx %arg10[%add3A_449], %exp3A_443 {add = true} : memref<4096xf32, #tpu.memory_space<vmem>>[vector<16xi32>], vector<16xf32>,
        %add3A_450 = arith.addf %add3A_427, %exp3A_443 : vector<16xf32>
        %scan3A_451 = arith.constant 6 : i32
        %scan3A_452 = arith.addi %scan3A_313, %scan3A_451 : i32
        %mul3A_453 = arith.constant 16 : i32
        %mul3A_454 = arith.muli %scan3A_452, %mul3A_453 : i32
        %get3A_455 = arith.index_cast %mul3A_454 : i32 to index
        %get3A_456 = tpu.vector_load %arg6[%get3A_455] {strides = array<i32>} : memref<100000xf32, #tpu.memory_space<vmem>>, vector<16xf32>,
        %bitcast3A_457 = vector.bitcast %get3A_456 : vector<16xf32> to vector<16xi32>
        %ge3A_458 = arith.constant 0 : i32
        %ge3A_459 = vector.broadcast %ge3A_458 : i32 to vector<16xi32>
        %ge3A_460 = arith.cmpi sge, %bitcast3A_457, %ge3A_459 : vector<16xi32>
        %xor3A_461 = arith.constant 2147483647 : i32
        %xor3A_462 = vector.broadcast %xor3A_461 : i32 to vector<16xi32>
        %xor3A_463 = arith.xori %bitcast3A_457, %xor3A_462 : vector<16xi32>
        %select_n3A_464 = arith.select %ge3A_460, %bitcast3A_457, %xor3A_463 : vector<16xi1>, vector<16xi32>
        %sub3A_465 = arith.subf %get3A_456, %broadcast_in_dim3A_60 : vector<16xf32>
        %exp3A_466 = math.exp %sub3A_465 : vector<16xf32>
        %shift_right_arithmetic3A_467 = arith.constant 20 : i32
        %shift_right_arithmetic3A_468 = vector.broadcast %shift_right_arithmetic3A_467 : i32 to vector<16xi32>
        %shift_right_arithmetic3A_469 = arith.shrsi %select_n3A_464, %shift_right_arithmetic3A_468 : vector<16xi32>
        %add3A_470 = arith.constant 2048 : i32
        %add3A_471 = vector.broadcast %add3A_470 : i32 to vector<16xi32>
        %add3A_472 = arith.addi %shift_right_arithmetic3A_469, %add3A_471 : vector<16xi32>
        tpu.vector_store_idx %arg9[%add3A_472], %broadcast_in_dim3A_1 {add = true} : memref<4096xi32, #tpu.memory_space<vmem>>[vector<16xi32>], vector<16xi32>,
        tpu.vector_store_idx %arg10[%add3A_472], %exp3A_466 {add = true} : memref<4096xf32, #tpu.memory_space<vmem>>[vector<16xi32>], vector<16xf32>,
        %add3A_473 = arith.addf %add3A_450, %exp3A_466 : vector<16xf32>
        %scan3A_474 = arith.constant 7 : i32
        %scan3A_475 = arith.addi %scan3A_313, %scan3A_474 : i32
        %mul3A_476 = arith.constant 16 : i32
        %mul3A_477 = arith.muli %scan3A_475, %mul3A_476 : i32
        %get3A_478 = arith.index_cast %mul3A_477 : i32 to index
        %get3A_479 = tpu.vector_load %arg6[%get3A_478] {strides = array<i32>} : memref<100000xf32, #tpu.memory_space<vmem>>, vector<16xf32>,
        %bitcast3A_480 = vector.bitcast %get3A_479 : vector<16xf32> to vector<16xi32>
        %ge3A_481 = arith.constant 0 : i32
        %ge3A_482 = vector.broadcast %ge3A_481 : i32 to vector<16xi32>
        %ge3A_483 = arith.cmpi sge, %bitcast3A_480, %ge3A_482 : vector<16xi32>
        %xor3A_484 = arith.constant 2147483647 : i32
        %xor3A_485 = vector.broadcast %xor3A_484 : i32 to vector<16xi32>
        %xor3A_486 = arith.xori %bitcast3A_480, %xor3A_485 : vector<16xi32>
        %select_n3A_487 = arith.select %ge3A_483, %bitcast3A_480, %xor3A_486 : vector<16xi1>, vector<16xi32>
        %sub3A_488 = arith.subf %get3A_479, %broadcast_in_dim3A_60 : vector<16xf32>
        %exp3A_489 = math.exp %sub3A_488 : vector<16xf32>
        %shift_right_arithmetic3A_490 = arith.constant 20 : i32
        %shift_right_arithmetic3A_491 = vector.broadcast %shift_right_arithmetic3A_490 : i32 to vector<16xi32>
        %shift_right_arithmetic3A_492 = arith.shrsi %select_n3A_487, %shift_right_arithmetic3A_491 : vector<16xi32>
        %add3A_493 = arith.constant 2048 : i32
        %add3A_494 = vector.broadcast %add3A_493 : i32 to vector<16xi32>
        %add3A_495 = arith.addi %shift_right_arithmetic3A_492, %add3A_494 : vector<16xi32>
        tpu.vector_store_idx %arg9[%add3A_495], %broadcast_in_dim3A_1 {add = true} : memref<4096xi32, #tpu.memory_space<vmem>>[vector<16xi32>], vector<16xi32>,
        tpu.vector_store_idx %arg10[%add3A_495], %exp3A_489 {add = true} : memref<4096xf32, #tpu.memory_space<vmem>>[vector<16xi32>], vector<16xf32>,
        %add3A_496 = arith.addf %add3A_473, %exp3A_489 : vector<16xf32>
        scf.yield %add3A_496 : vector<16xf32>
      }
      %scan3A_74 = arith.constant 6248 : i32
      %scan3A_75 = arith.addi %scan3A_69, %scan3A_74 : i32
      %mul3A_76 = arith.constant 16 : i32
      %mul3A_77 = arith.muli %scan3A_75, %mul3A_76 : i32
      %get3A_78 = arith.index_cast %mul3A_77 : i32 to index
      %get3A_79 = tpu.vector_load %arg6[%get3A_78] {strides = array<i32>} : memref<100000xf32, #tpu.memory_space<vmem>>, vector<16xf32>,
      %bitcast3A = vector.bitcast %get3A_79 : vector<16xf32> to vector<16xi32>
      %ge3A = arith.constant 0 : i32
      %ge3A_80 = vector.broadcast %ge3A : i32 to vector<16xi32>
      %ge3A_81 = arith.cmpi sge, %bitcast3A, %ge3A_80 : vector<16xi32>
      %xor3A = arith.constant 2147483647 : i32
      %xor3A_82 = vector.broadcast %xor3A : i32 to vector<16xi32>
      %xor3A_83 = arith.xori %bitcast3A, %xor3A_82 : vector<16xi32>
      %select_n3A_84 = arith.select %ge3A_81, %bitcast3A, %xor3A_83 : vector<16xi1>, vector<16xi32>
      %sub3A = arith.subf %get3A_79, %broadcast_in_dim3A_60 : vector<16xf32>
      %exp3A = math.exp %sub3A : vector<16xf32>
      %shift_right_arithmetic3A_85 = arith.constant 20 : i32
      %shift_right_arithmetic3A_86 = vector.broadcast %shift_right_arithmetic3A_85 : i32 to vector<16xi32>
      %shift_right_arithmetic3A_87 = arith.shrsi %select_n3A_84, %shift_right_arithmetic3A_86 : vector<16xi32>
      %add3A_88 = arith.constant 2048 : i32
      %add3A_89 = vector.broadcast %add3A_88 : i32 to vector<16xi32>
      %add3A_90 = arith.addi %shift_right_arithmetic3A_87, %add3A_89 : vector<16xi32>
      tpu.vector_store_idx %arg9[%add3A_90], %broadcast_in_dim3A_1 {add = true} : memref<4096xi32, #tpu.memory_space<vmem>>[vector<16xi32>], vector<16xi32>,
      tpu.vector_store_idx %arg10[%add3A_90], %exp3A {add = true} : memref<4096xf32, #tpu.memory_space<vmem>>[vector<16xi32>], vector<16xf32>,
      %add3A_91 = arith.addf %scan3A_73, %exp3A : vector<16xf32>
      %scan3A_92 = arith.constant 6249 : i32
      %scan3A_93 = arith.addi %scan3A_69, %scan3A_92 : i32
      %mul3A_94 = arith.constant 16 : i32
      %mul3A_95 = arith.muli %scan3A_93, %mul3A_94 : i32
      %get3A_96 = arith.index_cast %mul3A_95 : i32 to index
      %get3A_97 = tpu.vector_load %arg6[%get3A_96] {strides = array<i32>} : memref<100000xf32, #tpu.memory_space<vmem>>, vector<16xf32>,
      %bitcast3A_98 = vector.bitcast %get3A_97 : vector<16xf32> to vector<16xi32>
      %ge3A_99 = arith.constant 0 : i32
      %ge3A_100 = vector.broadcast %ge3A_99 : i32 to vector<16xi32>
      %ge3A_101 = arith.cmpi sge, %bitcast3A_98, %ge3A_100 : vector<16xi32>
      %xor3A_102 = arith.constant 2147483647 : i32
      %xor3A_103 = vector.broadcast %xor3A_102 : i32 to vector<16xi32>
      %xor3A_104 = arith.xori %bitcast3A_98, %xor3A_103 : vector<16xi32>
      %select_n3A_105 = arith.select %ge3A_101, %bitcast3A_98, %xor3A_104 : vector<16xi1>, vector<16xi32>
      %sub3A_106 = arith.subf %get3A_97, %broadcast_in_dim3A_60 : vector<16xf32>
      %exp3A_107 = math.exp %sub3A_106 : vector<16xf32>
      %shift_right_arithmetic3A_108 = arith.constant 20 : i32
      %shift_right_arithmetic3A_109 = vector.broadcast %shift_right_arithmetic3A_108 : i32 to vector<16xi32>
      %shift_right_arithmetic3A_110 = arith.shrsi %select_n3A_105, %shift_right_arithmetic3A_109 : vector<16xi32>
      %add3A_111 = arith.constant 2048 : i32
      %add3A_112 = vector.broadcast %add3A_111 : i32 to vector<16xi32>
      %add3A_113 = arith.addi %shift_right_arithmetic3A_110, %add3A_112 : vector<16xi32>
      tpu.vector_store_idx %arg9[%add3A_113], %broadcast_in_dim3A_1 {add = true} : memref<4096xi32, #tpu.memory_space<vmem>>[vector<16xi32>], vector<16xi32>,
      tpu.vector_store_idx %arg10[%add3A_113], %exp3A_107 {add = true} : memref<4096xf32, #tpu.memory_space<vmem>>[vector<16xi32>], vector<16xf32>,
      %add3A_114 = arith.addf %add3A_91, %exp3A_107 : vector<16xf32>
      %scan3A_115 = arith.constant 6250 : i32
      %reduce_sum3A_116 = arith.constant true
      %reduce_sum3A_117 = vector.broadcast %reduce_sum3A_116 : i1 to vector<16xi1>
      %reduce_sum3A_118 = tpu.scan <sum>, %add3A_114 masked %reduce_sum3A_117 : vector<16xf32>, vector<16xi1> -> vector<16xf32>
      %reduce_sum3A_119 = vector.extract %reduce_sum3A_118[15] : f32 from vector<16xf32>
      %mul3A_120 = arith.mulf %reduce_sum3A_20, %reduce_sum3A_119 : f32
      %broadcast_in_dim3A_121 = vector.broadcast %reduce_sum3A_35 : i32 to vector<16xi32>
      %broadcast_in_dim3A_122 = vector.broadcast %mul3A_120 : f32 to vector<16xf32>
      %broadcast_in_dim3A_123 = arith.constant 100000 : i32
      %broadcast_in_dim3A_124 = vector.broadcast %broadcast_in_dim3A_123 : i32 to vector<16xi32>
      %broadcast_in_dim3A_125 = vector.broadcast %reduce_sum3A_119 : f32 to vector<16xf32>
      %scan3A_126 = arith.constant 0 : i32
      %scan3A_127 = arith.constant 0 : i32
      %scan3A_128 = arith.constant 0 : i32
      %scan3A_129 = arith.constant 0.000000e+00 : f32
      %scan3A_130 = arith.constant 0 : i32
      %scan3A_131 = arith.constant 0.000000e+00 : f32
      %scan3A_132 = arith.constant 0 : i32
      %scan3A_133 = arith.constant 256 : i32
      %scan3A_134 = arith.addi %scan3A_132, %scan3A_133 : i32
      %scan3A_135 = arith.constant 2 : i32
      %scan3A_136:6 = scf.for %scan3A_313 = %scan3A_132 to %scan3A_134 step %scan3A_135 iter_args(%scan3A_314 = %scan3A_126, %scan3A_315 = %scan3A_127, %scan3A_316 = %scan3A_128, %scan3A_317 = %scan3A_129, %scan3A_318 = %scan3A_130, %scan3A_319 = %scan3A_131) -> (i32, i32, i32, f32, i32, f32)  : i32 {
        %mul3A_320 = arith.constant 16 : i32
        %mul3A_321 = arith.muli %scan3A_313, %mul3A_320 : i32
        %get3A_322 = arith.index_cast %mul3A_321 : i32 to index
        %get3A_323 = tpu.vector_load %arg9[%get3A_322] {strides = array<i32>} : memref<4096xi32, #tpu.memory_space<vmem>>, vector<16xi32>,
        %mul3A_324 = arith.constant 16 : i32
        %mul3A_325 = arith.muli %scan3A_313, %mul3A_324 : i32
        %get3A_326 = arith.index_cast %mul3A_325 : i32 to index
        %get3A_327 = tpu.vector_load %arg10[%get3A_326] {strides = array<i32>} : memref<4096xf32, #tpu.memory_space<vmem>>, vector<16xf32>,
        %broadcast_in_dim3A_328 = vector.broadcast %scan3A_318 : i32 to vector<16xi32>
        %broadcast_in_dim3A_329 = arith.constant true
        %broadcast_in_dim3A_330 = vector.broadcast %broadcast_in_dim3A_329 : i1 to vector<16xi1>
        %masked_cumsum3A_331 = tpu.scan <sum>, %get3A_323 masked %broadcast_in_dim3A_330 : vector<16xi32>, vector<16xi1> -> vector<16xi32>
        %add3A_332 = arith.addi %broadcast_in_dim3A_328, %masked_cumsum3A_331 : vector<16xi32>
        %broadcast_in_dim3A_333 = vector.broadcast %scan3A_319 : f32 to vector<16xf32>
        %broadcast_in_dim3A_334 = arith.constant true
        %broadcast_in_dim3A_335 = vector.broadcast %broadcast_in_dim3A_334 : i1 to vector<16xi1>
        %masked_cumsum3A_336 = tpu.scan <sum>, %get3A_327 masked %broadcast_in_dim3A_335 : vector<16xf32>, vector<16xi1> -> vector<16xf32>
        %add3A_337 = arith.addf %broadcast_in_dim3A_333, %masked_cumsum3A_336 : vector<16xf32>
        %sub3A_338 = arith.subi %broadcast_in_dim3A_124, %add3A_332 : vector<16xi32>
        %lt3A_339 = arith.cmpi slt, %sub3A_338, %broadcast_in_dim3A_121 : vector<16xi32>
        %sub3A_340 = arith.subf %broadcast_in_dim3A_125, %add3A_337 : vector<16xf32>
        %le3A_341 = arith.cmpf ole, %sub3A_340, %broadcast_in_dim3A_122 : vector<16xf32>
        %and3A_342 = arith.andi %lt3A_339, %le3A_341 : vector<16xi1>
        %all_reduce_population_count3A = tpu.all_reduce %and3A_342 {dim = 0 : i64, kind = #tpu.reduction_kind<sum>} : vector<16xi1> -> vector<16xi32>
        %reduce_sum3A_343 = arith.constant true
        %reduce_sum3A_344 = vector.broadcast %reduce_sum3A_343 : i1 to vector<16xi1>
        %reduce_sum3A_345 = tpu.scan <sum>, %all_reduce_population_count3A masked %reduce_sum3A_344 : vector<16xi32>, vector<16xi1> -> vector<16xi32>
        %reduce_sum3A_346 = vector.extract %reduce_sum3A_345[15] : i32 from vector<16xi32>
        %all_reduce_ffs3A = tpu.all_reduce %and3A_342 {dim = 0 : i64, kind = #tpu.reduction_kind<find_first_set>} : vector<16xi1> -> vector<16xi32>
        %reduce_sum3A_347 = arith.constant true
        %reduce_sum3A_348 = vector.broadcast %reduce_sum3A_347 : i1 to vector<16xi1>
        %reduce_sum3A_349 = tpu.scan <sum>, %all_reduce_ffs3A masked %reduce_sum3A_348 : vector<16xi32>, vector<16xi1> -> vector<16xi32>
        %reduce_sum3A_350 = vector.extract %reduce_sum3A_349[15] : i32 from vector<16xi32>
        %shift_right_arithmetic3A_351 = arith.constant 4 : i32
        %shift_right_arithmetic3A_352 = arith.shrsi %reduce_sum3A_350, %shift_right_arithmetic3A_351 : i32
        %gt3A_353 = arith.constant 0 : i32
        %gt3A_354 = arith.cmpi sgt, %reduce_sum3A_346, %gt3A_353 : i32
        %eq3A_355 = arith.constant 0 : i32
        %eq3A_356 = arith.cmpi eq, %scan3A_314, %eq3A_355 : i32
        %and3A_357 = arith.andi %gt3A_354, %eq3A_356 : i1
        %mul3A_358 = arith.constant 16 : i32
        %mul3A_359 = arith.muli %scan3A_313, %mul3A_358 : i32
        %add3A_360 = arith.addi %mul3A_359, %shift_right_arithmetic3A_352 : i32
        %select_n3A_361 = arith.select %and3A_357, %add3A_360, %scan3A_315 : i32
        %select_n3A_362 = arith.select %and3A_357, %scan3A_318, %scan3A_316 : i32
        %select_n3A_363 = arith.select %and3A_357, %scan3A_319, %scan3A_317 : f32
        %jit3A_364 = arith.constant 1 : i32
        %select_n3A_365 = arith.select %and3A_357, %jit3A_364, %scan3A_314 : i32
        %reduce_sum3A_366 = arith.constant true
        %reduce_sum3A_367 = vector.broadcast %reduce_sum3A_366 : i1 to vector<16xi1>
        %reduce_sum3A_368 = tpu.scan <sum>, %get3A_323 masked %reduce_sum3A_367 : vector<16xi32>, vector<16xi1> -> vector<16xi32>
        %reduce_sum3A_369 = vector.extract %reduce_sum3A_368[15] : i32 from vector<16xi32>
        %add3A_370 = arith.addi %scan3A_318, %reduce_sum3A_369 : i32
        %reduce_sum3A_371 = arith.constant true
        %reduce_sum3A_372 = vector.broadcast %reduce_sum3A_371 : i1 to vector<16xi1>
        %reduce_sum3A_373 = tpu.scan <sum>, %get3A_327 masked %reduce_sum3A_372 : vector<16xf32>, vector<16xi1> -> vector<16xf32>
        %reduce_sum3A_374 = vector.extract %reduce_sum3A_373[15] : f32 from vector<16xf32>
        %add3A_375 = arith.addf %scan3A_319, %reduce_sum3A_374 : f32
        %scan3A_376 = arith.constant 1 : i32
        %scan3A_377 = arith.addi %scan3A_313, %scan3A_376 : i32
        %mul3A_378 = arith.constant 16 : i32
        %mul3A_379 = arith.muli %scan3A_377, %mul3A_378 : i32
        %get3A_380 = arith.index_cast %mul3A_379 : i32 to index
        %get3A_381 = tpu.vector_load %arg9[%get3A_380] {strides = array<i32>} : memref<4096xi32, #tpu.memory_space<vmem>>, vector<16xi32>,
        %mul3A_382 = arith.constant 16 : i32
        %mul3A_383 = arith.muli %scan3A_377, %mul3A_382 : i32
        %get3A_384 = arith.index_cast %mul3A_383 : i32 to index
        %get3A_385 = tpu.vector_load %arg10[%get3A_384] {strides = array<i32>} : memref<4096xf32, #tpu.memory_space<vmem>>, vector<16xf32>,
        %broadcast_in_dim3A_386 = vector.broadcast %add3A_370 : i32 to vector<16xi32>
        %broadcast_in_dim3A_387 = arith.constant true
        %broadcast_in_dim3A_388 = vector.broadcast %broadcast_in_dim3A_387 : i1 to vector<16xi1>
        %masked_cumsum3A_389 = tpu.scan <sum>, %get3A_381 masked %broadcast_in_dim3A_388 : vector<16xi32>, vector<16xi1> -> vector<16xi32>
        %add3A_390 = arith.addi %broadcast_in_dim3A_386, %masked_cumsum3A_389 : vector<16xi32>
        %broadcast_in_dim3A_391 = vector.broadcast %add3A_375 : f32 to vector<16xf32>
        %broadcast_in_dim3A_392 = arith.constant true
        %broadcast_in_dim3A_393 = vector.broadcast %broadcast_in_dim3A_392 : i1 to vector<16xi1>
        %masked_cumsum3A_394 = tpu.scan <sum>, %get3A_385 masked %broadcast_in_dim3A_393 : vector<16xf32>, vector<16xi1> -> vector<16xf32>
        %add3A_395 = arith.addf %broadcast_in_dim3A_391, %masked_cumsum3A_394 : vector<16xf32>
        %sub3A_396 = arith.subi %broadcast_in_dim3A_124, %add3A_390 : vector<16xi32>
        %lt3A_397 = arith.cmpi slt, %sub3A_396, %broadcast_in_dim3A_121 : vector<16xi32>
        %sub3A_398 = arith.subf %broadcast_in_dim3A_125, %add3A_395 : vector<16xf32>
        %le3A_399 = arith.cmpf ole, %sub3A_398, %broadcast_in_dim3A_122 : vector<16xf32>
        %and3A_400 = arith.andi %lt3A_397, %le3A_399 : vector<16xi1>
        %all_reduce_population_count3A_401 = tpu.all_reduce %and3A_400 {dim = 0 : i64, kind = #tpu.reduction_kind<sum>} : vector<16xi1> -> vector<16xi32>
        %reduce_sum3A_402 = arith.constant true
        %reduce_sum3A_403 = vector.broadcast %reduce_sum3A_402 : i1 to vector<16xi1>
        %reduce_sum3A_404 = tpu.scan <sum>, %all_reduce_population_count3A_401 masked %reduce_sum3A_403 : vector<16xi32>, vector<16xi1> -> vector<16xi32>
        %reduce_sum3A_405 = vector.extract %reduce_sum3A_404[15] : i32 from vector<16xi32>
        %all_reduce_ffs3A_406 = tpu.all_reduce %and3A_400 {dim = 0 : i64, kind = #tpu.reduction_kind<find_first_set>} : vector<16xi1> -> vector<16xi32>
        %reduce_sum3A_407 = arith.constant true
        %reduce_sum3A_408 = vector.broadcast %reduce_sum3A_407 : i1 to vector<16xi1>
        %reduce_sum3A_409 = tpu.scan <sum>, %all_reduce_ffs3A_406 masked %reduce_sum3A_408 : vector<16xi32>, vector<16xi1> -> vector<16xi32>
        %reduce_sum3A_410 = vector.extract %reduce_sum3A_409[15] : i32 from vector<16xi32>
        %shift_right_arithmetic3A_411 = arith.constant 4 : i32
        %shift_right_arithmetic3A_412 = arith.shrsi %reduce_sum3A_410, %shift_right_arithmetic3A_411 : i32
        %gt3A_413 = arith.constant 0 : i32
        %gt3A_414 = arith.cmpi sgt, %reduce_sum3A_405, %gt3A_413 : i32
        %eq3A_415 = arith.constant 0 : i32
        %eq3A_416 = arith.cmpi eq, %select_n3A_365, %eq3A_415 : i32
        %and3A_417 = arith.andi %gt3A_414, %eq3A_416 : i1
        %mul3A_418 = arith.constant 16 : i32
        %mul3A_419 = arith.muli %scan3A_377, %mul3A_418 : i32
        %add3A_420 = arith.addi %mul3A_419, %shift_right_arithmetic3A_412 : i32
        %select_n3A_421 = arith.select %and3A_417, %add3A_420, %select_n3A_361 : i32
        %select_n3A_422 = arith.select %and3A_417, %add3A_370, %select_n3A_362 : i32
        %select_n3A_423 = arith.select %and3A_417, %add3A_375, %select_n3A_363 : f32
        %jit3A_424 = arith.constant 1 : i32
        %select_n3A_425 = arith.select %and3A_417, %jit3A_424, %select_n3A_365 : i32
        %reduce_sum3A_426 = arith.constant true
        %reduce_sum3A_427 = vector.broadcast %reduce_sum3A_426 : i1 to vector<16xi1>
        %reduce_sum3A_428 = tpu.scan <sum>, %get3A_381 masked %reduce_sum3A_427 : vector<16xi32>, vector<16xi1> -> vector<16xi32>
        %reduce_sum3A_429 = vector.extract %reduce_sum3A_428[15] : i32 from vector<16xi32>
        %add3A_430 = arith.addi %add3A_370, %reduce_sum3A_429 : i32
        %reduce_sum3A_431 = arith.constant true
        %reduce_sum3A_432 = vector.broadcast %reduce_sum3A_431 : i1 to vector<16xi1>
        %reduce_sum3A_433 = tpu.scan <sum>, %get3A_385 masked %reduce_sum3A_432 : vector<16xf32>, vector<16xi1> -> vector<16xf32>
        %reduce_sum3A_434 = vector.extract %reduce_sum3A_433[15] : f32 from vector<16xf32>
        %add3A_435 = arith.addf %add3A_375, %reduce_sum3A_434 : f32
        scf.yield %select_n3A_425, %select_n3A_421, %select_n3A_422, %select_n3A_423, %add3A_430, %add3A_435 : i32, i32, i32, f32, i32, f32
      }
      %scan3A_137 = arith.constant 256 : i32
      %shift_right_arithmetic3A_138 = arith.constant 4 : i32
      %shift_right_arithmetic3A_139 = arith.shrsi %scan3A_136#1, %shift_right_arithmetic3A_138 : i32
      %shift_left3A_140 = arith.constant 4 : i32
      %shift_left3A_141 = arith.shli %shift_right_arithmetic3A_139, %shift_left3A_140 : i32
      %and3A_142 = arith.constant 15 : i32
      %and3A_143 = arith.andi %scan3A_136#1, %and3A_142 : i32
      %broadcast_in_dim3A_144 = vector.broadcast %and3A_143 : i32 to vector<16xi32>
      %get3A_145 = arith.index_cast %shift_left3A_141 : i32 to index
      %get3A_146 = tpu.vector_load %arg9[%get3A_145] {strides = array<i32>} : memref<4096xi32, #tpu.memory_space<vmem>>, vector<16xi32>,
      %get3A_147 = arith.index_cast %shift_left3A_141 : i32 to index
      %get3A_148 = tpu.vector_load %arg10[%get3A_147] {strides = array<i32>} : memref<4096xf32, #tpu.memory_space<vmem>>, vector<16xf32>,
      %broadcast_in_dim3A_149 = vector.broadcast %scan3A_136#2 : i32 to vector<16xi32>
      %broadcast_in_dim3A_150 = arith.constant true
      %broadcast_in_dim3A_151 = vector.broadcast %broadcast_in_dim3A_150 : i1 to vector<16xi1>
      %masked_cumsum3A = tpu.scan <sum>, %get3A_146 masked %broadcast_in_dim3A_151 : vector<16xi32>, vector<16xi1> -> vector<16xi32>
      %add3A_152 = arith.addi %broadcast_in_dim3A_149, %masked_cumsum3A : vector<16xi32>
      %broadcast_in_dim3A_153 = vector.broadcast %scan3A_136#3 : f32 to vector<16xf32>
      %broadcast_in_dim3A_154 = arith.constant true
      %broadcast_in_dim3A_155 = vector.broadcast %broadcast_in_dim3A_154 : i1 to vector<16xi1>
      %masked_cumsum3A_156 = tpu.scan <sum>, %get3A_148 masked %broadcast_in_dim3A_155 : vector<16xf32>, vector<16xi1> -> vector<16xf32>
      %add3A_157 = arith.addf %broadcast_in_dim3A_153, %masked_cumsum3A_156 : vector<16xf32>
      %iota3A_158 = tpu.iota {dimensions = array<i32: 0>} : vector<16xi32>
      %eq3A_159 = arith.cmpi eq, %iota3A_158, %broadcast_in_dim3A_144 : vector<16xi32>
      %broadcast_in_dim3A_160 = arith.constant 0 : i32
      %broadcast_in_dim3A_161 = vector.broadcast %broadcast_in_dim3A_160 : i32 to vector<16xi32>
      %select_n3A_162 = arith.select %eq3A_159, %add3A_152, %broadcast_in_dim3A_161 : vector<16xi1>, vector<16xi32>
      %reduce_sum3A_163 = arith.constant true
      %reduce_sum3A_164 = vector.broadcast %reduce_sum3A_163 : i1 to vector<16xi1>
      %reduce_sum3A_165 = tpu.scan <sum>, %select_n3A_162 masked %reduce_sum3A_164 : vector<16xi32>, vector<16xi1> -> vector<16xi32>
      %reduce_sum3A_166 = vector.extract %reduce_sum3A_165[15] : i32 from vector<16xi32>
      %sub3A_167 = arith.constant 100000 : i32
      %sub3A_168 = arith.subi %sub3A_167, %reduce_sum3A_166 : i32
      %iota3A_169 = tpu.iota {dimensions = array<i32: 0>} : vector<16xi32>
      %eq3A_170 = arith.cmpi eq, %iota3A_169, %broadcast_in_dim3A_144 : vector<16xi32>
      %broadcast_in_dim3A_171 = arith.constant 0.000000e+00 : f32
      %broadcast_in_dim3A_172 = vector.broadcast %broadcast_in_dim3A_171 : f32 to vector<16xf32>
      %select_n3A_173 = arith.select %eq3A_170, %add3A_157, %broadcast_in_dim3A_172 : vector<16xi1>, vector<16xf32>
      %reduce_sum3A_174 = arith.constant true
      %reduce_sum3A_175 = vector.broadcast %reduce_sum3A_174 : i1 to vector<16xi1>
      %reduce_sum3A_176 = tpu.scan <sum>, %select_n3A_173 masked %reduce_sum3A_175 : vector<16xf32>, vector<16xi1> -> vector<16xf32>
      %reduce_sum3A_177 = vector.extract %reduce_sum3A_176[15] : f32 from vector<16xf32>
      %sub3A_178 = arith.subf %reduce_sum3A_119, %reduce_sum3A_177 : f32
      %iota3A_179 = tpu.iota {dimensions = array<i32: 0>} : vector<16xi32>
      %eq3A_180 = arith.cmpi eq, %iota3A_179, %broadcast_in_dim3A_144 : vector<16xi32>
      %broadcast_in_dim3A_181 = arith.constant 0 : i32
      %broadcast_in_dim3A_182 = vector.broadcast %broadcast_in_dim3A_181 : i32 to vector<16xi32>
      %select_n3A_183 = arith.select %eq3A_180, %get3A_146, %broadcast_in_dim3A_182 : vector<16xi1>, vector<16xi32>
      %reduce_sum3A_184 = arith.constant true
      %reduce_sum3A_185 = vector.broadcast %reduce_sum3A_184 : i1 to vector<16xi1>
      %reduce_sum3A_186 = tpu.scan <sum>, %select_n3A_183 masked %reduce_sum3A_185 : vector<16xi32>, vector<16xi1> -> vector<16xi32>
      %reduce_sum3A_187 = vector.extract %reduce_sum3A_186[15] : i32 from vector<16xi32>
      %iota3A_188 = tpu.iota {dimensions = array<i32: 0>} : vector<16xi32>
      %eq3A_189 = arith.cmpi eq, %iota3A_188, %broadcast_in_dim3A_144 : vector<16xi32>
      %broadcast_in_dim3A_190 = arith.constant 0.000000e+00 : f32
      %broadcast_in_dim3A_191 = vector.broadcast %broadcast_in_dim3A_190 : f32 to vector<16xf32>
      %select_n3A_192 = arith.select %eq3A_189, %get3A_148, %broadcast_in_dim3A_191 : vector<16xi1>, vector<16xf32>
      %reduce_sum3A_193 = arith.constant true
      %reduce_sum3A_194 = vector.broadcast %reduce_sum3A_193 : i1 to vector<16xi1>
      %reduce_sum3A_195 = tpu.scan <sum>, %select_n3A_192 masked %reduce_sum3A_194 : vector<16xf32>, vector<16xi1> -> vector<16xf32>
      %reduce_sum3A_196 = vector.extract %reduce_sum3A_195[15] : f32 from vector<16xf32>
      %scan3A_197 = arith.constant 0 : i32
      %scan3A_198 = arith.constant 0 : i32
      %scan3A_199 = arith.constant 256 : i32
      %scan3A_200 = arith.addi %scan3A_198, %scan3A_199 : i32
      %scan3A_201 = arith.constant 8 : i32
      scf.for %scan3A_313 = %scan3A_198 to %scan3A_200 step %scan3A_201  : i32 {
        %broadcast_in_dim3A_314 = arith.constant 0 : i32
        %broadcast_in_dim3A_315 = vector.broadcast %broadcast_in_dim3A_314 : i32 to vector<16xi32>
        %mul3A_316 = arith.constant 16 : i32
        %mul3A_317 = arith.muli %scan3A_313, %mul3A_316 : i32
        %swap3A = arith.index_cast %mul3A_317 : i32 to index
        %swap3A_318 = tpu.vector_load %arg9[%swap3A] {strides = array<i32>} : memref<4096xi32, #tpu.memory_space<vmem>>, vector<16xi32>,
        tpu.vector_store %arg9[%swap3A], %broadcast_in_dim3A_315 {strides = array<i32>} : memref<4096xi32, #tpu.memory_space<vmem>>, vector<16xi32>,
        %broadcast_in_dim3A_319 = arith.constant 0.000000e+00 : f32
        %broadcast_in_dim3A_320 = vector.broadcast %broadcast_in_dim3A_319 : f32 to vector<16xf32>
        %mul3A_321 = arith.constant 16 : i32
        %mul3A_322 = arith.muli %scan3A_313, %mul3A_321 : i32
        %swap3A_323 = arith.index_cast %mul3A_322 : i32 to index
        %swap3A_324 = tpu.vector_load %arg10[%swap3A_323] {strides = array<i32>} : memref<4096xf32, #tpu.memory_space<vmem>>, vector<16xf32>,
        tpu.vector_store %arg10[%swap3A_323], %broadcast_in_dim3A_320 {strides = array<i32>} : memref<4096xf32, #tpu.memory_space<vmem>>, vector<16xf32>,
        %scan3A_325 = arith.constant 1 : i32
        %scan3A_326 = arith.addi %scan3A_313, %scan3A_325 : i32
        %broadcast_in_dim3A_327 = arith.constant 0 : i32
        %broadcast_in_dim3A_328 = vector.broadcast %broadcast_in_dim3A_327 : i32 to vector<16xi32>
        %mul3A_329 = arith.constant 16 : i32
        %mul3A_330 = arith.muli %scan3A_326, %mul3A_329 : i32
        %swap3A_331 = arith.index_cast %mul3A_330 : i32 to index
        %swap3A_332 = tpu.vector_load %arg9[%swap3A_331] {strides = array<i32>} : memref<4096xi32, #tpu.memory_space<vmem>>, vector<16xi32>,
        tpu.vector_store %arg9[%swap3A_331], %broadcast_in_dim3A_328 {strides = array<i32>} : memref<4096xi32, #tpu.memory_space<vmem>>, vector<16xi32>,
        %broadcast_in_dim3A_333 = arith.constant 0.000000e+00 : f32
        %broadcast_in_dim3A_334 = vector.broadcast %broadcast_in_dim3A_333 : f32 to vector<16xf32>
        %mul3A_335 = arith.constant 16 : i32
        %mul3A_336 = arith.muli %scan3A_326, %mul3A_335 : i32
        %swap3A_337 = arith.index_cast %mul3A_336 : i32 to index
        %swap3A_338 = tpu.vector_load %arg10[%swap3A_337] {strides = array<i32>} : memref<4096xf32, #tpu.memory_space<vmem>>, vector<16xf32>,
        tpu.vector_store %arg10[%swap3A_337], %broadcast_in_dim3A_334 {strides = array<i32>} : memref<4096xf32, #tpu.memory_space<vmem>>, vector<16xf32>,
        %scan3A_339 = arith.constant 2 : i32
        %scan3A_340 = arith.addi %scan3A_313, %scan3A_339 : i32
        %broadcast_in_dim3A_341 = arith.constant 0 : i32
        %broadcast_in_dim3A_342 = vector.broadcast %broadcast_in_dim3A_341 : i32 to vector<16xi32>
        %mul3A_343 = arith.constant 16 : i32
        %mul3A_344 = arith.muli %scan3A_340, %mul3A_343 : i32
        %swap3A_345 = arith.index_cast %mul3A_344 : i32 to index
        %swap3A_346 = tpu.vector_load %arg9[%swap3A_345] {strides = array<i32>} : memref<4096xi32, #tpu.memory_space<vmem>>, vector<16xi32>,
        tpu.vector_store %arg9[%swap3A_345], %broadcast_in_dim3A_342 {strides = array<i32>} : memref<4096xi32, #tpu.memory_space<vmem>>, vector<16xi32>,
        %broadcast_in_dim3A_347 = arith.constant 0.000000e+00 : f32
        %broadcast_in_dim3A_348 = vector.broadcast %broadcast_in_dim3A_347 : f32 to vector<16xf32>
        %mul3A_349 = arith.constant 16 : i32
        %mul3A_350 = arith.muli %scan3A_340, %mul3A_349 : i32
        %swap3A_351 = arith.index_cast %mul3A_350 : i32 to index
        %swap3A_352 = tpu.vector_load %arg10[%swap3A_351] {strides = array<i32>} : memref<4096xf32, #tpu.memory_space<vmem>>, vector<16xf32>,
        tpu.vector_store %arg10[%swap3A_351], %broadcast_in_dim3A_348 {strides = array<i32>} : memref<4096xf32, #tpu.memory_space<vmem>>, vector<16xf32>,
        %scan3A_353 = arith.constant 3 : i32
        %scan3A_354 = arith.addi %scan3A_313, %scan3A_353 : i32
        %broadcast_in_dim3A_355 = arith.constant 0 : i32
        %broadcast_in_dim3A_356 = vector.broadcast %broadcast_in_dim3A_355 : i32 to vector<16xi32>
        %mul3A_357 = arith.constant 16 : i32
        %mul3A_358 = arith.muli %scan3A_354, %mul3A_357 : i32
        %swap3A_359 = arith.index_cast %mul3A_358 : i32 to index
        %swap3A_360 = tpu.vector_load %arg9[%swap3A_359] {strides = array<i32>} : memref<4096xi32, #tpu.memory_space<vmem>>, vector<16xi32>,
        tpu.vector_store %arg9[%swap3A_359], %broadcast_in_dim3A_356 {strides = array<i32>} : memref<4096xi32, #tpu.memory_space<vmem>>, vector<16xi32>,
        %broadcast_in_dim3A_361 = arith.constant 0.000000e+00 : f32
        %broadcast_in_dim3A_362 = vector.broadcast %broadcast_in_dim3A_361 : f32 to vector<16xf32>
        %mul3A_363 = arith.constant 16 : i32
        %mul3A_364 = arith.muli %scan3A_354, %mul3A_363 : i32
        %swap3A_365 = arith.index_cast %mul3A_364 : i32 to index
        %swap3A_366 = tpu.vector_load %arg10[%swap3A_365] {strides = array<i32>} : memref<4096xf32, #tpu.memory_space<vmem>>, vector<16xf32>,
        tpu.vector_store %arg10[%swap3A_365], %broadcast_in_dim3A_362 {strides = array<i32>} : memref<4096xf32, #tpu.memory_space<vmem>>, vector<16xf32>,
        %scan3A_367 = arith.constant 4 : i32
        %scan3A_368 = arith.addi %scan3A_313, %scan3A_367 : i32
        %broadcast_in_dim3A_369 = arith.constant 0 : i32
        %broadcast_in_dim3A_370 = vector.broadcast %broadcast_in_dim3A_369 : i32 to vector<16xi32>
        %mul3A_371 = arith.constant 16 : i32
        %mul3A_372 = arith.muli %scan3A_368, %mul3A_371 : i32
        %swap3A_373 = arith.index_cast %mul3A_372 : i32 to index
        %swap3A_374 = tpu.vector_load %arg9[%swap3A_373] {strides = array<i32>} : memref<4096xi32, #tpu.memory_space<vmem>>, vector<16xi32>,
        tpu.vector_store %arg9[%swap3A_373], %broadcast_in_dim3A_370 {strides = array<i32>} : memref<4096xi32, #tpu.memory_space<vmem>>, vector<16xi32>,
        %broadcast_in_dim3A_375 = arith.constant 0.000000e+00 : f32
        %broadcast_in_dim3A_376 = vector.broadcast %broadcast_in_dim3A_375 : f32 to vector<16xf32>
        %mul3A_377 = arith.constant 16 : i32
        %mul3A_378 = arith.muli %scan3A_368, %mul3A_377 : i32
        %swap3A_379 = arith.index_cast %mul3A_378 : i32 to index
        %swap3A_380 = tpu.vector_load %arg10[%swap3A_379] {strides = array<i32>} : memref<4096xf32, #tpu.memory_space<vmem>>, vector<16xf32>,
        tpu.vector_store %arg10[%swap3A_379], %broadcast_in_dim3A_376 {strides = array<i32>} : memref<4096xf32, #tpu.memory_space<vmem>>, vector<16xf32>,
        %scan3A_381 = arith.constant 5 : i32
        %scan3A_382 = arith.addi %scan3A_313, %scan3A_381 : i32
        %broadcast_in_dim3A_383 = arith.constant 0 : i32
        %broadcast_in_dim3A_384 = vector.broadcast %broadcast_in_dim3A_383 : i32 to vector<16xi32>
        %mul3A_385 = arith.constant 16 : i32
        %mul3A_386 = arith.muli %scan3A_382, %mul3A_385 : i32
        %swap3A_387 = arith.index_cast %mul3A_386 : i32 to index
        %swap3A_388 = tpu.vector_load %arg9[%swap3A_387] {strides = array<i32>} : memref<4096xi32, #tpu.memory_space<vmem>>, vector<16xi32>,
        tpu.vector_store %arg9[%swap3A_387], %broadcast_in_dim3A_384 {strides = array<i32>} : memref<4096xi32, #tpu.memory_space<vmem>>, vector<16xi32>,
        %broadcast_in_dim3A_389 = arith.constant 0.000000e+00 : f32
        %broadcast_in_dim3A_390 = vector.broadcast %broadcast_in_dim3A_389 : f32 to vector<16xf32>
        %mul3A_391 = arith.constant 16 : i32
        %mul3A_392 = arith.muli %scan3A_382, %mul3A_391 : i32
        %swap3A_393 = arith.index_cast %mul3A_392 : i32 to index
        %swap3A_394 = tpu.vector_load %arg10[%swap3A_393] {strides = array<i32>} : memref<4096xf32, #tpu.memory_space<vmem>>, vector<16xf32>,
        tpu.vector_store %arg10[%swap3A_393], %broadcast_in_dim3A_390 {strides = array<i32>} : memref<4096xf32, #tpu.memory_space<vmem>>, vector<16xf32>,
        %scan3A_395 = arith.constant 6 : i32
        %scan3A_396 = arith.addi %scan3A_313, %scan3A_395 : i32
        %broadcast_in_dim3A_397 = arith.constant 0 : i32
        %broadcast_in_dim3A_398 = vector.broadcast %broadcast_in_dim3A_397 : i32 to vector<16xi32>
        %mul3A_399 = arith.constant 16 : i32
        %mul3A_400 = arith.muli %scan3A_396, %mul3A_399 : i32
        %swap3A_401 = arith.index_cast %mul3A_400 : i32 to index
        %swap3A_402 = tpu.vector_load %arg9[%swap3A_401] {strides = array<i32>} : memref<4096xi32, #tpu.memory_space<vmem>>, vector<16xi32>,
        tpu.vector_store %arg9[%swap3A_401], %broadcast_in_dim3A_398 {strides = array<i32>} : memref<4096xi32, #tpu.memory_space<vmem>>, vector<16xi32>,
        %broadcast_in_dim3A_403 = arith.constant 0.000000e+00 : f32
        %broadcast_in_dim3A_404 = vector.broadcast %broadcast_in_dim3A_403 : f32 to vector<16xf32>
        %mul3A_405 = arith.constant 16 : i32
        %mul3A_406 = arith.muli %scan3A_396, %mul3A_405 : i32
        %swap3A_407 = arith.index_cast %mul3A_406 : i32 to index
        %swap3A_408 = tpu.vector_load %arg10[%swap3A_407] {strides = array<i32>} : memref<4096xf32, #tpu.memory_space<vmem>>, vector<16xf32>,
        tpu.vector_store %arg10[%swap3A_407], %broadcast_in_dim3A_404 {strides = array<i32>} : memref<4096xf32, #tpu.memory_space<vmem>>, vector<16xf32>,
        %scan3A_409 = arith.constant 7 : i32
        %scan3A_410 = arith.addi %scan3A_313, %scan3A_409 : i32
        %broadcast_in_dim3A_411 = arith.constant 0 : i32
        %broadcast_in_dim3A_412 = vector.broadcast %broadcast_in_dim3A_411 : i32 to vector<16xi32>
        %mul3A_413 = arith.constant 16 : i32
        %mul3A_414 = arith.muli %scan3A_410, %mul3A_413 : i32
        %swap3A_415 = arith.index_cast %mul3A_414 : i32 to index
        %swap3A_416 = tpu.vector_load %arg9[%swap3A_415] {strides = array<i32>} : memref<4096xi32, #tpu.memory_space<vmem>>, vector<16xi32>,
        tpu.vector_store %arg9[%swap3A_415], %broadcast_in_dim3A_412 {strides = array<i32>} : memref<4096xi32, #tpu.memory_space<vmem>>, vector<16xi32>,
        %broadcast_in_dim3A_417 = arith.constant 0.000000e+00 : f32
        %broadcast_in_dim3A_418 = vector.broadcast %broadcast_in_dim3A_417 : f32 to vector<16xf32>
        %mul3A_419 = arith.constant 16 : i32
        %mul3A_420 = arith.muli %scan3A_410, %mul3A_419 : i32
        %swap3A_421 = arith.index_cast %mul3A_420 : i32 to index
        %swap3A_422 = tpu.vector_load %arg10[%swap3A_421] {strides = array<i32>} : memref<4096xf32, #tpu.memory_space<vmem>>, vector<16xf32>,
        tpu.vector_store %arg10[%swap3A_421], %broadcast_in_dim3A_418 {strides = array<i32>} : memref<4096xf32, #tpu.memory_space<vmem>>, vector<16xf32>,
      }
      %scan3A_202 = arith.constant 256 : i32
      %broadcast_in_dim3A_203 = vector.broadcast %scan3A_136#1 : i32 to vector<16xi32>
      %add3A_204 = arith.addi %sub3A_168, %reduce_sum3A_187 : i32
      %add3A_205 = arith.addf %sub3A_178, %reduce_sum3A_196 : f32
      %iota3A_206 = tpu.iota {dimensions = array<i32: 0>} : vector<16xi32>
      %le3A = arith.constant 2048 : i32
      %le3A_207 = arith.cmpi sle, %reduce_sum3A_187, %le3A : i32
      %convert_element_type3A = arith.extui %le3A_207 : i1 to i32
      %cond3A = arith.constant 0 : i32
      %cond3A_208 = arith.cmpi ne, %convert_element_type3A, %cond3A : i32
      %cond3A_209:5 = scf.if %cond3A_208 -> (i32, i32, i32, f32, i32) {
        %scan3A_313 = arith.constant 0 : i32
        %scan3A_314 = arith.constant 0 : i32
        %scan3A_315 = arith.constant 6250 : i32
        %scan3A_316 = arith.addi %scan3A_314, %scan3A_315 : i32
        %scan3A_317 = arith.constant 2 : i32
        %scan3A_318 = scf.for %scan3A_509 = %scan3A_314 to %scan3A_316 step %scan3A_317 iter_args(%scan3A_510 = %scan3A_313) -> (i32)  : i32 {
          %mul3A_511 = arith.constant 16 : i32
          %mul3A_512 = arith.muli %scan3A_509, %mul3A_511 : i32
          %get3A_513 = arith.index_cast %mul3A_512 : i32 to index
          %get3A_514 = tpu.vector_load %arg6[%get3A_513] {strides = array<i32>} : memref<100000xf32, #tpu.memory_space<vmem>>, vector<16xf32>,
          %bitcast3A_515 = vector.bitcast %get3A_514 : vector<16xf32> to vector<16xi32>
          %ge3A_516 = arith.constant 0 : i32
          %ge3A_517 = vector.broadcast %ge3A_516 : i32 to vector<16xi32>
          %ge3A_518 = arith.cmpi sge, %bitcast3A_515, %ge3A_517 : vector<16xi32>
          %xor3A_519 = arith.constant 2147483647 : i32
          %xor3A_520 = vector.broadcast %xor3A_519 : i32 to vector<16xi32>
          %xor3A_521 = arith.xori %bitcast3A_515, %xor3A_520 : vector<16xi32>
          %select_n3A_522 = arith.select %ge3A_518, %bitcast3A_515, %xor3A_521 : vector<16xi1>, vector<16xi32>
          %shift_right_arithmetic3A_523 = arith.constant 20 : i32
          %shift_right_arithmetic3A_524 = vector.broadcast %shift_right_arithmetic3A_523 : i32 to vector<16xi32>
          %shift_right_arithmetic3A_525 = arith.shrsi %select_n3A_522, %shift_right_arithmetic3A_524 : vector<16xi32>
          %add3A_526 = arith.constant 2048 : i32
          %add3A_527 = vector.broadcast %add3A_526 : i32 to vector<16xi32>
          %add3A_528 = arith.addi %shift_right_arithmetic3A_525, %add3A_527 : vector<16xi32>
          %eq3A_529 = arith.cmpi eq, %add3A_528, %broadcast_in_dim3A_203 : vector<16xi32>
          %swap3A = arith.index_cast %scan3A_510 : i32 to index
          %swap3A_530 = tpu.vector_load %arg11[%swap3A] masked %eq3A_529 {strides = array<i32>} : memref<2064xf32, #tpu.memory_space<vmem>>, vector<16xf32>, vector<16xi1>
          tpu.vector_store %arg11[%swap3A], %get3A_514 masked %eq3A_529 {strides = array<i32>} : memref<2064xf32, #tpu.memory_space<vmem>>, vector<16xf32>, vector<16xi1>
          %all_reduce_population_count3A = tpu.all_reduce %eq3A_529 {dim = 0 : i64, kind = #tpu.reduction_kind<sum>} : vector<16xi1> -> vector<16xi32>
          %reduce_sum3A_531 = arith.constant true
          %reduce_sum3A_532 = vector.broadcast %reduce_sum3A_531 : i1 to vector<16xi1>
          %reduce_sum3A_533 = tpu.scan <sum>, %all_reduce_population_count3A masked %reduce_sum3A_532 : vector<16xi32>, vector<16xi1> -> vector<16xi32>
          %reduce_sum3A_534 = vector.extract %reduce_sum3A_533[15] : i32 from vector<16xi32>
          %shift_right_arithmetic3A_535 = arith.constant 4 : i32
          %shift_right_arithmetic3A_536 = arith.shrsi %reduce_sum3A_534, %shift_right_arithmetic3A_535 : i32
          %add3A_537 = arith.addi %scan3A_510, %shift_right_arithmetic3A_536 : i32
          %scan3A_538 = arith.constant 1 : i32
          %scan3A_539 = arith.addi %scan3A_509, %scan3A_538 : i32
          %mul3A_540 = arith.constant 16 : i32
          %mul3A_541 = arith.muli %scan3A_539, %mul3A_540 : i32
          %get3A_542 = arith.index_cast %mul3A_541 : i32 to index
          %get3A_543 = tpu.vector_load %arg6[%get3A_542] {strides = array<i32>} : memref<100000xf32, #tpu.memory_space<vmem>>, vector<16xf32>,
          %bitcast3A_544 = vector.bitcast %get3A_543 : vector<16xf32> to vector<16xi32>
          %ge3A_545 = arith.constant 0 : i32
          %ge3A_546 = vector.broadcast %ge3A_545 : i32 to vector<16xi32>
          %ge3A_547 = arith.cmpi sge, %bitcast3A_544, %ge3A_546 : vector<16xi32>
          %xor3A_548 = arith.constant 2147483647 : i32
          %xor3A_549 = vector.broadcast %xor3A_548 : i32 to vector<16xi32>
          %xor3A_550 = arith.xori %bitcast3A_544, %xor3A_549 : vector<16xi32>
          %select_n3A_551 = arith.select %ge3A_547, %bitcast3A_544, %xor3A_550 : vector<16xi1>, vector<16xi32>
          %shift_right_arithmetic3A_552 = arith.constant 20 : i32
          %shift_right_arithmetic3A_553 = vector.broadcast %shift_right_arithmetic3A_552 : i32 to vector<16xi32>
          %shift_right_arithmetic3A_554 = arith.shrsi %select_n3A_551, %shift_right_arithmetic3A_553 : vector<16xi32>
          %add3A_555 = arith.constant 2048 : i32
          %add3A_556 = vector.broadcast %add3A_555 : i32 to vector<16xi32>
          %add3A_557 = arith.addi %shift_right_arithmetic3A_554, %add3A_556 : vector<16xi32>
          %eq3A_558 = arith.cmpi eq, %add3A_557, %broadcast_in_dim3A_203 : vector<16xi32>
          %swap3A_559 = arith.index_cast %add3A_537 : i32 to index
          %swap3A_560 = tpu.vector_load %arg11[%swap3A_559] masked %eq3A_558 {strides = array<i32>} : memref<2064xf32, #tpu.memory_space<vmem>>, vector<16xf32>, vector<16xi1>
          tpu.vector_store %arg11[%swap3A_559], %get3A_543 masked %eq3A_558 {strides = array<i32>} : memref<2064xf32, #tpu.memory_space<vmem>>, vector<16xf32>, vector<16xi1>
          %all_reduce_population_count3A_561 = tpu.all_reduce %eq3A_558 {dim = 0 : i64, kind = #tpu.reduction_kind<sum>} : vector<16xi1> -> vector<16xi32>
          %reduce_sum3A_562 = arith.constant true
          %reduce_sum3A_563 = vector.broadcast %reduce_sum3A_562 : i1 to vector<16xi1>
          %reduce_sum3A_564 = tpu.scan <sum>, %all_reduce_population_count3A_561 masked %reduce_sum3A_563 : vector<16xi32>, vector<16xi1> -> vector<16xi32>
          %reduce_sum3A_565 = vector.extract %reduce_sum3A_564[15] : i32 from vector<16xi32>
          %shift_right_arithmetic3A_566 = arith.constant 4 : i32
          %shift_right_arithmetic3A_567 = arith.shrsi %reduce_sum3A_565, %shift_right_arithmetic3A_566 : i32
          %add3A_568 = arith.addi %add3A_537, %shift_right_arithmetic3A_567 : i32
          scf.yield %add3A_568 : i32
        }
        %scan3A_319 = arith.constant 6250 : i32
        %add3A_320 = arith.constant 15 : i32
        %add3A_321 = arith.addi %reduce_sum3A_187, %add3A_320 : i32
        %shift_right_arithmetic3A_322 = arith.constant 4 : i32
        %shift_right_arithmetic3A_323 = arith.shrsi %add3A_321, %shift_right_arithmetic3A_322 : i32
        %broadcast_in_dim3A_324 = vector.broadcast %reduce_sum3A_187 : i32 to vector<16xi32>
        %while3A = arith.constant 0 : i32
        %while3A_325 = arith.constant 0 : i32
        %while3A_326 = arith.subi %shift_right_arithmetic3A_323, %while3A_325 : i32
        %while3A_327 = arith.addi %while3A_325, %while3A_326 : i32
        %while3A_328 = arith.constant 1 : i32
        %while3A_329 = arith.divsi %while3A_326, %while3A_328 : i32
        %while3A_330 = arith.muli %while3A_329, %while3A_328 : i32
        %while3A_331 = arith.addi %while3A_325, %while3A_330 : i32
        %while3A_332 = arith.constant 1 : i32
        scf.for %while3A_509 = %while3A_325 to %while3A_331 step %while3A_332  : i32 {
          %mul3A_510 = arith.constant 16 : i32
          %mul3A_511 = arith.muli %while3A_509, %mul3A_510 : i32
          %get3A_512 = arith.index_cast %mul3A_511 : i32 to index
          %get3A_513 = tpu.vector_load %arg11[%get3A_512] {strides = array<i32>} : memref<2064xf32, #tpu.memory_space<vmem>>, vector<16xf32>,
          %bitcast3A_514 = vector.bitcast %get3A_513 : vector<16xf32> to vector<16xi32>
          %ge3A_515 = arith.constant 0 : i32
          %ge3A_516 = vector.broadcast %ge3A_515 : i32 to vector<16xi32>
          %ge3A_517 = arith.cmpi sge, %bitcast3A_514, %ge3A_516 : vector<16xi32>
          %xor3A_518 = arith.constant 2147483647 : i32
          %xor3A_519 = vector.broadcast %xor3A_518 : i32 to vector<16xi32>
          %xor3A_520 = arith.xori %bitcast3A_514, %xor3A_519 : vector<16xi32>
          %select_n3A_521 = arith.select %ge3A_517, %bitcast3A_514, %xor3A_520 : vector<16xi1>, vector<16xi32>
          %sub3A_522 = arith.subf %get3A_513, %broadcast_in_dim3A_60 : vector<16xf32>
          %exp3A_523 = math.exp %sub3A_522 : vector<16xf32>
          %shift_right_arithmetic3A_524 = arith.constant 20 : i32
          %shift_right_arithmetic3A_525 = vector.broadcast %shift_right_arithmetic3A_524 : i32 to vector<16xi32>
          %shift_right_arithmetic3A_526 = arith.shrsi %select_n3A_521, %shift_right_arithmetic3A_525 : vector<16xi32>
          %add3A_527 = arith.constant 2048 : i32
          %add3A_528 = vector.broadcast %add3A_527 : i32 to vector<16xi32>
          %add3A_529 = arith.addi %shift_right_arithmetic3A_526, %add3A_528 : vector<16xi32>
          %eq3A_530 = arith.cmpi eq, %add3A_529, %broadcast_in_dim3A_203 : vector<16xi32>
          %mul3A_531 = arith.constant 16 : i32
          %mul3A_532 = arith.muli %while3A_509, %mul3A_531 : i32
          %add3A_533 = vector.broadcast %mul3A_532 : i32 to vector<16xi32>
          %add3A_534 = arith.addi %iota3A_206, %add3A_533 : vector<16xi32>
          %lt3A_535 = arith.cmpi slt, %add3A_534, %broadcast_in_dim3A_324 : vector<16xi32>
          %and3A_536 = arith.andi %eq3A_530, %lt3A_535 : vector<16xi1>
          %shift_right_arithmetic3A_537 = arith.constant 8 : i32
          %shift_right_arithmetic3A_538 = vector.broadcast %shift_right_arithmetic3A_537 : i32 to vector<16xi32>
          %shift_right_arithmetic3A_539 = arith.shrsi %select_n3A_521, %shift_right_arithmetic3A_538 : vector<16xi32>
          %and3A_540 = arith.constant 4095 : i32
          %and3A_541 = vector.broadcast %and3A_540 : i32 to vector<16xi32>
          %and3A_542 = arith.andi %shift_right_arithmetic3A_539, %and3A_541 : vector<16xi32>
          tpu.vector_store_idx %arg9[%and3A_542], %broadcast_in_dim3A_1 masked %and3A_536 {add = true} : memref<4096xi32, #tpu.memory_space<vmem>>[vector<16xi32>], vector<16xi32>, vector<16xi1>
          tpu.vector_store_idx %arg10[%and3A_542], %exp3A_523 masked %and3A_536 {add = true} : memref<4096xf32, #tpu.memory_space<vmem>>[vector<16xi32>], vector<16xf32>, vector<16xi1>
        }
        %while3A_333 = arith.constant 1 : i32
        scf.for %while3A_509 = %while3A_331 to %while3A_327 step %while3A_333  : i32 {
          %mul3A_510 = arith.constant 16 : i32
          %mul3A_511 = arith.muli %while3A_509, %mul3A_510 : i32
          %get3A_512 = arith.index_cast %mul3A_511 : i32 to index
          %get3A_513 = tpu.vector_load %arg11[%get3A_512] {strides = array<i32>} : memref<2064xf32, #tpu.memory_space<vmem>>, vector<16xf32>,
          %bitcast3A_514 = vector.bitcast %get3A_513 : vector<16xf32> to vector<16xi32>
          %ge3A_515 = arith.constant 0 : i32
          %ge3A_516 = vector.broadcast %ge3A_515 : i32 to vector<16xi32>
          %ge3A_517 = arith.cmpi sge, %bitcast3A_514, %ge3A_516 : vector<16xi32>
          %xor3A_518 = arith.constant 2147483647 : i32
          %xor3A_519 = vector.broadcast %xor3A_518 : i32 to vector<16xi32>
          %xor3A_520 = arith.xori %bitcast3A_514, %xor3A_519 : vector<16xi32>
          %select_n3A_521 = arith.select %ge3A_517, %bitcast3A_514, %xor3A_520 : vector<16xi1>, vector<16xi32>
          %sub3A_522 = arith.subf %get3A_513, %broadcast_in_dim3A_60 : vector<16xf32>
          %exp3A_523 = math.exp %sub3A_522 : vector<16xf32>
          %shift_right_arithmetic3A_524 = arith.constant 20 : i32
          %shift_right_arithmetic3A_525 = vector.broadcast %shift_right_arithmetic3A_524 : i32 to vector<16xi32>
          %shift_right_arithmetic3A_526 = arith.shrsi %select_n3A_521, %shift_right_arithmetic3A_525 : vector<16xi32>
          %add3A_527 = arith.constant 2048 : i32
          %add3A_528 = vector.broadcast %add3A_527 : i32 to vector<16xi32>
          %add3A_529 = arith.addi %shift_right_arithmetic3A_526, %add3A_528 : vector<16xi32>
          %eq3A_530 = arith.cmpi eq, %add3A_529, %broadcast_in_dim3A_203 : vector<16xi32>
          %mul3A_531 = arith.constant 16 : i32
          %mul3A_532 = arith.muli %while3A_509, %mul3A_531 : i32
          %add3A_533 = vector.broadcast %mul3A_532 : i32 to vector<16xi32>
          %add3A_534 = arith.addi %iota3A_206, %add3A_533 : vector<16xi32>
          %lt3A_535 = arith.cmpi slt, %add3A_534, %broadcast_in_dim3A_324 : vector<16xi32>
          %and3A_536 = arith.andi %eq3A_530, %lt3A_535 : vector<16xi1>
          %shift_right_arithmetic3A_537 = arith.constant 8 : i32
          %shift_right_arithmetic3A_538 = vector.broadcast %shift_right_arithmetic3A_537 : i32 to vector<16xi32>
          %shift_right_arithmetic3A_539 = arith.shrsi %select_n3A_521, %shift_right_arithmetic3A_538 : vector<16xi32>
          %and3A_540 = arith.constant 4095 : i32
          %and3A_541 = vector.broadcast %and3A_540 : i32 to vector<16xi32>
          %and3A_542 = arith.andi %shift_right_arithmetic3A_539, %and3A_541 : vector<16xi32>
          tpu.vector_store_idx %arg9[%and3A_542], %broadcast_in_dim3A_1 masked %and3A_536 {add = true} : memref<4096xi32, #tpu.memory_space<vmem>>[vector<16xi32>], vector<16xi32>, vector<16xi1>
          tpu.vector_store_idx %arg10[%and3A_542], %exp3A_523 masked %and3A_536 {add = true} : memref<4096xf32, #tpu.memory_space<vmem>>[vector<16xi32>], vector<16xf32>, vector<16xi1>
        }
        %broadcast_in_dim3A_334 = vector.broadcast %reduce_sum3A_35 : i32 to vector<16xi32>
        %broadcast_in_dim3A_335 = vector.broadcast %mul3A_120 : f32 to vector<16xf32>
        %broadcast_in_dim3A_336 = vector.broadcast %add3A_204 : i32 to vector<16xi32>
        %broadcast_in_dim3A_337 = vector.broadcast %add3A_205 : f32 to vector<16xf32>
        %scan3A_338 = arith.constant 0 : i32
        %scan3A_339 = arith.constant 0 : i32
        %scan3A_340 = arith.constant 0 : i32
        %scan3A_341 = arith.constant 0.000000e+00 : f32
        %scan3A_342 = arith.constant 0 : i32
        %scan3A_343 = arith.constant 0.000000e+00 : f32
        %scan3A_344 = arith.constant 0 : i32
        %scan3A_345 = arith.constant 256 : i32
        %scan3A_346 = arith.addi %scan3A_344, %scan3A_345 : i32
        %scan3A_347 = arith.constant 2 : i32
        %scan3A_348:6 = scf.for %scan3A_509 = %scan3A_344 to %scan3A_346 step %scan3A_347 iter_args(%scan3A_510 = %scan3A_338, %scan3A_511 = %scan3A_339, %scan3A_512 = %scan3A_340, %scan3A_513 = %scan3A_341, %scan3A_514 = %scan3A_342, %scan3A_515 = %scan3A_343) -> (i32, i32, i32, f32, i32, f32)  : i32 {
          %mul3A_516 = arith.constant 16 : i32
          %mul3A_517 = arith.muli %scan3A_509, %mul3A_516 : i32
          %get3A_518 = arith.index_cast %mul3A_517 : i32 to index
          %get3A_519 = tpu.vector_load %arg9[%get3A_518] {strides = array<i32>} : memref<4096xi32, #tpu.memory_space<vmem>>, vector<16xi32>,
          %mul3A_520 = arith.constant 16 : i32
          %mul3A_521 = arith.muli %scan3A_509, %mul3A_520 : i32
          %get3A_522 = arith.index_cast %mul3A_521 : i32 to index
          %get3A_523 = tpu.vector_load %arg10[%get3A_522] {strides = array<i32>} : memref<4096xf32, #tpu.memory_space<vmem>>, vector<16xf32>,
          %broadcast_in_dim3A_524 = vector.broadcast %scan3A_514 : i32 to vector<16xi32>
          %broadcast_in_dim3A_525 = arith.constant true
          %broadcast_in_dim3A_526 = vector.broadcast %broadcast_in_dim3A_525 : i1 to vector<16xi1>
          %masked_cumsum3A_527 = tpu.scan <sum>, %get3A_519 masked %broadcast_in_dim3A_526 : vector<16xi32>, vector<16xi1> -> vector<16xi32>
          %add3A_528 = arith.addi %broadcast_in_dim3A_524, %masked_cumsum3A_527 : vector<16xi32>
          %broadcast_in_dim3A_529 = vector.broadcast %scan3A_515 : f32 to vector<16xf32>
          %broadcast_in_dim3A_530 = arith.constant true
          %broadcast_in_dim3A_531 = vector.broadcast %broadcast_in_dim3A_530 : i1 to vector<16xi1>
          %masked_cumsum3A_532 = tpu.scan <sum>, %get3A_523 masked %broadcast_in_dim3A_531 : vector<16xf32>, vector<16xi1> -> vector<16xf32>
          %add3A_533 = arith.addf %broadcast_in_dim3A_529, %masked_cumsum3A_532 : vector<16xf32>
          %sub3A_534 = arith.subi %broadcast_in_dim3A_336, %add3A_528 : vector<16xi32>
          %lt3A_535 = arith.cmpi slt, %sub3A_534, %broadcast_in_dim3A_334 : vector<16xi32>
          %sub3A_536 = arith.subf %broadcast_in_dim3A_337, %add3A_533 : vector<16xf32>
          %le3A_537 = arith.cmpf ole, %sub3A_536, %broadcast_in_dim3A_335 : vector<16xf32>
          %and3A_538 = arith.andi %lt3A_535, %le3A_537 : vector<16xi1>
          %all_reduce_population_count3A = tpu.all_reduce %and3A_538 {dim = 0 : i64, kind = #tpu.reduction_kind<sum>} : vector<16xi1> -> vector<16xi32>
          %reduce_sum3A_539 = arith.constant true
          %reduce_sum3A_540 = vector.broadcast %reduce_sum3A_539 : i1 to vector<16xi1>
          %reduce_sum3A_541 = tpu.scan <sum>, %all_reduce_population_count3A masked %reduce_sum3A_540 : vector<16xi32>, vector<16xi1> -> vector<16xi32>
          %reduce_sum3A_542 = vector.extract %reduce_sum3A_541[15] : i32 from vector<16xi32>
          %all_reduce_ffs3A = tpu.all_reduce %and3A_538 {dim = 0 : i64, kind = #tpu.reduction_kind<find_first_set>} : vector<16xi1> -> vector<16xi32>
          %reduce_sum3A_543 = arith.constant true
          %reduce_sum3A_544 = vector.broadcast %reduce_sum3A_543 : i1 to vector<16xi1>
          %reduce_sum3A_545 = tpu.scan <sum>, %all_reduce_ffs3A masked %reduce_sum3A_544 : vector<16xi32>, vector<16xi1> -> vector<16xi32>
          %reduce_sum3A_546 = vector.extract %reduce_sum3A_545[15] : i32 from vector<16xi32>
          %shift_right_arithmetic3A_547 = arith.constant 4 : i32
          %shift_right_arithmetic3A_548 = arith.shrsi %reduce_sum3A_546, %shift_right_arithmetic3A_547 : i32
          %gt3A_549 = arith.constant 0 : i32
          %gt3A_550 = arith.cmpi sgt, %reduce_sum3A_542, %gt3A_549 : i32
          %eq3A_551 = arith.constant 0 : i32
          %eq3A_552 = arith.cmpi eq, %scan3A_510, %eq3A_551 : i32
          %and3A_553 = arith.andi %gt3A_550, %eq3A_552 : i1
          %mul3A_554 = arith.constant 16 : i32
          %mul3A_555 = arith.muli %scan3A_509, %mul3A_554 : i32
          %add3A_556 = arith.addi %mul3A_555, %shift_right_arithmetic3A_548 : i32
          %select_n3A_557 = arith.select %and3A_553, %add3A_556, %scan3A_511 : i32
          %select_n3A_558 = arith.select %and3A_553, %scan3A_514, %scan3A_512 : i32
          %select_n3A_559 = arith.select %and3A_553, %scan3A_515, %scan3A_513 : f32
          %jit3A_560 = arith.constant 1 : i32
          %select_n3A_561 = arith.select %and3A_553, %jit3A_560, %scan3A_510 : i32
          %reduce_sum3A_562 = arith.constant true
          %reduce_sum3A_563 = vector.broadcast %reduce_sum3A_562 : i1 to vector<16xi1>
          %reduce_sum3A_564 = tpu.scan <sum>, %get3A_519 masked %reduce_sum3A_563 : vector<16xi32>, vector<16xi1> -> vector<16xi32>
          %reduce_sum3A_565 = vector.extract %reduce_sum3A_564[15] : i32 from vector<16xi32>
          %add3A_566 = arith.addi %scan3A_514, %reduce_sum3A_565 : i32
          %reduce_sum3A_567 = arith.constant true
          %reduce_sum3A_568 = vector.broadcast %reduce_sum3A_567 : i1 to vector<16xi1>
          %reduce_sum3A_569 = tpu.scan <sum>, %get3A_523 masked %reduce_sum3A_568 : vector<16xf32>, vector<16xi1> -> vector<16xf32>
          %reduce_sum3A_570 = vector.extract %reduce_sum3A_569[15] : f32 from vector<16xf32>
          %add3A_571 = arith.addf %scan3A_515, %reduce_sum3A_570 : f32
          %scan3A_572 = arith.constant 1 : i32
          %scan3A_573 = arith.addi %scan3A_509, %scan3A_572 : i32
          %mul3A_574 = arith.constant 16 : i32
          %mul3A_575 = arith.muli %scan3A_573, %mul3A_574 : i32
          %get3A_576 = arith.index_cast %mul3A_575 : i32 to index
          %get3A_577 = tpu.vector_load %arg9[%get3A_576] {strides = array<i32>} : memref<4096xi32, #tpu.memory_space<vmem>>, vector<16xi32>,
          %mul3A_578 = arith.constant 16 : i32
          %mul3A_579 = arith.muli %scan3A_573, %mul3A_578 : i32
          %get3A_580 = arith.index_cast %mul3A_579 : i32 to index
          %get3A_581 = tpu.vector_load %arg10[%get3A_580] {strides = array<i32>} : memref<4096xf32, #tpu.memory_space<vmem>>, vector<16xf32>,
          %broadcast_in_dim3A_582 = vector.broadcast %add3A_566 : i32 to vector<16xi32>
          %broadcast_in_dim3A_583 = arith.constant true
          %broadcast_in_dim3A_584 = vector.broadcast %broadcast_in_dim3A_583 : i1 to vector<16xi1>
          %masked_cumsum3A_585 = tpu.scan <sum>, %get3A_577 masked %broadcast_in_dim3A_584 : vector<16xi32>, vector<16xi1> -> vector<16xi32>
          %add3A_586 = arith.addi %broadcast_in_dim3A_582, %masked_cumsum3A_585 : vector<16xi32>
          %broadcast_in_dim3A_587 = vector.broadcast %add3A_571 : f32 to vector<16xf32>
          %broadcast_in_dim3A_588 = arith.constant true
          %broadcast_in_dim3A_589 = vector.broadcast %broadcast_in_dim3A_588 : i1 to vector<16xi1>
          %masked_cumsum3A_590 = tpu.scan <sum>, %get3A_581 masked %broadcast_in_dim3A_589 : vector<16xf32>, vector<16xi1> -> vector<16xf32>
          %add3A_591 = arith.addf %broadcast_in_dim3A_587, %masked_cumsum3A_590 : vector<16xf32>
          %sub3A_592 = arith.subi %broadcast_in_dim3A_336, %add3A_586 : vector<16xi32>
          %lt3A_593 = arith.cmpi slt, %sub3A_592, %broadcast_in_dim3A_334 : vector<16xi32>
          %sub3A_594 = arith.subf %broadcast_in_dim3A_337, %add3A_591 : vector<16xf32>
          %le3A_595 = arith.cmpf ole, %sub3A_594, %broadcast_in_dim3A_335 : vector<16xf32>
          %and3A_596 = arith.andi %lt3A_593, %le3A_595 : vector<16xi1>
          %all_reduce_population_count3A_597 = tpu.all_reduce %and3A_596 {dim = 0 : i64, kind = #tpu.reduction_kind<sum>} : vector<16xi1> -> vector<16xi32>
          %reduce_sum3A_598 = arith.constant true
          %reduce_sum3A_599 = vector.broadcast %reduce_sum3A_598 : i1 to vector<16xi1>
          %reduce_sum3A_600 = tpu.scan <sum>, %all_reduce_population_count3A_597 masked %reduce_sum3A_599 : vector<16xi32>, vector<16xi1> -> vector<16xi32>
          %reduce_sum3A_601 = vector.extract %reduce_sum3A_600[15] : i32 from vector<16xi32>
          %all_reduce_ffs3A_602 = tpu.all_reduce %and3A_596 {dim = 0 : i64, kind = #tpu.reduction_kind<find_first_set>} : vector<16xi1> -> vector<16xi32>
          %reduce_sum3A_603 = arith.constant true
          %reduce_sum3A_604 = vector.broadcast %reduce_sum3A_603 : i1 to vector<16xi1>
          %reduce_sum3A_605 = tpu.scan <sum>, %all_reduce_ffs3A_602 masked %reduce_sum3A_604 : vector<16xi32>, vector<16xi1> -> vector<16xi32>
          %reduce_sum3A_606 = vector.extract %reduce_sum3A_605[15] : i32 from vector<16xi32>
          %shift_right_arithmetic3A_607 = arith.constant 4 : i32
          %shift_right_arithmetic3A_608 = arith.shrsi %reduce_sum3A_606, %shift_right_arithmetic3A_607 : i32
          %gt3A_609 = arith.constant 0 : i32
          %gt3A_610 = arith.cmpi sgt, %reduce_sum3A_601, %gt3A_609 : i32
          %eq3A_611 = arith.constant 0 : i32
          %eq3A_612 = arith.cmpi eq, %select_n3A_561, %eq3A_611 : i32
          %and3A_613 = arith.andi %gt3A_610, %eq3A_612 : i1
          %mul3A_614 = arith.constant 16 : i32
          %mul3A_615 = arith.muli %scan3A_573, %mul3A_614 : i32
          %add3A_616 = arith.addi %mul3A_615, %shift_right_arithmetic3A_608 : i32
          %select_n3A_617 = arith.select %and3A_613, %add3A_616, %select_n3A_557 : i32
          %select_n3A_618 = arith.select %and3A_613, %add3A_566, %select_n3A_558 : i32
          %select_n3A_619 = arith.select %and3A_613, %add3A_571, %select_n3A_559 : f32
          %jit3A_620 = arith.constant 1 : i32
          %select_n3A_621 = arith.select %and3A_613, %jit3A_620, %select_n3A_561 : i32
          %reduce_sum3A_622 = arith.constant true
          %reduce_sum3A_623 = vector.broadcast %reduce_sum3A_622 : i1 to vector<16xi1>
          %reduce_sum3A_624 = tpu.scan <sum>, %get3A_577 masked %reduce_sum3A_623 : vector<16xi32>, vector<16xi1> -> vector<16xi32>
          %reduce_sum3A_625 = vector.extract %reduce_sum3A_624[15] : i32 from vector<16xi32>
          %add3A_626 = arith.addi %add3A_566, %reduce_sum3A_625 : i32
          %reduce_sum3A_627 = arith.constant true
          %reduce_sum3A_628 = vector.broadcast %reduce_sum3A_627 : i1 to vector<16xi1>
          %reduce_sum3A_629 = tpu.scan <sum>, %get3A_581 masked %reduce_sum3A_628 : vector<16xf32>, vector<16xi1> -> vector<16xf32>
          %reduce_sum3A_630 = vector.extract %reduce_sum3A_629[15] : f32 from vector<16xf32>
          %add3A_631 = arith.addf %add3A_571, %reduce_sum3A_630 : f32
          scf.yield %select_n3A_621, %select_n3A_617, %select_n3A_618, %select_n3A_619, %add3A_626, %add3A_631 : i32, i32, i32, f32, i32, f32
        }
        %scan3A_349 = arith.constant 256 : i32
        %shift_right_arithmetic3A_350 = arith.constant 4 : i32
        %shift_right_arithmetic3A_351 = arith.shrsi %scan3A_348#1, %shift_right_arithmetic3A_350 : i32
        %shift_left3A_352 = arith.constant 4 : i32
        %shift_left3A_353 = arith.shli %shift_right_arithmetic3A_351, %shift_left3A_352 : i32
        %and3A_354 = arith.constant 15 : i32
        %and3A_355 = arith.andi %scan3A_348#1, %and3A_354 : i32
        %broadcast_in_dim3A_356 = vector.broadcast %and3A_355 : i32 to vector<16xi32>
        %get3A_357 = arith.index_cast %shift_left3A_353 : i32 to index
        %get3A_358 = tpu.vector_load %arg9[%get3A_357] {strides = array<i32>} : memref<4096xi32, #tpu.memory_space<vmem>>, vector<16xi32>,
        %get3A_359 = arith.index_cast %shift_left3A_353 : i32 to index
        %get3A_360 = tpu.vector_load %arg10[%get3A_359] {strides = array<i32>} : memref<4096xf32, #tpu.memory_space<vmem>>, vector<16xf32>,
        %broadcast_in_dim3A_361 = vector.broadcast %scan3A_348#2 : i32 to vector<16xi32>
        %broadcast_in_dim3A_362 = arith.constant true
        %broadcast_in_dim3A_363 = vector.broadcast %broadcast_in_dim3A_362 : i1 to vector<16xi1>
        %masked_cumsum3A_364 = tpu.scan <sum>, %get3A_358 masked %broadcast_in_dim3A_363 : vector<16xi32>, vector<16xi1> -> vector<16xi32>
        %add3A_365 = arith.addi %broadcast_in_dim3A_361, %masked_cumsum3A_364 : vector<16xi32>
        %broadcast_in_dim3A_366 = vector.broadcast %scan3A_348#3 : f32 to vector<16xf32>
        %broadcast_in_dim3A_367 = arith.constant true
        %broadcast_in_dim3A_368 = vector.broadcast %broadcast_in_dim3A_367 : i1 to vector<16xi1>
        %masked_cumsum3A_369 = tpu.scan <sum>, %get3A_360 masked %broadcast_in_dim3A_368 : vector<16xf32>, vector<16xi1> -> vector<16xf32>
        %add3A_370 = arith.addf %broadcast_in_dim3A_366, %masked_cumsum3A_369 : vector<16xf32>
        %iota3A_371 = tpu.iota {dimensions = array<i32: 0>} : vector<16xi32>
        %eq3A_372 = arith.cmpi eq, %iota3A_371, %broadcast_in_dim3A_356 : vector<16xi32>
        %broadcast_in_dim3A_373 = arith.constant 0 : i32
        %broadcast_in_dim3A_374 = vector.broadcast %broadcast_in_dim3A_373 : i32 to vector<16xi32>
        %select_n3A_375 = arith.select %eq3A_372, %add3A_365, %broadcast_in_dim3A_374 : vector<16xi1>, vector<16xi32>
        %reduce_sum3A_376 = arith.constant true
        %reduce_sum3A_377 = vector.broadcast %reduce_sum3A_376 : i1 to vector<16xi1>
        %reduce_sum3A_378 = tpu.scan <sum>, %select_n3A_375 masked %reduce_sum3A_377 : vector<16xi32>, vector<16xi1> -> vector<16xi32>
        %reduce_sum3A_379 = vector.extract %reduce_sum3A_378[15] : i32 from vector<16xi32>
        %sub3A_380 = arith.subi %add3A_204, %reduce_sum3A_379 : i32
        %iota3A_381 = tpu.iota {dimensions = array<i32: 0>} : vector<16xi32>
        %eq3A_382 = arith.cmpi eq, %iota3A_381, %broadcast_in_dim3A_356 : vector<16xi32>
        %broadcast_in_dim3A_383 = arith.constant 0.000000e+00 : f32
        %broadcast_in_dim3A_384 = vector.broadcast %broadcast_in_dim3A_383 : f32 to vector<16xf32>
        %select_n3A_385 = arith.select %eq3A_382, %add3A_370, %broadcast_in_dim3A_384 : vector<16xi1>, vector<16xf32>
        %reduce_sum3A_386 = arith.constant true
        %reduce_sum3A_387 = vector.broadcast %reduce_sum3A_386 : i1 to vector<16xi1>
        %reduce_sum3A_388 = tpu.scan <sum>, %select_n3A_385 masked %reduce_sum3A_387 : vector<16xf32>, vector<16xi1> -> vector<16xf32>
        %reduce_sum3A_389 = vector.extract %reduce_sum3A_388[15] : f32 from vector<16xf32>
        %sub3A_390 = arith.subf %add3A_205, %reduce_sum3A_389 : f32
        %iota3A_391 = tpu.iota {dimensions = array<i32: 0>} : vector<16xi32>
        %eq3A_392 = arith.cmpi eq, %iota3A_391, %broadcast_in_dim3A_356 : vector<16xi32>
        %broadcast_in_dim3A_393 = arith.constant 0 : i32
        %broadcast_in_dim3A_394 = vector.broadcast %broadcast_in_dim3A_393 : i32 to vector<16xi32>
        %select_n3A_395 = arith.select %eq3A_392, %get3A_358, %broadcast_in_dim3A_394 : vector<16xi1>, vector<16xi32>
        %reduce_sum3A_396 = arith.constant true
        %reduce_sum3A_397 = vector.broadcast %reduce_sum3A_396 : i1 to vector<16xi1>
        %reduce_sum3A_398 = tpu.scan <sum>, %select_n3A_395 masked %reduce_sum3A_397 : vector<16xi32>, vector<16xi1> -> vector<16xi32>
        %reduce_sum3A_399 = vector.extract %reduce_sum3A_398[15] : i32 from vector<16xi32>
        %iota3A_400 = tpu.iota {dimensions = array<i32: 0>} : vector<16xi32>
        %eq3A_401 = arith.cmpi eq, %iota3A_400, %broadcast_in_dim3A_356 : vector<16xi32>
        %broadcast_in_dim3A_402 = arith.constant 0.000000e+00 : f32
        %broadcast_in_dim3A_403 = vector.broadcast %broadcast_in_dim3A_402 : f32 to vector<16xf32>
        %select_n3A_404 = arith.select %eq3A_401, %get3A_360, %broadcast_in_dim3A_403 : vector<16xi1>, vector<16xf32>
        %reduce_sum3A_405 = arith.constant true
        %reduce_sum3A_406 = vector.broadcast %reduce_sum3A_405 : i1 to vector<16xi1>
        %reduce_sum3A_407 = tpu.scan <sum>, %select_n3A_404 masked %reduce_sum3A_406 : vector<16xf32>, vector<16xi1> -> vector<16xf32>
        %reduce_sum3A_408 = vector.extract %reduce_sum3A_407[15] : f32 from vector<16xf32>
        %scan3A_409 = arith.constant 0 : i32
        %scan3A_410 = arith.constant 0 : i32
        %scan3A_411 = arith.constant 16 : i32
        %scan3A_412 = arith.addi %scan3A_410, %scan3A_411 : i32
        %scan3A_413 = arith.constant 8 : i32
        scf.for %scan3A_509 = %scan3A_410 to %scan3A_412 step %scan3A_413  : i32 {
          %broadcast_in_dim3A_510 = arith.constant 0 : i32
          %broadcast_in_dim3A_511 = vector.broadcast %broadcast_in_dim3A_510 : i32 to vector<16xi32>
          %mul3A_512 = arith.constant 16 : i32
          %mul3A_513 = arith.muli %scan3A_509, %mul3A_512 : i32
          %swap3A = arith.index_cast %mul3A_513 : i32 to index
          %swap3A_514 = tpu.vector_load %arg9[%swap3A] {strides = array<i32>} : memref<4096xi32, #tpu.memory_space<vmem>>, vector<16xi32>,
          tpu.vector_store %arg9[%swap3A], %broadcast_in_dim3A_511 {strides = array<i32>} : memref<4096xi32, #tpu.memory_space<vmem>>, vector<16xi32>,
          %broadcast_in_dim3A_515 = arith.constant 0.000000e+00 : f32
          %broadcast_in_dim3A_516 = vector.broadcast %broadcast_in_dim3A_515 : f32 to vector<16xf32>
          %mul3A_517 = arith.constant 16 : i32
          %mul3A_518 = arith.muli %scan3A_509, %mul3A_517 : i32
          %swap3A_519 = arith.index_cast %mul3A_518 : i32 to index
          %swap3A_520 = tpu.vector_load %arg10[%swap3A_519] {strides = array<i32>} : memref<4096xf32, #tpu.memory_space<vmem>>, vector<16xf32>,
          tpu.vector_store %arg10[%swap3A_519], %broadcast_in_dim3A_516 {strides = array<i32>} : memref<4096xf32, #tpu.memory_space<vmem>>, vector<16xf32>,
          %scan3A_521 = arith.constant 1 : i32
          %scan3A_522 = arith.addi %scan3A_509, %scan3A_521 : i32
          %broadcast_in_dim3A_523 = arith.constant 0 : i32
          %broadcast_in_dim3A_524 = vector.broadcast %broadcast_in_dim3A_523 : i32 to vector<16xi32>
          %mul3A_525 = arith.constant 16 : i32
          %mul3A_526 = arith.muli %scan3A_522, %mul3A_525 : i32
          %swap3A_527 = arith.index_cast %mul3A_526 : i32 to index
          %swap3A_528 = tpu.vector_load %arg9[%swap3A_527] {strides = array<i32>} : memref<4096xi32, #tpu.memory_space<vmem>>, vector<16xi32>,
          tpu.vector_store %arg9[%swap3A_527], %broadcast_in_dim3A_524 {strides = array<i32>} : memref<4096xi32, #tpu.memory_space<vmem>>, vector<16xi32>,
          %broadcast_in_dim3A_529 = arith.constant 0.000000e+00 : f32
          %broadcast_in_dim3A_530 = vector.broadcast %broadcast_in_dim3A_529 : f32 to vector<16xf32>
          %mul3A_531 = arith.constant 16 : i32
          %mul3A_532 = arith.muli %scan3A_522, %mul3A_531 : i32
          %swap3A_533 = arith.index_cast %mul3A_532 : i32 to index
          %swap3A_534 = tpu.vector_load %arg10[%swap3A_533] {strides = array<i32>} : memref<4096xf32, #tpu.memory_space<vmem>>, vector<16xf32>,
          tpu.vector_store %arg10[%swap3A_533], %broadcast_in_dim3A_530 {strides = array<i32>} : memref<4096xf32, #tpu.memory_space<vmem>>, vector<16xf32>,
          %scan3A_535 = arith.constant 2 : i32
          %scan3A_536 = arith.addi %scan3A_509, %scan3A_535 : i32
          %broadcast_in_dim3A_537 = arith.constant 0 : i32
          %broadcast_in_dim3A_538 = vector.broadcast %broadcast_in_dim3A_537 : i32 to vector<16xi32>
          %mul3A_539 = arith.constant 16 : i32
          %mul3A_540 = arith.muli %scan3A_536, %mul3A_539 : i32
          %swap3A_541 = arith.index_cast %mul3A_540 : i32 to index
          %swap3A_542 = tpu.vector_load %arg9[%swap3A_541] {strides = array<i32>} : memref<4096xi32, #tpu.memory_space<vmem>>, vector<16xi32>,
          tpu.vector_store %arg9[%swap3A_541], %broadcast_in_dim3A_538 {strides = array<i32>} : memref<4096xi32, #tpu.memory_space<vmem>>, vector<16xi32>,
          %broadcast_in_dim3A_543 = arith.constant 0.000000e+00 : f32
          %broadcast_in_dim3A_544 = vector.broadcast %broadcast_in_dim3A_543 : f32 to vector<16xf32>
          %mul3A_545 = arith.constant 16 : i32
          %mul3A_546 = arith.muli %scan3A_536, %mul3A_545 : i32
          %swap3A_547 = arith.index_cast %mul3A_546 : i32 to index
          %swap3A_548 = tpu.vector_load %arg10[%swap3A_547] {strides = array<i32>} : memref<4096xf32, #tpu.memory_space<vmem>>, vector<16xf32>,
          tpu.vector_store %arg10[%swap3A_547], %broadcast_in_dim3A_544 {strides = array<i32>} : memref<4096xf32, #tpu.memory_space<vmem>>, vector<16xf32>,
          %scan3A_549 = arith.constant 3 : i32
          %scan3A_550 = arith.addi %scan3A_509, %scan3A_549 : i32
          %broadcast_in_dim3A_551 = arith.constant 0 : i32
          %broadcast_in_dim3A_552 = vector.broadcast %broadcast_in_dim3A_551 : i32 to vector<16xi32>
          %mul3A_553 = arith.constant 16 : i32
          %mul3A_554 = arith.muli %scan3A_550, %mul3A_553 : i32
          %swap3A_555 = arith.index_cast %mul3A_554 : i32 to index
          %swap3A_556 = tpu.vector_load %arg9[%swap3A_555] {strides = array<i32>} : memref<4096xi32, #tpu.memory_space<vmem>>, vector<16xi32>,
          tpu.vector_store %arg9[%swap3A_555], %broadcast_in_dim3A_552 {strides = array<i32>} : memref<4096xi32, #tpu.memory_space<vmem>>, vector<16xi32>,
          %broadcast_in_dim3A_557 = arith.constant 0.000000e+00 : f32
          %broadcast_in_dim3A_558 = vector.broadcast %broadcast_in_dim3A_557 : f32 to vector<16xf32>
          %mul3A_559 = arith.constant 16 : i32
          %mul3A_560 = arith.muli %scan3A_550, %mul3A_559 : i32
          %swap3A_561 = arith.index_cast %mul3A_560 : i32 to index
          %swap3A_562 = tpu.vector_load %arg10[%swap3A_561] {strides = array<i32>} : memref<4096xf32, #tpu.memory_space<vmem>>, vector<16xf32>,
          tpu.vector_store %arg10[%swap3A_561], %broadcast_in_dim3A_558 {strides = array<i32>} : memref<4096xf32, #tpu.memory_space<vmem>>, vector<16xf32>,
          %scan3A_563 = arith.constant 4 : i32
          %scan3A_564 = arith.addi %scan3A_509, %scan3A_563 : i32
          %broadcast_in_dim3A_565 = arith.constant 0 : i32
          %broadcast_in_dim3A_566 = vector.broadcast %broadcast_in_dim3A_565 : i32 to vector<16xi32>
          %mul3A_567 = arith.constant 16 : i32
          %mul3A_568 = arith.muli %scan3A_564, %mul3A_567 : i32
          %swap3A_569 = arith.index_cast %mul3A_568 : i32 to index
          %swap3A_570 = tpu.vector_load %arg9[%swap3A_569] {strides = array<i32>} : memref<4096xi32, #tpu.memory_space<vmem>>, vector<16xi32>,
          tpu.vector_store %arg9[%swap3A_569], %broadcast_in_dim3A_566 {strides = array<i32>} : memref<4096xi32, #tpu.memory_space<vmem>>, vector<16xi32>,
          %broadcast_in_dim3A_571 = arith.constant 0.000000e+00 : f32
          %broadcast_in_dim3A_572 = vector.broadcast %broadcast_in_dim3A_571 : f32 to vector<16xf32>
          %mul3A_573 = arith.constant 16 : i32
          %mul3A_574 = arith.muli %scan3A_564, %mul3A_573 : i32
          %swap3A_575 = arith.index_cast %mul3A_574 : i32 to index
          %swap3A_576 = tpu.vector_load %arg10[%swap3A_575] {strides = array<i32>} : memref<4096xf32, #tpu.memory_space<vmem>>, vector<16xf32>,
          tpu.vector_store %arg10[%swap3A_575], %broadcast_in_dim3A_572 {strides = array<i32>} : memref<4096xf32, #tpu.memory_space<vmem>>, vector<16xf32>,
          %scan3A_577 = arith.constant 5 : i32
          %scan3A_578 = arith.addi %scan3A_509, %scan3A_577 : i32
          %broadcast_in_dim3A_579 = arith.constant 0 : i32
          %broadcast_in_dim3A_580 = vector.broadcast %broadcast_in_dim3A_579 : i32 to vector<16xi32>
          %mul3A_581 = arith.constant 16 : i32
          %mul3A_582 = arith.muli %scan3A_578, %mul3A_581 : i32
          %swap3A_583 = arith.index_cast %mul3A_582 : i32 to index
          %swap3A_584 = tpu.vector_load %arg9[%swap3A_583] {strides = array<i32>} : memref<4096xi32, #tpu.memory_space<vmem>>, vector<16xi32>,
          tpu.vector_store %arg9[%swap3A_583], %broadcast_in_dim3A_580 {strides = array<i32>} : memref<4096xi32, #tpu.memory_space<vmem>>, vector<16xi32>,
          %broadcast_in_dim3A_585 = arith.constant 0.000000e+00 : f32
          %broadcast_in_dim3A_586 = vector.broadcast %broadcast_in_dim3A_585 : f32 to vector<16xf32>
          %mul3A_587 = arith.constant 16 : i32
          %mul3A_588 = arith.muli %scan3A_578, %mul3A_587 : i32
          %swap3A_589 = arith.index_cast %mul3A_588 : i32 to index
          %swap3A_590 = tpu.vector_load %arg10[%swap3A_589] {strides = array<i32>} : memref<4096xf32, #tpu.memory_space<vmem>>, vector<16xf32>,
          tpu.vector_store %arg10[%swap3A_589], %broadcast_in_dim3A_586 {strides = array<i32>} : memref<4096xf32, #tpu.memory_space<vmem>>, vector<16xf32>,
          %scan3A_591 = arith.constant 6 : i32
          %scan3A_592 = arith.addi %scan3A_509, %scan3A_591 : i32
          %broadcast_in_dim3A_593 = arith.constant 0 : i32
          %broadcast_in_dim3A_594 = vector.broadcast %broadcast_in_dim3A_593 : i32 to vector<16xi32>
          %mul3A_595 = arith.constant 16 : i32
          %mul3A_596 = arith.muli %scan3A_592, %mul3A_595 : i32
          %swap3A_597 = arith.index_cast %mul3A_596 : i32 to index
          %swap3A_598 = tpu.vector_load %arg9[%swap3A_597] {strides = array<i32>} : memref<4096xi32, #tpu.memory_space<vmem>>, vector<16xi32>,
          tpu.vector_store %arg9[%swap3A_597], %broadcast_in_dim3A_594 {strides = array<i32>} : memref<4096xi32, #tpu.memory_space<vmem>>, vector<16xi32>,
          %broadcast_in_dim3A_599 = arith.constant 0.000000e+00 : f32
          %broadcast_in_dim3A_600 = vector.broadcast %broadcast_in_dim3A_599 : f32 to vector<16xf32>
          %mul3A_601 = arith.constant 16 : i32
          %mul3A_602 = arith.muli %scan3A_592, %mul3A_601 : i32
          %swap3A_603 = arith.index_cast %mul3A_602 : i32 to index
          %swap3A_604 = tpu.vector_load %arg10[%swap3A_603] {strides = array<i32>} : memref<4096xf32, #tpu.memory_space<vmem>>, vector<16xf32>,
          tpu.vector_store %arg10[%swap3A_603], %broadcast_in_dim3A_600 {strides = array<i32>} : memref<4096xf32, #tpu.memory_space<vmem>>, vector<16xf32>,
          %scan3A_605 = arith.constant 7 : i32
          %scan3A_606 = arith.addi %scan3A_509, %scan3A_605 : i32
          %broadcast_in_dim3A_607 = arith.constant 0 : i32
          %broadcast_in_dim3A_608 = vector.broadcast %broadcast_in_dim3A_607 : i32 to vector<16xi32>
          %mul3A_609 = arith.constant 16 : i32
          %mul3A_610 = arith.muli %scan3A_606, %mul3A_609 : i32
          %swap3A_611 = arith.index_cast %mul3A_610 : i32 to index
          %swap3A_612 = tpu.vector_load %arg9[%swap3A_611] {strides = array<i32>} : memref<4096xi32, #tpu.memory_space<vmem>>, vector<16xi32>,
          tpu.vector_store %arg9[%swap3A_611], %broadcast_in_dim3A_608 {strides = array<i32>} : memref<4096xi32, #tpu.memory_space<vmem>>, vector<16xi32>,
          %broadcast_in_dim3A_613 = arith.constant 0.000000e+00 : f32
          %broadcast_in_dim3A_614 = vector.broadcast %broadcast_in_dim3A_613 : f32 to vector<16xf32>
          %mul3A_615 = arith.constant 16 : i32
          %mul3A_616 = arith.muli %scan3A_606, %mul3A_615 : i32
          %swap3A_617 = arith.index_cast %mul3A_616 : i32 to index
          %swap3A_618 = tpu.vector_load %arg10[%swap3A_617] {strides = array<i32>} : memref<4096xf32, #tpu.memory_space<vmem>>, vector<16xf32>,
          tpu.vector_store %arg10[%swap3A_617], %broadcast_in_dim3A_614 {strides = array<i32>} : memref<4096xf32, #tpu.memory_space<vmem>>, vector<16xf32>,
        }
        %scan3A_414 = arith.constant 16 : i32
        %sub3A_415 = arith.constant 2048 : i32
        %sub3A_416 = arith.subi %scan3A_136#1, %sub3A_415 : i32
        %shift_left3A_417 = arith.constant 12 : i32
        %shift_left3A_418 = arith.shli %sub3A_416, %shift_left3A_417 : i32
        %or3A_419 = arith.ori %shift_left3A_418, %scan3A_348#1 : i32
        %broadcast_in_dim3A_420 = vector.broadcast %or3A_419 : i32 to vector<16xi32>
        %broadcast_in_dim3A_421 = vector.broadcast %reduce_sum3A_187 : i32 to vector<16xi32>
        %while3A_422 = arith.constant 0 : i32
        %while3A_423 = arith.constant 0 : i32
        %while3A_424 = arith.subi %shift_right_arithmetic3A_323, %while3A_423 : i32
        %while3A_425 = arith.addi %while3A_423, %while3A_424 : i32
        %while3A_426 = arith.constant 1 : i32
        %while3A_427 = arith.divsi %while3A_424, %while3A_426 : i32
        %while3A_428 = arith.muli %while3A_427, %while3A_426 : i32
        %while3A_429 = arith.addi %while3A_423, %while3A_428 : i32
        %while3A_430 = arith.constant 1 : i32
        scf.for %while3A_509 = %while3A_423 to %while3A_429 step %while3A_430  : i32 {
          %mul3A_510 = arith.constant 16 : i32
          %mul3A_511 = arith.muli %while3A_509, %mul3A_510 : i32
          %get3A_512 = arith.index_cast %mul3A_511 : i32 to index
          %get3A_513 = tpu.vector_load %arg11[%get3A_512] {strides = array<i32>} : memref<2064xf32, #tpu.memory_space<vmem>>, vector<16xf32>,
          %bitcast3A_514 = vector.bitcast %get3A_513 : vector<16xf32> to vector<16xi32>
          %ge3A_515 = arith.constant 0 : i32
          %ge3A_516 = vector.broadcast %ge3A_515 : i32 to vector<16xi32>
          %ge3A_517 = arith.cmpi sge, %bitcast3A_514, %ge3A_516 : vector<16xi32>
          %xor3A_518 = arith.constant 2147483647 : i32
          %xor3A_519 = vector.broadcast %xor3A_518 : i32 to vector<16xi32>
          %xor3A_520 = arith.xori %bitcast3A_514, %xor3A_519 : vector<16xi32>
          %select_n3A_521 = arith.select %ge3A_517, %bitcast3A_514, %xor3A_520 : vector<16xi1>, vector<16xi32>
          %sub3A_522 = arith.subf %get3A_513, %broadcast_in_dim3A_60 : vector<16xf32>
          %exp3A_523 = math.exp %sub3A_522 : vector<16xf32>
          %shift_right_arithmetic3A_524 = arith.constant 8 : i32
          %shift_right_arithmetic3A_525 = vector.broadcast %shift_right_arithmetic3A_524 : i32 to vector<16xi32>
          %shift_right_arithmetic3A_526 = arith.shrsi %select_n3A_521, %shift_right_arithmetic3A_525 : vector<16xi32>
          %eq3A_527 = arith.cmpi eq, %shift_right_arithmetic3A_526, %broadcast_in_dim3A_420 : vector<16xi32>
          %mul3A_528 = arith.constant 16 : i32
          %mul3A_529 = arith.muli %while3A_509, %mul3A_528 : i32
          %add3A_530 = vector.broadcast %mul3A_529 : i32 to vector<16xi32>
          %add3A_531 = arith.addi %iota3A_206, %add3A_530 : vector<16xi32>
          %lt3A_532 = arith.cmpi slt, %add3A_531, %broadcast_in_dim3A_421 : vector<16xi32>
          %and3A_533 = arith.andi %eq3A_527, %lt3A_532 : vector<16xi1>
          %and3A_534 = arith.constant 255 : i32
          %and3A_535 = vector.broadcast %and3A_534 : i32 to vector<16xi32>
          %and3A_536 = arith.andi %select_n3A_521, %and3A_535 : vector<16xi32>
          tpu.vector_store_idx %arg9[%and3A_536], %broadcast_in_dim3A_1 masked %and3A_533 {add = true} : memref<4096xi32, #tpu.memory_space<vmem>>[vector<16xi32>], vector<16xi32>, vector<16xi1>
          tpu.vector_store_idx %arg10[%and3A_536], %exp3A_523 masked %and3A_533 {add = true} : memref<4096xf32, #tpu.memory_space<vmem>>[vector<16xi32>], vector<16xf32>, vector<16xi1>
        }
        %while3A_431 = arith.constant 1 : i32
        scf.for %while3A_509 = %while3A_429 to %while3A_425 step %while3A_431  : i32 {
          %mul3A_510 = arith.constant 16 : i32
          %mul3A_511 = arith.muli %while3A_509, %mul3A_510 : i32
          %get3A_512 = arith.index_cast %mul3A_511 : i32 to index
          %get3A_513 = tpu.vector_load %arg11[%get3A_512] {strides = array<i32>} : memref<2064xf32, #tpu.memory_space<vmem>>, vector<16xf32>,
          %bitcast3A_514 = vector.bitcast %get3A_513 : vector<16xf32> to vector<16xi32>
          %ge3A_515 = arith.constant 0 : i32
          %ge3A_516 = vector.broadcast %ge3A_515 : i32 to vector<16xi32>
          %ge3A_517 = arith.cmpi sge, %bitcast3A_514, %ge3A_516 : vector<16xi32>
          %xor3A_518 = arith.constant 2147483647 : i32
          %xor3A_519 = vector.broadcast %xor3A_518 : i32 to vector<16xi32>
          %xor3A_520 = arith.xori %bitcast3A_514, %xor3A_519 : vector<16xi32>
          %select_n3A_521 = arith.select %ge3A_517, %bitcast3A_514, %xor3A_520 : vector<16xi1>, vector<16xi32>
          %sub3A_522 = arith.subf %get3A_513, %broadcast_in_dim3A_60 : vector<16xf32>
          %exp3A_523 = math.exp %sub3A_522 : vector<16xf32>
          %shift_right_arithmetic3A_524 = arith.constant 8 : i32
          %shift_right_arithmetic3A_525 = vector.broadcast %shift_right_arithmetic3A_524 : i32 to vector<16xi32>
          %shift_right_arithmetic3A_526 = arith.shrsi %select_n3A_521, %shift_right_arithmetic3A_525 : vector<16xi32>
          %eq3A_527 = arith.cmpi eq, %shift_right_arithmetic3A_526, %broadcast_in_dim3A_420 : vector<16xi32>
          %mul3A_528 = arith.constant 16 : i32
          %mul3A_529 = arith.muli %while3A_509, %mul3A_528 : i32
          %add3A_530 = vector.broadcast %mul3A_529 : i32 to vector<16xi32>
          %add3A_531 = arith.addi %iota3A_206, %add3A_530 : vector<16xi32>
          %lt3A_532 = arith.cmpi slt, %add3A_531, %broadcast_in_dim3A_421 : vector<16xi32>
          %and3A_533 = arith.andi %eq3A_527, %lt3A_532 : vector<16xi1>
          %and3A_534 = arith.constant 255 : i32
          %and3A_535 = vector.broadcast %and3A_534 : i32 to vector<16xi32>
          %and3A_536 = arith.andi %select_n3A_521, %and3A_535 : vector<16xi32>
          tpu.vector_store_idx %arg9[%and3A_536], %broadcast_in_dim3A_1 masked %and3A_533 {add = true} : memref<4096xi32, #tpu.memory_space<vmem>>[vector<16xi32>], vector<16xi32>, vector<16xi1>
          tpu.vector_store_idx %arg10[%and3A_536], %exp3A_523 masked %and3A_533 {add = true} : memref<4096xf32, #tpu.memory_space<vmem>>[vector<16xi32>], vector<16xf32>, vector<16xi1>
        }
        %add3A_432 = arith.addi %sub3A_380, %reduce_sum3A_399 : i32
        %add3A_433 = arith.addf %sub3A_390, %reduce_sum3A_408 : f32
        %broadcast_in_dim3A_434 = vector.broadcast %reduce_sum3A_35 : i32 to vector<16xi32>
        %broadcast_in_dim3A_435 = vector.broadcast %mul3A_120 : f32 to vector<16xf32>
        %broadcast_in_dim3A_436 = vector.broadcast %add3A_432 : i32 to vector<16xi32>
        %broadcast_in_dim3A_437 = vector.broadcast %add3A_433 : f32 to vector<16xf32>
        %scan3A_438 = arith.constant 0 : i32
        %scan3A_439 = arith.constant 0 : i32
        %scan3A_440 = arith.constant 0 : i32
        %scan3A_441 = arith.constant 0.000000e+00 : f32
        %scan3A_442 = arith.constant 0 : i32
        %scan3A_443 = arith.constant 0.000000e+00 : f32
        %scan3A_444 = arith.constant 0 : i32
        %scan3A_445 = arith.constant 16 : i32
        %scan3A_446 = arith.addi %scan3A_444, %scan3A_445 : i32
        %scan3A_447 = arith.constant 2 : i32
        %scan3A_448:6 = scf.for %scan3A_509 = %scan3A_444 to %scan3A_446 step %scan3A_447 iter_args(%scan3A_510 = %scan3A_438, %scan3A_511 = %scan3A_439, %scan3A_512 = %scan3A_440, %scan3A_513 = %scan3A_441, %scan3A_514 = %scan3A_442, %scan3A_515 = %scan3A_443) -> (i32, i32, i32, f32, i32, f32)  : i32 {
          %mul3A_516 = arith.constant 16 : i32
          %mul3A_517 = arith.muli %scan3A_509, %mul3A_516 : i32
          %get3A_518 = arith.index_cast %mul3A_517 : i32 to index
          %get3A_519 = tpu.vector_load %arg9[%get3A_518] {strides = array<i32>} : memref<4096xi32, #tpu.memory_space<vmem>>, vector<16xi32>,
          %mul3A_520 = arith.constant 16 : i32
          %mul3A_521 = arith.muli %scan3A_509, %mul3A_520 : i32
          %get3A_522 = arith.index_cast %mul3A_521 : i32 to index
          %get3A_523 = tpu.vector_load %arg10[%get3A_522] {strides = array<i32>} : memref<4096xf32, #tpu.memory_space<vmem>>, vector<16xf32>,
          %broadcast_in_dim3A_524 = vector.broadcast %scan3A_514 : i32 to vector<16xi32>
          %broadcast_in_dim3A_525 = arith.constant true
          %broadcast_in_dim3A_526 = vector.broadcast %broadcast_in_dim3A_525 : i1 to vector<16xi1>
          %masked_cumsum3A_527 = tpu.scan <sum>, %get3A_519 masked %broadcast_in_dim3A_526 : vector<16xi32>, vector<16xi1> -> vector<16xi32>
          %add3A_528 = arith.addi %broadcast_in_dim3A_524, %masked_cumsum3A_527 : vector<16xi32>
          %broadcast_in_dim3A_529 = vector.broadcast %scan3A_515 : f32 to vector<16xf32>
          %broadcast_in_dim3A_530 = arith.constant true
          %broadcast_in_dim3A_531 = vector.broadcast %broadcast_in_dim3A_530 : i1 to vector<16xi1>
          %masked_cumsum3A_532 = tpu.scan <sum>, %get3A_523 masked %broadcast_in_dim3A_531 : vector<16xf32>, vector<16xi1> -> vector<16xf32>
          %add3A_533 = arith.addf %broadcast_in_dim3A_529, %masked_cumsum3A_532 : vector<16xf32>
          %sub3A_534 = arith.subi %broadcast_in_dim3A_436, %add3A_528 : vector<16xi32>
          %lt3A_535 = arith.cmpi slt, %sub3A_534, %broadcast_in_dim3A_434 : vector<16xi32>
          %sub3A_536 = arith.subf %broadcast_in_dim3A_437, %add3A_533 : vector<16xf32>
          %le3A_537 = arith.cmpf ole, %sub3A_536, %broadcast_in_dim3A_435 : vector<16xf32>
          %and3A_538 = arith.andi %lt3A_535, %le3A_537 : vector<16xi1>
          %all_reduce_population_count3A = tpu.all_reduce %and3A_538 {dim = 0 : i64, kind = #tpu.reduction_kind<sum>} : vector<16xi1> -> vector<16xi32>
          %reduce_sum3A_539 = arith.constant true
          %reduce_sum3A_540 = vector.broadcast %reduce_sum3A_539 : i1 to vector<16xi1>
          %reduce_sum3A_541 = tpu.scan <sum>, %all_reduce_population_count3A masked %reduce_sum3A_540 : vector<16xi32>, vector<16xi1> -> vector<16xi32>
          %reduce_sum3A_542 = vector.extract %reduce_sum3A_541[15] : i32 from vector<16xi32>
          %all_reduce_ffs3A = tpu.all_reduce %and3A_538 {dim = 0 : i64, kind = #tpu.reduction_kind<find_first_set>} : vector<16xi1> -> vector<16xi32>
          %reduce_sum3A_543 = arith.constant true
          %reduce_sum3A_544 = vector.broadcast %reduce_sum3A_543 : i1 to vector<16xi1>
          %reduce_sum3A_545 = tpu.scan <sum>, %all_reduce_ffs3A masked %reduce_sum3A_544 : vector<16xi32>, vector<16xi1> -> vector<16xi32>
          %reduce_sum3A_546 = vector.extract %reduce_sum3A_545[15] : i32 from vector<16xi32>
          %shift_right_arithmetic3A_547 = arith.constant 4 : i32
          %shift_right_arithmetic3A_548 = arith.shrsi %reduce_sum3A_546, %shift_right_arithmetic3A_547 : i32
          %gt3A_549 = arith.constant 0 : i32
          %gt3A_550 = arith.cmpi sgt, %reduce_sum3A_542, %gt3A_549 : i32
          %eq3A_551 = arith.constant 0 : i32
          %eq3A_552 = arith.cmpi eq, %scan3A_510, %eq3A_551 : i32
          %and3A_553 = arith.andi %gt3A_550, %eq3A_552 : i1
          %mul3A_554 = arith.constant 16 : i32
          %mul3A_555 = arith.muli %scan3A_509, %mul3A_554 : i32
          %add3A_556 = arith.addi %mul3A_555, %shift_right_arithmetic3A_548 : i32
          %select_n3A_557 = arith.select %and3A_553, %add3A_556, %scan3A_511 : i32
          %select_n3A_558 = arith.select %and3A_553, %scan3A_514, %scan3A_512 : i32
          %select_n3A_559 = arith.select %and3A_553, %scan3A_515, %scan3A_513 : f32
          %jit3A_560 = arith.constant 1 : i32
          %select_n3A_561 = arith.select %and3A_553, %jit3A_560, %scan3A_510 : i32
          %reduce_sum3A_562 = arith.constant true
          %reduce_sum3A_563 = vector.broadcast %reduce_sum3A_562 : i1 to vector<16xi1>
          %reduce_sum3A_564 = tpu.scan <sum>, %get3A_519 masked %reduce_sum3A_563 : vector<16xi32>, vector<16xi1> -> vector<16xi32>
          %reduce_sum3A_565 = vector.extract %reduce_sum3A_564[15] : i32 from vector<16xi32>
          %add3A_566 = arith.addi %scan3A_514, %reduce_sum3A_565 : i32
          %reduce_sum3A_567 = arith.constant true
          %reduce_sum3A_568 = vector.broadcast %reduce_sum3A_567 : i1 to vector<16xi1>
          %reduce_sum3A_569 = tpu.scan <sum>, %get3A_523 masked %reduce_sum3A_568 : vector<16xf32>, vector<16xi1> -> vector<16xf32>
          %reduce_sum3A_570 = vector.extract %reduce_sum3A_569[15] : f32 from vector<16xf32>
          %add3A_571 = arith.addf %scan3A_515, %reduce_sum3A_570 : f32
          %scan3A_572 = arith.constant 1 : i32
          %scan3A_573 = arith.addi %scan3A_509, %scan3A_572 : i32
          %mul3A_574 = arith.constant 16 : i32
          %mul3A_575 = arith.muli %scan3A_573, %mul3A_574 : i32
          %get3A_576 = arith.index_cast %mul3A_575 : i32 to index
          %get3A_577 = tpu.vector_load %arg9[%get3A_576] {strides = array<i32>} : memref<4096xi32, #tpu.memory_space<vmem>>, vector<16xi32>,
          %mul3A_578 = arith.constant 16 : i32
          %mul3A_579 = arith.muli %scan3A_573, %mul3A_578 : i32
          %get3A_580 = arith.index_cast %mul3A_579 : i32 to index
          %get3A_581 = tpu.vector_load %arg10[%get3A_580] {strides = array<i32>} : memref<4096xf32, #tpu.memory_space<vmem>>, vector<16xf32>,
          %broadcast_in_dim3A_582 = vector.broadcast %add3A_566 : i32 to vector<16xi32>
          %broadcast_in_dim3A_583 = arith.constant true
          %broadcast_in_dim3A_584 = vector.broadcast %broadcast_in_dim3A_583 : i1 to vector<16xi1>
          %masked_cumsum3A_585 = tpu.scan <sum>, %get3A_577 masked %broadcast_in_dim3A_584 : vector<16xi32>, vector<16xi1> -> vector<16xi32>
          %add3A_586 = arith.addi %broadcast_in_dim3A_582, %masked_cumsum3A_585 : vector<16xi32>
          %broadcast_in_dim3A_587 = vector.broadcast %add3A_571 : f32 to vector<16xf32>
          %broadcast_in_dim3A_588 = arith.constant true
          %broadcast_in_dim3A_589 = vector.broadcast %broadcast_in_dim3A_588 : i1 to vector<16xi1>
          %masked_cumsum3A_590 = tpu.scan <sum>, %get3A_581 masked %broadcast_in_dim3A_589 : vector<16xf32>, vector<16xi1> -> vector<16xf32>
          %add3A_591 = arith.addf %broadcast_in_dim3A_587, %masked_cumsum3A_590 : vector<16xf32>
          %sub3A_592 = arith.subi %broadcast_in_dim3A_436, %add3A_586 : vector<16xi32>
          %lt3A_593 = arith.cmpi slt, %sub3A_592, %broadcast_in_dim3A_434 : vector<16xi32>
          %sub3A_594 = arith.subf %broadcast_in_dim3A_437, %add3A_591 : vector<16xf32>
          %le3A_595 = arith.cmpf ole, %sub3A_594, %broadcast_in_dim3A_435 : vector<16xf32>
          %and3A_596 = arith.andi %lt3A_593, %le3A_595 : vector<16xi1>
          %all_reduce_population_count3A_597 = tpu.all_reduce %and3A_596 {dim = 0 : i64, kind = #tpu.reduction_kind<sum>} : vector<16xi1> -> vector<16xi32>
          %reduce_sum3A_598 = arith.constant true
          %reduce_sum3A_599 = vector.broadcast %reduce_sum3A_598 : i1 to vector<16xi1>
          %reduce_sum3A_600 = tpu.scan <sum>, %all_reduce_population_count3A_597 masked %reduce_sum3A_599 : vector<16xi32>, vector<16xi1> -> vector<16xi32>
          %reduce_sum3A_601 = vector.extract %reduce_sum3A_600[15] : i32 from vector<16xi32>
          %all_reduce_ffs3A_602 = tpu.all_reduce %and3A_596 {dim = 0 : i64, kind = #tpu.reduction_kind<find_first_set>} : vector<16xi1> -> vector<16xi32>
          %reduce_sum3A_603 = arith.constant true
          %reduce_sum3A_604 = vector.broadcast %reduce_sum3A_603 : i1 to vector<16xi1>
          %reduce_sum3A_605 = tpu.scan <sum>, %all_reduce_ffs3A_602 masked %reduce_sum3A_604 : vector<16xi32>, vector<16xi1> -> vector<16xi32>
          %reduce_sum3A_606 = vector.extract %reduce_sum3A_605[15] : i32 from vector<16xi32>
          %shift_right_arithmetic3A_607 = arith.constant 4 : i32
          %shift_right_arithmetic3A_608 = arith.shrsi %reduce_sum3A_606, %shift_right_arithmetic3A_607 : i32
          %gt3A_609 = arith.constant 0 : i32
          %gt3A_610 = arith.cmpi sgt, %reduce_sum3A_601, %gt3A_609 : i32
          %eq3A_611 = arith.constant 0 : i32
          %eq3A_612 = arith.cmpi eq, %select_n3A_561, %eq3A_611 : i32
          %and3A_613 = arith.andi %gt3A_610, %eq3A_612 : i1
          %mul3A_614 = arith.constant 16 : i32
          %mul3A_615 = arith.muli %scan3A_573, %mul3A_614 : i32
          %add3A_616 = arith.addi %mul3A_615, %shift_right_arithmetic3A_608 : i32
          %select_n3A_617 = arith.select %and3A_613, %add3A_616, %select_n3A_557 : i32
          %select_n3A_618 = arith.select %and3A_613, %add3A_566, %select_n3A_558 : i32
          %select_n3A_619 = arith.select %and3A_613, %add3A_571, %select_n3A_559 : f32
          %jit3A_620 = arith.constant 1 : i32
          %select_n3A_621 = arith.select %and3A_613, %jit3A_620, %select_n3A_561 : i32
          %reduce_sum3A_622 = arith.constant true
          %reduce_sum3A_623 = vector.broadcast %reduce_sum3A_622 : i1 to vector<16xi1>
          %reduce_sum3A_624 = tpu.scan <sum>, %get3A_577 masked %reduce_sum3A_623 : vector<16xi32>, vector<16xi1> -> vector<16xi32>
          %reduce_sum3A_625 = vector.extract %reduce_sum3A_624[15] : i32 from vector<16xi32>
          %add3A_626 = arith.addi %add3A_566, %reduce_sum3A_625 : i32
          %reduce_sum3A_627 = arith.constant true
          %reduce_sum3A_628 = vector.broadcast %reduce_sum3A_627 : i1 to vector<16xi1>
          %reduce_sum3A_629 = tpu.scan <sum>, %get3A_581 masked %reduce_sum3A_628 : vector<16xf32>, vector<16xi1> -> vector<16xf32>
          %reduce_sum3A_630 = vector.extract %reduce_sum3A_629[15] : f32 from vector<16xf32>
          %add3A_631 = arith.addf %add3A_571, %reduce_sum3A_630 : f32
          scf.yield %select_n3A_621, %select_n3A_617, %select_n3A_618, %select_n3A_619, %add3A_626, %add3A_631 : i32, i32, i32, f32, i32, f32
        }
        %scan3A_449 = arith.constant 16 : i32
        %shift_right_arithmetic3A_450 = arith.constant 4 : i32
        %shift_right_arithmetic3A_451 = arith.shrsi %scan3A_448#1, %shift_right_arithmetic3A_450 : i32
        %shift_left3A_452 = arith.constant 4 : i32
        %shift_left3A_453 = arith.shli %shift_right_arithmetic3A_451, %shift_left3A_452 : i32
        %and3A_454 = arith.constant 15 : i32
        %and3A_455 = arith.andi %scan3A_448#1, %and3A_454 : i32
        %broadcast_in_dim3A_456 = vector.broadcast %and3A_455 : i32 to vector<16xi32>
        %get3A_457 = arith.index_cast %shift_left3A_453 : i32 to index
        %get3A_458 = tpu.vector_load %arg9[%get3A_457] {strides = array<i32>} : memref<4096xi32, #tpu.memory_space<vmem>>, vector<16xi32>,
        %get3A_459 = arith.index_cast %shift_left3A_453 : i32 to index
        %get3A_460 = tpu.vector_load %arg10[%get3A_459] {strides = array<i32>} : memref<4096xf32, #tpu.memory_space<vmem>>, vector<16xf32>,
        %broadcast_in_dim3A_461 = vector.broadcast %scan3A_448#2 : i32 to vector<16xi32>
        %broadcast_in_dim3A_462 = arith.constant true
        %broadcast_in_dim3A_463 = vector.broadcast %broadcast_in_dim3A_462 : i1 to vector<16xi1>
        %masked_cumsum3A_464 = tpu.scan <sum>, %get3A_458 masked %broadcast_in_dim3A_463 : vector<16xi32>, vector<16xi1> -> vector<16xi32>
        %add3A_465 = arith.addi %broadcast_in_dim3A_461, %masked_cumsum3A_464 : vector<16xi32>
        %broadcast_in_dim3A_466 = vector.broadcast %scan3A_448#3 : f32 to vector<16xf32>
        %broadcast_in_dim3A_467 = arith.constant true
        %broadcast_in_dim3A_468 = vector.broadcast %broadcast_in_dim3A_467 : i1 to vector<16xi1>
        %masked_cumsum3A_469 = tpu.scan <sum>, %get3A_460 masked %broadcast_in_dim3A_468 : vector<16xf32>, vector<16xi1> -> vector<16xf32>
        %add3A_470 = arith.addf %broadcast_in_dim3A_466, %masked_cumsum3A_469 : vector<16xf32>
        %iota3A_471 = tpu.iota {dimensions = array<i32: 0>} : vector<16xi32>
        %eq3A_472 = arith.cmpi eq, %iota3A_471, %broadcast_in_dim3A_456 : vector<16xi32>
        %broadcast_in_dim3A_473 = arith.constant 0 : i32
        %broadcast_in_dim3A_474 = vector.broadcast %broadcast_in_dim3A_473 : i32 to vector<16xi32>
        %select_n3A_475 = arith.select %eq3A_472, %add3A_465, %broadcast_in_dim3A_474 : vector<16xi1>, vector<16xi32>
        %reduce_sum3A_476 = arith.constant true
        %reduce_sum3A_477 = vector.broadcast %reduce_sum3A_476 : i1 to vector<16xi1>
        %reduce_sum3A_478 = tpu.scan <sum>, %select_n3A_475 masked %reduce_sum3A_477 : vector<16xi32>, vector<16xi1> -> vector<16xi32>
        %reduce_sum3A_479 = vector.extract %reduce_sum3A_478[15] : i32 from vector<16xi32>
        %sub3A_480 = arith.subi %add3A_432, %reduce_sum3A_479 : i32
        %iota3A_481 = tpu.iota {dimensions = array<i32: 0>} : vector<16xi32>
        %eq3A_482 = arith.cmpi eq, %iota3A_481, %broadcast_in_dim3A_456 : vector<16xi32>
        %broadcast_in_dim3A_483 = arith.constant 0.000000e+00 : f32
        %broadcast_in_dim3A_484 = vector.broadcast %broadcast_in_dim3A_483 : f32 to vector<16xf32>
        %select_n3A_485 = arith.select %eq3A_482, %add3A_470, %broadcast_in_dim3A_484 : vector<16xi1>, vector<16xf32>
        %reduce_sum3A_486 = arith.constant true
        %reduce_sum3A_487 = vector.broadcast %reduce_sum3A_486 : i1 to vector<16xi1>
        %reduce_sum3A_488 = tpu.scan <sum>, %select_n3A_485 masked %reduce_sum3A_487 : vector<16xf32>, vector<16xi1> -> vector<16xf32>
        %reduce_sum3A_489 = vector.extract %reduce_sum3A_488[15] : f32 from vector<16xf32>
        %sub3A_490 = arith.subf %add3A_433, %reduce_sum3A_489 : f32
        %iota3A_491 = tpu.iota {dimensions = array<i32: 0>} : vector<16xi32>
        %eq3A_492 = arith.cmpi eq, %iota3A_491, %broadcast_in_dim3A_456 : vector<16xi32>
        %broadcast_in_dim3A_493 = arith.constant 0 : i32
        %broadcast_in_dim3A_494 = vector.broadcast %broadcast_in_dim3A_493 : i32 to vector<16xi32>
        %select_n3A_495 = arith.select %eq3A_492, %get3A_458, %broadcast_in_dim3A_494 : vector<16xi1>, vector<16xi32>
        %reduce_sum3A_496 = arith.constant true
        %reduce_sum3A_497 = vector.broadcast %reduce_sum3A_496 : i1 to vector<16xi1>
        %reduce_sum3A_498 = tpu.scan <sum>, %select_n3A_495 masked %reduce_sum3A_497 : vector<16xi32>, vector<16xi1> -> vector<16xi32>
        %reduce_sum3A_499 = vector.extract %reduce_sum3A_498[15] : i32 from vector<16xi32>
        %iota3A_500 = tpu.iota {dimensions = array<i32: 0>} : vector<16xi32>
        %eq3A_501 = arith.cmpi eq, %iota3A_500, %broadcast_in_dim3A_456 : vector<16xi32>
        %broadcast_in_dim3A_502 = arith.constant 0.000000e+00 : f32
        %broadcast_in_dim3A_503 = vector.broadcast %broadcast_in_dim3A_502 : f32 to vector<16xf32>
        %select_n3A_504 = arith.select %eq3A_501, %get3A_460, %broadcast_in_dim3A_503 : vector<16xi1>, vector<16xf32>
        %reduce_sum3A_505 = arith.constant true
        %reduce_sum3A_506 = vector.broadcast %reduce_sum3A_505 : i1 to vector<16xi1>
        %reduce_sum3A_507 = tpu.scan <sum>, %select_n3A_504 masked %reduce_sum3A_506 : vector<16xf32>, vector<16xi1> -> vector<16xf32>
        %reduce_sum3A_508 = vector.extract %reduce_sum3A_507[15] : f32 from vector<16xf32>
        scf.yield %or3A_419, %scan3A_448#1, %sub3A_480, %sub3A_490, %reduce_sum3A_499 : i32, i32, i32, f32, i32
      } else {
        %broadcast_in_dim3A_313 = arith.constant 100000 : i32
        %broadcast_in_dim3A_314 = vector.broadcast %broadcast_in_dim3A_313 : i32 to vector<16xi32>
        %scan3A_315 = arith.constant 0 : i32
        %scan3A_316 = arith.constant 0 : i32
        %scan3A_317 = arith.constant 6248 : i32
        %scan3A_318 = arith.addi %scan3A_316, %scan3A_317 : i32
        %scan3A_319 = arith.constant 4 : i32
        scf.for %scan3A_621 = %scan3A_316 to %scan3A_318 step %scan3A_319  : i32 {
          %mul3A_622 = arith.constant 16 : i32
          %mul3A_623 = arith.muli %scan3A_621, %mul3A_622 : i32
          %get3A_624 = arith.index_cast %mul3A_623 : i32 to index
          %get3A_625 = tpu.vector_load %arg6[%get3A_624] {strides = array<i32>} : memref<100000xf32, #tpu.memory_space<vmem>>, vector<16xf32>,
          %bitcast3A_626 = vector.bitcast %get3A_625 : vector<16xf32> to vector<16xi32>
          %ge3A_627 = arith.constant 0 : i32
          %ge3A_628 = vector.broadcast %ge3A_627 : i32 to vector<16xi32>
          %ge3A_629 = arith.cmpi sge, %bitcast3A_626, %ge3A_628 : vector<16xi32>
          %xor3A_630 = arith.constant 2147483647 : i32
          %xor3A_631 = vector.broadcast %xor3A_630 : i32 to vector<16xi32>
          %xor3A_632 = arith.xori %bitcast3A_626, %xor3A_631 : vector<16xi32>
          %select_n3A_633 = arith.select %ge3A_629, %bitcast3A_626, %xor3A_632 : vector<16xi1>, vector<16xi32>
          %sub3A_634 = arith.subf %get3A_625, %broadcast_in_dim3A_60 : vector<16xf32>
          %exp3A_635 = math.exp %sub3A_634 : vector<16xf32>
          %shift_right_arithmetic3A_636 = arith.constant 20 : i32
          %shift_right_arithmetic3A_637 = vector.broadcast %shift_right_arithmetic3A_636 : i32 to vector<16xi32>
          %shift_right_arithmetic3A_638 = arith.shrsi %select_n3A_633, %shift_right_arithmetic3A_637 : vector<16xi32>
          %add3A_639 = arith.constant 2048 : i32
          %add3A_640 = vector.broadcast %add3A_639 : i32 to vector<16xi32>
          %add3A_641 = arith.addi %shift_right_arithmetic3A_638, %add3A_640 : vector<16xi32>
          %eq3A_642 = arith.cmpi eq, %add3A_641, %broadcast_in_dim3A_203 : vector<16xi32>
          %mul3A_643 = arith.constant 16 : i32
          %mul3A_644 = arith.muli %scan3A_621, %mul3A_643 : i32
          %add3A_645 = vector.broadcast %mul3A_644 : i32 to vector<16xi32>
          %add3A_646 = arith.addi %iota3A_206, %add3A_645 : vector<16xi32>
          %lt3A_647 = arith.cmpi slt, %add3A_646, %broadcast_in_dim3A_314 : vector<16xi32>
          %and3A_648 = arith.andi %eq3A_642, %lt3A_647 : vector<16xi1>
          %shift_right_arithmetic3A_649 = arith.constant 8 : i32
          %shift_right_arithmetic3A_650 = vector.broadcast %shift_right_arithmetic3A_649 : i32 to vector<16xi32>
          %shift_right_arithmetic3A_651 = arith.shrsi %select_n3A_633, %shift_right_arithmetic3A_650 : vector<16xi32>
          %and3A_652 = arith.constant 4095 : i32
          %and3A_653 = vector.broadcast %and3A_652 : i32 to vector<16xi32>
          %and3A_654 = arith.andi %shift_right_arithmetic3A_651, %and3A_653 : vector<16xi32>
          tpu.vector_store_idx %arg9[%and3A_654], %broadcast_in_dim3A_1 masked %and3A_648 {add = true} : memref<4096xi32, #tpu.memory_space<vmem>>[vector<16xi32>], vector<16xi32>, vector<16xi1>
          tpu.vector_store_idx %arg10[%and3A_654], %exp3A_635 masked %and3A_648 {add = true} : memref<4096xf32, #tpu.memory_space<vmem>>[vector<16xi32>], vector<16xf32>, vector<16xi1>
          %scan3A_655 = arith.constant 1 : i32
          %scan3A_656 = arith.addi %scan3A_621, %scan3A_655 : i32
          %mul3A_657 = arith.constant 16 : i32
          %mul3A_658 = arith.muli %scan3A_656, %mul3A_657 : i32
          %get3A_659 = arith.index_cast %mul3A_658 : i32 to index
          %get3A_660 = tpu.vector_load %arg6[%get3A_659] {strides = array<i32>} : memref<100000xf32, #tpu.memory_space<vmem>>, vector<16xf32>,
          %bitcast3A_661 = vector.bitcast %get3A_660 : vector<16xf32> to vector<16xi32>
          %ge3A_662 = arith.constant 0 : i32
          %ge3A_663 = vector.broadcast %ge3A_662 : i32 to vector<16xi32>
          %ge3A_664 = arith.cmpi sge, %bitcast3A_661, %ge3A_663 : vector<16xi32>
          %xor3A_665 = arith.constant 2147483647 : i32
          %xor3A_666 = vector.broadcast %xor3A_665 : i32 to vector<16xi32>
          %xor3A_667 = arith.xori %bitcast3A_661, %xor3A_666 : vector<16xi32>
          %select_n3A_668 = arith.select %ge3A_664, %bitcast3A_661, %xor3A_667 : vector<16xi1>, vector<16xi32>
          %sub3A_669 = arith.subf %get3A_660, %broadcast_in_dim3A_60 : vector<16xf32>
          %exp3A_670 = math.exp %sub3A_669 : vector<16xf32>
          %shift_right_arithmetic3A_671 = arith.constant 20 : i32
          %shift_right_arithmetic3A_672 = vector.broadcast %shift_right_arithmetic3A_671 : i32 to vector<16xi32>
          %shift_right_arithmetic3A_673 = arith.shrsi %select_n3A_668, %shift_right_arithmetic3A_672 : vector<16xi32>
          %add3A_674 = arith.constant 2048 : i32
          %add3A_675 = vector.broadcast %add3A_674 : i32 to vector<16xi32>
          %add3A_676 = arith.addi %shift_right_arithmetic3A_673, %add3A_675 : vector<16xi32>
          %eq3A_677 = arith.cmpi eq, %add3A_676, %broadcast_in_dim3A_203 : vector<16xi32>
          %mul3A_678 = arith.constant 16 : i32
          %mul3A_679 = arith.muli %scan3A_656, %mul3A_678 : i32
          %add3A_680 = vector.broadcast %mul3A_679 : i32 to vector<16xi32>
          %add3A_681 = arith.addi %iota3A_206, %add3A_680 : vector<16xi32>
          %lt3A_682 = arith.cmpi slt, %add3A_681, %broadcast_in_dim3A_314 : vector<16xi32>
          %and3A_683 = arith.andi %eq3A_677, %lt3A_682 : vector<16xi1>
          %shift_right_arithmetic3A_684 = arith.constant 8 : i32
          %shift_right_arithmetic3A_685 = vector.broadcast %shift_right_arithmetic3A_684 : i32 to vector<16xi32>
          %shift_right_arithmetic3A_686 = arith.shrsi %select_n3A_668, %shift_right_arithmetic3A_685 : vector<16xi32>
          %and3A_687 = arith.constant 4095 : i32
          %and3A_688 = vector.broadcast %and3A_687 : i32 to vector<16xi32>
          %and3A_689 = arith.andi %shift_right_arithmetic3A_686, %and3A_688 : vector<16xi32>
          tpu.vector_store_idx %arg9[%and3A_689], %broadcast_in_dim3A_1 masked %and3A_683 {add = true} : memref<4096xi32, #tpu.memory_space<vmem>>[vector<16xi32>], vector<16xi32>, vector<16xi1>
          tpu.vector_store_idx %arg10[%and3A_689], %exp3A_670 masked %and3A_683 {add = true} : memref<4096xf32, #tpu.memory_space<vmem>>[vector<16xi32>], vector<16xf32>, vector<16xi1>
          %scan3A_690 = arith.constant 2 : i32
          %scan3A_691 = arith.addi %scan3A_621, %scan3A_690 : i32
          %mul3A_692 = arith.constant 16 : i32
          %mul3A_693 = arith.muli %scan3A_691, %mul3A_692 : i32
          %get3A_694 = arith.index_cast %mul3A_693 : i32 to index
          %get3A_695 = tpu.vector_load %arg6[%get3A_694] {strides = array<i32>} : memref<100000xf32, #tpu.memory_space<vmem>>, vector<16xf32>,
          %bitcast3A_696 = vector.bitcast %get3A_695 : vector<16xf32> to vector<16xi32>
          %ge3A_697 = arith.constant 0 : i32
          %ge3A_698 = vector.broadcast %ge3A_697 : i32 to vector<16xi32>
          %ge3A_699 = arith.cmpi sge, %bitcast3A_696, %ge3A_698 : vector<16xi32>
          %xor3A_700 = arith.constant 2147483647 : i32
          %xor3A_701 = vector.broadcast %xor3A_700 : i32 to vector<16xi32>
          %xor3A_702 = arith.xori %bitcast3A_696, %xor3A_701 : vector<16xi32>
          %select_n3A_703 = arith.select %ge3A_699, %bitcast3A_696, %xor3A_702 : vector<16xi1>, vector<16xi32>
          %sub3A_704 = arith.subf %get3A_695, %broadcast_in_dim3A_60 : vector<16xf32>
          %exp3A_705 = math.exp %sub3A_704 : vector<16xf32>
          %shift_right_arithmetic3A_706 = arith.constant 20 : i32
          %shift_right_arithmetic3A_707 = vector.broadcast %shift_right_arithmetic3A_706 : i32 to vector<16xi32>
          %shift_right_arithmetic3A_708 = arith.shrsi %select_n3A_703, %shift_right_arithmetic3A_707 : vector<16xi32>
          %add3A_709 = arith.constant 2048 : i32
          %add3A_710 = vector.broadcast %add3A_709 : i32 to vector<16xi32>
          %add3A_711 = arith.addi %shift_right_arithmetic3A_708, %add3A_710 : vector<16xi32>
          %eq3A_712 = arith.cmpi eq, %add3A_711, %broadcast_in_dim3A_203 : vector<16xi32>
          %mul3A_713 = arith.constant 16 : i32
          %mul3A_714 = arith.muli %scan3A_691, %mul3A_713 : i32
          %add3A_715 = vector.broadcast %mul3A_714 : i32 to vector<16xi32>
          %add3A_716 = arith.addi %iota3A_206, %add3A_715 : vector<16xi32>
          %lt3A_717 = arith.cmpi slt, %add3A_716, %broadcast_in_dim3A_314 : vector<16xi32>
          %and3A_718 = arith.andi %eq3A_712, %lt3A_717 : vector<16xi1>
          %shift_right_arithmetic3A_719 = arith.constant 8 : i32
          %shift_right_arithmetic3A_720 = vector.broadcast %shift_right_arithmetic3A_719 : i32 to vector<16xi32>
          %shift_right_arithmetic3A_721 = arith.shrsi %select_n3A_703, %shift_right_arithmetic3A_720 : vector<16xi32>
          %and3A_722 = arith.constant 4095 : i32
          %and3A_723 = vector.broadcast %and3A_722 : i32 to vector<16xi32>
          %and3A_724 = arith.andi %shift_right_arithmetic3A_721, %and3A_723 : vector<16xi32>
          tpu.vector_store_idx %arg9[%and3A_724], %broadcast_in_dim3A_1 masked %and3A_718 {add = true} : memref<4096xi32, #tpu.memory_space<vmem>>[vector<16xi32>], vector<16xi32>, vector<16xi1>
          tpu.vector_store_idx %arg10[%and3A_724], %exp3A_705 masked %and3A_718 {add = true} : memref<4096xf32, #tpu.memory_space<vmem>>[vector<16xi32>], vector<16xf32>, vector<16xi1>
          %scan3A_725 = arith.constant 3 : i32
          %scan3A_726 = arith.addi %scan3A_621, %scan3A_725 : i32
          %mul3A_727 = arith.constant 16 : i32
          %mul3A_728 = arith.muli %scan3A_726, %mul3A_727 : i32
          %get3A_729 = arith.index_cast %mul3A_728 : i32 to index
          %get3A_730 = tpu.vector_load %arg6[%get3A_729] {strides = array<i32>} : memref<100000xf32, #tpu.memory_space<vmem>>, vector<16xf32>,
          %bitcast3A_731 = vector.bitcast %get3A_730 : vector<16xf32> to vector<16xi32>
          %ge3A_732 = arith.constant 0 : i32
          %ge3A_733 = vector.broadcast %ge3A_732 : i32 to vector<16xi32>
          %ge3A_734 = arith.cmpi sge, %bitcast3A_731, %ge3A_733 : vector<16xi32>
          %xor3A_735 = arith.constant 2147483647 : i32
          %xor3A_736 = vector.broadcast %xor3A_735 : i32 to vector<16xi32>
          %xor3A_737 = arith.xori %bitcast3A_731, %xor3A_736 : vector<16xi32>
          %select_n3A_738 = arith.select %ge3A_734, %bitcast3A_731, %xor3A_737 : vector<16xi1>, vector<16xi32>
          %sub3A_739 = arith.subf %get3A_730, %broadcast_in_dim3A_60 : vector<16xf32>
          %exp3A_740 = math.exp %sub3A_739 : vector<16xf32>
          %shift_right_arithmetic3A_741 = arith.constant 20 : i32
          %shift_right_arithmetic3A_742 = vector.broadcast %shift_right_arithmetic3A_741 : i32 to vector<16xi32>
          %shift_right_arithmetic3A_743 = arith.shrsi %select_n3A_738, %shift_right_arithmetic3A_742 : vector<16xi32>
          %add3A_744 = arith.constant 2048 : i32
          %add3A_745 = vector.broadcast %add3A_744 : i32 to vector<16xi32>
          %add3A_746 = arith.addi %shift_right_arithmetic3A_743, %add3A_745 : vector<16xi32>
          %eq3A_747 = arith.cmpi eq, %add3A_746, %broadcast_in_dim3A_203 : vector<16xi32>
          %mul3A_748 = arith.constant 16 : i32
          %mul3A_749 = arith.muli %scan3A_726, %mul3A_748 : i32
          %add3A_750 = vector.broadcast %mul3A_749 : i32 to vector<16xi32>
          %add3A_751 = arith.addi %iota3A_206, %add3A_750 : vector<16xi32>
          %lt3A_752 = arith.cmpi slt, %add3A_751, %broadcast_in_dim3A_314 : vector<16xi32>
          %and3A_753 = arith.andi %eq3A_747, %lt3A_752 : vector<16xi1>
          %shift_right_arithmetic3A_754 = arith.constant 8 : i32
          %shift_right_arithmetic3A_755 = vector.broadcast %shift_right_arithmetic3A_754 : i32 to vector<16xi32>
          %shift_right_arithmetic3A_756 = arith.shrsi %select_n3A_738, %shift_right_arithmetic3A_755 : vector<16xi32>
          %and3A_757 = arith.constant 4095 : i32
          %and3A_758 = vector.broadcast %and3A_757 : i32 to vector<16xi32>
          %and3A_759 = arith.andi %shift_right_arithmetic3A_756, %and3A_758 : vector<16xi32>
          tpu.vector_store_idx %arg9[%and3A_759], %broadcast_in_dim3A_1 masked %and3A_753 {add = true} : memref<4096xi32, #tpu.memory_space<vmem>>[vector<16xi32>], vector<16xi32>, vector<16xi1>
          tpu.vector_store_idx %arg10[%and3A_759], %exp3A_740 masked %and3A_753 {add = true} : memref<4096xf32, #tpu.memory_space<vmem>>[vector<16xi32>], vector<16xf32>, vector<16xi1>
        }
        %scan3A_320 = arith.constant 6248 : i32
        %scan3A_321 = arith.addi %scan3A_316, %scan3A_320 : i32
        %mul3A_322 = arith.constant 16 : i32
        %mul3A_323 = arith.muli %scan3A_321, %mul3A_322 : i32
        %get3A_324 = arith.index_cast %mul3A_323 : i32 to index
        %get3A_325 = tpu.vector_load %arg6[%get3A_324] {strides = array<i32>} : memref<100000xf32, #tpu.memory_space<vmem>>, vector<16xf32>,
        %bitcast3A_326 = vector.bitcast %get3A_325 : vector<16xf32> to vector<16xi32>
        %ge3A_327 = arith.constant 0 : i32
        %ge3A_328 = vector.broadcast %ge3A_327 : i32 to vector<16xi32>
        %ge3A_329 = arith.cmpi sge, %bitcast3A_326, %ge3A_328 : vector<16xi32>
        %xor3A_330 = arith.constant 2147483647 : i32
        %xor3A_331 = vector.broadcast %xor3A_330 : i32 to vector<16xi32>
        %xor3A_332 = arith.xori %bitcast3A_326, %xor3A_331 : vector<16xi32>
        %select_n3A_333 = arith.select %ge3A_329, %bitcast3A_326, %xor3A_332 : vector<16xi1>, vector<16xi32>
        %sub3A_334 = arith.subf %get3A_325, %broadcast_in_dim3A_60 : vector<16xf32>
        %exp3A_335 = math.exp %sub3A_334 : vector<16xf32>
        %shift_right_arithmetic3A_336 = arith.constant 20 : i32
        %shift_right_arithmetic3A_337 = vector.broadcast %shift_right_arithmetic3A_336 : i32 to vector<16xi32>
        %shift_right_arithmetic3A_338 = arith.shrsi %select_n3A_333, %shift_right_arithmetic3A_337 : vector<16xi32>
        %add3A_339 = arith.constant 2048 : i32
        %add3A_340 = vector.broadcast %add3A_339 : i32 to vector<16xi32>
        %add3A_341 = arith.addi %shift_right_arithmetic3A_338, %add3A_340 : vector<16xi32>
        %eq3A_342 = arith.cmpi eq, %add3A_341, %broadcast_in_dim3A_203 : vector<16xi32>
        %mul3A_343 = arith.constant 16 : i32
        %mul3A_344 = arith.muli %scan3A_321, %mul3A_343 : i32
        %add3A_345 = vector.broadcast %mul3A_344 : i32 to vector<16xi32>
        %add3A_346 = arith.addi %iota3A_206, %add3A_345 : vector<16xi32>
        %lt3A_347 = arith.cmpi slt, %add3A_346, %broadcast_in_dim3A_314 : vector<16xi32>
        %and3A_348 = arith.andi %eq3A_342, %lt3A_347 : vector<16xi1>
        %shift_right_arithmetic3A_349 = arith.constant 8 : i32
        %shift_right_arithmetic3A_350 = vector.broadcast %shift_right_arithmetic3A_349 : i32 to vector<16xi32>
        %shift_right_arithmetic3A_351 = arith.shrsi %select_n3A_333, %shift_right_arithmetic3A_350 : vector<16xi32>
        %and3A_352 = arith.constant 4095 : i32
        %and3A_353 = vector.broadcast %and3A_352 : i32 to vector<16xi32>
        %and3A_354 = arith.andi %shift_right_arithmetic3A_351, %and3A_353 : vector<16xi32>
        tpu.vector_store_idx %arg9[%and3A_354], %broadcast_in_dim3A_1 masked %and3A_348 {add = true} : memref<4096xi32, #tpu.memory_space<vmem>>[vector<16xi32>], vector<16xi32>, vector<16xi1>
        tpu.vector_store_idx %arg10[%and3A_354], %exp3A_335 masked %and3A_348 {add = true} : memref<4096xf32, #tpu.memory_space<vmem>>[vector<16xi32>], vector<16xf32>, vector<16xi1>
        %scan3A_355 = arith.constant 6249 : i32
        %scan3A_356 = arith.addi %scan3A_316, %scan3A_355 : i32
        %mul3A_357 = arith.constant 16 : i32
        %mul3A_358 = arith.muli %scan3A_356, %mul3A_357 : i32
        %get3A_359 = arith.index_cast %mul3A_358 : i32 to index
        %get3A_360 = tpu.vector_load %arg6[%get3A_359] {strides = array<i32>} : memref<100000xf32, #tpu.memory_space<vmem>>, vector<16xf32>,
        %bitcast3A_361 = vector.bitcast %get3A_360 : vector<16xf32> to vector<16xi32>
        %ge3A_362 = arith.constant 0 : i32
        %ge3A_363 = vector.broadcast %ge3A_362 : i32 to vector<16xi32>
        %ge3A_364 = arith.cmpi sge, %bitcast3A_361, %ge3A_363 : vector<16xi32>
        %xor3A_365 = arith.constant 2147483647 : i32
        %xor3A_366 = vector.broadcast %xor3A_365 : i32 to vector<16xi32>
        %xor3A_367 = arith.xori %bitcast3A_361, %xor3A_366 : vector<16xi32>
        %select_n3A_368 = arith.select %ge3A_364, %bitcast3A_361, %xor3A_367 : vector<16xi1>, vector<16xi32>
        %sub3A_369 = arith.subf %get3A_360, %broadcast_in_dim3A_60 : vector<16xf32>
        %exp3A_370 = math.exp %sub3A_369 : vector<16xf32>
        %shift_right_arithmetic3A_371 = arith.constant 20 : i32
        %shift_right_arithmetic3A_372 = vector.broadcast %shift_right_arithmetic3A_371 : i32 to vector<16xi32>
        %shift_right_arithmetic3A_373 = arith.shrsi %select_n3A_368, %shift_right_arithmetic3A_372 : vector<16xi32>
        %add3A_374 = arith.constant 2048 : i32
        %add3A_375 = vector.broadcast %add3A_374 : i32 to vector<16xi32>
        %add3A_376 = arith.addi %shift_right_arithmetic3A_373, %add3A_375 : vector<16xi32>
        %eq3A_377 = arith.cmpi eq, %add3A_376, %broadcast_in_dim3A_203 : vector<16xi32>
        %mul3A_378 = arith.constant 16 : i32
        %mul3A_379 = arith.muli %scan3A_356, %mul3A_378 : i32
        %add3A_380 = vector.broadcast %mul3A_379 : i32 to vector<16xi32>
        %add3A_381 = arith.addi %iota3A_206, %add3A_380 : vector<16xi32>
        %lt3A_382 = arith.cmpi slt, %add3A_381, %broadcast_in_dim3A_314 : vector<16xi32>
        %and3A_383 = arith.andi %eq3A_377, %lt3A_382 : vector<16xi1>
        %shift_right_arithmetic3A_384 = arith.constant 8 : i32
        %shift_right_arithmetic3A_385 = vector.broadcast %shift_right_arithmetic3A_384 : i32 to vector<16xi32>
        %shift_right_arithmetic3A_386 = arith.shrsi %select_n3A_368, %shift_right_arithmetic3A_385 : vector<16xi32>
        %and3A_387 = arith.constant 4095 : i32
        %and3A_388 = vector.broadcast %and3A_387 : i32 to vector<16xi32>
        %and3A_389 = arith.andi %shift_right_arithmetic3A_386, %and3A_388 : vector<16xi32>
        tpu.vector_store_idx %arg9[%and3A_389], %broadcast_in_dim3A_1 masked %and3A_383 {add = true} : memref<4096xi32, #tpu.memory_space<vmem>>[vector<16xi32>], vector<16xi32>, vector<16xi1>
        tpu.vector_store_idx %arg10[%and3A_389], %exp3A_370 masked %and3A_383 {add = true} : memref<4096xf32, #tpu.memory_space<vmem>>[vector<16xi32>], vector<16xf32>, vector<16xi1>
        %scan3A_390 = arith.constant 6250 : i32
        %broadcast_in_dim3A_391 = vector.broadcast %reduce_sum3A_35 : i32 to vector<16xi32>
        %broadcast_in_dim3A_392 = vector.broadcast %mul3A_120 : f32 to vector<16xf32>
        %broadcast_in_dim3A_393 = vector.broadcast %add3A_204 : i32 to vector<16xi32>
        %broadcast_in_dim3A_394 = vector.broadcast %add3A_205 : f32 to vector<16xf32>
        %scan3A_395 = arith.constant 0 : i32
        %scan3A_396 = arith.constant 0 : i32
        %scan3A_397 = arith.constant 0 : i32
        %scan3A_398 = arith.constant 0.000000e+00 : f32
        %scan3A_399 = arith.constant 0 : i32
        %scan3A_400 = arith.constant 0.000000e+00 : f32
        %scan3A_401 = arith.constant 0 : i32
        %scan3A_402 = arith.constant 256 : i32
        %scan3A_403 = arith.addi %scan3A_401, %scan3A_402 : i32
        %scan3A_404 = arith.constant 2 : i32
        %scan3A_405:6 = scf.for %scan3A_621 = %scan3A_401 to %scan3A_403 step %scan3A_404 iter_args(%scan3A_622 = %scan3A_395, %scan3A_623 = %scan3A_396, %scan3A_624 = %scan3A_397, %scan3A_625 = %scan3A_398, %scan3A_626 = %scan3A_399, %scan3A_627 = %scan3A_400) -> (i32, i32, i32, f32, i32, f32)  : i32 {
          %mul3A_628 = arith.constant 16 : i32
          %mul3A_629 = arith.muli %scan3A_621, %mul3A_628 : i32
          %get3A_630 = arith.index_cast %mul3A_629 : i32 to index
          %get3A_631 = tpu.vector_load %arg9[%get3A_630] {strides = array<i32>} : memref<4096xi32, #tpu.memory_space<vmem>>, vector<16xi32>,
          %mul3A_632 = arith.constant 16 : i32
          %mul3A_633 = arith.muli %scan3A_621, %mul3A_632 : i32
          %get3A_634 = arith.index_cast %mul3A_633 : i32 to index
          %get3A_635 = tpu.vector_load %arg10[%get3A_634] {strides = array<i32>} : memref<4096xf32, #tpu.memory_space<vmem>>, vector<16xf32>,
          %broadcast_in_dim3A_636 = vector.broadcast %scan3A_626 : i32 to vector<16xi32>
          %broadcast_in_dim3A_637 = arith.constant true
          %broadcast_in_dim3A_638 = vector.broadcast %broadcast_in_dim3A_637 : i1 to vector<16xi1>
          %masked_cumsum3A_639 = tpu.scan <sum>, %get3A_631 masked %broadcast_in_dim3A_638 : vector<16xi32>, vector<16xi1> -> vector<16xi32>
          %add3A_640 = arith.addi %broadcast_in_dim3A_636, %masked_cumsum3A_639 : vector<16xi32>
          %broadcast_in_dim3A_641 = vector.broadcast %scan3A_627 : f32 to vector<16xf32>
          %broadcast_in_dim3A_642 = arith.constant true
          %broadcast_in_dim3A_643 = vector.broadcast %broadcast_in_dim3A_642 : i1 to vector<16xi1>
          %masked_cumsum3A_644 = tpu.scan <sum>, %get3A_635 masked %broadcast_in_dim3A_643 : vector<16xf32>, vector<16xi1> -> vector<16xf32>
          %add3A_645 = arith.addf %broadcast_in_dim3A_641, %masked_cumsum3A_644 : vector<16xf32>
          %sub3A_646 = arith.subi %broadcast_in_dim3A_393, %add3A_640 : vector<16xi32>
          %lt3A_647 = arith.cmpi slt, %sub3A_646, %broadcast_in_dim3A_391 : vector<16xi32>
          %sub3A_648 = arith.subf %broadcast_in_dim3A_394, %add3A_645 : vector<16xf32>
          %le3A_649 = arith.cmpf ole, %sub3A_648, %broadcast_in_dim3A_392 : vector<16xf32>
          %and3A_650 = arith.andi %lt3A_647, %le3A_649 : vector<16xi1>
          %all_reduce_population_count3A = tpu.all_reduce %and3A_650 {dim = 0 : i64, kind = #tpu.reduction_kind<sum>} : vector<16xi1> -> vector<16xi32>
          %reduce_sum3A_651 = arith.constant true
          %reduce_sum3A_652 = vector.broadcast %reduce_sum3A_651 : i1 to vector<16xi1>
          %reduce_sum3A_653 = tpu.scan <sum>, %all_reduce_population_count3A masked %reduce_sum3A_652 : vector<16xi32>, vector<16xi1> -> vector<16xi32>
          %reduce_sum3A_654 = vector.extract %reduce_sum3A_653[15] : i32 from vector<16xi32>
          %all_reduce_ffs3A = tpu.all_reduce %and3A_650 {dim = 0 : i64, kind = #tpu.reduction_kind<find_first_set>} : vector<16xi1> -> vector<16xi32>
          %reduce_sum3A_655 = arith.constant true
          %reduce_sum3A_656 = vector.broadcast %reduce_sum3A_655 : i1 to vector<16xi1>
          %reduce_sum3A_657 = tpu.scan <sum>, %all_reduce_ffs3A masked %reduce_sum3A_656 : vector<16xi32>, vector<16xi1> -> vector<16xi32>
          %reduce_sum3A_658 = vector.extract %reduce_sum3A_657[15] : i32 from vector<16xi32>
          %shift_right_arithmetic3A_659 = arith.constant 4 : i32
          %shift_right_arithmetic3A_660 = arith.shrsi %reduce_sum3A_658, %shift_right_arithmetic3A_659 : i32
          %gt3A_661 = arith.constant 0 : i32
          %gt3A_662 = arith.cmpi sgt, %reduce_sum3A_654, %gt3A_661 : i32
          %eq3A_663 = arith.constant 0 : i32
          %eq3A_664 = arith.cmpi eq, %scan3A_622, %eq3A_663 : i32
          %and3A_665 = arith.andi %gt3A_662, %eq3A_664 : i1
          %mul3A_666 = arith.constant 16 : i32
          %mul3A_667 = arith.muli %scan3A_621, %mul3A_666 : i32
          %add3A_668 = arith.addi %mul3A_667, %shift_right_arithmetic3A_660 : i32
          %select_n3A_669 = arith.select %and3A_665, %add3A_668, %scan3A_623 : i32
          %select_n3A_670 = arith.select %and3A_665, %scan3A_626, %scan3A_624 : i32
          %select_n3A_671 = arith.select %and3A_665, %scan3A_627, %scan3A_625 : f32
          %jit3A_672 = arith.constant 1 : i32
          %select_n3A_673 = arith.select %and3A_665, %jit3A_672, %scan3A_622 : i32
          %reduce_sum3A_674 = arith.constant true
          %reduce_sum3A_675 = vector.broadcast %reduce_sum3A_674 : i1 to vector<16xi1>
          %reduce_sum3A_676 = tpu.scan <sum>, %get3A_631 masked %reduce_sum3A_675 : vector<16xi32>, vector<16xi1> -> vector<16xi32>
          %reduce_sum3A_677 = vector.extract %reduce_sum3A_676[15] : i32 from vector<16xi32>
          %add3A_678 = arith.addi %scan3A_626, %reduce_sum3A_677 : i32
          %reduce_sum3A_679 = arith.constant true
          %reduce_sum3A_680 = vector.broadcast %reduce_sum3A_679 : i1 to vector<16xi1>
          %reduce_sum3A_681 = tpu.scan <sum>, %get3A_635 masked %reduce_sum3A_680 : vector<16xf32>, vector<16xi1> -> vector<16xf32>
          %reduce_sum3A_682 = vector.extract %reduce_sum3A_681[15] : f32 from vector<16xf32>
          %add3A_683 = arith.addf %scan3A_627, %reduce_sum3A_682 : f32
          %scan3A_684 = arith.constant 1 : i32
          %scan3A_685 = arith.addi %scan3A_621, %scan3A_684 : i32
          %mul3A_686 = arith.constant 16 : i32
          %mul3A_687 = arith.muli %scan3A_685, %mul3A_686 : i32
          %get3A_688 = arith.index_cast %mul3A_687 : i32 to index
          %get3A_689 = tpu.vector_load %arg9[%get3A_688] {strides = array<i32>} : memref<4096xi32, #tpu.memory_space<vmem>>, vector<16xi32>,
          %mul3A_690 = arith.constant 16 : i32
          %mul3A_691 = arith.muli %scan3A_685, %mul3A_690 : i32
          %get3A_692 = arith.index_cast %mul3A_691 : i32 to index
          %get3A_693 = tpu.vector_load %arg10[%get3A_692] {strides = array<i32>} : memref<4096xf32, #tpu.memory_space<vmem>>, vector<16xf32>,
          %broadcast_in_dim3A_694 = vector.broadcast %add3A_678 : i32 to vector<16xi32>
          %broadcast_in_dim3A_695 = arith.constant true
          %broadcast_in_dim3A_696 = vector.broadcast %broadcast_in_dim3A_695 : i1 to vector<16xi1>
          %masked_cumsum3A_697 = tpu.scan <sum>, %get3A_689 masked %broadcast_in_dim3A_696 : vector<16xi32>, vector<16xi1> -> vector<16xi32>
          %add3A_698 = arith.addi %broadcast_in_dim3A_694, %masked_cumsum3A_697 : vector<16xi32>
          %broadcast_in_dim3A_699 = vector.broadcast %add3A_683 : f32 to vector<16xf32>
          %broadcast_in_dim3A_700 = arith.constant true
          %broadcast_in_dim3A_701 = vector.broadcast %broadcast_in_dim3A_700 : i1 to vector<16xi1>
          %masked_cumsum3A_702 = tpu.scan <sum>, %get3A_693 masked %broadcast_in_dim3A_701 : vector<16xf32>, vector<16xi1> -> vector<16xf32>
          %add3A_703 = arith.addf %broadcast_in_dim3A_699, %masked_cumsum3A_702 : vector<16xf32>
          %sub3A_704 = arith.subi %broadcast_in_dim3A_393, %add3A_698 : vector<16xi32>
          %lt3A_705 = arith.cmpi slt, %sub3A_704, %broadcast_in_dim3A_391 : vector<16xi32>
          %sub3A_706 = arith.subf %broadcast_in_dim3A_394, %add3A_703 : vector<16xf32>
          %le3A_707 = arith.cmpf ole, %sub3A_706, %broadcast_in_dim3A_392 : vector<16xf32>
          %and3A_708 = arith.andi %lt3A_705, %le3A_707 : vector<16xi1>
          %all_reduce_population_count3A_709 = tpu.all_reduce %and3A_708 {dim = 0 : i64, kind = #tpu.reduction_kind<sum>} : vector<16xi1> -> vector<16xi32>
          %reduce_sum3A_710 = arith.constant true
          %reduce_sum3A_711 = vector.broadcast %reduce_sum3A_710 : i1 to vector<16xi1>
          %reduce_sum3A_712 = tpu.scan <sum>, %all_reduce_population_count3A_709 masked %reduce_sum3A_711 : vector<16xi32>, vector<16xi1> -> vector<16xi32>
          %reduce_sum3A_713 = vector.extract %reduce_sum3A_712[15] : i32 from vector<16xi32>
          %all_reduce_ffs3A_714 = tpu.all_reduce %and3A_708 {dim = 0 : i64, kind = #tpu.reduction_kind<find_first_set>} : vector<16xi1> -> vector<16xi32>
          %reduce_sum3A_715 = arith.constant true
          %reduce_sum3A_716 = vector.broadcast %reduce_sum3A_715 : i1 to vector<16xi1>
          %reduce_sum3A_717 = tpu.scan <sum>, %all_reduce_ffs3A_714 masked %reduce_sum3A_716 : vector<16xi32>, vector<16xi1> -> vector<16xi32>
          %reduce_sum3A_718 = vector.extract %reduce_sum3A_717[15] : i32 from vector<16xi32>
          %shift_right_arithmetic3A_719 = arith.constant 4 : i32
          %shift_right_arithmetic3A_720 = arith.shrsi %reduce_sum3A_718, %shift_right_arithmetic3A_719 : i32
          %gt3A_721 = arith.constant 0 : i32
          %gt3A_722 = arith.cmpi sgt, %reduce_sum3A_713, %gt3A_721 : i32
          %eq3A_723 = arith.constant 0 : i32
          %eq3A_724 = arith.cmpi eq, %select_n3A_673, %eq3A_723 : i32
          %and3A_725 = arith.andi %gt3A_722, %eq3A_724 : i1
          %mul3A_726 = arith.constant 16 : i32
          %mul3A_727 = arith.muli %scan3A_685, %mul3A_726 : i32
          %add3A_728 = arith.addi %mul3A_727, %shift_right_arithmetic3A_720 : i32
          %select_n3A_729 = arith.select %and3A_725, %add3A_728, %select_n3A_669 : i32
          %select_n3A_730 = arith.select %and3A_725, %add3A_678, %select_n3A_670 : i32
          %select_n3A_731 = arith.select %and3A_725, %add3A_683, %select_n3A_671 : f32
          %jit3A_732 = arith.constant 1 : i32
          %select_n3A_733 = arith.select %and3A_725, %jit3A_732, %select_n3A_673 : i32
          %reduce_sum3A_734 = arith.constant true
          %reduce_sum3A_735 = vector.broadcast %reduce_sum3A_734 : i1 to vector<16xi1>
          %reduce_sum3A_736 = tpu.scan <sum>, %get3A_689 masked %reduce_sum3A_735 : vector<16xi32>, vector<16xi1> -> vector<16xi32>
          %reduce_sum3A_737 = vector.extract %reduce_sum3A_736[15] : i32 from vector<16xi32>
          %add3A_738 = arith.addi %add3A_678, %reduce_sum3A_737 : i32
          %reduce_sum3A_739 = arith.constant true
          %reduce_sum3A_740 = vector.broadcast %reduce_sum3A_739 : i1 to vector<16xi1>
          %reduce_sum3A_741 = tpu.scan <sum>, %get3A_693 masked %reduce_sum3A_740 : vector<16xf32>, vector<16xi1> -> vector<16xf32>
          %reduce_sum3A_742 = vector.extract %reduce_sum3A_741[15] : f32 from vector<16xf32>
          %add3A_743 = arith.addf %add3A_683, %reduce_sum3A_742 : f32
          scf.yield %select_n3A_733, %select_n3A_729, %select_n3A_730, %select_n3A_731, %add3A_738, %add3A_743 : i32, i32, i32, f32, i32, f32
        }
        %scan3A_406 = arith.constant 256 : i32
        %shift_right_arithmetic3A_407 = arith.constant 4 : i32
        %shift_right_arithmetic3A_408 = arith.shrsi %scan3A_405#1, %shift_right_arithmetic3A_407 : i32
        %shift_left3A_409 = arith.constant 4 : i32
        %shift_left3A_410 = arith.shli %shift_right_arithmetic3A_408, %shift_left3A_409 : i32
        %and3A_411 = arith.constant 15 : i32
        %and3A_412 = arith.andi %scan3A_405#1, %and3A_411 : i32
        %broadcast_in_dim3A_413 = vector.broadcast %and3A_412 : i32 to vector<16xi32>
        %get3A_414 = arith.index_cast %shift_left3A_410 : i32 to index
        %get3A_415 = tpu.vector_load %arg9[%get3A_414] {strides = array<i32>} : memref<4096xi32, #tpu.memory_space<vmem>>, vector<16xi32>,
        %get3A_416 = arith.index_cast %shift_left3A_410 : i32 to index
        %get3A_417 = tpu.vector_load %arg10[%get3A_416] {strides = array<i32>} : memref<4096xf32, #tpu.memory_space<vmem>>, vector<16xf32>,
        %broadcast_in_dim3A_418 = vector.broadcast %scan3A_405#2 : i32 to vector<16xi32>
        %broadcast_in_dim3A_419 = arith.constant true
        %broadcast_in_dim3A_420 = vector.broadcast %broadcast_in_dim3A_419 : i1 to vector<16xi1>
        %masked_cumsum3A_421 = tpu.scan <sum>, %get3A_415 masked %broadcast_in_dim3A_420 : vector<16xi32>, vector<16xi1> -> vector<16xi32>
        %add3A_422 = arith.addi %broadcast_in_dim3A_418, %masked_cumsum3A_421 : vector<16xi32>
        %broadcast_in_dim3A_423 = vector.broadcast %scan3A_405#3 : f32 to vector<16xf32>
        %broadcast_in_dim3A_424 = arith.constant true
        %broadcast_in_dim3A_425 = vector.broadcast %broadcast_in_dim3A_424 : i1 to vector<16xi1>
        %masked_cumsum3A_426 = tpu.scan <sum>, %get3A_417 masked %broadcast_in_dim3A_425 : vector<16xf32>, vector<16xi1> -> vector<16xf32>
        %add3A_427 = arith.addf %broadcast_in_dim3A_423, %masked_cumsum3A_426 : vector<16xf32>
        %iota3A_428 = tpu.iota {dimensions = array<i32: 0>} : vector<16xi32>
        %eq3A_429 = arith.cmpi eq, %iota3A_428, %broadcast_in_dim3A_413 : vector<16xi32>
        %broadcast_in_dim3A_430 = arith.constant 0 : i32
        %broadcast_in_dim3A_431 = vector.broadcast %broadcast_in_dim3A_430 : i32 to vector<16xi32>
        %select_n3A_432 = arith.select %eq3A_429, %add3A_422, %broadcast_in_dim3A_431 : vector<16xi1>, vector<16xi32>
        %reduce_sum3A_433 = arith.constant true
        %reduce_sum3A_434 = vector.broadcast %reduce_sum3A_433 : i1 to vector<16xi1>
        %reduce_sum3A_435 = tpu.scan <sum>, %select_n3A_432 masked %reduce_sum3A_434 : vector<16xi32>, vector<16xi1> -> vector<16xi32>
        %reduce_sum3A_436 = vector.extract %reduce_sum3A_435[15] : i32 from vector<16xi32>
        %sub3A_437 = arith.subi %add3A_204, %reduce_sum3A_436 : i32
        %iota3A_438 = tpu.iota {dimensions = array<i32: 0>} : vector<16xi32>
        %eq3A_439 = arith.cmpi eq, %iota3A_438, %broadcast_in_dim3A_413 : vector<16xi32>
        %broadcast_in_dim3A_440 = arith.constant 0.000000e+00 : f32
        %broadcast_in_dim3A_441 = vector.broadcast %broadcast_in_dim3A_440 : f32 to vector<16xf32>
        %select_n3A_442 = arith.select %eq3A_439, %add3A_427, %broadcast_in_dim3A_441 : vector<16xi1>, vector<16xf32>
        %reduce_sum3A_443 = arith.constant true
        %reduce_sum3A_444 = vector.broadcast %reduce_sum3A_443 : i1 to vector<16xi1>
        %reduce_sum3A_445 = tpu.scan <sum>, %select_n3A_442 masked %reduce_sum3A_444 : vector<16xf32>, vector<16xi1> -> vector<16xf32>
        %reduce_sum3A_446 = vector.extract %reduce_sum3A_445[15] : f32 from vector<16xf32>
        %sub3A_447 = arith.subf %add3A_205, %reduce_sum3A_446 : f32
        %iota3A_448 = tpu.iota {dimensions = array<i32: 0>} : vector<16xi32>
        %eq3A_449 = arith.cmpi eq, %iota3A_448, %broadcast_in_dim3A_413 : vector<16xi32>
        %broadcast_in_dim3A_450 = arith.constant 0 : i32
        %broadcast_in_dim3A_451 = vector.broadcast %broadcast_in_dim3A_450 : i32 to vector<16xi32>
        %select_n3A_452 = arith.select %eq3A_449, %get3A_415, %broadcast_in_dim3A_451 : vector<16xi1>, vector<16xi32>
        %reduce_sum3A_453 = arith.constant true
        %reduce_sum3A_454 = vector.broadcast %reduce_sum3A_453 : i1 to vector<16xi1>
        %reduce_sum3A_455 = tpu.scan <sum>, %select_n3A_452 masked %reduce_sum3A_454 : vector<16xi32>, vector<16xi1> -> vector<16xi32>
        %reduce_sum3A_456 = vector.extract %reduce_sum3A_455[15] : i32 from vector<16xi32>
        %iota3A_457 = tpu.iota {dimensions = array<i32: 0>} : vector<16xi32>
        %eq3A_458 = arith.cmpi eq, %iota3A_457, %broadcast_in_dim3A_413 : vector<16xi32>
        %broadcast_in_dim3A_459 = arith.constant 0.000000e+00 : f32
        %broadcast_in_dim3A_460 = vector.broadcast %broadcast_in_dim3A_459 : f32 to vector<16xf32>
        %select_n3A_461 = arith.select %eq3A_458, %get3A_417, %broadcast_in_dim3A_460 : vector<16xi1>, vector<16xf32>
        %reduce_sum3A_462 = arith.constant true
        %reduce_sum3A_463 = vector.broadcast %reduce_sum3A_462 : i1 to vector<16xi1>
        %reduce_sum3A_464 = tpu.scan <sum>, %select_n3A_461 masked %reduce_sum3A_463 : vector<16xf32>, vector<16xi1> -> vector<16xf32>
        %reduce_sum3A_465 = vector.extract %reduce_sum3A_464[15] : f32 from vector<16xf32>
        %scan3A_466 = arith.constant 0 : i32
        %scan3A_467 = arith.constant 0 : i32
        %scan3A_468 = arith.constant 16 : i32
        %scan3A_469 = arith.addi %scan3A_467, %scan3A_468 : i32
        %scan3A_470 = arith.constant 8 : i32
        scf.for %scan3A_621 = %scan3A_467 to %scan3A_469 step %scan3A_470  : i32 {
          %broadcast_in_dim3A_622 = arith.constant 0 : i32
          %broadcast_in_dim3A_623 = vector.broadcast %broadcast_in_dim3A_622 : i32 to vector<16xi32>
          %mul3A_624 = arith.constant 16 : i32
          %mul3A_625 = arith.muli %scan3A_621, %mul3A_624 : i32
          %swap3A = arith.index_cast %mul3A_625 : i32 to index
          %swap3A_626 = tpu.vector_load %arg9[%swap3A] {strides = array<i32>} : memref<4096xi32, #tpu.memory_space<vmem>>, vector<16xi32>,
          tpu.vector_store %arg9[%swap3A], %broadcast_in_dim3A_623 {strides = array<i32>} : memref<4096xi32, #tpu.memory_space<vmem>>, vector<16xi32>,
          %broadcast_in_dim3A_627 = arith.constant 0.000000e+00 : f32
          %broadcast_in_dim3A_628 = vector.broadcast %broadcast_in_dim3A_627 : f32 to vector<16xf32>
          %mul3A_629 = arith.constant 16 : i32
          %mul3A_630 = arith.muli %scan3A_621, %mul3A_629 : i32
          %swap3A_631 = arith.index_cast %mul3A_630 : i32 to index
          %swap3A_632 = tpu.vector_load %arg10[%swap3A_631] {strides = array<i32>} : memref<4096xf32, #tpu.memory_space<vmem>>, vector<16xf32>,
          tpu.vector_store %arg10[%swap3A_631], %broadcast_in_dim3A_628 {strides = array<i32>} : memref<4096xf32, #tpu.memory_space<vmem>>, vector<16xf32>,
          %scan3A_633 = arith.constant 1 : i32
          %scan3A_634 = arith.addi %scan3A_621, %scan3A_633 : i32
          %broadcast_in_dim3A_635 = arith.constant 0 : i32
          %broadcast_in_dim3A_636 = vector.broadcast %broadcast_in_dim3A_635 : i32 to vector<16xi32>
          %mul3A_637 = arith.constant 16 : i32
          %mul3A_638 = arith.muli %scan3A_634, %mul3A_637 : i32
          %swap3A_639 = arith.index_cast %mul3A_638 : i32 to index
          %swap3A_640 = tpu.vector_load %arg9[%swap3A_639] {strides = array<i32>} : memref<4096xi32, #tpu.memory_space<vmem>>, vector<16xi32>,
          tpu.vector_store %arg9[%swap3A_639], %broadcast_in_dim3A_636 {strides = array<i32>} : memref<4096xi32, #tpu.memory_space<vmem>>, vector<16xi32>,
          %broadcast_in_dim3A_641 = arith.constant 0.000000e+00 : f32
          %broadcast_in_dim3A_642 = vector.broadcast %broadcast_in_dim3A_641 : f32 to vector<16xf32>
          %mul3A_643 = arith.constant 16 : i32
          %mul3A_644 = arith.muli %scan3A_634, %mul3A_643 : i32
          %swap3A_645 = arith.index_cast %mul3A_644 : i32 to index
          %swap3A_646 = tpu.vector_load %arg10[%swap3A_645] {strides = array<i32>} : memref<4096xf32, #tpu.memory_space<vmem>>, vector<16xf32>,
          tpu.vector_store %arg10[%swap3A_645], %broadcast_in_dim3A_642 {strides = array<i32>} : memref<4096xf32, #tpu.memory_space<vmem>>, vector<16xf32>,
          %scan3A_647 = arith.constant 2 : i32
          %scan3A_648 = arith.addi %scan3A_621, %scan3A_647 : i32
          %broadcast_in_dim3A_649 = arith.constant 0 : i32
          %broadcast_in_dim3A_650 = vector.broadcast %broadcast_in_dim3A_649 : i32 to vector<16xi32>
          %mul3A_651 = arith.constant 16 : i32
          %mul3A_652 = arith.muli %scan3A_648, %mul3A_651 : i32
          %swap3A_653 = arith.index_cast %mul3A_652 : i32 to index
          %swap3A_654 = tpu.vector_load %arg9[%swap3A_653] {strides = array<i32>} : memref<4096xi32, #tpu.memory_space<vmem>>, vector<16xi32>,
          tpu.vector_store %arg9[%swap3A_653], %broadcast_in_dim3A_650 {strides = array<i32>} : memref<4096xi32, #tpu.memory_space<vmem>>, vector<16xi32>,
          %broadcast_in_dim3A_655 = arith.constant 0.000000e+00 : f32
          %broadcast_in_dim3A_656 = vector.broadcast %broadcast_in_dim3A_655 : f32 to vector<16xf32>
          %mul3A_657 = arith.constant 16 : i32
          %mul3A_658 = arith.muli %scan3A_648, %mul3A_657 : i32
          %swap3A_659 = arith.index_cast %mul3A_658 : i32 to index
          %swap3A_660 = tpu.vector_load %arg10[%swap3A_659] {strides = array<i32>} : memref<4096xf32, #tpu.memory_space<vmem>>, vector<16xf32>,
          tpu.vector_store %arg10[%swap3A_659], %broadcast_in_dim3A_656 {strides = array<i32>} : memref<4096xf32, #tpu.memory_space<vmem>>, vector<16xf32>,
          %scan3A_661 = arith.constant 3 : i32
          %scan3A_662 = arith.addi %scan3A_621, %scan3A_661 : i32
          %broadcast_in_dim3A_663 = arith.constant 0 : i32
          %broadcast_in_dim3A_664 = vector.broadcast %broadcast_in_dim3A_663 : i32 to vector<16xi32>
          %mul3A_665 = arith.constant 16 : i32
          %mul3A_666 = arith.muli %scan3A_662, %mul3A_665 : i32
          %swap3A_667 = arith.index_cast %mul3A_666 : i32 to index
          %swap3A_668 = tpu.vector_load %arg9[%swap3A_667] {strides = array<i32>} : memref<4096xi32, #tpu.memory_space<vmem>>, vector<16xi32>,
          tpu.vector_store %arg9[%swap3A_667], %broadcast_in_dim3A_664 {strides = array<i32>} : memref<4096xi32, #tpu.memory_space<vmem>>, vector<16xi32>,
          %broadcast_in_dim3A_669 = arith.constant 0.000000e+00 : f32
          %broadcast_in_dim3A_670 = vector.broadcast %broadcast_in_dim3A_669 : f32 to vector<16xf32>
          %mul3A_671 = arith.constant 16 : i32
          %mul3A_672 = arith.muli %scan3A_662, %mul3A_671 : i32
          %swap3A_673 = arith.index_cast %mul3A_672 : i32 to index
          %swap3A_674 = tpu.vector_load %arg10[%swap3A_673] {strides = array<i32>} : memref<4096xf32, #tpu.memory_space<vmem>>, vector<16xf32>,
          tpu.vector_store %arg10[%swap3A_673], %broadcast_in_dim3A_670 {strides = array<i32>} : memref<4096xf32, #tpu.memory_space<vmem>>, vector<16xf32>,
          %scan3A_675 = arith.constant 4 : i32
          %scan3A_676 = arith.addi %scan3A_621, %scan3A_675 : i32
          %broadcast_in_dim3A_677 = arith.constant 0 : i32
          %broadcast_in_dim3A_678 = vector.broadcast %broadcast_in_dim3A_677 : i32 to vector<16xi32>
          %mul3A_679 = arith.constant 16 : i32
          %mul3A_680 = arith.muli %scan3A_676, %mul3A_679 : i32
          %swap3A_681 = arith.index_cast %mul3A_680 : i32 to index
          %swap3A_682 = tpu.vector_load %arg9[%swap3A_681] {strides = array<i32>} : memref<4096xi32, #tpu.memory_space<vmem>>, vector<16xi32>,
          tpu.vector_store %arg9[%swap3A_681], %broadcast_in_dim3A_678 {strides = array<i32>} : memref<4096xi32, #tpu.memory_space<vmem>>, vector<16xi32>,
          %broadcast_in_dim3A_683 = arith.constant 0.000000e+00 : f32
          %broadcast_in_dim3A_684 = vector.broadcast %broadcast_in_dim3A_683 : f32 to vector<16xf32>
          %mul3A_685 = arith.constant 16 : i32
          %mul3A_686 = arith.muli %scan3A_676, %mul3A_685 : i32
          %swap3A_687 = arith.index_cast %mul3A_686 : i32 to index
          %swap3A_688 = tpu.vector_load %arg10[%swap3A_687] {strides = array<i32>} : memref<4096xf32, #tpu.memory_space<vmem>>, vector<16xf32>,
          tpu.vector_store %arg10[%swap3A_687], %broadcast_in_dim3A_684 {strides = array<i32>} : memref<4096xf32, #tpu.memory_space<vmem>>, vector<16xf32>,
          %scan3A_689 = arith.constant 5 : i32
          %scan3A_690 = arith.addi %scan3A_621, %scan3A_689 : i32
          %broadcast_in_dim3A_691 = arith.constant 0 : i32
          %broadcast_in_dim3A_692 = vector.broadcast %broadcast_in_dim3A_691 : i32 to vector<16xi32>
          %mul3A_693 = arith.constant 16 : i32
          %mul3A_694 = arith.muli %scan3A_690, %mul3A_693 : i32
          %swap3A_695 = arith.index_cast %mul3A_694 : i32 to index
          %swap3A_696 = tpu.vector_load %arg9[%swap3A_695] {strides = array<i32>} : memref<4096xi32, #tpu.memory_space<vmem>>, vector<16xi32>,
          tpu.vector_store %arg9[%swap3A_695], %broadcast_in_dim3A_692 {strides = array<i32>} : memref<4096xi32, #tpu.memory_space<vmem>>, vector<16xi32>,
          %broadcast_in_dim3A_697 = arith.constant 0.000000e+00 : f32
          %broadcast_in_dim3A_698 = vector.broadcast %broadcast_in_dim3A_697 : f32 to vector<16xf32>
          %mul3A_699 = arith.constant 16 : i32
          %mul3A_700 = arith.muli %scan3A_690, %mul3A_699 : i32
          %swap3A_701 = arith.index_cast %mul3A_700 : i32 to index
          %swap3A_702 = tpu.vector_load %arg10[%swap3A_701] {strides = array<i32>} : memref<4096xf32, #tpu.memory_space<vmem>>, vector<16xf32>,
          tpu.vector_store %arg10[%swap3A_701], %broadcast_in_dim3A_698 {strides = array<i32>} : memref<4096xf32, #tpu.memory_space<vmem>>, vector<16xf32>,
          %scan3A_703 = arith.constant 6 : i32
          %scan3A_704 = arith.addi %scan3A_621, %scan3A_703 : i32
          %broadcast_in_dim3A_705 = arith.constant 0 : i32
          %broadcast_in_dim3A_706 = vector.broadcast %broadcast_in_dim3A_705 : i32 to vector<16xi32>
          %mul3A_707 = arith.constant 16 : i32
          %mul3A_708 = arith.muli %scan3A_704, %mul3A_707 : i32
          %swap3A_709 = arith.index_cast %mul3A_708 : i32 to index
          %swap3A_710 = tpu.vector_load %arg9[%swap3A_709] {strides = array<i32>} : memref<4096xi32, #tpu.memory_space<vmem>>, vector<16xi32>,
          tpu.vector_store %arg9[%swap3A_709], %broadcast_in_dim3A_706 {strides = array<i32>} : memref<4096xi32, #tpu.memory_space<vmem>>, vector<16xi32>,
          %broadcast_in_dim3A_711 = arith.constant 0.000000e+00 : f32
          %broadcast_in_dim3A_712 = vector.broadcast %broadcast_in_dim3A_711 : f32 to vector<16xf32>
          %mul3A_713 = arith.constant 16 : i32
          %mul3A_714 = arith.muli %scan3A_704, %mul3A_713 : i32
          %swap3A_715 = arith.index_cast %mul3A_714 : i32 to index
          %swap3A_716 = tpu.vector_load %arg10[%swap3A_715] {strides = array<i32>} : memref<4096xf32, #tpu.memory_space<vmem>>, vector<16xf32>,
          tpu.vector_store %arg10[%swap3A_715], %broadcast_in_dim3A_712 {strides = array<i32>} : memref<4096xf32, #tpu.memory_space<vmem>>, vector<16xf32>,
          %scan3A_717 = arith.constant 7 : i32
          %scan3A_718 = arith.addi %scan3A_621, %scan3A_717 : i32
          %broadcast_in_dim3A_719 = arith.constant 0 : i32
          %broadcast_in_dim3A_720 = vector.broadcast %broadcast_in_dim3A_719 : i32 to vector<16xi32>
          %mul3A_721 = arith.constant 16 : i32
          %mul3A_722 = arith.muli %scan3A_718, %mul3A_721 : i32
          %swap3A_723 = arith.index_cast %mul3A_722 : i32 to index
          %swap3A_724 = tpu.vector_load %arg9[%swap3A_723] {strides = array<i32>} : memref<4096xi32, #tpu.memory_space<vmem>>, vector<16xi32>,
          tpu.vector_store %arg9[%swap3A_723], %broadcast_in_dim3A_720 {strides = array<i32>} : memref<4096xi32, #tpu.memory_space<vmem>>, vector<16xi32>,
          %broadcast_in_dim3A_725 = arith.constant 0.000000e+00 : f32
          %broadcast_in_dim3A_726 = vector.broadcast %broadcast_in_dim3A_725 : f32 to vector<16xf32>
          %mul3A_727 = arith.constant 16 : i32
          %mul3A_728 = arith.muli %scan3A_718, %mul3A_727 : i32
          %swap3A_729 = arith.index_cast %mul3A_728 : i32 to index
          %swap3A_730 = tpu.vector_load %arg10[%swap3A_729] {strides = array<i32>} : memref<4096xf32, #tpu.memory_space<vmem>>, vector<16xf32>,
          tpu.vector_store %arg10[%swap3A_729], %broadcast_in_dim3A_726 {strides = array<i32>} : memref<4096xf32, #tpu.memory_space<vmem>>, vector<16xf32>,
        }
        %scan3A_471 = arith.constant 16 : i32
        %sub3A_472 = arith.constant 2048 : i32
        %sub3A_473 = arith.subi %scan3A_136#1, %sub3A_472 : i32
        %shift_left3A_474 = arith.constant 12 : i32
        %shift_left3A_475 = arith.shli %sub3A_473, %shift_left3A_474 : i32
        %or3A_476 = arith.ori %shift_left3A_475, %scan3A_405#1 : i32
        %broadcast_in_dim3A_477 = vector.broadcast %or3A_476 : i32 to vector<16xi32>
        %broadcast_in_dim3A_478 = arith.constant 100000 : i32
        %broadcast_in_dim3A_479 = vector.broadcast %broadcast_in_dim3A_478 : i32 to vector<16xi32>
        %scan3A_480 = arith.constant 0 : i32
        %scan3A_481 = arith.constant 0 : i32
        %scan3A_482 = arith.constant 6248 : i32
        %scan3A_483 = arith.addi %scan3A_481, %scan3A_482 : i32
        %scan3A_484 = arith.constant 4 : i32
        scf.for %scan3A_621 = %scan3A_481 to %scan3A_483 step %scan3A_484  : i32 {
          %mul3A_622 = arith.constant 16 : i32
          %mul3A_623 = arith.muli %scan3A_621, %mul3A_622 : i32
          %get3A_624 = arith.index_cast %mul3A_623 : i32 to index
          %get3A_625 = tpu.vector_load %arg6[%get3A_624] {strides = array<i32>} : memref<100000xf32, #tpu.memory_space<vmem>>, vector<16xf32>,
          %bitcast3A_626 = vector.bitcast %get3A_625 : vector<16xf32> to vector<16xi32>
          %ge3A_627 = arith.constant 0 : i32
          %ge3A_628 = vector.broadcast %ge3A_627 : i32 to vector<16xi32>
          %ge3A_629 = arith.cmpi sge, %bitcast3A_626, %ge3A_628 : vector<16xi32>
          %xor3A_630 = arith.constant 2147483647 : i32
          %xor3A_631 = vector.broadcast %xor3A_630 : i32 to vector<16xi32>
          %xor3A_632 = arith.xori %bitcast3A_626, %xor3A_631 : vector<16xi32>
          %select_n3A_633 = arith.select %ge3A_629, %bitcast3A_626, %xor3A_632 : vector<16xi1>, vector<16xi32>
          %sub3A_634 = arith.subf %get3A_625, %broadcast_in_dim3A_60 : vector<16xf32>
          %exp3A_635 = math.exp %sub3A_634 : vector<16xf32>
          %shift_right_arithmetic3A_636 = arith.constant 8 : i32
          %shift_right_arithmetic3A_637 = vector.broadcast %shift_right_arithmetic3A_636 : i32 to vector<16xi32>
          %shift_right_arithmetic3A_638 = arith.shrsi %select_n3A_633, %shift_right_arithmetic3A_637 : vector<16xi32>
          %eq3A_639 = arith.cmpi eq, %shift_right_arithmetic3A_638, %broadcast_in_dim3A_477 : vector<16xi32>
          %mul3A_640 = arith.constant 16 : i32
          %mul3A_641 = arith.muli %scan3A_621, %mul3A_640 : i32
          %add3A_642 = vector.broadcast %mul3A_641 : i32 to vector<16xi32>
          %add3A_643 = arith.addi %iota3A_206, %add3A_642 : vector<16xi32>
          %lt3A_644 = arith.cmpi slt, %add3A_643, %broadcast_in_dim3A_479 : vector<16xi32>
          %and3A_645 = arith.andi %eq3A_639, %lt3A_644 : vector<16xi1>
          %and3A_646 = arith.constant 255 : i32
          %and3A_647 = vector.broadcast %and3A_646 : i32 to vector<16xi32>
          %and3A_648 = arith.andi %select_n3A_633, %and3A_647 : vector<16xi32>
          tpu.vector_store_idx %arg9[%and3A_648], %broadcast_in_dim3A_1 masked %and3A_645 {add = true} : memref<4096xi32, #tpu.memory_space<vmem>>[vector<16xi32>], vector<16xi32>, vector<16xi1>
          tpu.vector_store_idx %arg10[%and3A_648], %exp3A_635 masked %and3A_645 {add = true} : memref<4096xf32, #tpu.memory_space<vmem>>[vector<16xi32>], vector<16xf32>, vector<16xi1>
          %scan3A_649 = arith.constant 1 : i32
          %scan3A_650 = arith.addi %scan3A_621, %scan3A_649 : i32
          %mul3A_651 = arith.constant 16 : i32
          %mul3A_652 = arith.muli %scan3A_650, %mul3A_651 : i32
          %get3A_653 = arith.index_cast %mul3A_652 : i32 to index
          %get3A_654 = tpu.vector_load %arg6[%get3A_653] {strides = array<i32>} : memref<100000xf32, #tpu.memory_space<vmem>>, vector<16xf32>,
          %bitcast3A_655 = vector.bitcast %get3A_654 : vector<16xf32> to vector<16xi32>
          %ge3A_656 = arith.constant 0 : i32
          %ge3A_657 = vector.broadcast %ge3A_656 : i32 to vector<16xi32>
          %ge3A_658 = arith.cmpi sge, %bitcast3A_655, %ge3A_657 : vector<16xi32>
          %xor3A_659 = arith.constant 2147483647 : i32
          %xor3A_660 = vector.broadcast %xor3A_659 : i32 to vector<16xi32>
          %xor3A_661 = arith.xori %bitcast3A_655, %xor3A_660 : vector<16xi32>
          %select_n3A_662 = arith.select %ge3A_658, %bitcast3A_655, %xor3A_661 : vector<16xi1>, vector<16xi32>
          %sub3A_663 = arith.subf %get3A_654, %broadcast_in_dim3A_60 : vector<16xf32>
          %exp3A_664 = math.exp %sub3A_663 : vector<16xf32>
          %shift_right_arithmetic3A_665 = arith.constant 8 : i32
          %shift_right_arithmetic3A_666 = vector.broadcast %shift_right_arithmetic3A_665 : i32 to vector<16xi32>
          %shift_right_arithmetic3A_667 = arith.shrsi %select_n3A_662, %shift_right_arithmetic3A_666 : vector<16xi32>
          %eq3A_668 = arith.cmpi eq, %shift_right_arithmetic3A_667, %broadcast_in_dim3A_477 : vector<16xi32>
          %mul3A_669 = arith.constant 16 : i32
          %mul3A_670 = arith.muli %scan3A_650, %mul3A_669 : i32
          %add3A_671 = vector.broadcast %mul3A_670 : i32 to vector<16xi32>
          %add3A_672 = arith.addi %iota3A_206, %add3A_671 : vector<16xi32>
          %lt3A_673 = arith.cmpi slt, %add3A_672, %broadcast_in_dim3A_479 : vector<16xi32>
          %and3A_674 = arith.andi %eq3A_668, %lt3A_673 : vector<16xi1>
          %and3A_675 = arith.constant 255 : i32
          %and3A_676 = vector.broadcast %and3A_675 : i32 to vector<16xi32>
          %and3A_677 = arith.andi %select_n3A_662, %and3A_676 : vector<16xi32>
          tpu.vector_store_idx %arg9[%and3A_677], %broadcast_in_dim3A_1 masked %and3A_674 {add = true} : memref<4096xi32, #tpu.memory_space<vmem>>[vector<16xi32>], vector<16xi32>, vector<16xi1>
          tpu.vector_store_idx %arg10[%and3A_677], %exp3A_664 masked %and3A_674 {add = true} : memref<4096xf32, #tpu.memory_space<vmem>>[vector<16xi32>], vector<16xf32>, vector<16xi1>
          %scan3A_678 = arith.constant 2 : i32
          %scan3A_679 = arith.addi %scan3A_621, %scan3A_678 : i32
          %mul3A_680 = arith.constant 16 : i32
          %mul3A_681 = arith.muli %scan3A_679, %mul3A_680 : i32
          %get3A_682 = arith.index_cast %mul3A_681 : i32 to index
          %get3A_683 = tpu.vector_load %arg6[%get3A_682] {strides = array<i32>} : memref<100000xf32, #tpu.memory_space<vmem>>, vector<16xf32>,
          %bitcast3A_684 = vector.bitcast %get3A_683 : vector<16xf32> to vector<16xi32>
          %ge3A_685 = arith.constant 0 : i32
          %ge3A_686 = vector.broadcast %ge3A_685 : i32 to vector<16xi32>
          %ge3A_687 = arith.cmpi sge, %bitcast3A_684, %ge3A_686 : vector<16xi32>
          %xor3A_688 = arith.constant 2147483647 : i32
          %xor3A_689 = vector.broadcast %xor3A_688 : i32 to vector<16xi32>
          %xor3A_690 = arith.xori %bitcast3A_684, %xor3A_689 : vector<16xi32>
          %select_n3A_691 = arith.select %ge3A_687, %bitcast3A_684, %xor3A_690 : vector<16xi1>, vector<16xi32>
          %sub3A_692 = arith.subf %get3A_683, %broadcast_in_dim3A_60 : vector<16xf32>
          %exp3A_693 = math.exp %sub3A_692 : vector<16xf32>
          %shift_right_arithmetic3A_694 = arith.constant 8 : i32
          %shift_right_arithmetic3A_695 = vector.broadcast %shift_right_arithmetic3A_694 : i32 to vector<16xi32>
          %shift_right_arithmetic3A_696 = arith.shrsi %select_n3A_691, %shift_right_arithmetic3A_695 : vector<16xi32>
          %eq3A_697 = arith.cmpi eq, %shift_right_arithmetic3A_696, %broadcast_in_dim3A_477 : vector<16xi32>
          %mul3A_698 = arith.constant 16 : i32
          %mul3A_699 = arith.muli %scan3A_679, %mul3A_698 : i32
          %add3A_700 = vector.broadcast %mul3A_699 : i32 to vector<16xi32>
          %add3A_701 = arith.addi %iota3A_206, %add3A_700 : vector<16xi32>
          %lt3A_702 = arith.cmpi slt, %add3A_701, %broadcast_in_dim3A_479 : vector<16xi32>
          %and3A_703 = arith.andi %eq3A_697, %lt3A_702 : vector<16xi1>
          %and3A_704 = arith.constant 255 : i32
          %and3A_705 = vector.broadcast %and3A_704 : i32 to vector<16xi32>
          %and3A_706 = arith.andi %select_n3A_691, %and3A_705 : vector<16xi32>
          tpu.vector_store_idx %arg9[%and3A_706], %broadcast_in_dim3A_1 masked %and3A_703 {add = true} : memref<4096xi32, #tpu.memory_space<vmem>>[vector<16xi32>], vector<16xi32>, vector<16xi1>
          tpu.vector_store_idx %arg10[%and3A_706], %exp3A_693 masked %and3A_703 {add = true} : memref<4096xf32, #tpu.memory_space<vmem>>[vector<16xi32>], vector<16xf32>, vector<16xi1>
          %scan3A_707 = arith.constant 3 : i32
          %scan3A_708 = arith.addi %scan3A_621, %scan3A_707 : i32
          %mul3A_709 = arith.constant 16 : i32
          %mul3A_710 = arith.muli %scan3A_708, %mul3A_709 : i32
          %get3A_711 = arith.index_cast %mul3A_710 : i32 to index
          %get3A_712 = tpu.vector_load %arg6[%get3A_711] {strides = array<i32>} : memref<100000xf32, #tpu.memory_space<vmem>>, vector<16xf32>,
          %bitcast3A_713 = vector.bitcast %get3A_712 : vector<16xf32> to vector<16xi32>
          %ge3A_714 = arith.constant 0 : i32
          %ge3A_715 = vector.broadcast %ge3A_714 : i32 to vector<16xi32>
          %ge3A_716 = arith.cmpi sge, %bitcast3A_713, %ge3A_715 : vector<16xi32>
          %xor3A_717 = arith.constant 2147483647 : i32
          %xor3A_718 = vector.broadcast %xor3A_717 : i32 to vector<16xi32>
          %xor3A_719 = arith.xori %bitcast3A_713, %xor3A_718 : vector<16xi32>
          %select_n3A_720 = arith.select %ge3A_716, %bitcast3A_713, %xor3A_719 : vector<16xi1>, vector<16xi32>
          %sub3A_721 = arith.subf %get3A_712, %broadcast_in_dim3A_60 : vector<16xf32>
          %exp3A_722 = math.exp %sub3A_721 : vector<16xf32>
          %shift_right_arithmetic3A_723 = arith.constant 8 : i32
          %shift_right_arithmetic3A_724 = vector.broadcast %shift_right_arithmetic3A_723 : i32 to vector<16xi32>
          %shift_right_arithmetic3A_725 = arith.shrsi %select_n3A_720, %shift_right_arithmetic3A_724 : vector<16xi32>
          %eq3A_726 = arith.cmpi eq, %shift_right_arithmetic3A_725, %broadcast_in_dim3A_477 : vector<16xi32>
          %mul3A_727 = arith.constant 16 : i32
          %mul3A_728 = arith.muli %scan3A_708, %mul3A_727 : i32
          %add3A_729 = vector.broadcast %mul3A_728 : i32 to vector<16xi32>
          %add3A_730 = arith.addi %iota3A_206, %add3A_729 : vector<16xi32>
          %lt3A_731 = arith.cmpi slt, %add3A_730, %broadcast_in_dim3A_479 : vector<16xi32>
          %and3A_732 = arith.andi %eq3A_726, %lt3A_731 : vector<16xi1>
          %and3A_733 = arith.constant 255 : i32
          %and3A_734 = vector.broadcast %and3A_733 : i32 to vector<16xi32>
          %and3A_735 = arith.andi %select_n3A_720, %and3A_734 : vector<16xi32>
          tpu.vector_store_idx %arg9[%and3A_735], %broadcast_in_dim3A_1 masked %and3A_732 {add = true} : memref<4096xi32, #tpu.memory_space<vmem>>[vector<16xi32>], vector<16xi32>, vector<16xi1>
          tpu.vector_store_idx %arg10[%and3A_735], %exp3A_722 masked %and3A_732 {add = true} : memref<4096xf32, #tpu.memory_space<vmem>>[vector<16xi32>], vector<16xf32>, vector<16xi1>
        }
        %scan3A_485 = arith.constant 6248 : i32
        %scan3A_486 = arith.addi %scan3A_481, %scan3A_485 : i32
        %mul3A_487 = arith.constant 16 : i32
        %mul3A_488 = arith.muli %scan3A_486, %mul3A_487 : i32
        %get3A_489 = arith.index_cast %mul3A_488 : i32 to index
        %get3A_490 = tpu.vector_load %arg6[%get3A_489] {strides = array<i32>} : memref<100000xf32, #tpu.memory_space<vmem>>, vector<16xf32>,
        %bitcast3A_491 = vector.bitcast %get3A_490 : vector<16xf32> to vector<16xi32>
        %ge3A_492 = arith.constant 0 : i32
        %ge3A_493 = vector.broadcast %ge3A_492 : i32 to vector<16xi32>
        %ge3A_494 = arith.cmpi sge, %bitcast3A_491, %ge3A_493 : vector<16xi32>
        %xor3A_495 = arith.constant 2147483647 : i32
        %xor3A_496 = vector.broadcast %xor3A_495 : i32 to vector<16xi32>
        %xor3A_497 = arith.xori %bitcast3A_491, %xor3A_496 : vector<16xi32>
        %select_n3A_498 = arith.select %ge3A_494, %bitcast3A_491, %xor3A_497 : vector<16xi1>, vector<16xi32>
        %sub3A_499 = arith.subf %get3A_490, %broadcast_in_dim3A_60 : vector<16xf32>
        %exp3A_500 = math.exp %sub3A_499 : vector<16xf32>
        %shift_right_arithmetic3A_501 = arith.constant 8 : i32
        %shift_right_arithmetic3A_502 = vector.broadcast %shift_right_arithmetic3A_501 : i32 to vector<16xi32>
        %shift_right_arithmetic3A_503 = arith.shrsi %select_n3A_498, %shift_right_arithmetic3A_502 : vector<16xi32>
        %eq3A_504 = arith.cmpi eq, %shift_right_arithmetic3A_503, %broadcast_in_dim3A_477 : vector<16xi32>
        %mul3A_505 = arith.constant 16 : i32
        %mul3A_506 = arith.muli %scan3A_486, %mul3A_505 : i32
        %add3A_507 = vector.broadcast %mul3A_506 : i32 to vector<16xi32>
        %add3A_508 = arith.addi %iota3A_206, %add3A_507 : vector<16xi32>
        %lt3A_509 = arith.cmpi slt, %add3A_508, %broadcast_in_dim3A_479 : vector<16xi32>
        %and3A_510 = arith.andi %eq3A_504, %lt3A_509 : vector<16xi1>
        %and3A_511 = arith.constant 255 : i32
        %and3A_512 = vector.broadcast %and3A_511 : i32 to vector<16xi32>
        %and3A_513 = arith.andi %select_n3A_498, %and3A_512 : vector<16xi32>
        tpu.vector_store_idx %arg9[%and3A_513], %broadcast_in_dim3A_1 masked %and3A_510 {add = true} : memref<4096xi32, #tpu.memory_space<vmem>>[vector<16xi32>], vector<16xi32>, vector<16xi1>
        tpu.vector_store_idx %arg10[%and3A_513], %exp3A_500 masked %and3A_510 {add = true} : memref<4096xf32, #tpu.memory_space<vmem>>[vector<16xi32>], vector<16xf32>, vector<16xi1>
        %scan3A_514 = arith.constant 6249 : i32
        %scan3A_515 = arith.addi %scan3A_481, %scan3A_514 : i32
        %mul3A_516 = arith.constant 16 : i32
        %mul3A_517 = arith.muli %scan3A_515, %mul3A_516 : i32
        %get3A_518 = arith.index_cast %mul3A_517 : i32 to index
        %get3A_519 = tpu.vector_load %arg6[%get3A_518] {strides = array<i32>} : memref<100000xf32, #tpu.memory_space<vmem>>, vector<16xf32>,
        %bitcast3A_520 = vector.bitcast %get3A_519 : vector<16xf32> to vector<16xi32>
        %ge3A_521 = arith.constant 0 : i32
        %ge3A_522 = vector.broadcast %ge3A_521 : i32 to vector<16xi32>
        %ge3A_523 = arith.cmpi sge, %bitcast3A_520, %ge3A_522 : vector<16xi32>
        %xor3A_524 = arith.constant 2147483647 : i32
        %xor3A_525 = vector.broadcast %xor3A_524 : i32 to vector<16xi32>
        %xor3A_526 = arith.xori %bitcast3A_520, %xor3A_525 : vector<16xi32>
        %select_n3A_527 = arith.select %ge3A_523, %bitcast3A_520, %xor3A_526 : vector<16xi1>, vector<16xi32>
        %sub3A_528 = arith.subf %get3A_519, %broadcast_in_dim3A_60 : vector<16xf32>
        %exp3A_529 = math.exp %sub3A_528 : vector<16xf32>
        %shift_right_arithmetic3A_530 = arith.constant 8 : i32
        %shift_right_arithmetic3A_531 = vector.broadcast %shift_right_arithmetic3A_530 : i32 to vector<16xi32>
        %shift_right_arithmetic3A_532 = arith.shrsi %select_n3A_527, %shift_right_arithmetic3A_531 : vector<16xi32>
        %eq3A_533 = arith.cmpi eq, %shift_right_arithmetic3A_532, %broadcast_in_dim3A_477 : vector<16xi32>
        %mul3A_534 = arith.constant 16 : i32
        %mul3A_535 = arith.muli %scan3A_515, %mul3A_534 : i32
        %add3A_536 = vector.broadcast %mul3A_535 : i32 to vector<16xi32>
        %add3A_537 = arith.addi %iota3A_206, %add3A_536 : vector<16xi32>
        %lt3A_538 = arith.cmpi slt, %add3A_537, %broadcast_in_dim3A_479 : vector<16xi32>
        %and3A_539 = arith.andi %eq3A_533, %lt3A_538 : vector<16xi1>
        %and3A_540 = arith.constant 255 : i32
        %and3A_541 = vector.broadcast %and3A_540 : i32 to vector<16xi32>
        %and3A_542 = arith.andi %select_n3A_527, %and3A_541 : vector<16xi32>
        tpu.vector_store_idx %arg9[%and3A_542], %broadcast_in_dim3A_1 masked %and3A_539 {add = true} : memref<4096xi32, #tpu.memory_space<vmem>>[vector<16xi32>], vector<16xi32>, vector<16xi1>
        tpu.vector_store_idx %arg10[%and3A_542], %exp3A_529 masked %and3A_539 {add = true} : memref<4096xf32, #tpu.memory_space<vmem>>[vector<16xi32>], vector<16xf32>, vector<16xi1>
        %scan3A_543 = arith.constant 6250 : i32
        %add3A_544 = arith.addi %sub3A_437, %reduce_sum3A_456 : i32
        %add3A_545 = arith.addf %sub3A_447, %reduce_sum3A_465 : f32
        %broadcast_in_dim3A_546 = vector.broadcast %reduce_sum3A_35 : i32 to vector<16xi32>
        %broadcast_in_dim3A_547 = vector.broadcast %mul3A_120 : f32 to vector<16xf32>
        %broadcast_in_dim3A_548 = vector.broadcast %add3A_544 : i32 to vector<16xi32>
        %broadcast_in_dim3A_549 = vector.broadcast %add3A_545 : f32 to vector<16xf32>
        %scan3A_550 = arith.constant 0 : i32
        %scan3A_551 = arith.constant 0 : i32
        %scan3A_552 = arith.constant 0 : i32
        %scan3A_553 = arith.constant 0.000000e+00 : f32
        %scan3A_554 = arith.constant 0 : i32
        %scan3A_555 = arith.constant 0.000000e+00 : f32
        %scan3A_556 = arith.constant 0 : i32
        %scan3A_557 = arith.constant 16 : i32
        %scan3A_558 = arith.addi %scan3A_556, %scan3A_557 : i32
        %scan3A_559 = arith.constant 2 : i32
        %scan3A_560:6 = scf.for %scan3A_621 = %scan3A_556 to %scan3A_558 step %scan3A_559 iter_args(%scan3A_622 = %scan3A_550, %scan3A_623 = %scan3A_551, %scan3A_624 = %scan3A_552, %scan3A_625 = %scan3A_553, %scan3A_626 = %scan3A_554, %scan3A_627 = %scan3A_555) -> (i32, i32, i32, f32, i32, f32)  : i32 {
          %mul3A_628 = arith.constant 16 : i32
          %mul3A_629 = arith.muli %scan3A_621, %mul3A_628 : i32
          %get3A_630 = arith.index_cast %mul3A_629 : i32 to index
          %get3A_631 = tpu.vector_load %arg9[%get3A_630] {strides = array<i32>} : memref<4096xi32, #tpu.memory_space<vmem>>, vector<16xi32>,
          %mul3A_632 = arith.constant 16 : i32
          %mul3A_633 = arith.muli %scan3A_621, %mul3A_632 : i32
          %get3A_634 = arith.index_cast %mul3A_633 : i32 to index
          %get3A_635 = tpu.vector_load %arg10[%get3A_634] {strides = array<i32>} : memref<4096xf32, #tpu.memory_space<vmem>>, vector<16xf32>,
          %broadcast_in_dim3A_636 = vector.broadcast %scan3A_626 : i32 to vector<16xi32>
          %broadcast_in_dim3A_637 = arith.constant true
          %broadcast_in_dim3A_638 = vector.broadcast %broadcast_in_dim3A_637 : i1 to vector<16xi1>
          %masked_cumsum3A_639 = tpu.scan <sum>, %get3A_631 masked %broadcast_in_dim3A_638 : vector<16xi32>, vector<16xi1> -> vector<16xi32>
          %add3A_640 = arith.addi %broadcast_in_dim3A_636, %masked_cumsum3A_639 : vector<16xi32>
          %broadcast_in_dim3A_641 = vector.broadcast %scan3A_627 : f32 to vector<16xf32>
          %broadcast_in_dim3A_642 = arith.constant true
          %broadcast_in_dim3A_643 = vector.broadcast %broadcast_in_dim3A_642 : i1 to vector<16xi1>
          %masked_cumsum3A_644 = tpu.scan <sum>, %get3A_635 masked %broadcast_in_dim3A_643 : vector<16xf32>, vector<16xi1> -> vector<16xf32>
          %add3A_645 = arith.addf %broadcast_in_dim3A_641, %masked_cumsum3A_644 : vector<16xf32>
          %sub3A_646 = arith.subi %broadcast_in_dim3A_548, %add3A_640 : vector<16xi32>
          %lt3A_647 = arith.cmpi slt, %sub3A_646, %broadcast_in_dim3A_546 : vector<16xi32>
          %sub3A_648 = arith.subf %broadcast_in_dim3A_549, %add3A_645 : vector<16xf32>
          %le3A_649 = arith.cmpf ole, %sub3A_648, %broadcast_in_dim3A_547 : vector<16xf32>
          %and3A_650 = arith.andi %lt3A_647, %le3A_649 : vector<16xi1>
          %all_reduce_population_count3A = tpu.all_reduce %and3A_650 {dim = 0 : i64, kind = #tpu.reduction_kind<sum>} : vector<16xi1> -> vector<16xi32>
          %reduce_sum3A_651 = arith.constant true
          %reduce_sum3A_652 = vector.broadcast %reduce_sum3A_651 : i1 to vector<16xi1>
          %reduce_sum3A_653 = tpu.scan <sum>, %all_reduce_population_count3A masked %reduce_sum3A_652 : vector<16xi32>, vector<16xi1> -> vector<16xi32>
          %reduce_sum3A_654 = vector.extract %reduce_sum3A_653[15] : i32 from vector<16xi32>
          %all_reduce_ffs3A = tpu.all_reduce %and3A_650 {dim = 0 : i64, kind = #tpu.reduction_kind<find_first_set>} : vector<16xi1> -> vector<16xi32>
          %reduce_sum3A_655 = arith.constant true
          %reduce_sum3A_656 = vector.broadcast %reduce_sum3A_655 : i1 to vector<16xi1>
          %reduce_sum3A_657 = tpu.scan <sum>, %all_reduce_ffs3A masked %reduce_sum3A_656 : vector<16xi32>, vector<16xi1> -> vector<16xi32>
          %reduce_sum3A_658 = vector.extract %reduce_sum3A_657[15] : i32 from vector<16xi32>
          %shift_right_arithmetic3A_659 = arith.constant 4 : i32
          %shift_right_arithmetic3A_660 = arith.shrsi %reduce_sum3A_658, %shift_right_arithmetic3A_659 : i32
          %gt3A_661 = arith.constant 0 : i32
          %gt3A_662 = arith.cmpi sgt, %reduce_sum3A_654, %gt3A_661 : i32
          %eq3A_663 = arith.constant 0 : i32
          %eq3A_664 = arith.cmpi eq, %scan3A_622, %eq3A_663 : i32
          %and3A_665 = arith.andi %gt3A_662, %eq3A_664 : i1
          %mul3A_666 = arith.constant 16 : i32
          %mul3A_667 = arith.muli %scan3A_621, %mul3A_666 : i32
          %add3A_668 = arith.addi %mul3A_667, %shift_right_arithmetic3A_660 : i32
          %select_n3A_669 = arith.select %and3A_665, %add3A_668, %scan3A_623 : i32
          %select_n3A_670 = arith.select %and3A_665, %scan3A_626, %scan3A_624 : i32
          %select_n3A_671 = arith.select %and3A_665, %scan3A_627, %scan3A_625 : f32
          %jit3A_672 = arith.constant 1 : i32
          %select_n3A_673 = arith.select %and3A_665, %jit3A_672, %scan3A_622 : i32
          %reduce_sum3A_674 = arith.constant true
          %reduce_sum3A_675 = vector.broadcast %reduce_sum3A_674 : i1 to vector<16xi1>
          %reduce_sum3A_676 = tpu.scan <sum>, %get3A_631 masked %reduce_sum3A_675 : vector<16xi32>, vector<16xi1> -> vector<16xi32>
          %reduce_sum3A_677 = vector.extract %reduce_sum3A_676[15] : i32 from vector<16xi32>
          %add3A_678 = arith.addi %scan3A_626, %reduce_sum3A_677 : i32
          %reduce_sum3A_679 = arith.constant true
          %reduce_sum3A_680 = vector.broadcast %reduce_sum3A_679 : i1 to vector<16xi1>
          %reduce_sum3A_681 = tpu.scan <sum>, %get3A_635 masked %reduce_sum3A_680 : vector<16xf32>, vector<16xi1> -> vector<16xf32>
          %reduce_sum3A_682 = vector.extract %reduce_sum3A_681[15] : f32 from vector<16xf32>
          %add3A_683 = arith.addf %scan3A_627, %reduce_sum3A_682 : f32
          %scan3A_684 = arith.constant 1 : i32
          %scan3A_685 = arith.addi %scan3A_621, %scan3A_684 : i32
          %mul3A_686 = arith.constant 16 : i32
          %mul3A_687 = arith.muli %scan3A_685, %mul3A_686 : i32
          %get3A_688 = arith.index_cast %mul3A_687 : i32 to index
          %get3A_689 = tpu.vector_load %arg9[%get3A_688] {strides = array<i32>} : memref<4096xi32, #tpu.memory_space<vmem>>, vector<16xi32>,
          %mul3A_690 = arith.constant 16 : i32
          %mul3A_691 = arith.muli %scan3A_685, %mul3A_690 : i32
          %get3A_692 = arith.index_cast %mul3A_691 : i32 to index
          %get3A_693 = tpu.vector_load %arg10[%get3A_692] {strides = array<i32>} : memref<4096xf32, #tpu.memory_space<vmem>>, vector<16xf32>,
          %broadcast_in_dim3A_694 = vector.broadcast %add3A_678 : i32 to vector<16xi32>
          %broadcast_in_dim3A_695 = arith.constant true
          %broadcast_in_dim3A_696 = vector.broadcast %broadcast_in_dim3A_695 : i1 to vector<16xi1>
          %masked_cumsum3A_697 = tpu.scan <sum>, %get3A_689 masked %broadcast_in_dim3A_696 : vector<16xi32>, vector<16xi1> -> vector<16xi32>
          %add3A_698 = arith.addi %broadcast_in_dim3A_694, %masked_cumsum3A_697 : vector<16xi32>
          %broadcast_in_dim3A_699 = vector.broadcast %add3A_683 : f32 to vector<16xf32>
          %broadcast_in_dim3A_700 = arith.constant true
          %broadcast_in_dim3A_701 = vector.broadcast %broadcast_in_dim3A_700 : i1 to vector<16xi1>
          %masked_cumsum3A_702 = tpu.scan <sum>, %get3A_693 masked %broadcast_in_dim3A_701 : vector<16xf32>, vector<16xi1> -> vector<16xf32>
          %add3A_703 = arith.addf %broadcast_in_dim3A_699, %masked_cumsum3A_702 : vector<16xf32>
          %sub3A_704 = arith.subi %broadcast_in_dim3A_548, %add3A_698 : vector<16xi32>
          %lt3A_705 = arith.cmpi slt, %sub3A_704, %broadcast_in_dim3A_546 : vector<16xi32>
          %sub3A_706 = arith.subf %broadcast_in_dim3A_549, %add3A_703 : vector<16xf32>
          %le3A_707 = arith.cmpf ole, %sub3A_706, %broadcast_in_dim3A_547 : vector<16xf32>
          %and3A_708 = arith.andi %lt3A_705, %le3A_707 : vector<16xi1>
          %all_reduce_population_count3A_709 = tpu.all_reduce %and3A_708 {dim = 0 : i64, kind = #tpu.reduction_kind<sum>} : vector<16xi1> -> vector<16xi32>
          %reduce_sum3A_710 = arith.constant true
          %reduce_sum3A_711 = vector.broadcast %reduce_sum3A_710 : i1 to vector<16xi1>
          %reduce_sum3A_712 = tpu.scan <sum>, %all_reduce_population_count3A_709 masked %reduce_sum3A_711 : vector<16xi32>, vector<16xi1> -> vector<16xi32>
          %reduce_sum3A_713 = vector.extract %reduce_sum3A_712[15] : i32 from vector<16xi32>
          %all_reduce_ffs3A_714 = tpu.all_reduce %and3A_708 {dim = 0 : i64, kind = #tpu.reduction_kind<find_first_set>} : vector<16xi1> -> vector<16xi32>
          %reduce_sum3A_715 = arith.constant true
          %reduce_sum3A_716 = vector.broadcast %reduce_sum3A_715 : i1 to vector<16xi1>
          %reduce_sum3A_717 = tpu.scan <sum>, %all_reduce_ffs3A_714 masked %reduce_sum3A_716 : vector<16xi32>, vector<16xi1> -> vector<16xi32>
          %reduce_sum3A_718 = vector.extract %reduce_sum3A_717[15] : i32 from vector<16xi32>
          %shift_right_arithmetic3A_719 = arith.constant 4 : i32
          %shift_right_arithmetic3A_720 = arith.shrsi %reduce_sum3A_718, %shift_right_arithmetic3A_719 : i32
          %gt3A_721 = arith.constant 0 : i32
          %gt3A_722 = arith.cmpi sgt, %reduce_sum3A_713, %gt3A_721 : i32
          %eq3A_723 = arith.constant 0 : i32
          %eq3A_724 = arith.cmpi eq, %select_n3A_673, %eq3A_723 : i32
          %and3A_725 = arith.andi %gt3A_722, %eq3A_724 : i1
          %mul3A_726 = arith.constant 16 : i32
          %mul3A_727 = arith.muli %scan3A_685, %mul3A_726 : i32
          %add3A_728 = arith.addi %mul3A_727, %shift_right_arithmetic3A_720 : i32
          %select_n3A_729 = arith.select %and3A_725, %add3A_728, %select_n3A_669 : i32
          %select_n3A_730 = arith.select %and3A_725, %add3A_678, %select_n3A_670 : i32
          %select_n3A_731 = arith.select %and3A_725, %add3A_683, %select_n3A_671 : f32
          %jit3A_732 = arith.constant 1 : i32
          %select_n3A_733 = arith.select %and3A_725, %jit3A_732, %select_n3A_673 : i32
          %reduce_sum3A_734 = arith.constant true
          %reduce_sum3A_735 = vector.broadcast %reduce_sum3A_734 : i1 to vector<16xi1>
          %reduce_sum3A_736 = tpu.scan <sum>, %get3A_689 masked %reduce_sum3A_735 : vector<16xi32>, vector<16xi1> -> vector<16xi32>
          %reduce_sum3A_737 = vector.extract %reduce_sum3A_736[15] : i32 from vector<16xi32>
          %add3A_738 = arith.addi %add3A_678, %reduce_sum3A_737 : i32
          %reduce_sum3A_739 = arith.constant true
          %reduce_sum3A_740 = vector.broadcast %reduce_sum3A_739 : i1 to vector<16xi1>
          %reduce_sum3A_741 = tpu.scan <sum>, %get3A_693 masked %reduce_sum3A_740 : vector<16xf32>, vector<16xi1> -> vector<16xf32>
          %reduce_sum3A_742 = vector.extract %reduce_sum3A_741[15] : f32 from vector<16xf32>
          %add3A_743 = arith.addf %add3A_683, %reduce_sum3A_742 : f32
          scf.yield %select_n3A_733, %select_n3A_729, %select_n3A_730, %select_n3A_731, %add3A_738, %add3A_743 : i32, i32, i32, f32, i32, f32
        }
        %scan3A_561 = arith.constant 16 : i32
        %shift_right_arithmetic3A_562 = arith.constant 4 : i32
        %shift_right_arithmetic3A_563 = arith.shrsi %scan3A_560#1, %shift_right_arithmetic3A_562 : i32
        %shift_left3A_564 = arith.constant 4 : i32
        %shift_left3A_565 = arith.shli %shift_right_arithmetic3A_563, %shift_left3A_564 : i32
        %and3A_566 = arith.constant 15 : i32
        %and3A_567 = arith.andi %scan3A_560#1, %and3A_566 : i32
        %broadcast_in_dim3A_568 = vector.broadcast %and3A_567 : i32 to vector<16xi32>
        %get3A_569 = arith.index_cast %shift_left3A_565 : i32 to index
        %get3A_570 = tpu.vector_load %arg9[%get3A_569] {strides = array<i32>} : memref<4096xi32, #tpu.memory_space<vmem>>, vector<16xi32>,
        %get3A_571 = arith.index_cast %shift_left3A_565 : i32 to index
        %get3A_572 = tpu.vector_load %arg10[%get3A_571] {strides = array<i32>} : memref<4096xf32, #tpu.memory_space<vmem>>, vector<16xf32>,
        %broadcast_in_dim3A_573 = vector.broadcast %scan3A_560#2 : i32 to vector<16xi32>
        %broadcast_in_dim3A_574 = arith.constant true
        %broadcast_in_dim3A_575 = vector.broadcast %broadcast_in_dim3A_574 : i1 to vector<16xi1>
        %masked_cumsum3A_576 = tpu.scan <sum>, %get3A_570 masked %broadcast_in_dim3A_575 : vector<16xi32>, vector<16xi1> -> vector<16xi32>
        %add3A_577 = arith.addi %broadcast_in_dim3A_573, %masked_cumsum3A_576 : vector<16xi32>
        %broadcast_in_dim3A_578 = vector.broadcast %scan3A_560#3 : f32 to vector<16xf32>
        %broadcast_in_dim3A_579 = arith.constant true
        %broadcast_in_dim3A_580 = vector.broadcast %broadcast_in_dim3A_579 : i1 to vector<16xi1>
        %masked_cumsum3A_581 = tpu.scan <sum>, %get3A_572 masked %broadcast_in_dim3A_580 : vector<16xf32>, vector<16xi1> -> vector<16xf32>
        %add3A_582 = arith.addf %broadcast_in_dim3A_578, %masked_cumsum3A_581 : vector<16xf32>
        %iota3A_583 = tpu.iota {dimensions = array<i32: 0>} : vector<16xi32>
        %eq3A_584 = arith.cmpi eq, %iota3A_583, %broadcast_in_dim3A_568 : vector<16xi32>
        %broadcast_in_dim3A_585 = arith.constant 0 : i32
        %broadcast_in_dim3A_586 = vector.broadcast %broadcast_in_dim3A_585 : i32 to vector<16xi32>
        %select_n3A_587 = arith.select %eq3A_584, %add3A_577, %broadcast_in_dim3A_586 : vector<16xi1>, vector<16xi32>
        %reduce_sum3A_588 = arith.constant true
        %reduce_sum3A_589 = vector.broadcast %reduce_sum3A_588 : i1 to vector<16xi1>
        %reduce_sum3A_590 = tpu.scan <sum>, %select_n3A_587 masked %reduce_sum3A_589 : vector<16xi32>, vector<16xi1> -> vector<16xi32>
        %reduce_sum3A_591 = vector.extract %reduce_sum3A_590[15] : i32 from vector<16xi32>
        %sub3A_592 = arith.subi %add3A_544, %reduce_sum3A_591 : i32
        %iota3A_593 = tpu.iota {dimensions = array<i32: 0>} : vector<16xi32>
        %eq3A_594 = arith.cmpi eq, %iota3A_593, %broadcast_in_dim3A_568 : vector<16xi32>
        %broadcast_in_dim3A_595 = arith.constant 0.000000e+00 : f32
        %broadcast_in_dim3A_596 = vector.broadcast %broadcast_in_dim3A_595 : f32 to vector<16xf32>
        %select_n3A_597 = arith.select %eq3A_594, %add3A_582, %broadcast_in_dim3A_596 : vector<16xi1>, vector<16xf32>
        %reduce_sum3A_598 = arith.constant true
        %reduce_sum3A_599 = vector.broadcast %reduce_sum3A_598 : i1 to vector<16xi1>
        %reduce_sum3A_600 = tpu.scan <sum>, %select_n3A_597 masked %reduce_sum3A_599 : vector<16xf32>, vector<16xi1> -> vector<16xf32>
        %reduce_sum3A_601 = vector.extract %reduce_sum3A_600[15] : f32 from vector<16xf32>
        %sub3A_602 = arith.subf %add3A_545, %reduce_sum3A_601 : f32
        %iota3A_603 = tpu.iota {dimensions = array<i32: 0>} : vector<16xi32>
        %eq3A_604 = arith.cmpi eq, %iota3A_603, %broadcast_in_dim3A_568 : vector<16xi32>
        %broadcast_in_dim3A_605 = arith.constant 0 : i32
        %broadcast_in_dim3A_606 = vector.broadcast %broadcast_in_dim3A_605 : i32 to vector<16xi32>
        %select_n3A_607 = arith.select %eq3A_604, %get3A_570, %broadcast_in_dim3A_606 : vector<16xi1>, vector<16xi32>
        %reduce_sum3A_608 = arith.constant true
        %reduce_sum3A_609 = vector.broadcast %reduce_sum3A_608 : i1 to vector<16xi1>
        %reduce_sum3A_610 = tpu.scan <sum>, %select_n3A_607 masked %reduce_sum3A_609 : vector<16xi32>, vector<16xi1> -> vector<16xi32>
        %reduce_sum3A_611 = vector.extract %reduce_sum3A_610[15] : i32 from vector<16xi32>
        %iota3A_612 = tpu.iota {dimensions = array<i32: 0>} : vector<16xi32>
        %eq3A_613 = arith.cmpi eq, %iota3A_612, %broadcast_in_dim3A_568 : vector<16xi32>
        %broadcast_in_dim3A_614 = arith.constant 0.000000e+00 : f32
        %broadcast_in_dim3A_615 = vector.broadcast %broadcast_in_dim3A_614 : f32 to vector<16xf32>
        %select_n3A_616 = arith.select %eq3A_613, %get3A_572, %broadcast_in_dim3A_615 : vector<16xi1>, vector<16xf32>
        %reduce_sum3A_617 = arith.constant true
        %reduce_sum3A_618 = vector.broadcast %reduce_sum3A_617 : i1 to vector<16xi1>
        %reduce_sum3A_619 = tpu.scan <sum>, %select_n3A_616 masked %reduce_sum3A_618 : vector<16xf32>, vector<16xi1> -> vector<16xf32>
        %reduce_sum3A_620 = vector.extract %reduce_sum3A_619[15] : f32 from vector<16xf32>
        scf.yield %or3A_476, %scan3A_560#1, %sub3A_592, %sub3A_602, %reduce_sum3A_611 : i32, i32, i32, f32, i32
      }
      %shift_left3A_210 = arith.constant 8 : i32
      %shift_left3A_211 = arith.shli %cond3A_209#0, %shift_left3A_210 : i32
      %or3A = arith.ori %shift_left3A_211, %cond3A_209#1 : i32
      %broadcast_in_dim3A_212 = vector.broadcast %or3A : i32 to vector<16xi32>
      %ge3A_213 = arith.constant 0 : i32
      %ge3A_214 = vector.broadcast %ge3A_213 : i32 to vector<16xi32>
      %ge3A_215 = arith.cmpi sge, %broadcast_in_dim3A_212, %ge3A_214 : vector<16xi32>
      %xor3A_216 = arith.constant 2147483647 : i32
      %xor3A_217 = vector.broadcast %xor3A_216 : i32 to vector<16xi32>
      %xor3A_218 = arith.xori %broadcast_in_dim3A_212, %xor3A_217 : vector<16xi32>
      %select_n3A_219 = arith.select %ge3A_215, %broadcast_in_dim3A_212, %xor3A_218 : vector<16xi1>, vector<16xi32>
      %bitcast3A_220 = vector.bitcast %select_n3A_219 : vector<16xi32> to vector<16xf32>
      %sub3A_221 = arith.subf %bitcast3A_220, %broadcast_in_dim3A_60 : vector<16xf32>
      %exp3A_222 = math.exp %sub3A_221 : vector<16xf32>
      %broadcast_in_dim3A_223 = arith.constant 0 : i32
      %broadcast_in_dim3A_224 = vector.broadcast %broadcast_in_dim3A_223 : i32 to vector<16xi32>
      %iota3A_225 = tpu.iota {dimensions = array<i32: 0>} : vector<16xi32>
      %eq3A_226 = arith.cmpi eq, %iota3A_225, %broadcast_in_dim3A_224 : vector<16xi32>
      %broadcast_in_dim3A_227 = arith.constant 0.000000e+00 : f32
      %broadcast_in_dim3A_228 = vector.broadcast %broadcast_in_dim3A_227 : f32 to vector<16xf32>
      %select_n3A_229 = arith.select %eq3A_226, %exp3A_222, %broadcast_in_dim3A_228 : vector<16xi1>, vector<16xf32>
      %reduce_sum3A_230 = arith.constant true
      %reduce_sum3A_231 = vector.broadcast %reduce_sum3A_230 : i1 to vector<16xi1>
      %reduce_sum3A_232 = tpu.scan <sum>, %select_n3A_229 masked %reduce_sum3A_231 : vector<16xf32>, vector<16xi1> -> vector<16xf32>
      %reduce_sum3A_233 = vector.extract %reduce_sum3A_232[15] : f32 from vector<16xf32>
      %convert_element_type3A_234 = arith.sitofp %cond3A_209#4 : i32 to f32
      %sub3A_235 = arith.subf %mul3A_120, %cond3A_209#3 : f32
      %broadcast_in_dim3A_236 = vector.broadcast %sub3A_235 : f32 to vector<16xf32>
      %div3A = arith.divf %broadcast_in_dim3A_236, %exp3A_222 : vector<16xf32>
      %broadcast_in_dim3A_237 = vector.broadcast %convert_element_type3A_234 : f32 to vector<16xf32>
      %min3A = arith.minimumf %div3A, %broadcast_in_dim3A_237 : vector<16xf32>
      %convert_element_type3A_238 = arith.fptosi %min3A : vector<16xf32> to vector<16xi32>
      %add3A_239 = arith.constant 1 : i32
      %add3A_240 = vector.broadcast %add3A_239 : i32 to vector<16xi32>
      %add3A_241 = arith.addi %convert_element_type3A_238, %add3A_240 : vector<16xi32>
      %gt3A = arith.constant 0.000000e+00 : f32
      %gt3A_242 = vector.broadcast %gt3A : f32 to vector<16xf32>
      %gt3A_243 = arith.cmpf ogt, %exp3A_222, %gt3A_242 : vector<16xf32>
      %broadcast_in_dim3A_244 = vector.broadcast %cond3A_209#4 : i32 to vector<16xi32>
      %select_n3A_245 = arith.select %gt3A_243, %add3A_241, %broadcast_in_dim3A_244 : vector<16xi1>, vector<16xi32>
      %iota3A_246 = tpu.iota {dimensions = array<i32: 0>} : vector<16xi32>
      %eq3A_247 = arith.cmpi eq, %iota3A_246, %broadcast_in_dim3A_224 : vector<16xi32>
      %broadcast_in_dim3A_248 = arith.constant 0 : i32
      %broadcast_in_dim3A_249 = vector.broadcast %broadcast_in_dim3A_248 : i32 to vector<16xi32>
      %select_n3A_250 = arith.select %eq3A_247, %select_n3A_245, %broadcast_in_dim3A_249 : vector<16xi1>, vector<16xi32>
      %reduce_sum3A_251 = arith.constant true
      %reduce_sum3A_252 = vector.broadcast %reduce_sum3A_251 : i1 to vector<16xi1>
      %reduce_sum3A_253 = tpu.scan <sum>, %select_n3A_250 masked %reduce_sum3A_252 : vector<16xi32>, vector<16xi1> -> vector<16xi32>
      %reduce_sum3A_254 = vector.extract %reduce_sum3A_253[15] : i32 from vector<16xi32>
      %min3A_255 = arith.minsi %reduce_sum3A_254, %cond3A_209#4 : i32
      %max3A_256 = arith.constant 1 : i32
      %max3A_257 = arith.maxsi %min3A_255, %max3A_256 : i32
      %add3A_258 = arith.addi %cond3A_209#2, %max3A_257 : i32
      %min3A_259 = arith.minsi %reduce_sum3A_35, %add3A_258 : i32
      %sub3A_260 = arith.subi %min3A_259, %cond3A_209#2 : i32
      %lt3A = arith.constant 100000 : i32
      %lt3A_261 = arith.cmpi slt, %min3A_259, %lt3A : i32
      %jit3A = arith.constant -1.000000e+09 : f32
      %jit3A_262 = arith.constant 0xFF800000 : f32
      %select_n3A_263 = arith.select %lt3A_261, %jit3A, %jit3A_262 : f32
      %max3A_264 = arith.maximumf %reduce_max3A_59, %select_n3A_263 : f32
      %broadcast_in_dim3A_265 = vector.broadcast %max3A_264 : f32 to vector<16xf32>
      %broadcast_in_dim3A_266 = arith.constant -1.000000e+09 : f32
      %broadcast_in_dim3A_267 = vector.broadcast %broadcast_in_dim3A_266 : f32 to vector<16xf32>
      %sub3A_268 = arith.subf %broadcast_in_dim3A_267, %broadcast_in_dim3A_265 : vector<16xf32>
      %exp3A_269 = math.exp %sub3A_268 : vector<16xf32>
      %iota3A_270 = tpu.iota {dimensions = array<i32: 0>} : vector<16xi32>
      %eq3A_271 = arith.cmpi eq, %iota3A_270, %broadcast_in_dim3A_224 : vector<16xi32>
      %broadcast_in_dim3A_272 = arith.constant 0.000000e+00 : f32
      %broadcast_in_dim3A_273 = vector.broadcast %broadcast_in_dim3A_272 : f32 to vector<16xf32>
      %select_n3A_274 = arith.select %eq3A_271, %exp3A_269, %broadcast_in_dim3A_273 : vector<16xi1>, vector<16xf32>
      %reduce_sum3A_275 = arith.constant true
      %reduce_sum3A_276 = vector.broadcast %reduce_sum3A_275 : i1 to vector<16xi1>
      %reduce_sum3A_277 = tpu.scan <sum>, %select_n3A_274 masked %reduce_sum3A_276 : vector<16xf32>, vector<16xi1> -> vector<16xf32>
      %reduce_sum3A_278 = vector.extract %reduce_sum3A_277[15] : f32 from vector<16xf32>
      %jit3A_279 = arith.constant 0.000000e+00 : f32
      %select_n3A_280 = arith.select %lt3A_261, %reduce_sum3A_278, %jit3A_279 : f32
      %sub3A_281 = arith.subf %broadcast_in_dim3A_60, %broadcast_in_dim3A_265 : vector<16xf32>
      %exp3A_282 = math.exp %sub3A_281 : vector<16xf32>
      %iota3A_283 = tpu.iota {dimensions = array<i32: 0>} : vector<16xi32>
      %eq3A_284 = arith.cmpi eq, %iota3A_283, %broadcast_in_dim3A_224 : vector<16xi32>
      %broadcast_in_dim3A_285 = arith.constant 0.000000e+00 : f32
      %broadcast_in_dim3A_286 = vector.broadcast %broadcast_in_dim3A_285 : f32 to vector<16xf32>
      %select_n3A_287 = arith.select %eq3A_284, %exp3A_282, %broadcast_in_dim3A_286 : vector<16xi1>, vector<16xf32>
      %reduce_sum3A_288 = arith.constant true
      %reduce_sum3A_289 = vector.broadcast %reduce_sum3A_288 : i1 to vector<16xi1>
      %reduce_sum3A_290 = tpu.scan <sum>, %select_n3A_287 masked %reduce_sum3A_289 : vector<16xf32>, vector<16xi1> -> vector<16xf32>
      %reduce_sum3A_291 = vector.extract %reduce_sum3A_290[15] : f32 from vector<16xf32>
      %convert_element_type3A_292 = arith.sitofp %sub3A_260 : i32 to f32
      %mul3A_293 = arith.mulf %convert_element_type3A_292, %reduce_sum3A_233 : f32
      %add3A_294 = arith.addf %cond3A_209#3, %mul3A_293 : f32
      %mul3A_295 = arith.mulf %add3A_294, %reduce_sum3A_291 : f32
      %sub3A_296 = arith.constant 100000 : i32
      %sub3A_297 = arith.subi %sub3A_296, %min3A_259 : i32
      %convert_element_type3A_298 = arith.sitofp %sub3A_297 : i32 to f32
      %mul3A_299 = arith.mulf %convert_element_type3A_298, %select_n3A_280 : f32
      %add3A_300 = arith.addf %mul3A_295, %mul3A_299 : f32
      %broadcast_in_dim3A_301 = arith.constant 1.000000e+00 : f32
      %broadcast_in_dim3A_302 = vector.broadcast %broadcast_in_dim3A_301 : f32 to vector<16xf32>
      %broadcast_in_dim3A_303 = vector.broadcast %add3A_300 : f32 to vector<16xf32>
      %div3A_304 = arith.divf %broadcast_in_dim3A_302, %broadcast_in_dim3A_303 : vector<16xf32>
      %broadcast_in_dim3A_305 = vector.broadcast %select_n3A_280 : f32 to vector<16xf32>
      %mul3A_306 = arith.mulf %broadcast_in_dim3A_305, %div3A_304 : vector<16xf32>
      %broadcast_in_dim3A_307 = vector.broadcast %sub3A_260 : i32 to vector<16xi32>
      %eq3A_308 = arith.cmpi eq, %sub3A_260, %cond3A_209#4 : i32
      %convert_element_type3A_309 = arith.extui %eq3A_308 : i1 to i32
      %cond3A_310 = arith.constant 0 : i32
      %cond3A_311 = arith.cmpi ne, %convert_element_type3A_309, %cond3A_310 : i32
      %cond3A_312 = scf.if %cond3A_311 -> (i32) {
        %scan3A_313 = arith.constant 0 : i32
        %scan3A_314 = arith.constant 0 : i32
        %scan3A_315 = arith.constant 6248 : i32
        %scan3A_316 = arith.addi %scan3A_314, %scan3A_315 : i32
        %scan3A_317 = arith.constant 8 : i32
        scf.for %scan3A_365 = %scan3A_314 to %scan3A_316 step %scan3A_317  : i32 {
          %mul3A_366 = arith.constant 16 : i32
          %mul3A_367 = arith.muli %scan3A_365, %mul3A_366 : i32
          %get3A_368 = arith.index_cast %mul3A_367 : i32 to index
          %get3A_369 = tpu.vector_load %arg6[%get3A_368] {strides = array<i32>} : memref<100000xf32, #tpu.memory_space<vmem>>, vector<16xf32>,
          %bitcast3A_370 = vector.bitcast %get3A_369 : vector<16xf32> to vector<16xi32>
          %ge3A_371 = arith.constant 0 : i32
          %ge3A_372 = vector.broadcast %ge3A_371 : i32 to vector<16xi32>
          %ge3A_373 = arith.cmpi sge, %bitcast3A_370, %ge3A_372 : vector<16xi32>
          %xor3A_374 = arith.constant 2147483647 : i32
          %xor3A_375 = vector.broadcast %xor3A_374 : i32 to vector<16xi32>
          %xor3A_376 = arith.xori %bitcast3A_370, %xor3A_375 : vector<16xi32>
          %select_n3A_377 = arith.select %ge3A_373, %bitcast3A_370, %xor3A_376 : vector<16xi1>, vector<16xi32>
          %ge3A_378 = arith.cmpi sge, %select_n3A_377, %broadcast_in_dim3A_212 : vector<16xi32>
          %sub3A_379 = arith.subf %get3A_369, %broadcast_in_dim3A_265 : vector<16xf32>
          %exp3A_380 = math.exp %sub3A_379 : vector<16xf32>
          %mul3A_381 = arith.mulf %exp3A_380, %div3A_304 : vector<16xf32>
          %select_n3A_382 = arith.select %ge3A_378, %mul3A_381, %mul3A_306 : vector<16xi1>, vector<16xf32>
          %mul3A_383 = arith.constant 16 : i32
          %mul3A_384 = arith.muli %scan3A_365, %mul3A_383 : i32
          %swap3A_385 = arith.index_cast %mul3A_384 : i32 to index
          %swap3A_386 = tpu.vector_load %arg6[%swap3A_385] {strides = array<i32>} : memref<100000xf32, #tpu.memory_space<vmem>>, vector<16xf32>,
          tpu.vector_store %arg6[%swap3A_385], %select_n3A_382 {strides = array<i32>} : memref<100000xf32, #tpu.memory_space<vmem>>, vector<16xf32>,
          %scan3A_387 = arith.constant 1 : i32
          %scan3A_388 = arith.addi %scan3A_365, %scan3A_387 : i32
          %mul3A_389 = arith.constant 16 : i32
          %mul3A_390 = arith.muli %scan3A_388, %mul3A_389 : i32
          %get3A_391 = arith.index_cast %mul3A_390 : i32 to index
          %get3A_392 = tpu.vector_load %arg6[%get3A_391] {strides = array<i32>} : memref<100000xf32, #tpu.memory_space<vmem>>, vector<16xf32>,
          %bitcast3A_393 = vector.bitcast %get3A_392 : vector<16xf32> to vector<16xi32>
          %ge3A_394 = arith.constant 0 : i32
          %ge3A_395 = vector.broadcast %ge3A_394 : i32 to vector<16xi32>
          %ge3A_396 = arith.cmpi sge, %bitcast3A_393, %ge3A_395 : vector<16xi32>
          %xor3A_397 = arith.constant 2147483647 : i32
          %xor3A_398 = vector.broadcast %xor3A_397 : i32 to vector<16xi32>
          %xor3A_399 = arith.xori %bitcast3A_393, %xor3A_398 : vector<16xi32>
          %select_n3A_400 = arith.select %ge3A_396, %bitcast3A_393, %xor3A_399 : vector<16xi1>, vector<16xi32>
          %ge3A_401 = arith.cmpi sge, %select_n3A_400, %broadcast_in_dim3A_212 : vector<16xi32>
          %sub3A_402 = arith.subf %get3A_392, %broadcast_in_dim3A_265 : vector<16xf32>
          %exp3A_403 = math.exp %sub3A_402 : vector<16xf32>
          %mul3A_404 = arith.mulf %exp3A_403, %div3A_304 : vector<16xf32>
          %select_n3A_405 = arith.select %ge3A_401, %mul3A_404, %mul3A_306 : vector<16xi1>, vector<16xf32>
          %mul3A_406 = arith.constant 16 : i32
          %mul3A_407 = arith.muli %scan3A_388, %mul3A_406 : i32
          %swap3A_408 = arith.index_cast %mul3A_407 : i32 to index
          %swap3A_409 = tpu.vector_load %arg6[%swap3A_408] {strides = array<i32>} : memref<100000xf32, #tpu.memory_space<vmem>>, vector<16xf32>,
          tpu.vector_store %arg6[%swap3A_408], %select_n3A_405 {strides = array<i32>} : memref<100000xf32, #tpu.memory_space<vmem>>, vector<16xf32>,
          %scan3A_410 = arith.constant 2 : i32
          %scan3A_411 = arith.addi %scan3A_365, %scan3A_410 : i32
          %mul3A_412 = arith.constant 16 : i32
          %mul3A_413 = arith.muli %scan3A_411, %mul3A_412 : i32
          %get3A_414 = arith.index_cast %mul3A_413 : i32 to index
          %get3A_415 = tpu.vector_load %arg6[%get3A_414] {strides = array<i32>} : memref<100000xf32, #tpu.memory_space<vmem>>, vector<16xf32>,
          %bitcast3A_416 = vector.bitcast %get3A_415 : vector<16xf32> to vector<16xi32>
          %ge3A_417 = arith.constant 0 : i32
          %ge3A_418 = vector.broadcast %ge3A_417 : i32 to vector<16xi32>
          %ge3A_419 = arith.cmpi sge, %bitcast3A_416, %ge3A_418 : vector<16xi32>
          %xor3A_420 = arith.constant 2147483647 : i32
          %xor3A_421 = vector.broadcast %xor3A_420 : i32 to vector<16xi32>
          %xor3A_422 = arith.xori %bitcast3A_416, %xor3A_421 : vector<16xi32>
          %select_n3A_423 = arith.select %ge3A_419, %bitcast3A_416, %xor3A_422 : vector<16xi1>, vector<16xi32>
          %ge3A_424 = arith.cmpi sge, %select_n3A_423, %broadcast_in_dim3A_212 : vector<16xi32>
          %sub3A_425 = arith.subf %get3A_415, %broadcast_in_dim3A_265 : vector<16xf32>
          %exp3A_426 = math.exp %sub3A_425 : vector<16xf32>
          %mul3A_427 = arith.mulf %exp3A_426, %div3A_304 : vector<16xf32>
          %select_n3A_428 = arith.select %ge3A_424, %mul3A_427, %mul3A_306 : vector<16xi1>, vector<16xf32>
          %mul3A_429 = arith.constant 16 : i32
          %mul3A_430 = arith.muli %scan3A_411, %mul3A_429 : i32
          %swap3A_431 = arith.index_cast %mul3A_430 : i32 to index
          %swap3A_432 = tpu.vector_load %arg6[%swap3A_431] {strides = array<i32>} : memref<100000xf32, #tpu.memory_space<vmem>>, vector<16xf32>,
          tpu.vector_store %arg6[%swap3A_431], %select_n3A_428 {strides = array<i32>} : memref<100000xf32, #tpu.memory_space<vmem>>, vector<16xf32>,
          %scan3A_433 = arith.constant 3 : i32
          %scan3A_434 = arith.addi %scan3A_365, %scan3A_433 : i32
          %mul3A_435 = arith.constant 16 : i32
          %mul3A_436 = arith.muli %scan3A_434, %mul3A_435 : i32
          %get3A_437 = arith.index_cast %mul3A_436 : i32 to index
          %get3A_438 = tpu.vector_load %arg6[%get3A_437] {strides = array<i32>} : memref<100000xf32, #tpu.memory_space<vmem>>, vector<16xf32>,
          %bitcast3A_439 = vector.bitcast %get3A_438 : vector<16xf32> to vector<16xi32>
          %ge3A_440 = arith.constant 0 : i32
          %ge3A_441 = vector.broadcast %ge3A_440 : i32 to vector<16xi32>
          %ge3A_442 = arith.cmpi sge, %bitcast3A_439, %ge3A_441 : vector<16xi32>
          %xor3A_443 = arith.constant 2147483647 : i32
          %xor3A_444 = vector.broadcast %xor3A_443 : i32 to vector<16xi32>
          %xor3A_445 = arith.xori %bitcast3A_439, %xor3A_444 : vector<16xi32>
          %select_n3A_446 = arith.select %ge3A_442, %bitcast3A_439, %xor3A_445 : vector<16xi1>, vector<16xi32>
          %ge3A_447 = arith.cmpi sge, %select_n3A_446, %broadcast_in_dim3A_212 : vector<16xi32>
          %sub3A_448 = arith.subf %get3A_438, %broadcast_in_dim3A_265 : vector<16xf32>
          %exp3A_449 = math.exp %sub3A_448 : vector<16xf32>
          %mul3A_450 = arith.mulf %exp3A_449, %div3A_304 : vector<16xf32>
          %select_n3A_451 = arith.select %ge3A_447, %mul3A_450, %mul3A_306 : vector<16xi1>, vector<16xf32>
          %mul3A_452 = arith.constant 16 : i32
          %mul3A_453 = arith.muli %scan3A_434, %mul3A_452 : i32
          %swap3A_454 = arith.index_cast %mul3A_453 : i32 to index
          %swap3A_455 = tpu.vector_load %arg6[%swap3A_454] {strides = array<i32>} : memref<100000xf32, #tpu.memory_space<vmem>>, vector<16xf32>,
          tpu.vector_store %arg6[%swap3A_454], %select_n3A_451 {strides = array<i32>} : memref<100000xf32, #tpu.memory_space<vmem>>, vector<16xf32>,
          %scan3A_456 = arith.constant 4 : i32
          %scan3A_457 = arith.addi %scan3A_365, %scan3A_456 : i32
          %mul3A_458 = arith.constant 16 : i32
          %mul3A_459 = arith.muli %scan3A_457, %mul3A_458 : i32
          %get3A_460 = arith.index_cast %mul3A_459 : i32 to index
          %get3A_461 = tpu.vector_load %arg6[%get3A_460] {strides = array<i32>} : memref<100000xf32, #tpu.memory_space<vmem>>, vector<16xf32>,
          %bitcast3A_462 = vector.bitcast %get3A_461 : vector<16xf32> to vector<16xi32>
          %ge3A_463 = arith.constant 0 : i32
          %ge3A_464 = vector.broadcast %ge3A_463 : i32 to vector<16xi32>
          %ge3A_465 = arith.cmpi sge, %bitcast3A_462, %ge3A_464 : vector<16xi32>
          %xor3A_466 = arith.constant 2147483647 : i32
          %xor3A_467 = vector.broadcast %xor3A_466 : i32 to vector<16xi32>
          %xor3A_468 = arith.xori %bitcast3A_462, %xor3A_467 : vector<16xi32>
          %select_n3A_469 = arith.select %ge3A_465, %bitcast3A_462, %xor3A_468 : vector<16xi1>, vector<16xi32>
          %ge3A_470 = arith.cmpi sge, %select_n3A_469, %broadcast_in_dim3A_212 : vector<16xi32>
          %sub3A_471 = arith.subf %get3A_461, %broadcast_in_dim3A_265 : vector<16xf32>
          %exp3A_472 = math.exp %sub3A_471 : vector<16xf32>
          %mul3A_473 = arith.mulf %exp3A_472, %div3A_304 : vector<16xf32>
          %select_n3A_474 = arith.select %ge3A_470, %mul3A_473, %mul3A_306 : vector<16xi1>, vector<16xf32>
          %mul3A_475 = arith.constant 16 : i32
          %mul3A_476 = arith.muli %scan3A_457, %mul3A_475 : i32
          %swap3A_477 = arith.index_cast %mul3A_476 : i32 to index
          %swap3A_478 = tpu.vector_load %arg6[%swap3A_477] {strides = array<i32>} : memref<100000xf32, #tpu.memory_space<vmem>>, vector<16xf32>,
          tpu.vector_store %arg6[%swap3A_477], %select_n3A_474 {strides = array<i32>} : memref<100000xf32, #tpu.memory_space<vmem>>, vector<16xf32>,
          %scan3A_479 = arith.constant 5 : i32
          %scan3A_480 = arith.addi %scan3A_365, %scan3A_479 : i32
          %mul3A_481 = arith.constant 16 : i32
          %mul3A_482 = arith.muli %scan3A_480, %mul3A_481 : i32
          %get3A_483 = arith.index_cast %mul3A_482 : i32 to index
          %get3A_484 = tpu.vector_load %arg6[%get3A_483] {strides = array<i32>} : memref<100000xf32, #tpu.memory_space<vmem>>, vector<16xf32>,
          %bitcast3A_485 = vector.bitcast %get3A_484 : vector<16xf32> to vector<16xi32>
          %ge3A_486 = arith.constant 0 : i32
          %ge3A_487 = vector.broadcast %ge3A_486 : i32 to vector<16xi32>
          %ge3A_488 = arith.cmpi sge, %bitcast3A_485, %ge3A_487 : vector<16xi32>
          %xor3A_489 = arith.constant 2147483647 : i32
          %xor3A_490 = vector.broadcast %xor3A_489 : i32 to vector<16xi32>
          %xor3A_491 = arith.xori %bitcast3A_485, %xor3A_490 : vector<16xi32>
          %select_n3A_492 = arith.select %ge3A_488, %bitcast3A_485, %xor3A_491 : vector<16xi1>, vector<16xi32>
          %ge3A_493 = arith.cmpi sge, %select_n3A_492, %broadcast_in_dim3A_212 : vector<16xi32>
          %sub3A_494 = arith.subf %get3A_484, %broadcast_in_dim3A_265 : vector<16xf32>
          %exp3A_495 = math.exp %sub3A_494 : vector<16xf32>
          %mul3A_496 = arith.mulf %exp3A_495, %div3A_304 : vector<16xf32>
          %select_n3A_497 = arith.select %ge3A_493, %mul3A_496, %mul3A_306 : vector<16xi1>, vector<16xf32>
          %mul3A_498 = arith.constant 16 : i32
          %mul3A_499 = arith.muli %scan3A_480, %mul3A_498 : i32
          %swap3A_500 = arith.index_cast %mul3A_499 : i32 to index
          %swap3A_501 = tpu.vector_load %arg6[%swap3A_500] {strides = array<i32>} : memref<100000xf32, #tpu.memory_space<vmem>>, vector<16xf32>,
          tpu.vector_store %arg6[%swap3A_500], %select_n3A_497 {strides = array<i32>} : memref<100000xf32, #tpu.memory_space<vmem>>, vector<16xf32>,
          %scan3A_502 = arith.constant 6 : i32
          %scan3A_503 = arith.addi %scan3A_365, %scan3A_502 : i32
          %mul3A_504 = arith.constant 16 : i32
          %mul3A_505 = arith.muli %scan3A_503, %mul3A_504 : i32
          %get3A_506 = arith.index_cast %mul3A_505 : i32 to index
          %get3A_507 = tpu.vector_load %arg6[%get3A_506] {strides = array<i32>} : memref<100000xf32, #tpu.memory_space<vmem>>, vector<16xf32>,
          %bitcast3A_508 = vector.bitcast %get3A_507 : vector<16xf32> to vector<16xi32>
          %ge3A_509 = arith.constant 0 : i32
          %ge3A_510 = vector.broadcast %ge3A_509 : i32 to vector<16xi32>
          %ge3A_511 = arith.cmpi sge, %bitcast3A_508, %ge3A_510 : vector<16xi32>
          %xor3A_512 = arith.constant 2147483647 : i32
          %xor3A_513 = vector.broadcast %xor3A_512 : i32 to vector<16xi32>
          %xor3A_514 = arith.xori %bitcast3A_508, %xor3A_513 : vector<16xi32>
          %select_n3A_515 = arith.select %ge3A_511, %bitcast3A_508, %xor3A_514 : vector<16xi1>, vector<16xi32>
          %ge3A_516 = arith.cmpi sge, %select_n3A_515, %broadcast_in_dim3A_212 : vector<16xi32>
          %sub3A_517 = arith.subf %get3A_507, %broadcast_in_dim3A_265 : vector<16xf32>
          %exp3A_518 = math.exp %sub3A_517 : vector<16xf32>
          %mul3A_519 = arith.mulf %exp3A_518, %div3A_304 : vector<16xf32>
          %select_n3A_520 = arith.select %ge3A_516, %mul3A_519, %mul3A_306 : vector<16xi1>, vector<16xf32>
          %mul3A_521 = arith.constant 16 : i32
          %mul3A_522 = arith.muli %scan3A_503, %mul3A_521 : i32
          %swap3A_523 = arith.index_cast %mul3A_522 : i32 to index
          %swap3A_524 = tpu.vector_load %arg6[%swap3A_523] {strides = array<i32>} : memref<100000xf32, #tpu.memory_space<vmem>>, vector<16xf32>,
          tpu.vector_store %arg6[%swap3A_523], %select_n3A_520 {strides = array<i32>} : memref<100000xf32, #tpu.memory_space<vmem>>, vector<16xf32>,
          %scan3A_525 = arith.constant 7 : i32
          %scan3A_526 = arith.addi %scan3A_365, %scan3A_525 : i32
          %mul3A_527 = arith.constant 16 : i32
          %mul3A_528 = arith.muli %scan3A_526, %mul3A_527 : i32
          %get3A_529 = arith.index_cast %mul3A_528 : i32 to index
          %get3A_530 = tpu.vector_load %arg6[%get3A_529] {strides = array<i32>} : memref<100000xf32, #tpu.memory_space<vmem>>, vector<16xf32>,
          %bitcast3A_531 = vector.bitcast %get3A_530 : vector<16xf32> to vector<16xi32>
          %ge3A_532 = arith.constant 0 : i32
          %ge3A_533 = vector.broadcast %ge3A_532 : i32 to vector<16xi32>
          %ge3A_534 = arith.cmpi sge, %bitcast3A_531, %ge3A_533 : vector<16xi32>
          %xor3A_535 = arith.constant 2147483647 : i32
          %xor3A_536 = vector.broadcast %xor3A_535 : i32 to vector<16xi32>
          %xor3A_537 = arith.xori %bitcast3A_531, %xor3A_536 : vector<16xi32>
          %select_n3A_538 = arith.select %ge3A_534, %bitcast3A_531, %xor3A_537 : vector<16xi1>, vector<16xi32>
          %ge3A_539 = arith.cmpi sge, %select_n3A_538, %broadcast_in_dim3A_212 : vector<16xi32>
          %sub3A_540 = arith.subf %get3A_530, %broadcast_in_dim3A_265 : vector<16xf32>
          %exp3A_541 = math.exp %sub3A_540 : vector<16xf32>
          %mul3A_542 = arith.mulf %exp3A_541, %div3A_304 : vector<16xf32>
          %select_n3A_543 = arith.select %ge3A_539, %mul3A_542, %mul3A_306 : vector<16xi1>, vector<16xf32>
          %mul3A_544 = arith.constant 16 : i32
          %mul3A_545 = arith.muli %scan3A_526, %mul3A_544 : i32
          %swap3A_546 = arith.index_cast %mul3A_545 : i32 to index
          %swap3A_547 = tpu.vector_load %arg6[%swap3A_546] {strides = array<i32>} : memref<100000xf32, #tpu.memory_space<vmem>>, vector<16xf32>,
          tpu.vector_store %arg6[%swap3A_546], %select_n3A_543 {strides = array<i32>} : memref<100000xf32, #tpu.memory_space<vmem>>, vector<16xf32>,
        }
        %scan3A_318 = arith.constant 6248 : i32
        %scan3A_319 = arith.addi %scan3A_314, %scan3A_318 : i32
        %mul3A_320 = arith.constant 16 : i32
        %mul3A_321 = arith.muli %scan3A_319, %mul3A_320 : i32
        %get3A_322 = arith.index_cast %mul3A_321 : i32 to index
        %get3A_323 = tpu.vector_load %arg6[%get3A_322] {strides = array<i32>} : memref<100000xf32, #tpu.memory_space<vmem>>, vector<16xf32>,
        %bitcast3A_324 = vector.bitcast %get3A_323 : vector<16xf32> to vector<16xi32>
        %ge3A_325 = arith.constant 0 : i32
        %ge3A_326 = vector.broadcast %ge3A_325 : i32 to vector<16xi32>
        %ge3A_327 = arith.cmpi sge, %bitcast3A_324, %ge3A_326 : vector<16xi32>
        %xor3A_328 = arith.constant 2147483647 : i32
        %xor3A_329 = vector.broadcast %xor3A_328 : i32 to vector<16xi32>
        %xor3A_330 = arith.xori %bitcast3A_324, %xor3A_329 : vector<16xi32>
        %select_n3A_331 = arith.select %ge3A_327, %bitcast3A_324, %xor3A_330 : vector<16xi1>, vector<16xi32>
        %ge3A_332 = arith.cmpi sge, %select_n3A_331, %broadcast_in_dim3A_212 : vector<16xi32>
        %sub3A_333 = arith.subf %get3A_323, %broadcast_in_dim3A_265 : vector<16xf32>
        %exp3A_334 = math.exp %sub3A_333 : vector<16xf32>
        %mul3A_335 = arith.mulf %exp3A_334, %div3A_304 : vector<16xf32>
        %select_n3A_336 = arith.select %ge3A_332, %mul3A_335, %mul3A_306 : vector<16xi1>, vector<16xf32>
        %mul3A_337 = arith.constant 16 : i32
        %mul3A_338 = arith.muli %scan3A_319, %mul3A_337 : i32
        %swap3A = arith.index_cast %mul3A_338 : i32 to index
        %swap3A_339 = tpu.vector_load %arg6[%swap3A] {strides = array<i32>} : memref<100000xf32, #tpu.memory_space<vmem>>, vector<16xf32>,
        tpu.vector_store %arg6[%swap3A], %select_n3A_336 {strides = array<i32>} : memref<100000xf32, #tpu.memory_space<vmem>>, vector<16xf32>,
        %scan3A_340 = arith.constant 6249 : i32
        %scan3A_341 = arith.addi %scan3A_314, %scan3A_340 : i32
        %mul3A_342 = arith.constant 16 : i32
        %mul3A_343 = arith.muli %scan3A_341, %mul3A_342 : i32
        %get3A_344 = arith.index_cast %mul3A_343 : i32 to index
        %get3A_345 = tpu.vector_load %arg6[%get3A_344] {strides = array<i32>} : memref<100000xf32, #tpu.memory_space<vmem>>, vector<16xf32>,
        %bitcast3A_346 = vector.bitcast %get3A_345 : vector<16xf32> to vector<16xi32>
        %ge3A_347 = arith.constant 0 : i32
        %ge3A_348 = vector.broadcast %ge3A_347 : i32 to vector<16xi32>
        %ge3A_349 = arith.cmpi sge, %bitcast3A_346, %ge3A_348 : vector<16xi32>
        %xor3A_350 = arith.constant 2147483647 : i32
        %xor3A_351 = vector.broadcast %xor3A_350 : i32 to vector<16xi32>
        %xor3A_352 = arith.xori %bitcast3A_346, %xor3A_351 : vector<16xi32>
        %select_n3A_353 = arith.select %ge3A_349, %bitcast3A_346, %xor3A_352 : vector<16xi1>, vector<16xi32>
        %ge3A_354 = arith.cmpi sge, %select_n3A_353, %broadcast_in_dim3A_212 : vector<16xi32>
        %sub3A_355 = arith.subf %get3A_345, %broadcast_in_dim3A_265 : vector<16xf32>
        %exp3A_356 = math.exp %sub3A_355 : vector<16xf32>
        %mul3A_357 = arith.mulf %exp3A_356, %div3A_304 : vector<16xf32>
        %select_n3A_358 = arith.select %ge3A_354, %mul3A_357, %mul3A_306 : vector<16xi1>, vector<16xf32>
        %mul3A_359 = arith.constant 16 : i32
        %mul3A_360 = arith.muli %scan3A_341, %mul3A_359 : i32
        %swap3A_361 = arith.index_cast %mul3A_360 : i32 to index
        %swap3A_362 = tpu.vector_load %arg6[%swap3A_361] {strides = array<i32>} : memref<100000xf32, #tpu.memory_space<vmem>>, vector<16xf32>,
        tpu.vector_store %arg6[%swap3A_361], %select_n3A_358 {strides = array<i32>} : memref<100000xf32, #tpu.memory_space<vmem>>, vector<16xf32>,
        %scan3A_363 = arith.constant 6250 : i32
        %cond3A_364 = arith.constant 0 : i32
        scf.yield %cond3A_364 : i32
      } else {
        %broadcast_in_dim3A_313 = arith.constant 0 : i32
        %broadcast_in_dim3A_314 = vector.broadcast %broadcast_in_dim3A_313 : i32 to vector<16xi32>
        %scan3A_315 = arith.constant 0 : i32
        %scan3A_316 = arith.constant 6248 : i32
        %scan3A_317 = arith.addi %scan3A_315, %scan3A_316 : i32
        %scan3A_318 = arith.constant 4 : i32
        %scan3A_319 = scf.for %scan3A_396 = %scan3A_315 to %scan3A_317 step %scan3A_318 iter_args(%scan3A_397 = %broadcast_in_dim3A_314) -> (vector<16xi32>)  : i32 {
          %mul3A_398 = arith.constant 16 : i32
          %mul3A_399 = arith.muli %scan3A_396, %mul3A_398 : i32
          %get3A_400 = arith.index_cast %mul3A_399 : i32 to index
          %get3A_401 = tpu.vector_load %arg6[%get3A_400] {strides = array<i32>} : memref<100000xf32, #tpu.memory_space<vmem>>, vector<16xf32>,
          %bitcast3A_402 = vector.bitcast %get3A_401 : vector<16xf32> to vector<16xi32>
          %ge3A_403 = arith.constant 0 : i32
          %ge3A_404 = vector.broadcast %ge3A_403 : i32 to vector<16xi32>
          %ge3A_405 = arith.cmpi sge, %bitcast3A_402, %ge3A_404 : vector<16xi32>
          %xor3A_406 = arith.constant 2147483647 : i32
          %xor3A_407 = vector.broadcast %xor3A_406 : i32 to vector<16xi32>
          %xor3A_408 = arith.xori %bitcast3A_402, %xor3A_407 : vector<16xi32>
          %select_n3A_409 = arith.select %ge3A_405, %bitcast3A_402, %xor3A_408 : vector<16xi1>, vector<16xi32>
          %gt3A_410 = arith.cmpi sgt, %select_n3A_409, %broadcast_in_dim3A_212 : vector<16xi32>
          %eq3A_411 = arith.cmpi eq, %select_n3A_409, %broadcast_in_dim3A_212 : vector<16xi32>
          %jit3A_412 = arith.constant 1 : i32
          %jit3A_413 = arith.constant 0 : i32
          %broadcast_in_dim3A_414 = vector.broadcast %jit3A_412 : i32 to vector<16xi32>
          %broadcast_in_dim3A_415 = vector.broadcast %jit3A_413 : i32 to vector<16xi32>
          %select_n3A_416 = arith.select %eq3A_411, %broadcast_in_dim3A_414, %broadcast_in_dim3A_415 : vector<16xi1>, vector<16xi32>
          %broadcast_in_dim3A_417 = arith.constant true
          %broadcast_in_dim3A_418 = vector.broadcast %broadcast_in_dim3A_417 : i1 to vector<16xi1>
          %masked_cumsum3A_419 = tpu.scan <sum>, %select_n3A_416 masked %broadcast_in_dim3A_418 : vector<16xi32>, vector<16xi1> -> vector<16xi32>
          %add3A_420 = arith.addi %scan3A_397, %masked_cumsum3A_419 : vector<16xi32>
          %le3A_421 = arith.cmpi sle, %add3A_420, %broadcast_in_dim3A_307 : vector<16xi32>
          %and3A_422 = arith.andi %eq3A_411, %le3A_421 : vector<16xi1>
          %or3A_423 = arith.ori %gt3A_410, %and3A_422 : vector<16xi1>
          %sub3A_424 = arith.subf %get3A_401, %broadcast_in_dim3A_265 : vector<16xf32>
          %exp3A_425 = math.exp %sub3A_424 : vector<16xf32>
          %mul3A_426 = arith.mulf %exp3A_425, %div3A_304 : vector<16xf32>
          %select_n3A_427 = arith.select %or3A_423, %mul3A_426, %mul3A_306 : vector<16xi1>, vector<16xf32>
          %mul3A_428 = arith.constant 16 : i32
          %mul3A_429 = arith.muli %scan3A_396, %mul3A_428 : i32
          %swap3A_430 = arith.index_cast %mul3A_429 : i32 to index
          %swap3A_431 = tpu.vector_load %arg6[%swap3A_430] {strides = array<i32>} : memref<100000xf32, #tpu.memory_space<vmem>>, vector<16xf32>,
          tpu.vector_store %arg6[%swap3A_430], %select_n3A_427 {strides = array<i32>} : memref<100000xf32, #tpu.memory_space<vmem>>, vector<16xf32>,
          %all_reduce_population_count3A_432 = tpu.all_reduce %eq3A_411 {dim = 0 : i64, kind = #tpu.reduction_kind<sum>} : vector<16xi1> -> vector<16xi32>
          %add3A_433 = arith.addi %scan3A_397, %all_reduce_population_count3A_432 : vector<16xi32>
          %scan3A_434 = arith.constant 1 : i32
          %scan3A_435 = arith.addi %scan3A_396, %scan3A_434 : i32
          %mul3A_436 = arith.constant 16 : i32
          %mul3A_437 = arith.muli %scan3A_435, %mul3A_436 : i32
          %get3A_438 = arith.index_cast %mul3A_437 : i32 to index
          %get3A_439 = tpu.vector_load %arg6[%get3A_438] {strides = array<i32>} : memref<100000xf32, #tpu.memory_space<vmem>>, vector<16xf32>,
          %bitcast3A_440 = vector.bitcast %get3A_439 : vector<16xf32> to vector<16xi32>
          %ge3A_441 = arith.constant 0 : i32
          %ge3A_442 = vector.broadcast %ge3A_441 : i32 to vector<16xi32>
          %ge3A_443 = arith.cmpi sge, %bitcast3A_440, %ge3A_442 : vector<16xi32>
          %xor3A_444 = arith.constant 2147483647 : i32
          %xor3A_445 = vector.broadcast %xor3A_444 : i32 to vector<16xi32>
          %xor3A_446 = arith.xori %bitcast3A_440, %xor3A_445 : vector<16xi32>
          %select_n3A_447 = arith.select %ge3A_443, %bitcast3A_440, %xor3A_446 : vector<16xi1>, vector<16xi32>
          %gt3A_448 = arith.cmpi sgt, %select_n3A_447, %broadcast_in_dim3A_212 : vector<16xi32>
          %eq3A_449 = arith.cmpi eq, %select_n3A_447, %broadcast_in_dim3A_212 : vector<16xi32>
          %jit3A_450 = arith.constant 1 : i32
          %jit3A_451 = arith.constant 0 : i32
          %broadcast_in_dim3A_452 = vector.broadcast %jit3A_450 : i32 to vector<16xi32>
          %broadcast_in_dim3A_453 = vector.broadcast %jit3A_451 : i32 to vector<16xi32>
          %select_n3A_454 = arith.select %eq3A_449, %broadcast_in_dim3A_452, %broadcast_in_dim3A_453 : vector<16xi1>, vector<16xi32>
          %broadcast_in_dim3A_455 = arith.constant true
          %broadcast_in_dim3A_456 = vector.broadcast %broadcast_in_dim3A_455 : i1 to vector<16xi1>
          %masked_cumsum3A_457 = tpu.scan <sum>, %select_n3A_454 masked %broadcast_in_dim3A_456 : vector<16xi32>, vector<16xi1> -> vector<16xi32>
          %add3A_458 = arith.addi %add3A_433, %masked_cumsum3A_457 : vector<16xi32>
          %le3A_459 = arith.cmpi sle, %add3A_458, %broadcast_in_dim3A_307 : vector<16xi32>
          %and3A_460 = arith.andi %eq3A_449, %le3A_459 : vector<16xi1>
          %or3A_461 = arith.ori %gt3A_448, %and3A_460 : vector<16xi1>
          %sub3A_462 = arith.subf %get3A_439, %broadcast_in_dim3A_265 : vector<16xf32>
          %exp3A_463 = math.exp %sub3A_462 : vector<16xf32>
          %mul3A_464 = arith.mulf %exp3A_463, %div3A_304 : vector<16xf32>
          %select_n3A_465 = arith.select %or3A_461, %mul3A_464, %mul3A_306 : vector<16xi1>, vector<16xf32>
          %mul3A_466 = arith.constant 16 : i32
          %mul3A_467 = arith.muli %scan3A_435, %mul3A_466 : i32
          %swap3A_468 = arith.index_cast %mul3A_467 : i32 to index
          %swap3A_469 = tpu.vector_load %arg6[%swap3A_468] {strides = array<i32>} : memref<100000xf32, #tpu.memory_space<vmem>>, vector<16xf32>,
          tpu.vector_store %arg6[%swap3A_468], %select_n3A_465 {strides = array<i32>} : memref<100000xf32, #tpu.memory_space<vmem>>, vector<16xf32>,
          %all_reduce_population_count3A_470 = tpu.all_reduce %eq3A_449 {dim = 0 : i64, kind = #tpu.reduction_kind<sum>} : vector<16xi1> -> vector<16xi32>
          %add3A_471 = arith.addi %add3A_433, %all_reduce_population_count3A_470 : vector<16xi32>
          %scan3A_472 = arith.constant 2 : i32
          %scan3A_473 = arith.addi %scan3A_396, %scan3A_472 : i32
          %mul3A_474 = arith.constant 16 : i32
          %mul3A_475 = arith.muli %scan3A_473, %mul3A_474 : i32
          %get3A_476 = arith.index_cast %mul3A_475 : i32 to index
          %get3A_477 = tpu.vector_load %arg6[%get3A_476] {strides = array<i32>} : memref<100000xf32, #tpu.memory_space<vmem>>, vector<16xf32>,
          %bitcast3A_478 = vector.bitcast %get3A_477 : vector<16xf32> to vector<16xi32>
          %ge3A_479 = arith.constant 0 : i32
          %ge3A_480 = vector.broadcast %ge3A_479 : i32 to vector<16xi32>
          %ge3A_481 = arith.cmpi sge, %bitcast3A_478, %ge3A_480 : vector<16xi32>
          %xor3A_482 = arith.constant 2147483647 : i32
          %xor3A_483 = vector.broadcast %xor3A_482 : i32 to vector<16xi32>
          %xor3A_484 = arith.xori %bitcast3A_478, %xor3A_483 : vector<16xi32>
          %select_n3A_485 = arith.select %ge3A_481, %bitcast3A_478, %xor3A_484 : vector<16xi1>, vector<16xi32>
          %gt3A_486 = arith.cmpi sgt, %select_n3A_485, %broadcast_in_dim3A_212 : vector<16xi32>
          %eq3A_487 = arith.cmpi eq, %select_n3A_485, %broadcast_in_dim3A_212 : vector<16xi32>
          %jit3A_488 = arith.constant 1 : i32
          %jit3A_489 = arith.constant 0 : i32
          %broadcast_in_dim3A_490 = vector.broadcast %jit3A_488 : i32 to vector<16xi32>
          %broadcast_in_dim3A_491 = vector.broadcast %jit3A_489 : i32 to vector<16xi32>
          %select_n3A_492 = arith.select %eq3A_487, %broadcast_in_dim3A_490, %broadcast_in_dim3A_491 : vector<16xi1>, vector<16xi32>
          %broadcast_in_dim3A_493 = arith.constant true
          %broadcast_in_dim3A_494 = vector.broadcast %broadcast_in_dim3A_493 : i1 to vector<16xi1>
          %masked_cumsum3A_495 = tpu.scan <sum>, %select_n3A_492 masked %broadcast_in_dim3A_494 : vector<16xi32>, vector<16xi1> -> vector<16xi32>
          %add3A_496 = arith.addi %add3A_471, %masked_cumsum3A_495 : vector<16xi32>
          %le3A_497 = arith.cmpi sle, %add3A_496, %broadcast_in_dim3A_307 : vector<16xi32>
          %and3A_498 = arith.andi %eq3A_487, %le3A_497 : vector<16xi1>
          %or3A_499 = arith.ori %gt3A_486, %and3A_498 : vector<16xi1>
          %sub3A_500 = arith.subf %get3A_477, %broadcast_in_dim3A_265 : vector<16xf32>
          %exp3A_501 = math.exp %sub3A_500 : vector<16xf32>
          %mul3A_502 = arith.mulf %exp3A_501, %div3A_304 : vector<16xf32>
          %select_n3A_503 = arith.select %or3A_499, %mul3A_502, %mul3A_306 : vector<16xi1>, vector<16xf32>
          %mul3A_504 = arith.constant 16 : i32
          %mul3A_505 = arith.muli %scan3A_473, %mul3A_504 : i32
          %swap3A_506 = arith.index_cast %mul3A_505 : i32 to index
          %swap3A_507 = tpu.vector_load %arg6[%swap3A_506] {strides = array<i32>} : memref<100000xf32, #tpu.memory_space<vmem>>, vector<16xf32>,
          tpu.vector_store %arg6[%swap3A_506], %select_n3A_503 {strides = array<i32>} : memref<100000xf32, #tpu.memory_space<vmem>>, vector<16xf32>,
          %all_reduce_population_count3A_508 = tpu.all_reduce %eq3A_487 {dim = 0 : i64, kind = #tpu.reduction_kind<sum>} : vector<16xi1> -> vector<16xi32>
          %add3A_509 = arith.addi %add3A_471, %all_reduce_population_count3A_508 : vector<16xi32>
          %scan3A_510 = arith.constant 3 : i32
          %scan3A_511 = arith.addi %scan3A_396, %scan3A_510 : i32
          %mul3A_512 = arith.constant 16 : i32
          %mul3A_513 = arith.muli %scan3A_511, %mul3A_512 : i32
          %get3A_514 = arith.index_cast %mul3A_513 : i32 to index
          %get3A_515 = tpu.vector_load %arg6[%get3A_514] {strides = array<i32>} : memref<100000xf32, #tpu.memory_space<vmem>>, vector<16xf32>,
          %bitcast3A_516 = vector.bitcast %get3A_515 : vector<16xf32> to vector<16xi32>
          %ge3A_517 = arith.constant 0 : i32
          %ge3A_518 = vector.broadcast %ge3A_517 : i32 to vector<16xi32>
          %ge3A_519 = arith.cmpi sge, %bitcast3A_516, %ge3A_518 : vector<16xi32>
          %xor3A_520 = arith.constant 2147483647 : i32
          %xor3A_521 = vector.broadcast %xor3A_520 : i32 to vector<16xi32>
          %xor3A_522 = arith.xori %bitcast3A_516, %xor3A_521 : vector<16xi32>
          %select_n3A_523 = arith.select %ge3A_519, %bitcast3A_516, %xor3A_522 : vector<16xi1>, vector<16xi32>
          %gt3A_524 = arith.cmpi sgt, %select_n3A_523, %broadcast_in_dim3A_212 : vector<16xi32>
          %eq3A_525 = arith.cmpi eq, %select_n3A_523, %broadcast_in_dim3A_212 : vector<16xi32>
          %jit3A_526 = arith.constant 1 : i32
          %jit3A_527 = arith.constant 0 : i32
          %broadcast_in_dim3A_528 = vector.broadcast %jit3A_526 : i32 to vector<16xi32>
          %broadcast_in_dim3A_529 = vector.broadcast %jit3A_527 : i32 to vector<16xi32>
          %select_n3A_530 = arith.select %eq3A_525, %broadcast_in_dim3A_528, %broadcast_in_dim3A_529 : vector<16xi1>, vector<16xi32>
          %broadcast_in_dim3A_531 = arith.constant true
          %broadcast_in_dim3A_532 = vector.broadcast %broadcast_in_dim3A_531 : i1 to vector<16xi1>
          %masked_cumsum3A_533 = tpu.scan <sum>, %select_n3A_530 masked %broadcast_in_dim3A_532 : vector<16xi32>, vector<16xi1> -> vector<16xi32>
          %add3A_534 = arith.addi %add3A_509, %masked_cumsum3A_533 : vector<16xi32>
          %le3A_535 = arith.cmpi sle, %add3A_534, %broadcast_in_dim3A_307 : vector<16xi32>
          %and3A_536 = arith.andi %eq3A_525, %le3A_535 : vector<16xi1>
          %or3A_537 = arith.ori %gt3A_524, %and3A_536 : vector<16xi1>
          %sub3A_538 = arith.subf %get3A_515, %broadcast_in_dim3A_265 : vector<16xf32>
          %exp3A_539 = math.exp %sub3A_538 : vector<16xf32>
          %mul3A_540 = arith.mulf %exp3A_539, %div3A_304 : vector<16xf32>
          %select_n3A_541 = arith.select %or3A_537, %mul3A_540, %mul3A_306 : vector<16xi1>, vector<16xf32>
          %mul3A_542 = arith.constant 16 : i32
          %mul3A_543 = arith.muli %scan3A_511, %mul3A_542 : i32
          %swap3A_544 = arith.index_cast %mul3A_543 : i32 to index
          %swap3A_545 = tpu.vector_load %arg6[%swap3A_544] {strides = array<i32>} : memref<100000xf32, #tpu.memory_space<vmem>>, vector<16xf32>,
          tpu.vector_store %arg6[%swap3A_544], %select_n3A_541 {strides = array<i32>} : memref<100000xf32, #tpu.memory_space<vmem>>, vector<16xf32>,
          %all_reduce_population_count3A_546 = tpu.all_reduce %eq3A_525 {dim = 0 : i64, kind = #tpu.reduction_kind<sum>} : vector<16xi1> -> vector<16xi32>
          %add3A_547 = arith.addi %add3A_509, %all_reduce_population_count3A_546 : vector<16xi32>
          scf.yield %add3A_547 : vector<16xi32>
        }
        %scan3A_320 = arith.constant 6248 : i32
        %scan3A_321 = arith.addi %scan3A_315, %scan3A_320 : i32
        %mul3A_322 = arith.constant 16 : i32
        %mul3A_323 = arith.muli %scan3A_321, %mul3A_322 : i32
        %get3A_324 = arith.index_cast %mul3A_323 : i32 to index
        %get3A_325 = tpu.vector_load %arg6[%get3A_324] {strides = array<i32>} : memref<100000xf32, #tpu.memory_space<vmem>>, vector<16xf32>,
        %bitcast3A_326 = vector.bitcast %get3A_325 : vector<16xf32> to vector<16xi32>
        %ge3A_327 = arith.constant 0 : i32
        %ge3A_328 = vector.broadcast %ge3A_327 : i32 to vector<16xi32>
        %ge3A_329 = arith.cmpi sge, %bitcast3A_326, %ge3A_328 : vector<16xi32>
        %xor3A_330 = arith.constant 2147483647 : i32
        %xor3A_331 = vector.broadcast %xor3A_330 : i32 to vector<16xi32>
        %xor3A_332 = arith.xori %bitcast3A_326, %xor3A_331 : vector<16xi32>
        %select_n3A_333 = arith.select %ge3A_329, %bitcast3A_326, %xor3A_332 : vector<16xi1>, vector<16xi32>
        %gt3A_334 = arith.cmpi sgt, %select_n3A_333, %broadcast_in_dim3A_212 : vector<16xi32>
        %eq3A_335 = arith.cmpi eq, %select_n3A_333, %broadcast_in_dim3A_212 : vector<16xi32>
        %jit3A_336 = arith.constant 1 : i32
        %jit3A_337 = arith.constant 0 : i32
        %broadcast_in_dim3A_338 = vector.broadcast %jit3A_336 : i32 to vector<16xi32>
        %broadcast_in_dim3A_339 = vector.broadcast %jit3A_337 : i32 to vector<16xi32>
        %select_n3A_340 = arith.select %eq3A_335, %broadcast_in_dim3A_338, %broadcast_in_dim3A_339 : vector<16xi1>, vector<16xi32>
        %broadcast_in_dim3A_341 = arith.constant true
        %broadcast_in_dim3A_342 = vector.broadcast %broadcast_in_dim3A_341 : i1 to vector<16xi1>
        %masked_cumsum3A_343 = tpu.scan <sum>, %select_n3A_340 masked %broadcast_in_dim3A_342 : vector<16xi32>, vector<16xi1> -> vector<16xi32>
        %add3A_344 = arith.addi %scan3A_319, %masked_cumsum3A_343 : vector<16xi32>
        %le3A_345 = arith.cmpi sle, %add3A_344, %broadcast_in_dim3A_307 : vector<16xi32>
        %and3A_346 = arith.andi %eq3A_335, %le3A_345 : vector<16xi1>
        %or3A_347 = arith.ori %gt3A_334, %and3A_346 : vector<16xi1>
        %sub3A_348 = arith.subf %get3A_325, %broadcast_in_dim3A_265 : vector<16xf32>
        %exp3A_349 = math.exp %sub3A_348 : vector<16xf32>
        %mul3A_350 = arith.mulf %exp3A_349, %div3A_304 : vector<16xf32>
        %select_n3A_351 = arith.select %or3A_347, %mul3A_350, %mul3A_306 : vector<16xi1>, vector<16xf32>
        %mul3A_352 = arith.constant 16 : i32
        %mul3A_353 = arith.muli %scan3A_321, %mul3A_352 : i32
        %swap3A = arith.index_cast %mul3A_353 : i32 to index
        %swap3A_354 = tpu.vector_load %arg6[%swap3A] {strides = array<i32>} : memref<100000xf32, #tpu.memory_space<vmem>>, vector<16xf32>,
        tpu.vector_store %arg6[%swap3A], %select_n3A_351 {strides = array<i32>} : memref<100000xf32, #tpu.memory_space<vmem>>, vector<16xf32>,
        %all_reduce_population_count3A = tpu.all_reduce %eq3A_335 {dim = 0 : i64, kind = #tpu.reduction_kind<sum>} : vector<16xi1> -> vector<16xi32>
        %add3A_355 = arith.addi %scan3A_319, %all_reduce_population_count3A : vector<16xi32>
        %scan3A_356 = arith.constant 6249 : i32
        %scan3A_357 = arith.addi %scan3A_315, %scan3A_356 : i32
        %mul3A_358 = arith.constant 16 : i32
        %mul3A_359 = arith.muli %scan3A_357, %mul3A_358 : i32
        %get3A_360 = arith.index_cast %mul3A_359 : i32 to index
        %get3A_361 = tpu.vector_load %arg6[%get3A_360] {strides = array<i32>} : memref<100000xf32, #tpu.memory_space<vmem>>, vector<16xf32>,
        %bitcast3A_362 = vector.bitcast %get3A_361 : vector<16xf32> to vector<16xi32>
        %ge3A_363 = arith.constant 0 : i32
        %ge3A_364 = vector.broadcast %ge3A_363 : i32 to vector<16xi32>
        %ge3A_365 = arith.cmpi sge, %bitcast3A_362, %ge3A_364 : vector<16xi32>
        %xor3A_366 = arith.constant 2147483647 : i32
        %xor3A_367 = vector.broadcast %xor3A_366 : i32 to vector<16xi32>
        %xor3A_368 = arith.xori %bitcast3A_362, %xor3A_367 : vector<16xi32>
        %select_n3A_369 = arith.select %ge3A_365, %bitcast3A_362, %xor3A_368 : vector<16xi1>, vector<16xi32>
        %gt3A_370 = arith.cmpi sgt, %select_n3A_369, %broadcast_in_dim3A_212 : vector<16xi32>
        %eq3A_371 = arith.cmpi eq, %select_n3A_369, %broadcast_in_dim3A_212 : vector<16xi32>
        %jit3A_372 = arith.constant 1 : i32
        %jit3A_373 = arith.constant 0 : i32
        %broadcast_in_dim3A_374 = vector.broadcast %jit3A_372 : i32 to vector<16xi32>
        %broadcast_in_dim3A_375 = vector.broadcast %jit3A_373 : i32 to vector<16xi32>
        %select_n3A_376 = arith.select %eq3A_371, %broadcast_in_dim3A_374, %broadcast_in_dim3A_375 : vector<16xi1>, vector<16xi32>
        %broadcast_in_dim3A_377 = arith.constant true
        %broadcast_in_dim3A_378 = vector.broadcast %broadcast_in_dim3A_377 : i1 to vector<16xi1>
        %masked_cumsum3A_379 = tpu.scan <sum>, %select_n3A_376 masked %broadcast_in_dim3A_378 : vector<16xi32>, vector<16xi1> -> vector<16xi32>
        %add3A_380 = arith.addi %add3A_355, %masked_cumsum3A_379 : vector<16xi32>
        %le3A_381 = arith.cmpi sle, %add3A_380, %broadcast_in_dim3A_307 : vector<16xi32>
        %and3A_382 = arith.andi %eq3A_371, %le3A_381 : vector<16xi1>
        %or3A_383 = arith.ori %gt3A_370, %and3A_382 : vector<16xi1>
        %sub3A_384 = arith.subf %get3A_361, %broadcast_in_dim3A_265 : vector<16xf32>
        %exp3A_385 = math.exp %sub3A_384 : vector<16xf32>
        %mul3A_386 = arith.mulf %exp3A_385, %div3A_304 : vector<16xf32>
        %select_n3A_387 = arith.select %or3A_383, %mul3A_386, %mul3A_306 : vector<16xi1>, vector<16xf32>
        %mul3A_388 = arith.constant 16 : i32
        %mul3A_389 = arith.muli %scan3A_357, %mul3A_388 : i32
        %swap3A_390 = arith.index_cast %mul3A_389 : i32 to index
        %swap3A_391 = tpu.vector_load %arg6[%swap3A_390] {strides = array<i32>} : memref<100000xf32, #tpu.memory_space<vmem>>, vector<16xf32>,
        tpu.vector_store %arg6[%swap3A_390], %select_n3A_387 {strides = array<i32>} : memref<100000xf32, #tpu.memory_space<vmem>>, vector<16xf32>,
        %all_reduce_population_count3A_392 = tpu.all_reduce %eq3A_371 {dim = 0 : i64, kind = #tpu.reduction_kind<sum>} : vector<16xi1> -> vector<16xi32>
        %add3A_393 = arith.addi %add3A_355, %all_reduce_population_count3A_392 : vector<16xi32>
        %scan3A_394 = arith.constant 6250 : i32
        %cond3A_395 = arith.constant 0 : i32
        scf.yield %cond3A_395 : i32
      }
      "tpu.region"() ({
        %run_scoped3A = tpu.sem_alloc : memref<!tpu.dma_semaphore, #tpu.memory_space<semaphore_mem>>
        %dma_start3A = arith.constant 0 : i32
        %dma_start3A_313 = tpu.memref_slice %arg5[%add3A_10, %dma_start3A] : memref<128x100000xf32, #tpu.memory_space<hbm>> -> memref<1x100000xf32, #tpu.memory_space<hbm>>
        %dma_start3A_314 = tpu.memref_squeeze %dma_start3A_313 : memref<1x100000xf32, #tpu.memory_space<hbm>> -> memref<100000xf32, #tpu.memory_space<hbm>>
        %dma_start3A_315 = arith.constant 0 : i32
        %dma_start3A_316 = tpu.memref_slice %arg5[%add3A_10, %dma_start3A_315] : memref<128x100000xf32, #tpu.memory_space<hbm>> -> memref<1x100000xf32, #tpu.memory_space<hbm>>
        %dma_start3A_317 = tpu.memref_squeeze %dma_start3A_316 : memref<1x100000xf32, #tpu.memory_space<hbm>> -> memref<100000xf32, #tpu.memory_space<hbm>>
        tpu.enqueue_dma source(%arg6 : memref<100000xf32, #tpu.memory_space<vmem>>) target(%dma_start3A_317 : memref<100000xf32, #tpu.memory_space<hbm>>) target_semaphore(%run_scoped3A : memref<!tpu.dma_semaphore, #tpu.memory_space<semaphore_mem>>)
        %dma_wait3A = arith.constant 0 : i32
        %dma_wait3A_318 = tpu.memref_slice %arg5[%add3A_10, %dma_wait3A] : memref<128x100000xf32, #tpu.memory_space<hbm>> -> memref<1x100000xf32, #tpu.memory_space<hbm>>
        %dma_wait3A_319 = tpu.memref_squeeze %dma_wait3A_318 : memref<1x100000xf32, #tpu.memory_space<hbm>> -> memref<100000xf32, #tpu.memory_space<hbm>>
        %dma_wait3A_320 = arith.constant 0 : i32
        %dma_wait3A_321 = tpu.memref_slice %arg5[%add3A_10, %dma_wait3A_320] : memref<128x100000xf32, #tpu.memory_space<hbm>> -> memref<1x100000xf32, #tpu.memory_space<hbm>>
        %dma_wait3A_322 = tpu.memref_squeeze %dma_wait3A_321 : memref<1x100000xf32, #tpu.memory_space<hbm>> -> memref<100000xf32, #tpu.memory_space<hbm>>
        tpu.wait_dma2 semaphore(%run_scoped3A : memref<!tpu.dma_semaphore, #tpu.memory_space<semaphore_mem>>) src(%arg6 : memref<100000xf32, #tpu.memory_space<vmem>>) dst(%dma_wait3A_322 : memref<100000xf32, #tpu.memory_space<hbm>>)
        tpu.yield
      }) : () -> ()
    }
    %scan3A_6 = arith.constant 4 : i32
    return
  }
}

</mosaic_0001>

<sc_bundles>
// kernel: kernel.3.cloned.1.call-start
scs
__scs_entry_jumppad:
0x0: {  	(pc) =	sbr.rel $0x88, $3  }
0x1: {  	(tag) =	ssettag $0x0;
	lr =	simm.s32 $0x1  }
0x2: {  	[smem:$0x3F9E] =	sst lr;
	_ =	strace $0xD0000000  }
0x3: {  	_ = 	snop  }
0x4: {  	_ = 	snop  }
0x5: {  	_ = 	snop  }
0x6: {  	_ = 	snop  }
0x7: {  	_ = 	snop  }
__scs_overlays_trampoline_lowered:
0x8: {  	[smem:$0x3FAD] =	sst s0  }
0x9: {  	[smem:$0x3FAE] =	sst s1  }
0xa: {  	[smem:$0x3FAF] =	sst s2  }
0xb: {  	[smem:$0x3FB0] =	sst s3  }
0xc: {  	[smem:$0x3FB1] =	sst s4  }
0xd: {  	[smem:$0x3FB2] =	sst s5  }
0xe: {  	[smem:$0x3FB3] =	sst s6  }
0xf: {  	[smem:$0x3FB4] =	sst s7  }
0x10: {  	[smem:$0x3FB5] =	sst s8  }
0x11: {  	[smem:$0x3FB6] =	sst s9;
	s0 =	simm.s32 @!p0 $0x0  }
0x12: {  	s1 =	sld [smem:$0x3F9C];
	s0 =	simm.s32 @p0 $0x1  }
0x13: {  	[smem:$0x3FB7] =	sst s0;
	s0 =	simm.s32 @!p1 $0x0  }
0x14: {  	s2 =	sld [smem:$0x3F9B];
	s0 =	simm.s32 @p1 $0x1  }
0x15: {  	[smem:$0x3FB8] =	sst s0;
	s0 =	simm.s32 @!p2 $0x0  }
0x16: {  	s3 =	sld [smem:$0x3FDB];
	s0 =	simm.s32 @p2 $0x1  }
0x17: {  	s4 =	simm.s32 $0x1BF5;
	[smem:$0x3FBA] =	sst s0  }
0x18: {  	s0 =	sld [smem:$0x3F9D];
	_ =	swait.ge [sflag:s4], $0x0  }
0x19: {  	s7 =	sld [smem:$0x3F9E]  }
0x1a: {  	s8 =	sadd.s32 $0xFFFFE003, lr  }
0x1b: {  	s9 =	sadd.s32 $0xFFFFFEF7, lr;
	s5 =	simm.s32 $0xFFFFFFFF;
	p2 =	slt.u32 s8, $0xFFFFF086  }
0x1c: {  	p1 =	slt.u32 s9, $0xF7A;
	s5 =	simm.s32 @!p2 $0x0  }
0x1d: {  	s5 =	simm.s32 @p1 $0x1;
	p0 =	seq.s32 s7, s2  }
0x1e: {  	s7 =	smul.u32 @!p0 $0xF7A, s2;
	p2 =	seq.s32 @!p0 s5, $0x0  }
0x1f: {  	s9 =	smul.u32 $0xF7A, s1;
	s8 =	simm.s32 @!p0 $0x1BF5;
	p2 =	por !p2, p0  }
0x20: {  	[sflag:s8] =	ssyncset.s32 @!p0 $0xFFFFF086;
	s6 =	sadd.s32 @!p0 s3, s7;
	s7 =	simm.s32 @!p0 $0x108  }
0x21: {  	s3 =	sadd.s32 s3, s9;
	s6 =	sadd.s32 @!p0 $0x88, s6;
	s7 =	simm.s32 @p2 $0x1082  }
0x22: {  	[simem:s7], [sflag:s8] =	dma.local @!p0 [hbm:s6], $0xF7A  }
0x23: {  	s9 =	sor.u32 $0xD0000000, s2;
	s6 =	simm.s32 $0x108;
	_ =	swait.ge @!p0 [sflag:s8], $0x0  }
0x24: {  	s3 =	sadd.s32 $0x88, s3;
	s6 =	simm.s32 @!p1 $0x1082;
	[sflag:s4] =	ssyncset.s32 $0xFFFFF086  }
0x25: {  	[simem:s6], [sflag:s4] =	dma.local [hbm:s3], $0xF7A  }
0x26: {  	[smem:$0x3F9E] =	sst s1;
	(tag) =	ssettag s2;
	_ =	strace s9  }
0x27: {  	s1 =	sld [smem:$0x3FAE]  }
0x28: {  	s2 =	sld [smem:$0x3FAF]  }
0x29: {  	s4 =	sld [smem:$0x3FB1]  }
0x2a: {  	p0 =	seq.s32 s5, $0x0;
	s5 =	sld [smem:$0x3FB2]  }
0x2b: {  	s6 =	sld [smem:$0x3FB3]  }
0x2c: {  	s7 =	sld [smem:$0x3FB4]  }
0x2d: {  	s3 =	simm.s32 $0x108;
	s8 =	sld [smem:$0x3FB5]  }
0x2e: {  	s3 =	simm.s32 @!p0 $0x1082;
	s9 =	sld [smem:$0x3FB6]  }
0x2f: {  	lr =	sadd.s32 s0, s3;
	s0 =	sld [smem:$0x3FAD]  }
0x30: {  	s3 =	sld [smem:$0x3FB0]  }
0x31: {  	[smem:$0x3FB9] =	sst s10  }
0x32: {  	s10 =	sld [smem:$0x3FB7];
	_ =	sdelay $0x3  }
0x33: {  	p0 =	seq.s32 s10, $0x1;
	s10 =	sld [smem:$0x3FB9];
	_ =	sdelay $0x3  }
0x34: {  	[smem:$0x3FB9] =	sst s10  }
0x35: {  	s10 =	sld [smem:$0x3FB8];
	_ =	sdelay $0x3  }
0x36: {  	p1 =	seq.s32 s10, $0x1;
	s10 =	sld [smem:$0x3FB9];
	_ =	sdelay $0x3  }
0x37: {  	[smem:$0x3FB9] =	sst s10  }
0x38: {  	s10 =	sld [smem:$0x3FBA]  }
0x39: {  	_ = 	snop;
	(pc) =	sbr.ind lr, $3  }
0x3a: {  	_ = 	snop  }
0x3b: {  	_ = 	snop  }
0x3c: {  	p2 =	seq.s32 s10, $0x1;
	s10 =	sld [smem:$0x3FB9]  }
0x3d: {  	_ =	shalt  }
0x3e: {  	_ =	shalt  }
0x3f: {  	_ =	shalt  }
0x40: {  	_ =	shalt  }
0x41: {  	_ =	shalt  }
0x42: {  	_ =	shalt  }
0x43: {  	_ =	shalt  }
0x44: {  	_ =	shalt  }
0x45: {  	_ =	shalt  }
0x46: {  	_ =	shalt  }
0x47: {  	_ =	shalt  }
0x48: {  	_ =	shalt  }
0x49: {  	_ =	shalt  }
0x4a: {  	_ =	shalt  }
0x4b: {  	_ =	shalt  }
0x4c: {  	_ =	shalt  }
0x4d: {  	_ =	shalt  }
0x4e: {  	_ =	shalt  }
0x4f: {  	_ =	shalt  }
0x50: {  	_ =	shalt  }
0x51: {  	_ =	shalt  }
0x52: {  	_ =	shalt  }
0x53: {  	_ =	shalt  }
0x54: {  	_ =	shalt  }
0x55: {  	_ =	shalt  }
0x56: {  	_ =	shalt  }
0x57: {  	_ =	shalt  }
0x58: {  	_ =	shalt  }
0x59: {  	_ =	shalt  }
0x5a: {  	_ =	shalt  }
0x5b: {  	_ =	shalt  }
0x5c: {  	_ =	shalt  }
0x5d: {  	_ =	shalt  }
0x5e: {  	_ =	shalt  }
0x5f: {  	_ =	shalt  }
0x60: {  	_ =	shalt  }
0x61: {  	_ =	shalt  }
0x62: {  	_ =	shalt  }
0x63: {  	_ =	shalt  }
0x64: {  	_ =	shalt  }
0x65: {  	_ =	shalt  }
0x66: {  	_ =	shalt  }
0x67: {  	_ =	shalt  }
0x68: {  	_ =	shalt  }
0x69: {  	_ =	shalt  }
0x6a: {  	_ =	shalt  }
0x6b: {  	_ =	shalt  }
0x6c: {  	_ =	shalt  }
0x6d: {  	_ =	shalt  }
0x6e: {  	_ =	shalt  }
0x6f: {  	_ =	shalt  }
0x70: {  	_ =	shalt  }
0x71: {  	_ =	shalt  }
0x72: {  	_ =	shalt  }
0x73: {  	_ =	shalt  }
0x74: {  	_ =	shalt  }
0x75: {  	_ =	shalt  }
0x76: {  	_ =	shalt  }
0x77: {  	_ =	shalt  }
0x78: {  	_ =	shalt  }
0x79: {  	_ =	shalt  }
0x7a: {  	_ =	shalt  }
0x7b: {  	_ =	shalt  }
0x7c: {  	_ =	shalt  }
0x7d: {  	_ =	shalt  }
0x7e: {  	_ =	shalt  }
0x7f: {  	_ =	shalt  }
0x80: {  	_ =	shalt  }
0x81: {  	_ =	shalt  }
0x82: {  	_ =	shalt  }
0x83: {  	_ =	shalt  }
0x84: {  	_ =	shalt  }
0x85: {  	_ =	shalt  }
0x86: {  	_ =	shalt  }
0x87: {  	_ =	shalt  }
.Lfunc_end0:
.L_simem_size_0:
called_computation_lowered:
.L_overlay_start_0:
0x88: {  	s2 =	sld [smem:$0x3FD9]  }
0x89: {  	s3 =	sld [smem:$0x3FFE];
	_ =	sdelay $0x1  }
0x8a: {  	s1 =	srdreg.scid  }
0x8b: {  	s0 =	sand.u32 $0x1, s1  }
0x8c: {  	s17 =	sshll.u32 s0, $0xA;
	s2 =	sadd.s32 s3, s2  }
0x8d: {  	s2 =	sadd.s32 s2, s17  }
0x8e: {  	[smem:$0x3FC5] =	sst s2  }
0x8f: {  	_ = 	snop  }
0x90: {  	s2 =	sld [smem:$0x3FC8]  }
0x91: {  	s18 =	sld [smem:$0x3FC7];
	(tm) =	ssettm $0x1  }
0x92: {  	s4 =	sld [smem:$0x3FFB];
	_ =	sdelay $0x3  }
0x93: {  	_ =	strace s4  }
0x94: {  	s4 =	sld [smem:$0x3FFC];
	_ =	sdelay $0x3  }
0x95: {  	_ =	strace s4  }
0x96: {  	s4 =	sld [smem:$0x3FFD];
	_ =	sdelay $0x3  }
0x97: {  	_ =	strace s4  }
0x98: {  	_ =	strace $0x8FFFFFFF  }
0x99: {  	s19 =	sld [smem:$0x3FDB];
	_ =	sdelay $0x1  }
0x9a: {  	s5 =	simm.s32 $_scs_section_size  }
0x9b: {  	s6 =	simm.s32 $_size__tile_overlayer_lowered;
	s7 =	simm.s32 $_tile_overlayer_lowered  }
0x9c: {  	s22 =	simm.s32 $0x1BFF;
	s21 =	sshll.u32 s7, $0x1;
	s4 =	sadd.s32 s5, s19  }
0x9d: {  	s8 =	simm.s32 $0x0;
	s20 =	sshll.u32 s6, $0x1;
	s6 =	sadd.s32 s21, s4  }
0x9e: {  	[timem:s8], [sflag:s22] =	dma.local [hbm:s6], s20  }
0x9f: {  	_ =	swait.ge [sflag:s22], s20  }
0xa0: {  	s5 =	ssub.s32 $0x0, s20;
	[sflag:s22] =	ssyncset.done $0x0  }
0xa1: {  	[sflag:s22] =	ssyncadd.s32 s5;
	_ =	sdelay $0x1  }
0xa2: {  	s23 =	simm.s32 $0x1B8B  }
0xa3: {  	_ =	swait.ge [sflag:s23], $0x1  }
0xa4: {  	[sflag:s23] =	ssyncset.done $0x0  }
0xa5: {  	s25 =	simm.s32 $0x1B8E;
	s24 =	sld [smem:$0x3FFE];
	[sflag:s23] =	ssyncadd.s32 $0xFFFFFFFF  }
0xa6: {  	s26 =	simm.s32 $execute0_lowered;
	[smem:$0x3FD2] =	sst s25  }
0xa7: {  	s6 =	sshll.u32 s26, $0x1;
	_ =	strace $0x80000046;
	[dreg:$0x1] =	wrdreg $0xFFFFFFFF  }
0xa8: {  	s28 =	simm.s32 $_size_execute0_lowered;
	s4 =	sadd.s32 s4, s6;
	[dreg:$0x0] =	wrdreg $0x0  }
0xa9: {  	s6 =	sshll.u32 s28, $0x1;
	[dreg:$0x2] =	wrdreg s4  }
0xaa: {  	[dreg:$0x3] =	wrdreg s6  }
0xab: {  	[dreg:$0x4] =	wrdreg $0xC0  }
0xac: {  	_ =	task [dreg:s8], $0x5FFFF  }
0xad: {  	[dreg:$0x1] =	wrdreg $0xFFFFFFFF  }
0xae: {  	[dreg:$0x0] =	wrdreg $0x60  }
0xaf: {  	[dreg:$0x2] =	wrdreg s24  }
0xb0: {  	[dreg:$0x3] =	wrdreg s2  }
0xb1: {  	[dreg:$0x4] =	wrdreg s18  }
0xb2: {  	[dreg:$0x5] =	wrdreg $0x9  }
0xb3: {  	_ =	task.clear_ibuf [dreg:s8], $0x6FFFF;
	_ =	strace $0x90000046  }
0xb4: {  	s29 =	simm.s32 $0x9;
	_ =	strace $0x80000048  }
0xb5: {  	_ =	swait.ge [sflag:s29], $0x1  }
0xb6: {  	[sflag:s29] =	ssyncadd.s32 $0xFFFFFFFF  }
0xb7: {  	_ =	strace $0x90000048  }
0xb8: {  	_ =	sfence  }
0xb9: {  	s30 =	sld [smem:$0x0];
	_ =	sdelay $0x2  }
0xba: {  	s31 =	sshll.u32 s1, $0xD;
	s1 =	sshrl.u32 s1, $0x2  }
0xbb: {  	s3 =	sand.u32 $0x4000, s31;
	s1 =	sadd.s32 s1, s30  }
0xbc: {  	s0 =	sor.u32 s3, s0;
	s1 =	sshll.u32 s1, $0x11  }
0xbd: {  	s0 =	sor.u32 s1, s0  }
0xbe: {  	s0 =	sadd.s32 $0x8F2B, s0  }
0xbf: {  	[sflag:s0] =	ssyncadd.remote.s32 $0x1  }
0xc0: {  	_ =	sfence.sel $0xFFFF  }
0xc1: {  	[dreg:$0x0] =	wrdreg $0xFFFFFFFF;
	(pc) =	sbr.abs _section_cstart, $3  }
0xc2: {  	[dreg:$0x1] =	wrdreg $0xFFFFFFFF  }
0xc3: {  	_ =	task.clear_ibuf [dreg:s8], $0x2FFFF;
	_ =	strace $0x9FFFFFFF  }
0xc4: {  	(tm) =	ssettm $0x7FFFFFFF  }
0xc5: {  	_ =	shalt  }
tec
execute0_lowered:
.L_overlay_start_1:
0x0: {  	(tag) =	ssettag $0x1  }
0x1: {  	s0 =	rddreg [dreg:$0x0]  }
0x2: {  	s3 =	simm.s32 $0x0;
	s1 =	srdreg.scid;
	s4 =	stileid.u32  }
0x3: {  	s5 =	simm.s32 $0x80;
	s6 =	simm.s32 $0x400;
	s16 =	simm.s32 $0x18800  }
0x4: {  	[smem:$0x7FF] =	sst s3;
	s1 =	sand.u32 $0x1, s1;
	s2 =	sadd.s32 $0x400, s0  }
0x5: {  	s0 =	sadd.s32 $0x187400, s0;
	s30 =	sshll.u32 s4, $0x3;
	s4 =	smul.u32 $0xC3800, s4  }
0x6: {  	_ =	strace $0x80000047;
	[dreg:$0x4] =	wrdreg s2;
	s28 =	ssub.s32 $0x2, s1  }
.Ltmp0:
0x7: {  	[dreg:$0x5] =	wrdreg s0;
	s1 =	sshll.u32 s1, $0x2;
	(pc) =	sbr.rel .LBB2_1-.Ltmp0, $4  }
0x8: {  	s31 =	sand.u32 $0x70, s30;
	s29 =	sshrl.u32 s28, $0x1;
	[dreg:$0x6] =	wrdreg s4  }
0x9: {  	s1 =	sor.u32 s1, s30;
	[dreg:$0x8] =	wrdreg s31;
	s0 =	ssub.s32 s28, s29  }
0xa: {  	v0 =	vimm.s32 $0x0;
	s17 =	simm.s32 $0x19800;
	[dreg:$0x7] =	wrdreg s1;
	s0 =	smax.u32 s0, $0x1  }
0xb: {  	v1 =	vimm.f32 $0.0e+00;
	v2 =	vimm.s32 $0x1;
	v3 =	vlaneseq.u32;
	s4 =	simm.s32 $0x1;
	s1 =	simm.s32 $0x0;
	[dreg:$0x9] =	wrdreg s0  }
.LBB2_45:
0xc: {  	s1 =	rddreg [dreg:$0xa]  }
0xd: {  	s0 =	rddreg [dreg:$0x9];
	s1 =	sadd.s32 $0x1, s1  }
0xe: {  	p0 =	sne.s32 s1, s0  }
.Ltmp1:
0xf: {  	_ = 	snop;
	(pc) =	sbr.rel @!p0 .LBB2_46-.Ltmp1, $1  }
0x10: {  	_ =	sdelay $0x3  }
.LBB2_1:
0x11: {  	[dreg:$0xa] =	wrdreg s1  }
0x12: {  	s0 =	rddreg [dreg:$0x1];
	s29 =	simm.s32 $0x18700  }
0x13: {  	[tilespmem:s29], [sflag:$0x1] =	stream.linear.gather [hbm4b:s0+s3], $0x80, $0x38;
	[tilespmem:$0x1B080] =	vst v63  }
0x14: {  	_ =	swait.ge [sflag:s4], $0x80  }
0x15: {  	[sflag:s4] =	ssyncset.done $0x0  }
0x16: {  	[sflag:s4] =	ssyncadd.s32 $0xFFFFFF80  }
.Ltmp2:
0x17: {  	s31 =	simm.s32 $0x18780;
	s30 =	rddreg [dreg:$0x2];
	(pc) =	sbr.rel .LBB2_2-.Ltmp2, $4  }
0x18: {  	[tilespmem:s31], [sflag:$0x1] =	stream.linear.gather [hbm4b:s30+s3], $0x80, $0x38;
	[tilespmem:$0x1B080] =	vst v63  }
0x19: {  	_ =	swait.ge [sflag:s4], $0x80  }
0x1a: {  	[sflag:s4] =	ssyncset.done $0x0  }
0x1b: {  	s1 =	simm.s32 $0x0;
	[sflag:s4] =	ssyncadd.s32 $0xFFFFFF80  }
.LBB2_44:
0x1c: {  	s0 =	rddreg [dreg:$0x5]  }
0x1d: {  	s1 =	rddreg [dreg:$0xc]  }
0x1e: {  	[tilespmem:$0x18690] =	vst v4;
	s0 =	sadd.s32 s0, s1  }
0x1f: {  	[hbm4b:s0+s5] =	stream.strided.scatter [tilespmem:s3], [sflag:$0x1], $0x18700, s6, s5, $0x38;
	[tilespmem:$0x1B080] =	vst v63  }
0x20: {  	_ =	swait.ge [sflag:s4], $0x18700  }
0x21: {  	s31 =	rddreg [dreg:$0xb]  }
0x22: {  	s1 =	sadd.s32 $0x1, s31  }
0x23: {  	p0 =	sne.s32 s1, $0x4  }
.Ltmp3:
0x24: {  	_ = 	snop;
	(pc) =	sbr.rel @!p0 .LBB2_45-.Ltmp3, $3  }
0x25: {  	_ =	sdelay $0x1  }
0x26: {  	[sflag:s4] =	ssyncset.done $0x0  }
0x27: {  	[sflag:s4] =	ssyncadd.s32 $0xFFFE7900  }
.LBB2_2:
0x28: {  	s0 =	rddreg [dreg:$0x7]  }
0x29: {  	s0 =	sadd.s32 s0, s1  }
0x2a: {  	[dreg:$0xb] =	wrdreg s1;
	s1 =	sshll.u32 s0, $0x7  }
0x2b: {  	s2 =	rddreg [dreg:$0x6];
	s1 =	sand.u32 $0x380, s1  }
0x2c: {  	s1 =	sor.u32 s2, s1  }
0x2d: {  	s29 =	rddreg [dreg:$0x4];
	s2 =	sshrl.u32 s1, $0x3  }
0x2e: {  	[dreg:$0xc] =	wrdreg s2;
	s1 =	sadd.s32 s29, s2  }
0x2f: {  	[tilespmem:s3], [sflag:$0x1] =	stream.strided.gather [hbm4b:s1+s5], $0x18700, s6, s5, $0x38;
	[tilespmem:$0x1B080] =	vst v63  }
0x30: {  	_ =	swait.ge [sflag:s4], $0x18700  }
0x31: {  	[sflag:s4] =	ssyncset.done $0x0  }
0x32: {  	s30 =	rddreg [dreg:$0x8];
	[sflag:s4] =	ssyncadd.s32 $0xFFFE7900  }
0x33: {  	v6 =	vld [tilespmem:s30+$0x18700]  }
0x34: {  	s31 =	simm.s32 $0x40;
	v5 =	vld [tilespmem:s30+$0x18780]  }
0x35: {  	v4 =	vld [tilespmem:s31+$0xFFFFFFC0]  }
0x36: {  	v7 =	vld [tilespmem:s31+$0xFFFFFFD0]  }
0x37: {  	v12 =	vld [tilespmem:s31+$0xFFFFFFE0]  }
0x38: {  	v9 =	vld [tilespmem:s31+$0xFFFFFFF0]  }
0x39: {  	v10 =	vimm.f32 $-Inf;
	v8 =	vld [tilespmem:s31+$0x0]  }
0x3a: {  	v4 =	vmax.f32 v10, v4;
	v10 =	vld [tilespmem:s31+$0x10]  }
0x3b: {  	v11 =	vld [tilespmem:s31+$0x20];
	v4 =	vmax.f32 v4, v7  }
0x3c: {  	s2 =	simm.s32 $0xC0;
	s1 =	simm.s32 $0x0;
	v13 =	vmax.f32 v4, v12;
	v12 =	vld [tilespmem:s31+$0x30]  }
.LBB2_3:
0x3d: {  	v4 =	vld [tilespmem:s2+$0xFFFFFFC0];
	s1 =	sadd.s32 $0x8, s1;
	v7 =	vmax.f32 v13, v9  }
0x3e: {  	v13 =	vld [tilespmem:s2+$0xFFFFFFD0];
	p0 =	slt.u32 s1, $0x1860;
	v7 =	vmax.f32 v7, v8  }
0x3f: {  	v14 =	vld [tilespmem:s2+$0xFFFFFFE0];
	v7 =	vmax.f32 v7, v10  }
.Ltmp4:
0x40: {  	v9 =	vld [tilespmem:s2+$0xFFFFFFF0];
	v7 =	vmax.f32 v7, v11;
	(pc) =	sbr.rel @p0 .LBB2_3-.Ltmp4, $4  }
0x41: {  	v8 =	vld [tilespmem:s2+$0x0];
	v7 =	vmax.f32 v7, v12  }
0x42: {  	v4 =	vmax.f32 v7, v4;
	v10 =	vld [tilespmem:s2+$0x10]  }
0x43: {  	v4 =	vmax.f32 v4, v13;
	v11 =	vld [tilespmem:s2+$0x20]  }
0x44: {  	v13 =	vmax.f32 v4, v14;
	v12 =	vld [tilespmem:s2+$0x30];
	s2 =	sadd.s32 $0x80, s2  }
0x45: {  	v4 =	vld [tilespmem:$0x18680];
	s2 =	simm.s32 $0x18840  }
0x46: {  	v7 =	vld [tilespmem:$0x18690];
	s1 =	simm.s32 $0x19840;
	[tilespmem:s2+$0xFFFFFFC0] =	vst v0  }
0x47: {  	[tilespmem:s1+$0xFFFFFFC0] =	vst v1  }
0x48: {  	[tilespmem:s2+$0xFFFFFFD0] =	vst v0  }
0x49: {  	[tilespmem:s1+$0xFFFFFFD0] =	vst v1  }
0x4a: {  	[tilespmem:s2+$0xFFFFFFE0] =	vst v0  }
0x4b: {  	[tilespmem:s1+$0xFFFFFFE0] =	vst v1  }
0x4c: {  	[tilespmem:s2+$0xFFFFFFF0] =	vst v0  }
0x4d: {  	[tilespmem:s1+$0xFFFFFFF0] =	vst v1  }
0x4e: {  	[tilespmem:s2+$0x0] =	vst v0  }
0x4f: {  	[tilespmem:s1+$0x0] =	vst v1  }
0x50: {  	[tilespmem:s2+$0x10] =	vst v0  }
0x51: {  	v9 =	vmax.f32 v13, v9;
	[tilespmem:s1+$0x10] =	vst v1  }
0x52: {  	v8 =	vmax.f32 v9, v8;
	[tilespmem:s2+$0x20] =	vst v0  }
0x53: {  	v8 =	vmax.f32 v8, v10;
	[tilespmem:s1+$0x20] =	vst v1  }
0x54: {  	v8 =	vmax.f32 v8, v11;
	[tilespmem:s2+$0x30] =	vst v0  }
0x55: {  	s3 =	simm.s32 $0x188C0;
	v8 =	vmax.f32 v8, v12;
	s2 =	simm.s32 $0x0;
	[tilespmem:s1+$0x30] =	vst v1  }
.LBB2_5:
0x56: {  	[tilespmem:s3+$0xFFFFFFC0] =	vst v0;
	s1 =	sadd.s32 $0x80, s1  }
0x57: {  	[tilespmem:s1+$0xFFFFFFC0] =	vst v1  }
0x58: {  	[tilespmem:s3+$0xFFFFFFD0] =	vst v0  }
0x59: {  	[tilespmem:s1+$0xFFFFFFD0] =	vst v1  }
0x5a: {  	[tilespmem:s3+$0xFFFFFFE0] =	vst v0  }
0x5b: {  	[tilespmem:s1+$0xFFFFFFE0] =	vst v1  }
0x5c: {  	[tilespmem:s3+$0xFFFFFFF0] =	vst v0  }
0x5d: {  	[tilespmem:s1+$0xFFFFFFF0] =	vst v1  }
0x5e: {  	[tilespmem:s3+$0x0] =	vst v0  }
0x5f: {  	s2 =	sadd.s32 $0x8, s2;
	[tilespmem:s1+$0x0] =	vst v1  }
0x60: {  	p0 =	slt.u32 s2, $0xF8;
	[tilespmem:s3+$0x10] =	vst v0  }
.Ltmp5:
0x61: {  	[tilespmem:s1+$0x10] =	vst v1;
	(pc) =	sbr.rel @p0 .LBB2_5-.Ltmp5, $4  }
0x62: {  	[tilespmem:s3+$0x20] =	vst v0  }
0x63: {  	[tilespmem:s1+$0x20] =	vst v1  }
0x64: {  	[tilespmem:s3+$0x30] =	vst v0  }
0x65: {  	s3 =	sadd.s32 $0x80, s3;
	[tilespmem:s1+$0x30] =	vst v1  }
0x66: {  	v4 =	vmax.f32 v8, v4  }
0x67: {  	v4 =	vmax.f32 v4, v7  }
0x68: {  	(xrf0) =	vmax.scan.msk.f32 $0xffff, v4;
	_ =	sdelay $0x2  }
0x69: {  	s1 =	simm.s32 $0x40  }
0x6a: {  	v8 =	vld [tilespmem:s1+$0xFFFFFFC0];
	_ =	sdelay $0x1  }
0x6b: {  	v7, _, _ =	vpop (xrf0)  }
0x6c: {  	v4 =	vbroadcast v7, $0xF;
	_ =	sdelay $0x1  }
0x6d: {  	v9 =	vsub.f32 v8, v4;
	_ =	sdelay $0x1  }
0x6e: {  	v9 =	vmul.f32 $1.442695020e+00, v9;
	_ =	sdelay $0x1  }
0x6f: {  	(erf) = vpow2.f32 v9  }
0x70: {  	v9 =	vshra.s32 v8, $0x14  }
0x71: {  	vm0 =	vlt.s32 v8, $0x0;
	v8 =	vxor.u32 $0x7FF, v9  }
0x72: {  	v8 =	vsel vm0, v8, v9  }
0x73: {  	v8 =	vadd.s32 $0x800, v8;
	_ =	sdelay $0x4  }
0x74: {  	[tilespmem:v8+s16+$0x0] =	vst.idx.add.s32.msk $0xffff, v2;
	v9 =	vpop (erf)  }
0x75: {  	[tilespmem:v8+s17+$0x0] =	vst.idx.add.f32.msk $0xffff, v9  }
0x76: {  	v8 =	vld [tilespmem:s1+$0xFFFFFFD0];
	_ =	sdelay $0x4  }
0x77: {  	v10 =	vsub.f32 v8, v4;
	_ =	sdelay $0x1  }
0x78: {  	v10 =	vmul.f32 $1.442695020e+00, v10;
	_ =	sdelay $0x1  }
0x79: {  	(erf) = vpow2.f32 v10  }
0x7a: {  	v10 =	vshra.s32 v8, $0x14  }
0x7b: {  	vm9 =	vlt.s32 v8, $0x0;
	v8 =	vxor.u32 $0x7FF, v10  }
0x7c: {  	v8 =	vsel vm9, v8, v10  }
0x7d: {  	v8 =	vadd.s32 $0x800, v8;
	_ =	sdelay $0x4  }
0x7e: {  	[tilespmem:v8+s16+$0x0] =	vst.idx.add.s32.msk $0xffff, v2;
	v10 =	vpop (erf)  }
0x7f: {  	[tilespmem:v8+s17+$0x0] =	vst.idx.add.f32.msk $0xffff, v10  }
0x80: {  	v8 =	vld [tilespmem:s1+$0xFFFFFFE0];
	_ =	sdelay $0x4  }
0x81: {  	v11 =	vsub.f32 v8, v4;
	_ =	sdelay $0x1  }
0x82: {  	v11 =	vmul.f32 $1.442695020e+00, v11;
	_ =	sdelay $0x1  }
0x83: {  	(erf) = vpow2.f32 v11  }
0x84: {  	v11 =	vshra.s32 v8, $0x14  }
0x85: {  	vm10 =	vlt.s32 v8, $0x0;
	v8 =	vxor.u32 $0x7FF, v11  }
0x86: {  	v8 =	vsel vm10, v8, v11  }
0x87: {  	v8 =	vadd.s32 $0x800, v8;
	_ =	sdelay $0x4  }
0x88: {  	[tilespmem:v8+s16+$0x0] =	vst.idx.add.s32.msk $0xffff, v2;
	v11 =	vpop (erf)  }
0x89: {  	[tilespmem:v8+s17+$0x0] =	vst.idx.add.f32.msk $0xffff, v11  }
0x8a: {  	v8 =	vld [tilespmem:s1+$0xFFFFFFF0];
	_ =	sdelay $0x4  }
0x8b: {  	v12 =	vsub.f32 v8, v4;
	_ =	sdelay $0x1  }
0x8c: {  	v12 =	vmul.f32 $1.442695020e+00, v12;
	_ =	sdelay $0x1  }
0x8d: {  	(erf) = vpow2.f32 v12  }
0x8e: {  	v55 =	vshra.s32 v8, $0x14  }
0x8f: {  	vm11 =	vlt.s32 v8, $0x0;
	v8 =	vxor.u32 $0x7FF, v55  }
0x90: {  	v8 =	vsel vm11, v8, v55  }
0x91: {  	v8 =	vadd.s32 $0x800, v8;
	_ =	sdelay $0x4  }
0x92: {  	[tilespmem:v8+s16+$0x0] =	vst.idx.add.s32.msk $0xffff, v2;
	v56 =	vpop (erf)  }
0x93: {  	[tilespmem:v8+s17+$0x0] =	vst.idx.add.f32.msk $0xffff, v56  }
0x94: {  	v8 =	vld [tilespmem:s1+$0x0];
	_ =	sdelay $0x4  }
0x95: {  	v13 =	vsub.f32 v8, v4;
	_ =	sdelay $0x1  }
0x96: {  	v13 =	vmul.f32 $1.442695020e+00, v13;
	_ =	sdelay $0x1  }
0x97: {  	(erf) = vpow2.f32 v13  }
0x98: {  	v57 =	vshra.s32 v8, $0x14  }
0x99: {  	vm12 =	vlt.s32 v8, $0x0;
	v8 =	vxor.u32 $0x7FF, v57  }
0x9a: {  	v8 =	vsel vm12, v8, v57  }
0x9b: {  	v8 =	vadd.s32 $0x800, v8;
	_ =	sdelay $0x4  }
0x9c: {  	[tilespmem:v8+s16+$0x0] =	vst.idx.add.s32.msk $0xffff, v2;
	v58 =	vpop (erf)  }
0x9d: {  	[tilespmem:v8+s17+$0x0] =	vst.idx.add.f32.msk $0xffff, v58  }
0x9e: {  	v8 =	vld [tilespmem:s1+$0x10];
	_ =	sdelay $0x4  }
0x9f: {  	v14 =	vsub.f32 v8, v4;
	_ =	sdelay $0x1  }
0xa0: {  	v14 =	vmul.f32 $1.442695020e+00, v14;
	_ =	sdelay $0x1  }
0xa1: {  	(erf) = vpow2.f32 v14  }
0xa2: {  	v59 =	vshra.s32 v8, $0x14  }
0xa3: {  	vm13 =	vlt.s32 v8, $0x0;
	v8 =	vxor.u32 $0x7FF, v59  }
0xa4: {  	v8 =	vsel vm13, v8, v59  }
0xa5: {  	v8 =	vadd.s32 $0x800, v8;
	_ =	sdelay $0x4  }
0xa6: {  	[tilespmem:v8+s16+$0x0] =	vst.idx.add.s32.msk $0xffff, v2;
	v60 =	vpop (erf)  }
0xa7: {  	[tilespmem:v8+s17+$0x0] =	vst.idx.add.f32.msk $0xffff, v60  }
0xa8: {  	v8 =	vld [tilespmem:s1+$0x20];
	_ =	sdelay $0x4  }
0xa9: {  	v15 =	vsub.f32 v8, v4;
	_ =	sdelay $0x1  }
0xaa: {  	v15 =	vmul.f32 $1.442695020e+00, v15;
	_ =	sdelay $0x1  }
0xab: {  	(erf) = vpow2.f32 v15  }
0xac: {  	v61 =	vshra.s32 v8, $0x14  }
0xad: {  	vm14 =	vlt.s32 v8, $0x0;
	v8 =	vxor.u32 $0x7FF, v61  }
0xae: {  	v8 =	vsel vm14, v8, v61  }
0xaf: {  	v8 =	vadd.s32 $0x800, v8;
	_ =	sdelay $0x4  }
0xb0: {  	[tilespmem:v8+s16+$0x0] =	vst.idx.add.s32.msk $0xffff, v2;
	v62 =	vpop (erf)  }
0xb1: {  	[tilespmem:v8+s17+$0x0] =	vst.idx.add.f32.msk $0xffff, v62  }
0xb2: {  	v8 =	vld [tilespmem:s1+$0x30];
	_ =	sdelay $0x3  }
0xb3: {  	v16 =	vimm.f32 $0.0e+00  }
0xb4: {  	v9 =	vadd.f32 v9, v16;
	v17 =	vsub.f32 v8, v4;
	_ =	sdelay $0x1  }
0xb5: {  	v9 =	vadd.f32 v10, v9;
	v63 =	vmul.f32 $1.442695020e+00, v17;
	_ =	sdelay $0x1  }
0xb6: {  	v9 =	vadd.f32 v11, v9;
	(erf) = vpow2.f32 v63  }
0xb7: {  	v10 =	vshra.s32 v8, $0x14  }
0xb8: {  	v9 =	vadd.f32 v56, v9;
	vm15 =	vlt.s32 v8, $0x0;
	v8 =	vxor.u32 $0x7FF, v10  }
0xb9: {  	v8 =	vsel vm15, v8, v10  }
0xba: {  	v10 =	vadd.s32 $0x800, v8;
	v8 =	vadd.f32 v58, v9;
	_ =	sdelay $0x1  }
0xbb: {  	v8 =	vadd.f32 v60, v8;
	_ =	sdelay $0x1  }
0xbc: {  	v8 =	vadd.f32 v62, v8  }
0xbd: {  	s2 =	simm.s32 $0x0;
	[tilespmem:v10+s16+$0x0] =	vst.idx.add.s32.msk $0xffff, v2;
	v9 =	vpop (erf)  }
.LBB2_7:
0xbe: {  	s2 =	sadd.s32 $0x8, s2;
	[tilespmem:v10+s17+$0x0] =	vst.idx.add.f32.msk $0xffff, v9;
	v8 =	vadd.f32 v9, v8;
	s1 =	sadd.s32 $0x80, s1  }
0xbf: {  	v9 =	vld [tilespmem:s1+$0xFFFFFFC0];
	p0 =	slt.u32 s2, $0x1860;
	_ =	sdelay $0x4  }
0xc0: {  	v10 =	vsub.f32 v9, v4;
	v11 =	vshra.s32 v9, $0x14  }
0xc1: {  	vm0 =	vlt.s32 v9, $0x0;
	v9 =	vxor.u32 $0x7FF, v11  }
0xc2: {  	v10 =	vmul.f32 $1.442695020e+00, v10;
	v9 =	vsel vm0, v9, v11;
	_ =	sdelay $0x1  }
0xc3: {  	(erf) = vpow2.f32 v10;
	_ =	sdelay $0x3  }
0xc4: {  	v10 =	vadd.s32 $0x800, v9;
	_ =	sdelay $0x4  }
0xc5: {  	[tilespmem:v10+s16+$0x0] =	vst.idx.add.s32.msk $0xffff, v2;
	v9 =	vpop (erf)  }
0xc6: {  	[tilespmem:v10+s17+$0x0] =	vst.idx.add.f32.msk $0xffff, v9  }
0xc7: {  	v10 =	vld [tilespmem:s1+$0xFFFFFFD0];
	_ =	sdelay $0x4  }
0xc8: {  	v11 =	vsub.f32 v10, v4;
	v12 =	vshra.s32 v10, $0x14  }
0xc9: {  	vm0 =	vlt.s32 v10, $0x0;
	v10 =	vxor.u32 $0x7FF, v12  }
0xca: {  	v11 =	vmul.f32 $1.442695020e+00, v11;
	v10 =	vsel vm0, v10, v12;
	_ =	sdelay $0x1  }
0xcb: {  	(erf) = vpow2.f32 v11;
	_ =	sdelay $0x3  }
0xcc: {  	v11 =	vadd.s32 $0x800, v10;
	_ =	sdelay $0x4  }
0xcd: {  	[tilespmem:v11+s16+$0x0] =	vst.idx.add.s32.msk $0xffff, v2;
	v10 =	vpop (erf)  }
0xce: {  	[tilespmem:v11+s17+$0x0] =	vst.idx.add.f32.msk $0xffff, v10  }
0xcf: {  	v11 =	vld [tilespmem:s1+$0xFFFFFFE0];
	_ =	sdelay $0x4  }
0xd0: {  	v12 =	vsub.f32 v11, v4;
	v13 =	vshra.s32 v11, $0x14  }
0xd1: {  	vm0 =	vlt.s32 v11, $0x0;
	v11 =	vxor.u32 $0x7FF, v13  }
0xd2: {  	v12 =	vmul.f32 $1.442695020e+00, v12;
	v11 =	vsel vm0, v11, v13;
	_ =	sdelay $0x1  }
0xd3: {  	(erf) = vpow2.f32 v12;
	_ =	sdelay $0x3  }
0xd4: {  	v12 =	vadd.s32 $0x800, v11;
	_ =	sdelay $0x4  }
0xd5: {  	[tilespmem:v12+s16+$0x0] =	vst.idx.add.s32.msk $0xffff, v2;
	v11 =	vpop (erf)  }
0xd6: {  	[tilespmem:v12+s17+$0x0] =	vst.idx.add.f32.msk $0xffff, v11  }
0xd7: {  	v12 =	vld [tilespmem:s1+$0xFFFFFFF0];
	_ =	sdelay $0x4  }
0xd8: {  	v13 =	vsub.f32 v12, v4;
	v14 =	vshra.s32 v12, $0x14  }
0xd9: {  	vm0 =	vlt.s32 v12, $0x0;
	v12 =	vxor.u32 $0x7FF, v14  }
0xda: {  	v13 =	vmul.f32 $1.442695020e+00, v13;
	v12 =	vsel vm0, v12, v14;
	_ =	sdelay $0x1  }
0xdb: {  	(erf) = vpow2.f32 v13;
	_ =	sdelay $0x3  }
0xdc: {  	v12 =	vadd.s32 $0x800, v12;
	_ =	sdelay $0x4  }
0xdd: {  	[tilespmem:v12+s16+$0x0] =	vst.idx.add.s32.msk $0xffff, v2;
	v13 =	vpop (erf)  }
0xde: {  	[tilespmem:v12+s17+$0x0] =	vst.idx.add.f32.msk $0xffff, v13  }
0xdf: {  	v12 =	vld [tilespmem:s1+$0x0];
	_ =	sdelay $0x4  }
0xe0: {  	v14 =	vsub.f32 v12, v4;
	v15 =	vshra.s32 v12, $0x14  }
0xe1: {  	vm0 =	vlt.s32 v12, $0x0;
	v12 =	vxor.u32 $0x7FF, v15  }
0xe2: {  	v14 =	vmul.f32 $1.442695020e+00, v14;
	v12 =	vsel vm0, v12, v15;
	_ =	sdelay $0x1  }
0xe3: {  	(erf) = vpow2.f32 v14;
	_ =	sdelay $0x3  }
0xe4: {  	v12 =	vadd.s32 $0x800, v12;
	_ =	sdelay $0x4  }
0xe5: {  	[tilespmem:v12+s16+$0x0] =	vst.idx.add.s32.msk $0xffff, v2;
	v14 =	vpop (erf)  }
0xe6: {  	[tilespmem:v12+s17+$0x0] =	vst.idx.add.f32.msk $0xffff, v14  }
0xe7: {  	v12 =	vld [tilespmem:s1+$0x10];
	_ =	sdelay $0x4  }
0xe8: {  	v15 =	vsub.f32 v12, v4;
	v16 =	vshra.s32 v12, $0x14  }
0xe9: {  	vm0 =	vlt.s32 v12, $0x0;
	v12 =	vxor.u32 $0x7FF, v16  }
0xea: {  	v15 =	vmul.f32 $1.442695020e+00, v15;
	v12 =	vsel vm0, v12, v16;
	_ =	sdelay $0x1  }
0xeb: {  	(erf) = vpow2.f32 v15;
	_ =	sdelay $0x3  }
0xec: {  	v12 =	vadd.s32 $0x800, v12;
	_ =	sdelay $0x4  }
0xed: {  	[tilespmem:v12+s16+$0x0] =	vst.idx.add.s32.msk $0xffff, v2;
	v15 =	vpop (erf)  }
0xee: {  	[tilespmem:v12+s17+$0x0] =	vst.idx.add.f32.msk $0xffff, v15  }
0xef: {  	v12 =	vld [tilespmem:s1+$0x20];
	_ =	sdelay $0x4  }
0xf0: {  	v16 =	vsub.f32 v12, v4;
	v17 =	vshra.s32 v12, $0x14  }
0xf1: {  	vm0 =	vlt.s32 v12, $0x0;
	v12 =	vxor.u32 $0x7FF, v17  }
0xf2: {  	v16 =	vmul.f32 $1.442695020e+00, v16;
	v12 =	vsel vm0, v12, v17;
	_ =	sdelay $0x1  }
0xf3: {  	(erf) = vpow2.f32 v16;
	_ =	sdelay $0x3  }
0xf4: {  	v12 =	vadd.s32 $0x800, v12;
	_ =	sdelay $0x4  }
0xf5: {  	[tilespmem:v12+s16+$0x0] =	vst.idx.add.s32.msk $0xffff, v2;
	v16 =	vpop (erf)  }
0xf6: {  	[tilespmem:v12+s17+$0x0] =	vst.idx.add.f32.msk $0xffff, v16  }
0xf7: {  	v12 =	vld [tilespmem:s1+$0x30];
	_ =	sdelay $0x4  }
0xf8: {  	v8 =	vadd.f32 v9, v8;
	v9 =	vsub.f32 v12, v4;
	v17 =	vshra.s32 v12, $0x14  }
0xf9: {  	vm0 =	vlt.s32 v12, $0x0;
	v12 =	vxor.u32 $0x7FF, v17  }
0xfa: {  	v8 =	vadd.f32 v10, v8;
	v9 =	vmul.f32 $1.442695020e+00, v9;
	v10 =	vsel vm0, v12, v17;
	_ =	sdelay $0x1  }
0xfb: {  	v8 =	vadd.f32 v11, v8;
	(erf) = vpow2.f32 v9;
	_ =	sdelay $0x1  }
0xfc: {  	v8 =	vadd.f32 v13, v8;
	_ =	sdelay $0x1  }
0xfd: {  	v8 =	vadd.f32 v14, v8;
	v10 =	vadd.s32 $0x800, v10  }
.Ltmp6:
0xfe: {  	(pc) =	sbr.rel @p0 .LBB2_7-.Ltmp6, $3  }
0xff: {  	v8 =	vadd.f32 v15, v8;
	_ =	sdelay $0x1  }
0x100: {  	v8 =	vadd.f32 v16, v8  }
0x101: {  	[tilespmem:v10+s16+$0x0] =	vst.idx.add.s32.msk $0xffff, v2;
	v9 =	vpop (erf)  }
0x102: {  	_ =	sdelay $0x3  }
0x103: {  	[tilespmem:v10+s17+$0x0] =	vst.idx.add.f32.msk $0xffff, v9  }
0x104: {  	v10 =	vld [tilespmem:$0x18680];
	_ =	sdelay $0x4  }
0x105: {  	v11 =	vsub.f32 v10, v4;
	_ =	sdelay $0x1  }
0x106: {  	v11 =	vmul.f32 $1.442695020e+00, v11;
	_ =	sdelay $0x1  }
0x107: {  	(erf) = vpow2.f32 v11  }
0x108: {  	v11 =	vshra.s32 v10, $0x14  }
0x109: {  	vm0 =	vlt.s32 v10, $0x0;
	v10 =	vxor.u32 $0x7FF, v11  }
0x10a: {  	v10 =	vsel vm0, v10, v11  }
0x10b: {  	v10 =	vadd.s32 $0x800, v10;
	_ =	sdelay $0x4  }
0x10c: {  	[tilespmem:v10+s16+$0x0] =	vst.idx.add.s32.msk $0xffff, v2;
	v11 =	vpop (erf)  }
0x10d: {  	[tilespmem:v10+s17+$0x0] =	vst.idx.add.f32.msk $0xffff, v11  }
0x10e: {  	v10 =	vld [tilespmem:$0x18690];
	_ =	sdelay $0x4  }
0x10f: {  	v12 =	vsub.f32 v10, v4;
	_ =	sdelay $0x1  }
0x110: {  	v12 =	vmul.f32 $1.442695020e+00, v12;
	_ =	sdelay $0x1  }
0x111: {  	(erf) = vpow2.f32 v12;
	_ =	sdelay $0x4  }
0x112: {  	s0 =	sand.u32 $0xF, s0  }
0x113: {  	v8 =	vadd.f32 v9, v8;
	v9 =	vmov s0;
	_ =	sdelay $0x1  }
0x114: {  	vm1 =	veq.s32 v9, v3;
	v8 =	vadd.f32 v11, v8  }
0x115: {  	v6 =	vnsel vm1, $0x0, v6;
	v12 =	vshra.s32 v10, $0x14;
	v9 =	vpop (erf)  }
0x116: {  	vm6 =	vlt.s32 v10, $0x0;
	v10 =	vxor.u32 $0x7FF, v12;
	v8 =	vadd.f32 v9, v8  }
0x117: {  	(xrf2) =	vadd.scan.msk.f32 $0xffff, v6;
	v10 =	vsel vm6, v10, v12  }
0x118: {  	v10 =	vadd.s32 $0x800, v10;
	(xrf2) =	vadd.scan.msk.f32 $0xffff, v8;
	_ =	sdelay $0x4  }
0x119: {  	[tilespmem:v10+s16+$0x0] =	vst.idx.add.s32.msk $0xffff, v2  }
0x11a: {  	s8 =	simm.s32 $0x19810;
	[tilespmem:v10+s17+$0x0] =	vst.idx.add.f32.msk $0xffff, v9  }
0x11b: {  	v6 =	vld [tilespmem:s8+$0xFFFFFFF0];
	_ =	sdelay $0x1  }
0x11c: {  	v9, _, _ =	vpop (xrf2)  }
0x11d: {  	(v2sf) =	vpush v9, $0xF;
	v8 =	vld [tilespmem:s8+$0x0];
	v9, _, _ =	vpop (xrf2)  }
0x11e: {  	s9 =	simm.s32 $0x18810;
	(v2sf) =	vpush v9, $0xF  }
0x11f: {  	v10 =	vld [tilespmem:s9+$0xFFFFFFF0];
	(xrf2) =	vadd.scan.msk.f32 $0xffff, v6  }
0x120: {  	v5 =	vnsel vm1, $0x0, v5;
	v6 =	vld [tilespmem:s9+$0x0]  }
0x121: {  	(xrf0) =	vadd.scan.msk.s32 $0xffff, v5  }
0x122: {  	(xrf2) =	vadd.scan.msk.f32 $0xffff, v8;
	_ =	sdelay $0x1  }
0x123: {  	(xrf0) =	vadd.scan.msk.s32 $0xffff, v10  }
0x124: {  	s10 =	simm.s32 $0x19830;
	(xrf0) =	vadd.scan.msk.s32 $0xffff, v6  }
0x125: {  	v5 =	vld [tilespmem:s10+$0xFFFFFFF0];
	_ =	sdelay $0x1  }
0x126: {  	v8, _, _ =	vpop (xrf0)  }
0x127: {  	s11 =	simm.s32 $0x18830;
	v10 =	vld [tilespmem:s10+$0x0];
	v6, _, _ =	vpop (xrf2)  }
0x128: {  	v13 =	vld [tilespmem:s11+$0xFFFFFFF0];
	v11, _, _ =	vpop (xrf0);
	(v2sf) =	vpush v6, $0xF  }
0x129: {  	s22 =	simm.s32 $0x0;
	(xrf2) =	vadd.scan.msk.f32 $0xffff, v5;
	v12, _, _ =	vpop (xrf0);
	(v2sf) =	vpush v11, $0xF  }
0x12a: {  	s23 =	simm.f32 $0.0e+00;
	v15 =	vld [tilespmem:s11+$0x0];
	v9 =	vbroadcast v9, $0xF;
	v5 =	vmov s22;
	s12 =	spop (v2sf);
	v14, _, _ =	vpop (xrf2);
	(v2sf) =	vpush v12, $0xF  }
0x12b: {  	v5 =	vsub.s32 $0x186A0, v5;
	v6 =	vadd.f32 s23, v6;
	(v2sf) =	vpush v14, $0xF;
	s1 =	spop (v2sf)  }
0x12c: {  	(xrf2) =	vadd.scan.msk.f32 $0xffff, v10;
	v10 =	vbroadcast v5, $0x0;
	s0 =	smul.f32 s1, s12  }
0x12d: {  	(xrf0) =	vadd.scan.msk.s32 $0xffff, v13;
	v5 =	vbroadcast v8, $0xF;
	v13 =	vsub.f32 v9, v6  }
0x12e: {  	v10 =	vsub.s32 v10, v11;
	v6 =	vmov s0  }
0x12f: {  	(xrf0) =	vadd.scan.msk.s32 $0xffff, v15;
	vm7 =	vlt.s32 v10, v5;
	vm8 =	vle.f32 v13, v6  }
0x130: {  	vm0 =	vmand vm7, vm8  }
0x131: {  	v11 =	vmpcnt.ones.xlane vm0  }
0x132: {  	s13 =	simm.s32 $0x19850  }
0x133: {  	v10 =	vld [tilespmem:s13+$0xFFFFFFF0];
	v13, _, _ =	vpop (xrf2)  }
0x134: {  	v15, _, _ =	vpop (xrf0);
	(v2sf) =	vpush v13, $0xF  }
0x135: {  	(v2sf) =	vpush v15, $0xF;
	(xrf0) =	vadd.scan.msk.s32 $0xffff, v11;
	v11, _, _ =	vpop (xrf0)  }
0x136: {  	s14 =	simm.s32 $0x18850;
	(v2sf) =	vpush v11, $0xF  }
0x137: {  	v17 =	vld [tilespmem:s14+$0xFFFFFFF0];
	s2 =	spop (v2sf)  }
0x138: {  	v18 =	vld [tilespmem:s14+$0x0];
	[dreg:$0x14] =	wrdreg s1;
	(xrf2) =	vadd.scan.msk.f32 $0xffff, v10;
	v10 =	vmctz.xlane vm0;
	s15 =	spop (v2sf)  }
0x139: {  	s2 =	sadd.f32 s2, s23;
	s3 =	spop (v2sf)  }
0x13a: {  	[dreg:$0xd] =	wrdreg s0;
	v16, _, _ =	vpop (xrf2);
	(xrf0) =	vadd.scan.msk.s32 $0xffff, v10;
	v10 =	vld [tilespmem:s13+$0x0];
	s4 =	sadd.s32 $0x0, s15;
	s18 =	spop (v2sf)  }
0x13b: {  	(v2sf) =	vpush v16, $0xF;
	s1 =	sadd.s32 s4, s3;
	s0 =	sadd.f32 s18, s2  }
0x13c: {  	(xrf0) =	vadd.scan.msk.s32 $0xffff, v17;
	v17 =	vmov s1  }
0x13d: {  	(xrf0) =	vadd.scan.msk.s32 $0xffff, v18;
	v18 =	vmov s4;
	v17 =	vsub.s32 $0x186A0, v17;
	v13 =	vadd.f32 s0, v13  }
0x13e: {  	v14 =	vadd.f32 s2, v14;
	v18 =	vsub.s32 $0x0, v18;
	v17 =	vbroadcast v17, $0x0  }
0x13f: {  	v19, _, _ =	vpop (xrf0);
	(xrf2) =	vadd.scan.msk.f32 $0xffff, v10;
	v10 =	vbroadcast v18, $0x0;
	v13 =	vsub.f32 v9, v13  }
0x140: {  	s19 =	simm.s32 $0x19870;
	(v2sf) =	vpush v19, $0xF;
	v14 =	vsub.f32 v9, v14;
	v15 =	vsub.s32 v17, v15  }
0x141: {  	v12 =	vsub.s32 v10, v12;
	vm9 =	vlt.s32 v15, v5;
	v15 =	vld [tilespmem:s19+$0xFFFFFFF0];
	vm10 =	vle.f32 v13, v6  }
0x142: {  	v12 =	vadd.s32 $0x186A0, v12;
	vm0 =	vmand vm9, vm10  }
0x143: {  	vm11 =	vle.f32 v14, v6;
	vm2 =	vlt.s32 v12, v5;
	s5 =	spop (v2sf);
	v18 =	vmpcnt.ones.xlane vm0  }
0x144: {  	v19, _, _ =	vpop (xrf0);
	vm1 =	vmand vm2, vm11;
	s6 =	spop (v2sf)  }
0x145: {  	(v2sf) =	vpush v19, $0xF;
	v17, _, _ =	vpop (xrf2);
	s10 =	sadd.f32 s5, s0;
	v12 =	vmpcnt.ones.xlane vm1;
	s11 =	sadd.s32 s1, s6;
	(xrf0) =	vadd.scan.msk.s32 $0xffff, v18;
	s20 =	spop (v2sf)  }
0x146: {  	(v2sf) =	vpush v17, $0xF;
	v14 =	vmctz.xlane vm0;
	v18 =	vmctz.xlane vm1;
	(xrf2) =	vadd.scan.msk.f32 $0xffff, v15;
	s13 =	sadd.s32 s11, s20  }
0x147: {  	v13, _, _ =	vpop (xrf0);
	v15 =	vmov s11;
	(xrf0) =	vadd.scan.msk.s32 $0xffff, v12;
	v12 =	vadd.f32 s10, v16;
	v16 =	vmov s13  }
0x148: {  	(v2sf) =	vpush v13, $0xF;
	v10, _, _ =	vpop (xrf0);
	v15 =	vsub.s32 $0x0, v15;
	(xrf0) =	vadd.scan.msk.s32 $0xffff, v18;
	v16 =	vsub.s32 $0x186A0, v16  }
0x149: {  	(v2sf) =	vpush v10, $0xF;
	v15 =	vbroadcast v15, $0x0;
	(xrf0) =	vadd.scan.msk.s32 $0xffff, v14;
	v14 =	vbroadcast v16, $0x0  }
0x14a: {  	s7 =	simm.s32 $0x18870;
	s21 =	spop (v2sf)  }
0x14b: {  	v19 =	vld [tilespmem:s7+$0xFFFFFFF0];
	s18 =	sadd.f32 s21, s10;
	v18, _, _ =	vpop (xrf2);
	v11 =	vsub.s32 v15, v11;
	v13 =	vsub.s32 v14, v13  }
0x14c: {  	v20 =	vld [tilespmem:s7+$0x0];
	(v2sf) =	vpush v18, $0xF;
	v11 =	vadd.s32 $0x186A0, v11  }
0x14d: {  	v17 =	vadd.f32 s18, v17;
	v16 =	vld [tilespmem:s19+$0x0];
	v21, _, _ =	vpop (xrf0)  }
0x14e: {  	(v2sf) =	vpush v21, $0xF;
	vm12 =	vlt.s32 v13, v5;
	v13, _, _ =	vpop (xrf0)  }
0x14f: {  	vm15 =	vlt.s32 v11, v5;
	v17 =	vsub.f32 v9, v17;
	(v2sf) =	vpush v13, $0xF;
	v11, _, _ =	vpop (xrf0)  }
0x150: {  	v12 =	vsub.f32 v9, v12;
	(xrf0) =	vadd.scan.msk.s32 $0xffff, v19;
	s24 =	spop (v2sf);
	(v2sf) =	vpush v11, $0xF  }
0x151: {  	(xrf0) =	vadd.scan.msk.s32 $0xffff, v20;
	vm13 =	vle.f32 v17, v6  }
0x152: {  	p1 =	por $0x1, $0x1;
	vm14 =	vle.f32 v12, v6;
	vm0 =	vmand vm12, vm13;
	(xrf2) =	vadd.scan.msk.f32 $0xffff, v16  }
0x153: {  	s29 =	simm.s32 $0x0;
	s14 =	simm.s32 $0x18890;
	s8 =	simm.s32 $0x30;
	vm1 =	vmand vm15, vm14;
	v12 =	vmpcnt.ones.xlane vm0  }
0x154: {  	s9 =	simm.s32 $0x8;
	s15 =	simm.s32 $0x19890;
	s3 =	simm.s32 $0x10;
	v11 =	vmpcnt.ones.xlane vm1  }
0x155: {  	s7 =	simm.f32 $0.0e+00;
	s6 =	simm.s32 $0x0;
	s25 =	spop (v2sf);
	v13, _, _ =	vpop (xrf0)  }
0x156: {  	p0 =	sgt.s32 s24, $0x0;
	s5 =	sshra.s32 s25, $0x4;
	v14 =	vmctz.xlane vm1;
	s26 =	spop (v2sf);
	(v2sf) =	vpush v13, $0xF;
	v13, _, _ =	vpop (xrf2);
	(xrf0) =	vadd.scan.msk.s32 $0xffff, v12  }
0x157: {  	s12 =	sadd.s32 $0x10, s5;
	v16 =	vmctz.xlane vm0;
	s5 =	sadd.f32 s26, s18;
	s30 =	spop (v2sf);
	(v2sf) =	vpush v13, $0xF;
	(xrf0) =	vadd.scan.msk.s32 $0xffff, v11;
	v12, _, _ =	vpop (xrf0)  }
0x158: {  	p0 =	por !p1, !p0;
	v17 =	vld [tilespmem:s15+$0xFFFFFFF0];
	s28 =	sadd.s32 s13, s30;
	s31 =	spop (v2sf);
	(xrf0) =	vadd.scan.msk.s32 $0xffff, v14;
	(v2sf) =	vpush v12, $0xF;
	v11, _, _ =	vpop (xrf0)  }
0x159: {  	s24 =	simm.s32 $0x0;
	p0 =	por !p0, !p0;
	v15 =	vadd.f32 s5, v18;
	s26 =	sadd.s32 s28, s31;
	v14 =	vld [tilespmem:s15+$0x0];
	(xrf0) =	vadd.scan.msk.s32 $0xffff, v16;
	v16 =	vmov s28;
	(v2sf) =	vpush v11, $0xF  }
.LBB2_9:
0x15a: {  	s9 =	sadd.s32 $0x2, s9  }
0x15b: {  	s19 =	spop (v2sf);
	s22 =	smov.u32 @p0 s29;
	s29 =	smov.u32 s1  }
0x15c: {  	v21 =	vmov s26;
	v19, _, _ =	vpop (xrf2);
	s1 =	smov.u32 s13;
	s13 =	smov.u32 s26;
	s12 =	sadd.s32 $0xFFFFFFF0, s12  }
0x15d: {  	p1 =	slt.u32 s9, $0xFE;
	v20 =	vld [tilespmem:s14+$0xFFFFFFF0];
	(xrf2) =	vadd.scan.msk.f32 $0xffff, v17;
	v17 =	vsub.s32 $0x186A0, v21;
	(v2sf) =	vpush v19, $0xF;
	s19 =	sadd.f32 s19, s5;
	v18, _, _ =	vpop (xrf0);
	s20 =	spop (v2sf)  }
0x15e: {  	v22 =	vsub.f32 v9, v15;
	s6 =	simm.s32 @p0 $0x1;
	s23 =	smov.u32 @p0 s7;
	v17 =	vbroadcast v17, $0x0;
	(v2sf) =	vpush v18, $0xF;
	v18, _, _ =	vpop (xrf0);
	s21 =	spop (v2sf)  }
0x15f: {  	v16 =	vsub.s32 $0x0, v16;
	p3 =	seq.s32 s6, $0x0;
	v21 =	vld [tilespmem:s14+$0x0];
	v13 =	vadd.f32 s19, v13;
	(v2sf) =	vpush v18, $0xF;
	v18, _, _ =	vpop (xrf0);
	p2 =	sgt.s32 s21, $0x0;
	s21 =	spop (v2sf)  }
0x160: {  	s15 =	sadd.s32 $0x20, s15;
	v16 =	vbroadcast v16, $0x0;
	vm0 =	vle.f32 v22, v6;
	v15, _, _ =	vpop (xrf0);
	(v2sf) =	vpush v18, $0xF;
	s7 =	sshra.s32 s21, $0x4;
	p2 =	por !p3, !p2  }
0x161: {  	s24 =	smov.u32 @p0 s12;
	v12 =	vsub.s32 v17, v12;
	v13 =	vsub.f32 v9, v13;
	p2 =	por !p2, !p2;
	s3 =	sadd.s32 s7, s3  }
0x162: {  	p0 =	sgt.s32 s20, $0x0;
	(xrf2) =	vadd.scan.msk.f32 $0xffff, v14;
	v14 =	vsub.s32 v16, v10;
	s24 =	smov.u32 @p2 s3;
	s6 =	simm.s32 @p2 $0x1;
	v10 =	vmov v11  }
0x163: {  	vm1 =	vlt.s32 v12, v5;
	s22 =	smov.u32 @p2 s4;
	s23 =	smov.u32 @p2 s2;
	(xrf0) =	vadd.scan.msk.s32 $0xffff, v20;
	vm2 =	vle.f32 v13, v6;
	v11 =	vadd.s32 $0x186A0, v14;
	p3 =	seq.s32 s6, $0x0  }
0x164: {  	s7 =	smov.u32 s0;
	s0 =	smov.u32 s18;
	(xrf0) =	vadd.scan.msk.s32 $0xffff, v21;
	vm1 =	vmand vm1, vm2;
	vm2 =	vlt.s32 v11, v5;
	p0 =	por !p3, !p0  }
0x165: {  	s18 =	smov.u32 s19;
	v11 =	vmpcnt.ones.xlane vm1;
	v16 =	vmctz.xlane vm1;
	vm0 =	vmand vm2, vm0;
	p0 =	por !p0, !p0;
	s2 =	spop (v2sf)  }
0x166: {  	v18 =	vmpcnt.ones.xlane vm0;
	v14 =	vmctz.xlane vm0;
	(v2sf) =	vpush v15, $0xF;
	s3 =	sshra.s32 s2, $0x4;
	s2 =	smov.u32 s10;
	s10 =	smov.u32 s5  }
.Ltmp7:
0x167: {  	v13, _, _ =	vpop (xrf2);
	(xrf0) =	vadd.scan.msk.s32 $0xffff, v11;
	s4 =	spop (v2sf);
	s12 =	sadd.s32 s3, s8;
	(pc) =	sbr.rel @p1 .LBB2_9-.Ltmp7, $4  }
0x168: {  	v17 =	vld [tilespmem:s15+$0xFFFFFFF0];
	(v2sf) =	vpush v13, $0xF;
	s5 =	sadd.f32 s4, s19;
	(xrf0) =	vadd.scan.msk.s32 $0xffff, v18;
	s4 =	smov.u32 s11;
	s11 =	smov.u32 s28  }
0x169: {  	s3 =	smov.u32 s8;
	v12, _, _ =	vpop (xrf0);
	s19 =	spop (v2sf);
	(xrf0) =	vadd.scan.msk.s32 $0xffff, v14  }
0x16a: {  	s14 =	sadd.s32 $0x20, s14;
	v14 =	vld [tilespmem:s15+$0x0];
	(v2sf) =	vpush v12, $0xF;
	v11, _, _ =	vpop (xrf0);
	s28 =	sadd.s32 s26, s19;
	v15 =	vadd.f32 s5, v19;
	(xrf0) =	vadd.scan.msk.s32 $0xffff, v16;
	s19 =	spop (v2sf)  }
0x16b: {  	s8 =	sadd.s32 $0x20, s8;
	(v2sf) =	vpush v11, $0xF;
	v16 =	vmov s28;
	s26 =	sadd.s32 s28, s19  }
0x16c: {  	v43, _, _ =	vpop (xrf2)  }
0x16d: {  	(v2sf) =	vpush v43, $0xF;
	_ =	sdelay $0x1  }
0x16e: {  	v18 =	vld [tilespmem:s14+$0xFFFFFFF0];
	(xrf2) =	vadd.scan.msk.f32 $0xffff, v17;
	_ =	sdelay $0x3  }
0x16f: {  	v44, _, _ =	vpop (xrf0)  }
0x170: {  	s9 =	spop (v2sf);
	(v2sf) =	vpush v44, $0xF;
	v45, _, _ =	vpop (xrf0);
	(xrf0) =	vadd.scan.msk.s32 $0xffff, v18  }
0x171: {  	v16 =	vsub.s32 $0x0, v16;
	s9 =	sadd.f32 s9, s5;
	s30 =	spop (v2sf);
	(v2sf) =	vpush v45, $0xF;
	v46, _, _ =	vpop (xrf0)  }
0x172: {  	v47 =	vmov s26;
	v16 =	vbroadcast v16, $0x0;
	s31 =	spop (v2sf);
	v19, _, _ =	vpop (xrf0);
	(v2sf) =	vpush v46, $0xF  }
0x173: {  	v13 =	vadd.f32 s9, v13;
	s20 =	spop (v2sf);
	(v2sf) =	vpush v19, $0xF;
	v18 =	vsub.s32 $0x186A0, v47  }
0x174: {  	s19 =	smov.u32 s9;
	v18 =	vbroadcast v18, $0x0;
	s21 =	spop (v2sf)  }
0x175: {  	v20 =	vld [tilespmem:s14+$0x0];
	v49 =	vsub.f32 v9, v15;
	v10 =	vsub.s32 v16, v10;
	[dreg:$0x1d] =	wrdreg s19;
	v13 =	vsub.f32 v9, v13;
	v48, _, _ =	vpop (xrf2);
	s25 =	spop (v2sf)  }
0x176: {  	[smem:$0x7F5] =	sst s20;
	v10 =	vadd.s32 $0x186A0, v10;
	v12 =	vsub.s32 v18, v12;
	v21, _, _ =	vpop (xrf0);
	(v2sf) =	vpush v48, $0xF;
	s15 =	spop (v2sf)  }
0x177: {  	(xrf2) =	vadd.scan.msk.f32 $0xffff, v14;
	vm1 =	vle.f32 v13, v6;
	vm0 =	vlt.s32 v12, v5;
	s19 =	sadd.f32 s25, s19;
	(v2sf) =	vpush v21, $0xF;
	s14 =	spop (v2sf)  }
0x178: {  	vm2 =	vle.f32 v49, v6;
	vm7 =	vlt.s32 v10, v5;
	[smem:$0x7F6] =	sst s21;
	vm0 =	vmand vm0, vm1;
	s25 =	sadd.s32 s26, s15;
	s20 =	spop (v2sf)  }
0x179: {  	vm8 =	vmand vm7, vm2;
	v10 =	vmpcnt.ones.xlane vm0;
	s21 =	sadd.s32 s25, s14;
	s20 =	sadd.f32 s20, s19  }
0x17a: {  	(xrf0) =	vadd.scan.msk.s32 $0xffff, v20;
	v51 =	vmpcnt.ones.xlane vm8;
	v52 =	vmov s25;
	v53 =	vmov s21  }
0x17b: {  	(xrf0) =	vadd.scan.msk.s32 $0xffff, v10;
	v14 =	vsub.s32 $0x0, v52;
	v10 =	vsub.s32 $0x186A0, v53;
	v54 =	vadd.f32 s20, v48  }
0x17c: {  	v56 =	vadd.f32 s19, v43;
	v14 =	vbroadcast v14, $0x0;
	v10 =	vbroadcast v10, $0x0  }
0x17d: {  	v57 =	vmctz.xlane vm8;
	v50 =	vmctz.xlane vm0;
	v15 =	vsub.f32 v9, v54  }
0x17e: {  	(xrf0) =	vadd.scan.msk.s32 $0xffff, v51;
	v16 =	vsub.f32 v9, v56;
	v11 =	vsub.s32 v14, v11;
	v10 =	vsub.s32 v10, v21  }
0x17f: {  	s15 =	spop (v2sf);
	vm9 =	vlt.s32 v10, v5;
	v10 =	vadd.s32 $0x186A0, v11;
	vm10 =	vle.f32 v15, v6  }
0x180: {  	v55, _, _ =	vpop (xrf0);
	s14 =	spop (v2sf);
	vm11 =	vle.f32 v16, v6;
	vm12 =	vlt.s32 v10, v5;
	vm0 =	vmand vm9, vm10  }
0x181: {  	[smem:$0x7FD] =	sst s19;
	(v2sf) =	vpush v55, $0xF;
	(xrf0) =	vadd.scan.msk.s32 $0xffff, v57;
	s19 =	spop (v2sf);
	v11, _, _ =	vpop (xrf2);
	vm1 =	vmand vm12, vm11;
	v58 =	vmpcnt.ones.xlane vm0  }
0x182: {  	s6 =	simm.s32 @p0 $0x1;
	(xrf0) =	vadd.scan.msk.s32 $0xffff, v50;
	[smem:$0x7F7] =	sst s19;
	s19 =	spop (v2sf);
	(v2sf) =	vpush v11, $0xF;
	v59 =	vmpcnt.ones.xlane vm1  }
0x183: {  	p2 =	seq.s32 s6, $0x0;
	p1 =	sgt.s32 s31, $0x0;
	v10, _, _ =	vpop (xrf0);
	(xrf0) =	vadd.scan.msk.s32 $0xffff, v58  }
0x184: {  	p1 =	por !p2, !p1;
	(v2sf) =	vpush v10, $0xF;
	v10, _, _ =	vpop (xrf0);
	(xrf0) =	vadd.scan.msk.s32 $0xffff, v59  }
0x185: {  	p6 =	por !p1, !p1;
	[smem:$0x7F8] =	sst s19;
	s19 =	spop (v2sf);
	(v2sf) =	vpush v10, $0xF  }
0x186: {  	s6 =	simm.s32 @p6 $0x1;
	s9 =	spop (v2sf)  }
0x187: {  	p2 =	sgt.s32 s30, $0x0;
	p3 =	seq.s32 s6, $0x0;
	v60, _, _ =	vpop (xrf0);
	s31 =	sadd.s32 s21, s9  }
0x188: {  	p1 =	por !p3, !p2;
	v61, _, _ =	vpop (xrf0);
	s19 =	sadd.f32 s19, s20;
	(v2sf) =	vpush v60, $0xF;
	v10 =	vmov s31  }
0x189: {  	p3 =	por !p1, !p1;
	(v2sf) =	vpush v61, $0xF;
	v10 =	vsub.s32 $0x0, v10;
	v62, _, _ =	vpop (xrf0)  }
0x18a: {  	s12 =	sadd.s32 $0xFFFFFFF0, s12;
	s6 =	simm.s32 @p3 $0x1;
	v11 =	vadd.f32 s19, v11;
	v10 =	vbroadcast v10, $0x0;
	(v2sf) =	vpush v62, $0xF;
	v63, _, _ =	vpop (xrf0)  }
0x18b: {  	p5 =	seq.s32 s6, $0x0;
	p4 =	sgt.s32 s14, $0x0;
	s9 =	simm.s32 @!p6 $0x0;
	(v2sf) =	vpush v63, $0xF  }
0x18c: {  	s24 =	smov.u32 @p0 s12;
	p1 =	por !p5, !p4;
	s9 =	simm.s32 @p6 $0x1;
	v9 =	vsub.f32 v9, v11;
	v11 =	vmctz.xlane vm1;
	v10 =	vsub.s32 v10, v55  }
0x18d: {  	p1 =	por !p1, !p1;
	[smem:$0x7F9] =	sst s9;
	s9 =	simm.s32 @!p3 $0x0;
	v10 =	vadd.s32 $0x186A0, v10  }
0x18e: {  	p4 =	sgt.s32 s15, $0x0;
	s6 =	simm.s32 @p1 $0x1;
	s9 =	simm.s32 @p3 $0x1;
	vm13 =	vle.f32 v9, v6;
	v9 =	vmctz.xlane vm0;
	(xrf0) =	vadd.scan.msk.s32 $0xffff, v11;
	vm14 =	vlt.s32 v10, v5  }
0x18f: {  	p5 =	seq.s32 s6, $0x0;
	[smem:$0x7FA] =	sst s9;
	s9 =	simm.s32 @!p1 $0x0;
	vm15 =	vmand vm14, vm13  }
0x190: {  	s30 =	spop (v2sf);
	s9 =	simm.s32 @p1 $0x1;
	p1 =	por !p5, !p4;
	(xrf0) =	vadd.scan.msk.s32 $0xffff, v9;
	v10 =	vmpcnt.ones.xlane vm15  }
0x191: {  	s30 =	sld [smem:$0x7F5];
	p4 =	por !p1, !p1;
	s14 =	spop (v2sf)  }
0x192: {  	[smem:$0x7FB] =	sst s9;
	s6 =	simm.s32 @p4 $0x1;
	v9 =	vmctz.xlane vm15;
	s14 =	simm.s32 @!p4 $0x0;
	(xrf0) =	vadd.scan.msk.s32 $0xffff, v10  }
0x193: {  	p5 =	seq.s32 s6, $0x0;
	s9 =	spop (v2sf);
	s14 =	simm.s32 @p4 $0x1  }
0x194: {  	[smem:$0x7FC] =	sst s14;
	s14 =	sshra.s32 s30, $0x4;
	v10, _, _ =	vpop (xrf0);
	s15 =	spop (v2sf)  }
0x195: {  	(xrf0) =	vadd.scan.msk.s32 $0xffff, v9;
	s3 =	sadd.s32 s14, s3;
	p2 =	sgt.s32 s15, $0x0;
	(v2sf) =	vpush v10, $0xF;
	s15 =	sld [smem:$0x7F6]  }
0x196: {  	v9, _, _ =	vpop (xrf0);
	s24 =	smov.u32 @p6 s3;
	p1 =	por !p5, !p2  }
0x197: {  	(v2sf) =	vpush v9, $0xF;
	p5 =	por !p1, !p1;
	p1 =	sgt.s32 s9, $0x0;
	s9 =	spop (v2sf)  }
0x198: {  	v9, _, _ =	vpop (xrf0);
	s6 =	simm.s32 @p5 $0x1;
	s3 =	spop (v2sf);
	s12 =	sshra.s32 s15, $0x4  }
0x199: {  	s15 =	sld [smem:$0x7F7];
	(v2sf) =	vpush v9, $0xF;
	p2 =	seq.s32 s6, $0x0;
	s14 =	spop (v2sf)  }
0x19a: {  	s12 =	sadd.s32 s12, s8;
	p1 =	por !p2, !p1;
	s30 =	spop (v2sf)  }
0x19b: {  	v9, _, _ =	vpop (xrf0);
	p6 =	por !p1, !p1;
	p1 =	sgt.s32 s30, $0x0;
	s30 =	sld [smem:$0x7F8]  }
0x19c: {  	s12 =	sadd.s32 $0xFFFFFFF0, s12;
	(v2sf) =	vpush v9, $0xF  }
0x19d: {  	s24 =	smov.u32 @p3 s12;
	s12 =	sshra.s32 s15, $0x4;
	s6 =	simm.s32 @p6 $0x1  }
0x19e: {  	p2 =	seq.s32 s6, $0x0;
	s15 =	sshra.s32 s30, $0x4;
	s30 =	sadd.s32 $0x20, s8  }
0x19f: {  	s8 =	sadd.s32 s12, s8;
	s12 =	sadd.s32 s15, s30;
	s15 =	sld [smem:$0x7FB]  }
0x1a0: {  	p1 =	por !p2, !p1  }
0x1a1: {  	p3 =	por !p1, !p1  }
0x1a2: {  	s9 =	sshra.s32 s9, $0x4;
	s6 =	simm.s32 @p3 $0x1;
	p1 =	seq.s32 s15, $0x1  }
0x1a3: {  	s3 =	sshra.s32 s3, $0x4;
	p2 =	seq.s32 s6, $0x0;
	s24 =	smov.u32 @p1 s8  }
0x1a4: {  	s8 =	sadd.s32 $0xFFFFFFF0, s12;
	p1 =	sgt.s32 s14, $0x0;
	s12 =	spop (v2sf)  }
0x1a5: {  	p1 =	por !p2, !p1;
	s24 =	smov.u32 @p4 s8;
	s8 =	sadd.s32 s9, s30  }
0x1a6: {  	s9 =	sadd.s32 $0x20, s30;
	s15 =	spop (v2sf);
	s14 =	sshra.s32 s12, $0x4  }
0x1a7: {  	s24 =	smov.u32 @p5 s8;
	p2 =	por !p1, !p1;
	s3 =	sadd.s32 s3, s9  }
0x1a8: {  	s15 =	sshra.s32 s15, $0x4;
	s6 =	simm.s32 @p2 $0x1;
	s30 =	spop (v2sf)  }
0x1a9: {  	s3 =	sadd.s32 $0xFFFFFFF0, s3;
	p1 =	sgt.s32 s30, $0x0;
	p4 =	seq.s32 s6, $0x0  }
0x1aa: {  	s24 =	smov.u32 @p6 s3;
	s3 =	sadd.s32 $0x20, s9;
	s6 =	sadd.s32 s14, s9  }
0x1ab: {  	p1 =	por !p4, !p1;
	s8 =	sadd.s32 s15, s3;
	s30 =	spop (v2sf)  }
0x1ac: {  	s24 =	smov.u32 @p3 s6;
	s6 =	sadd.s32 $0xFFFFFFF0, s8;
	s9 =	sshra.s32 s30, $0x4  }
0x1ad: {  	p1 =	por !p1, !p1;
	s24 =	smov.u32 @p2 s6;
	s3 =	sadd.s32 s9, s3  }
0x1ae: {  	s24 =	smov.u32 @p1 s3  }
0x1af: {  	s3 =	sand.u32 $0xFFFFFFF0, s24  }
0x1b0: {  	s12 =	simm.s32 $0x18840;
	v9 =	vld [tilespmem:s3+$0x18800]  }
0x1b1: {  	v10 =	vld [tilespmem:s3+$0x19800];
	s3 =	simm.s32 $0x19840;
	[tilespmem:s12+$0xFFFFFFC0] =	vst v0  }
0x1b2: {  	s14 =	sld [smem:$0x7F9];
	[tilespmem:s3+$0xFFFFFFC0] =	vst v1  }
0x1b3: {  	s15 =	sld [smem:$0x7FA];
	[tilespmem:s12+$0xFFFFFFD0] =	vst v0  }
0x1b4: {  	s22 =	smov.u32 @p0 s29;
	s29 =	sld [smem:$0x7FB];
	[tilespmem:s3+$0xFFFFFFD0] =	vst v1  }
0x1b5: {  	s23 =	smov.u32 @p0 s7;
	s30 =	sld [smem:$0x7FC];
	p0 =	seq.s32 s14, $0x1;
	[tilespmem:s12+$0xFFFFFFE0] =	vst v0  }
0x1b6: {  	s22 =	smov.u32 @p0 s4;
	s23 =	smov.u32 @p0 s2;
	p0 =	seq.s32 s15, $0x1;
	[tilespmem:s3+$0xFFFFFFE0] =	vst v1  }
0x1b7: {  	s22 =	smov.u32 @p0 s1;
	s23 =	smov.u32 @p0 s0;
	p0 =	seq.s32 s29, $0x1;
	[tilespmem:s12+$0xFFFFFFF0] =	vst v0  }
0x1b8: {  	s22 =	smov.u32 @p0 s11;
	s23 =	smov.u32 @p0 s10;
	p0 =	seq.s32 s30, $0x1;
	[tilespmem:s3+$0xFFFFFFF0] =	vst v1  }
0x1b9: {  	s23 =	smov.u32 @p0 s18;
	[tilespmem:s12+$0x0] =	vst v0  }
0x1ba: {  	s0 =	rddreg [dreg:$0x1d];
	s23 =	smov.u32 @p5 s5;
	[tilespmem:s3+$0x0] =	vst v1  }
0x1bb: {  	s22 =	smov.u32 @p0 s13;
	s23 =	smov.u32 @p6 s0;
	s0 =	sld [smem:$0x7FD];
	[tilespmem:s12+$0x10] =	vst v0  }
0x1bc: {  	s22 =	smov.u32 @p5 s28;
	[tilespmem:s3+$0x10] =	vst v1  }
0x1bd: {  	s22 =	smov.u32 @p6 s26;
	[tilespmem:s12+$0x20] =	vst v0  }
0x1be: {  	s22 =	smov.u32 @p3 s25;
	s23 =	smov.u32 @p3 s0;
	[tilespmem:s3+$0x20] =	vst v1  }
0x1bf: {  	s1 =	simm.s32 $0x188C0;
	s22 =	smov.u32 @p2 s21;
	s23 =	smov.u32 @p2 s20;
	[tilespmem:s12+$0x30] =	vst v0  }
0x1c0: {  	s22 =	smov.u32 @p1 s31;
	s0 =	simm.s32 $0x0;
	s23 =	smov.u32 @p1 s19;
	[tilespmem:s3+$0x30] =	vst v1  }
.LBB2_11:
0x1c1: {  	[tilespmem:s1+$0xFFFFFFC0] =	vst v0;
	s3 =	sadd.s32 $0x80, s3  }
0x1c2: {  	[tilespmem:s3+$0xFFFFFFC0] =	vst v1  }
0x1c3: {  	[tilespmem:s1+$0xFFFFFFD0] =	vst v0  }
0x1c4: {  	[tilespmem:s3+$0xFFFFFFD0] =	vst v1  }
0x1c5: {  	[tilespmem:s1+$0xFFFFFFE0] =	vst v0  }
0x1c6: {  	[tilespmem:s3+$0xFFFFFFE0] =	vst v1  }
0x1c7: {  	[tilespmem:s1+$0xFFFFFFF0] =	vst v0  }
0x1c8: {  	[tilespmem:s3+$0xFFFFFFF0] =	vst v1  }
0x1c9: {  	[tilespmem:s1+$0x0] =	vst v0  }
0x1ca: {  	s0 =	sadd.s32 $0x8, s0;
	[tilespmem:s3+$0x0] =	vst v1  }
0x1cb: {  	p0 =	slt.u32 s0, $0xF8;
	[tilespmem:s1+$0x10] =	vst v0  }
.Ltmp8:
0x1cc: {  	[tilespmem:s3+$0x10] =	vst v1;
	(pc) =	sbr.rel @p0 .LBB2_11-.Ltmp8, $4  }
0x1cd: {  	[tilespmem:s1+$0x20] =	vst v0  }
0x1ce: {  	[tilespmem:s3+$0x20] =	vst v1  }
0x1cf: {  	[tilespmem:s1+$0x30] =	vst v0  }
0x1d0: {  	s1 =	sadd.s32 $0x80, s1;
	[tilespmem:s3+$0x30] =	vst v1  }
0x1d1: {  	(xrf2) =	vadd.scan.msk.f32 $0xffff, v10;
	_ =	sdelay $0x9  }
0x1d2: {  	(xrf0) =	vadd.scan.msk.s32 $0xffff, v9;
	s0 =	sand.u32 $0xF, s24;
	v11, _, _ =	vpop (xrf2)  }
0x1d3: {  	v12 =	vmov s0;
	v11 =	vadd.f32 s23, v11  }
0x1d4: {  	vm0 =	veq.s32 v12, v3  }
0x1d5: {  	v11 =	vnsel vm0, $0x0, v11;
	_ =	sdelay $0x2  }
0x1d6: {  	(xrf2) =	vadd.scan.msk.f32 $0xffff, v11;
	v11, _, _ =	vpop (xrf0)  }
0x1d7: {  	v10 =	vnsel vm0, $0x0, v10;
	v11 =	vadd.s32 s22, v11  }
0x1d8: {  	(xrf2) =	vadd.scan.msk.f32 $0xffff, v10;
	v10 =	vnsel vm0, $0x0, v11  }
0x1d9: {  	(xrf0) =	vadd.scan.msk.s32 $0xffff, v10  }
0x1da: {  	v9 =	vnsel vm0, $0x0, v9  }
0x1db: {  	(xrf0) =	vadd.scan.msk.s32 $0xffff, v9;
	_ =	sdelay $0x2  }
0x1dc: {  	(v2sf) =	vpush v8, $0xF  }
0x1dd: {  	(v2sf) =	vpush v7, $0xF;
	v8, _, _ =	vpop (xrf0)  }
0x1de: {  	v7, _, _ =	vpop (xrf2);
	(v2sf) =	vpush v8, $0xF  }
0x1df: {  	(v2sf) =	vpush v7, $0xF;
	v7, _, _ =	vpop (xrf0)  }
0x1e0: {  	(v2sf) =	vpush v7, $0xF;
	_ =	sdelay $0x1  }
0x1e1: {  	v8, _, _ =	vpop (xrf2)  }
0x1e2: {  	(v2sf) =	vpush v8, $0xF;
	_ =	sdelay $0x7  }
0x1e3: {  	s29 =	spop (v2sf)  }
0x1e4: {  	s30 =	spop (v2sf)  }
0x1e5: {  	s1 =	spop (v2sf)  }
0x1e6: {  	s2 =	spop (v2sf)  }
0x1e7: {  	s0 =	spop (v2sf)  }
0x1e8: {  	s3 =	rddreg [dreg:$0x14];
	p0 =	sgt.s32 s0, $0x800  }
.Ltmp9:
0x1e9: {  	s2 =	ssub.f32 s3, s2;
	(pc) =	sbr.rel @p0 .LBB2_13-.Ltmp9, $4  }
0x1ea: {  	[dreg:$0xf] =	wrdreg s29;
	s31 =	spop (v2sf)  }
0x1eb: {  	s5 =	sadd.f32 s2, s31  }
0x1ec: {  	[dreg:$0xe] =	wrdreg s30;
	s1 =	ssub.s32 s0, s1  }
0x1ed: {  	v8 =	vmov s24;
	s25 =	sadd.s32 $0x186A0, s1;
	[dreg:$0x10] =	wrdreg s5  }
0x1ee: {  	s1 =	simm.s32 $0x10  }
0x1ef: {  	v9 =	vld [tilespmem:s1+$0xFFFFFFF0];
	_ =	sdelay $0x4  }
0x1f0: {  	v10 =	vshra.s32 v9, $0x14  }
0x1f1: {  	vm0 =	vlt.s32 v9, $0x0;
	v11 =	vxor.u32 $0x7FF, v10  }
0x1f2: {  	v10 =	vsel vm0, v11, v10  }
0x1f3: {  	v10 =	vadd.s32 $0x800, v10  }
0x1f4: {  	s2 =	simm.s32 $0x0;
	vm12 =	veq.s32 v10, v8  }
0x1f5: {  	[tilespmem:s2+$0x1A800] =	vst.msk vm12, v9  }
0x1f6: {  	v10 =	vld [tilespmem:s1+$0x0]  }
0x1f7: {  	v9 =	vmpcnt.ones.xlane vm12;
	_ =	sdelay $0x1  }
0x1f8: {  	(xrf0) =	vadd.scan.msk.s32 $0xffff, v9;
	_ =	sdelay $0x1  }
0x1f9: {  	v9 =	vshra.s32 v10, $0x14  }
0x1fa: {  	v11 =	vxor.u32 $0x7FF, v9;
	_ =	sdelay $0x1  }
0x1fb: {  	vm13 =	vlt.s32 v10, $0x0  }
0x1fc: {  	v9 =	vsel vm13, v11, v9;
	v11, _, _ =	vpop (xrf0)  }
0x1fd: {  	v9 =	vadd.s32 $0x800, v9;
	(v2sf) =	vpush v11, $0xF  }
0x1fe: {  	vm14 =	veq.s32 v9, v8  }
0x1ff: {  	v9 =	vmpcnt.ones.xlane vm14;
	_ =	sdelay $0x1  }
0x200: {  	(xrf0) =	vadd.scan.msk.s32 $0xffff, v9;
	_ =	sdelay $0x5  }
0x201: {  	v9, _, _ =	vpop (xrf0)  }
0x202: {  	(v2sf) =	vpush v9, $0xF;
	_ =	sdelay $0x3  }
0x203: {  	s31 =	spop (v2sf)  }
0x204: {  	s1 =	sshra.s32 s31, $0x4  }
0x205: {  	s3 =	sadd.s32 $0x0, s1  }
0x206: {  	s1 =	simm.s32 $0x30;
	[tilespmem:s3+$0x1A800] =	vst.msk vm14, v10  }
0x207: {  	v9 =	vld [tilespmem:s1+$0xFFFFFFF0];
	_ =	sdelay $0x4  }
0x208: {  	v10 =	vshra.s32 v9, $0x14  }
0x209: {  	vm15 =	vlt.s32 v9, $0x0;
	v11 =	vxor.u32 $0x7FF, v10  }
0x20a: {  	s4 =	spop (v2sf);
	v10 =	vsel vm15, v11, v10  }
0x20b: {  	s2 =	simm.s32 $0x2;
	s4 =	sshra.s32 s4, $0x4;
	v10 =	vadd.s32 $0x800, v10  }
.LBB2_23:
0x20c: {  	s2 =	sadd.s32 $0x2, s2;
	vm0 =	veq.s32 v10, v8;
	s3 =	sadd.s32 s3, s4  }
0x20d: {  	p0 =	slt.u32 s2, $0x1868;
	[tilespmem:s3+$0x1A800] =	vst.msk vm0, v9;
	v9 =	vmpcnt.ones.xlane vm0  }
0x20e: {  	v10 =	vld [tilespmem:s1+$0x0]  }
0x20f: {  	(xrf0) =	vadd.scan.msk.s32 $0xffff, v9;
	_ =	sdelay $0x3  }
0x210: {  	v9 =	vshra.s32 v10, $0x14  }
0x211: {  	vm0 =	vlt.s32 v10, $0x0;
	v12 =	vxor.u32 $0x7FF, v9  }
0x212: {  	v9 =	vsel vm0, v12, v9;
	v11, _, _ =	vpop (xrf0)  }
0x213: {  	v9 =	vadd.s32 $0x800, v9;
	(v2sf) =	vpush v11, $0xF  }
0x214: {  	vm0 =	veq.s32 v9, v8  }
0x215: {  	v9 =	vmpcnt.ones.xlane vm0;
	_ =	sdelay $0x1  }
0x216: {  	(xrf0) =	vadd.scan.msk.s32 $0xffff, v9;
	_ =	sdelay $0x5  }
0x217: {  	v9, _, _ =	vpop (xrf0)  }
0x218: {  	(v2sf) =	vpush v9, $0xF;
	_ =	sdelay $0x3  }
0x219: {  	s4 =	spop (v2sf)  }
0x21a: {  	s4 =	sshra.s32 s4, $0x4  }
0x21b: {  	s3 =	sadd.s32 s3, s4  }
0x21c: {  	s1 =	sadd.s32 $0x20, s1;
	[tilespmem:s3+$0x1A800] =	vst.msk vm0, v10  }
0x21d: {  	v9 =	vld [tilespmem:s1+$0xFFFFFFF0];
	_ =	sdelay $0x3  }
.Ltmp10:
0x21e: {  	(pc) =	sbr.rel @p0 .LBB2_23-.Ltmp10, $4  }
0x21f: {  	v10 =	vshra.s32 v9, $0x14  }
0x220: {  	vm0 =	vlt.s32 v9, $0x0;
	v11 =	vxor.u32 $0x7FF, v10  }
0x221: {  	v10 =	vsel vm0, v11, v10;
	s4 =	spop (v2sf)  }
0x222: {  	v10 =	vadd.s32 $0x800, v10;
	s4 =	sshra.s32 s4, $0x4  }
0x223: {  	vm0 =	veq.s32 v10, v8;
	s2 =	sadd.s32 s3, s4  }
0x224: {  	[tilespmem:s2+$0x1A800] =	vst.msk vm0, v9  }
0x225: {  	v9 =	vld [tilespmem:s1+$0x0];
	_ =	sdelay $0x4  }
0x226: {  	v10 =	vshra.s32 v9, $0x14  }
0x227: {  	vm1 =	vlt.s32 v9, $0x0;
	v11 =	vxor.u32 $0x7FF, v10  }
0x228: {  	v10 =	vsel vm1, v11, v10;
	v11 =	vmpcnt.ones.xlane vm0  }
0x229: {  	v10 =	vadd.s32 $0x800, v10  }
0x22a: {  	(xrf0) =	vadd.scan.msk.s32 $0xffff, v11;
	vm15 =	veq.s32 v10, v8  }
0x22b: {  	v10 =	vmpcnt.ones.xlane vm15;
	_ =	sdelay $0x1  }
0x22c: {  	(xrf0) =	vadd.scan.msk.s32 $0xffff, v10;
	_ =	sdelay $0x2  }
0x22d: {  	v10, _, _ =	vpop (xrf0)  }
0x22e: {  	(v2sf) =	vpush v10, $0xF;
	_ =	sdelay $0x1  }
0x22f: {  	v10, _, _ =	vpop (xrf0)  }
0x230: {  	(v2sf) =	vpush v10, $0xF;
	_ =	sdelay $0x7  }
0x231: {  	s0 =	sadd.s32 $0xF, s0  }
0x232: {  	s3 =	sshra.s32 s0, $0x4  }
0x233: {  	p0 =	slt.s32 s3, $0x1  }
.Ltmp11:
0x234: {  	_ = 	snop;
	(pc) =	sbr.rel @p0 .LBB2_28-.Ltmp11, $4  }
0x235: {  	s29 =	spop (v2sf)  }
0x236: {  	s0 =	simm.s32 @!p0 $0x0;
	s1 =	sshra.s32 s29, $0x4  }
0x237: {  	s0 =	simm.s32 @p0 $0x1;
	s30 =	sadd.s32 s2, s1  }
0x238: {  	v7 =	vbroadcast v7, $0xF;
	[smem:$0x7F4] =	sst s0;
	[tilespmem:s30+$0x1A800] =	vst.msk vm15, v9;
	s31 =	spop (v2sf)  }
0x239: {  	s0 =	simm.s32 $0x1A800  }
0x23a: {  	v9 =	vld [tilespmem:s0+$0x0];
	_ =	sdelay $0x4  }
0x23b: {  	v10 =	vsub.f32 v9, v4;
	_ =	sdelay $0x1  }
0x23c: {  	v11 =	vxor.u32 $0x7FFFFFFF, v9;
	vm0 =	vlt.s32 v9, $0x0;
	v10 =	vmul.f32 $1.442695020e+00, v10  }
0x23d: {  	v9 =	vsel vm0, v11, v9  }
0x23e: {  	s1 =	simm.s32 $0x0;
	v11 =	vshra.s32 v9, $0x14;
	(erf) = vpow2.f32 v10  }
0x23f: {  	v10 =	vadd.s32 $0x800, v11;
	v11 =	vor.u32 s1, v3  }
0x240: {  	vm0 =	veq.s32 v10, v8;
	vm1 =	vlt.s32 v11, v7  }
0x241: {  	v9 =	vshrl.u32 v9, $0x8;
	vm0 =	vmand vm1, vm0  }
0x242: {  	p0 =	sne.s32 s3, $0x1;
	v9 =	vand.u32 $0xFFF, v9  }
.Ltmp12:
0x243: {  	_ = 	snop;
	(pc) =	sbr.rel @!p0 .LBB2_27-.Ltmp12, $2  }
0x244: {  	_ =	sdelay $0x2  }
0x245: {  	s2 =	sadd.s32 $0xFFFFFFFF, s3;
	[tilespmem:v9+s16+$0x0] =	vst.idx.add.s32.msk vm0, v2;
	v10 =	vpop (erf)  }
.LBB2_26:
0x246: {  	p0 =	sne.s32 s2, $0x1;
	[tilespmem:v9+s17+$0x0] =	vst.idx.add.f32.msk vm0, v10;
	s0 =	sadd.s32 $0x10, s0;
	s1 =	sadd.s32 $0x10, s1  }
0x247: {  	s2 =	sadd.s32 $0xFFFFFFFF, s2;
	v9 =	vld [tilespmem:s0+$0x0];
	_ =	sdelay $0x4  }
0x248: {  	v10 =	vxor.u32 $0x7FFFFFFF, v9;
	vm0 =	vlt.s32 v9, $0x0;
	v11 =	vsub.f32 v9, v4  }
0x249: {  	v9 =	vsel vm0, v10, v9  }
0x24a: {  	v10 =	vmul.f32 $1.442695020e+00, v11;
	v11 =	vshra.s32 v9, $0x14;
	v9 =	vshrl.u32 v9, $0x8  }
0x24b: {  	v11 =	vadd.s32 $0x800, v11  }
0x24c: {  	vm0 =	veq.s32 v11, v8;
	(erf) = vpow2.f32 v10  }
0x24d: {  	v10 =	vor.u32 s1, v3  }
0x24e: {  	vm1 =	vlt.s32 v10, v7  }
0x24f: {  	vm0 =	vmand vm1, vm0  }
0x250: {  	v9 =	vand.u32 $0xFFF, v9  }
.Ltmp13:
0x251: {  	(pc) =	sbr.rel @p0 .LBB2_26-.Ltmp13, $2  }
0x252: {  	_ =	sdelay $0x2  }
0x253: {  	[tilespmem:v9+s16+$0x0] =	vst.idx.add.s32.msk vm0, v2;
	v10 =	vpop (erf)  }
.LBB2_27:
0x254: {  	_ =	sdelay $0x4  }
0x255: {  	[tilespmem:v9+s17+$0x0] =	vst.idx.add.f32.msk vm0, v10  }
.LBB2_28:
0x256: {  	s0 =	simm.s32 $0x19810  }
0x257: {  	v8 =	vld [tilespmem:s0+$0xFFFFFFF0];
	_ =	sdelay $0x3  }
0x258: {  	s1 =	simm.s32 $0x18810;
	v9 =	vld [tilespmem:s0+$0x0]  }
0x259: {  	(xrf2) =	vadd.scan.msk.f32 $0xffff, v8;
	v8 =	vld [tilespmem:s1+$0xFFFFFFF0];
	_ =	sdelay $0x3  }
0x25a: {  	(xrf2) =	vadd.scan.msk.f32 $0xffff, v9  }
0x25b: {  	(xrf0) =	vadd.scan.msk.s32 $0xffff, v8;
	_ =	sdelay $0x1  }
0x25c: {  	s9 =	simm.s32 $0x19830;
	v8 =	vld [tilespmem:s1+$0x0]  }
0x25d: {  	v9 =	vld [tilespmem:s9+$0xFFFFFFF0];
	_ =	sdelay $0x1  }
0x25e: {  	v10, _, _ =	vpop (xrf2)  }
0x25f: {  	(v2sf) =	vpush v10, $0xF;
	v12, _, _ =	vpop (xrf0)  }
0x260: {  	s2 =	simm.s32 $0x18830;
	v11 =	vld [tilespmem:s9+$0x0];
	(xrf0) =	vadd.scan.msk.s32 $0xffff, v8;
	(v2sf) =	vpush v12, $0xF  }
0x261: {  	(xrf2) =	vadd.scan.msk.f32 $0xffff, v9;
	v9 =	vld [tilespmem:s2+$0xFFFFFFF0]  }
0x262: {  	v13, _, _ =	vpop (xrf2)  }
0x263: {  	(v2sf) =	vpush v13, $0xF;
	_ =	sdelay $0x1  }
0x264: {  	s0 =	simm.f32 $0.0e+00;
	(xrf2) =	vadd.scan.msk.f32 $0xffff, v11  }
0x265: {  	s10 =	simm.s32 $0x19850;
	v14 =	vld [tilespmem:s2+$0x0];
	s1 =	simm.s32 $0x0;
	v10 =	vadd.f32 s0, v10;
	(xrf0) =	vadd.scan.msk.s32 $0xffff, v9;
	v15, _, _ =	vpop (xrf0)  }
0x266: {  	s11 =	ssub.s32 s25, s1;
	v8 =	vmov s5;
	v11 =	vld [tilespmem:s10+$0xFFFFFFF0];
	(v2sf) =	vpush v15, $0xF  }
0x267: {  	v9 =	vsub.f32 v8, v10;
	v10 =	vsub.s32 s11, v12;
	_ =	sdelay $0x2  }
0x268: {  	vm0 =	vlt.s32 v10, v5;
	(xrf0) =	vadd.scan.msk.s32 $0xffff, v14;
	vm1 =	vle.f32 v9, v6;
	v10, _, _ =	vpop (xrf2)  }
0x269: {  	s12 =	simm.s32 $0x18850;
	(xrf2) =	vadd.scan.msk.f32 $0xffff, v11;
	vm0 =	vmand vm0, vm1;
	(v2sf) =	vpush v10, $0xF;
	v11, _, _ =	vpop (xrf0)  }
0x26a: {  	v12 =	vld [tilespmem:s12+$0xFFFFFFF0];
	v9 =	vmpcnt.ones.xlane vm0;
	v14 =	vmctz.xlane vm0;
	(v2sf) =	vpush v11, $0xF  }
0x26b: {  	s4 =	spop (v2sf)  }
0x26c: {  	v17 =	vld [tilespmem:s10+$0x0];
	(xrf0) =	vadd.scan.msk.s32 $0xffff, v9;
	v16, _, _ =	vpop (xrf2);
	s13 =	spop (v2sf)  }
0x26d: {  	(v2sf) =	vpush v16, $0xF;
	s4 =	sadd.f32 s4, s0;
	s2 =	sadd.s32 $0x0, s13  }
0x26e: {  	(xrf0) =	vadd.scan.msk.s32 $0xffff, v14;
	v14, _, _ =	vpop (xrf0);
	v9 =	vmov s2  }
0x26f: {  	(xrf0) =	vadd.scan.msk.s32 $0xffff, v12;
	(v2sf) =	vpush v14, $0xF;
	s14 =	spop (v2sf);
	v12 =	vadd.f32 s4, v13;
	v13 =	vsub.s32 $0x0, v9  }
0x270: {  	s10 =	sadd.f32 s14, s4;
	v9 =	vmov s25;
	v13 =	vbroadcast v13, $0x0  }
0x271: {  	v19 =	vld [tilespmem:s12+$0x0];
	(xrf2) =	vadd.scan.msk.f32 $0xffff, v17;
	v15 =	vsub.s32 v9, v15;
	v12 =	vsub.f32 v8, v12  }
0x272: {  	v18, _, _ =	vpop (xrf0);
	v10 =	vadd.f32 s10, v10;
	v13 =	vadd.s32 v13, v15  }
0x273: {  	s15 =	simm.s32 $0x19870;
	v17, _, _ =	vpop (xrf2);
	(v2sf) =	vpush v18, $0xF;
	s19 =	spop (v2sf);
	vm8 =	vle.f32 v12, v6;
	vm7 =	vlt.s32 v13, v5  }
0x274: {  	v18, _, _ =	vpop (xrf0);
	(v2sf) =	vpush v17, $0xF;
	v12 =	vld [tilespmem:s15+$0xFFFFFFF0];
	s11 =	sadd.s32 s2, s19;
	v10 =	vsub.f32 v8, v10;
	vm0 =	vmand vm7, vm8  }
0x275: {  	(v2sf) =	vpush v18, $0xF;
	s5 =	ssub.s32 s25, s11;
	v15 =	vmpcnt.ones.xlane vm0  }
0x276: {  	(xrf0) =	vadd.scan.msk.s32 $0xffff, v19;
	v11 =	vsub.s32 s5, v11;
	vm2 =	vle.f32 v10, v6;
	v13, _, _ =	vpop (xrf0);
	v10 =	vmctz.xlane vm0  }
0x277: {  	vm9 =	vlt.s32 v11, v5;
	(v2sf) =	vpush v13, $0xF;
	(xrf0) =	vadd.scan.msk.s32 $0xffff, v15  }
0x278: {  	s7 =	simm.s32 $0x18870;
	s20 =	spop (v2sf);
	vm10 =	vmand vm9, vm2;
	(xrf0) =	vadd.scan.msk.s32 $0xffff, v10  }
0x279: {  	s6 =	spop (v2sf);
	(xrf2) =	vadd.scan.msk.f32 $0xffff, v12;
	v12 =	vmpcnt.ones.xlane vm10;
	v15 =	vld [tilespmem:s7+$0xFFFFFFF0];
	v18 =	vmctz.xlane vm10  }
0x27a: {  	s30 =	sadd.f32 s20, s10;
	s18 =	sadd.s32 s11, s6  }
0x27b: {  	v11, _, _ =	vpop (xrf2);
	v19 =	vmov s18;
	(xrf0) =	vadd.scan.msk.s32 $0xffff, v12  }
0x27c: {  	v10, _, _ =	vpop (xrf0);
	v12 =	vadd.f32 s30, v16;
	v16 =	vsub.s32 $0x0, v19;
	v19 =	vld [tilespmem:s15+$0x0];
	s21 =	spop (v2sf);
	(v2sf) =	vpush v11, $0xF  }
0x27d: {  	v16 =	vbroadcast v16, $0x0;
	(xrf0) =	vadd.scan.msk.s32 $0xffff, v18;
	s31 =	sadd.f32 s21, s30;
	(v2sf) =	vpush v10, $0xF;
	v18, _, _ =	vpop (xrf0)  }
0x27e: {  	v14 =	vsub.s32 v9, v14;
	s22 =	spop (v2sf);
	v12 =	vsub.f32 v8, v12;
	(xrf0) =	vadd.scan.msk.s32 $0xffff, v15;
	(v2sf) =	vpush v18, $0xF;
	v15, _, _ =	vpop (xrf0)  }
0x27f: {  	v20 =	vld [tilespmem:s7+$0x0];
	s29 =	sadd.s32 s18, s22;
	v14 =	vadd.s32 v16, v14;
	v17 =	vadd.f32 s31, v17;
	(v2sf) =	vpush v15, $0xF  }
0x280: {  	[dreg:$0x13] =	wrdreg s3;
	s3 =	ssub.s32 s25, s29;
	vm11 =	vlt.s32 v14, v5  }
0x281: {  	p1 =	por $0x1, $0x1;
	s8 =	simm.f32 $0.0e+00;
	vm12 =	vle.f32 v12, v6;
	v12 =	vsub.s32 s3, v13;
	(xrf2) =	vadd.scan.msk.f32 $0xffff, v19;
	v16 =	vsub.f32 v8, v17;
	v13, _, _ =	vpop (xrf0)  }
0x282: {  	s9 =	simm.s32 $0x10;
	s12 =	simm.s32 $0x8;
	s13 =	simm.s32 $0x0;
	vm0 =	vmand vm11, vm12;
	(v2sf) =	vpush v13, $0xF  }
0x283: {  	s14 =	simm.s32 $0x18890;
	s5 =	simm.s32 $0x0;
	s23 =	spop (v2sf);
	vm13 =	vlt.s32 v12, v5;
	v14 =	vmpcnt.ones.xlane vm0;
	vm14 =	vle.f32 v16, v6  }
0x284: {  	s7 =	simm.s32 $0x10;
	s6 =	simm.s32 $0x0;
	s20 =	spop (v2sf);
	(xrf0) =	vadd.scan.msk.s32 $0xffff, v20;
	v12, _, _ =	vpop (xrf2);
	v16 =	vmctz.xlane vm0;
	vm15 =	vmand vm13, vm14  }
0x285: {  	s15 =	simm.s32 $0x19890;
	p0 =	sgt.s32 s23, $0x0;
	s26 =	spop (v2sf);
	v13, _, _ =	vpop (xrf0);
	(xrf0) =	vadd.scan.msk.s32 $0xffff, v14;
	(v2sf) =	vpush v12, $0xF;
	v17 =	vmpcnt.ones.xlane vm15  }
0x286: {  	p0 =	por !p1, !p0;
	s3 =	sshra.s32 s26, $0x4;
	v15 =	vld [tilespmem:s15+$0xFFFFFFF0];
	(v2sf) =	vpush v13, $0xF;
	v13, _, _ =	vpop (xrf0);
	(xrf0) =	vadd.scan.msk.s32 $0xffff, v16;
	s28 =	spop (v2sf)  }
0x287: {  	p1 =	por !p0, !p0;
	s19 =	sadd.s32 $0x10, s3;
	v14 =	vld [tilespmem:s15+$0x0];
	v16 =	vmctz.xlane vm15;
	(v2sf) =	vpush v13, $0xF;
	(xrf0) =	vadd.scan.msk.s32 $0xffff, v17;
	s3 =	sadd.s32 s29, s28  }
.LBB2_29:
0x288: {  	s12 =	sadd.s32 $0x2, s12  }
0x289: {  	s7 =	sadd.s32 $0x20, s7;
	s21 =	smov.u32 s31;
	s22 =	smov.u32 s2  }
0x28a: {  	(xrf0) =	vadd.scan.msk.s32 $0xffff, v16;
	s2 =	smov.u32 s18;
	s18 =	smov.u32 s3;
	s0 =	smov.u32 @p1 s8  }
0x28b: {  	s19 =	sadd.s32 $0xFFFFFFF0, s19;
	p2 =	slt.u32 s12, $0xFE;
	(xrf2) =	vadd.scan.msk.f32 $0xffff, v15;
	v15, _, _ =	vpop (xrf2);
	s23 =	spop (v2sf)  }
0x28c: {  	s1 =	simm.s32 @p1 $0x1;
	s8 =	sadd.f32 s20, s31;
	v16, _, _ =	vpop (xrf0);
	(v2sf) =	vpush v15, $0xF;
	s3 =	spop (v2sf)  }
0x28d: {  	s5 =	smov.u32 @p1 s6;
	v17 =	vld [tilespmem:s14+$0xFFFFFFF0];
	(v2sf) =	vpush v16, $0xF;
	s3 =	sadd.s32 s18, s3;
	v18, _, _ =	vpop (xrf0);
	s20 =	spop (v2sf)  }
0x28e: {  	v21 =	vmov s18;
	p3 =	seq.s32 s1, $0x0;
	(v2sf) =	vpush v18, $0xF;
	v18, _, _ =	vpop (xrf0);
	p0 =	sgt.s32 s20, $0x0;
	s20 =	spop (v2sf)  }
0x28f: {  	v20 =	vadd.f32 s8, v11;
	v23 =	vsub.s32 $0x0, v21;
	s31 =	sadd.f32 s23, s8;
	s26 =	ssub.s32 s25, s3;
	v19, _, _ =	vpop (xrf0);
	(v2sf) =	vpush v18, $0xF;
	p0 =	por !p3, !p0  }
0x290: {  	s15 =	sadd.s32 $0x20, s15;
	s13 =	smov.u32 @p1 s19;
	v11 =	vmov v15;
	v21 =	vbroadcast v23, $0x0;
	v13 =	vsub.s32 s26, v13;
	s6 =	sshra.s32 s20, $0x4;
	v18 =	vld [tilespmem:s14+$0x0];
	v22, _, _ =	vpop (xrf0)  }
0x291: {  	v12 =	vadd.f32 s31, v12;
	v15 =	vsub.f32 v8, v20;
	p0 =	por !p0, !p0;
	s6 =	sadd.s32 s6, s9;
	(xrf2) =	vadd.scan.msk.f32 $0xffff, v14;
	v14 =	vsub.s32 v9, v10;
	s19 =	spop (v2sf);
	v10 =	vmovc v16  }
0x292: {  	s13 =	smov.u32 @p0 s6;
	s1 =	simm.s32 @p0 $0x1;
	(xrf0) =	vadd.scan.msk.s32 $0xffff, v17;
	v14 =	vadd.s32 v21, v14;
	(v2sf) =	vpush v19, $0xF;
	p1 =	sgt.s32 s19, $0x0  }
0x293: {  	vm1 =	vle.f32 v15, v6;
	v16 =	vsub.f32 v8, v12;
	s5 =	smov.u32 @p0 s22;
	s0 =	smov.u32 @p0 s4;
	p3 =	seq.s32 s1, $0x0;
	vm0 =	vlt.s32 v14, v5  }
0x294: {  	vm2 =	vlt.s32 v13, v5;
	s9 =	smov.u32 s7;
	s4 =	smov.u32 s30;
	p0 =	por !p3, !p1;
	vm0 =	vmand vm0, vm1  }
.Ltmp14:
0x295: {  	vm1 =	vle.f32 v16, v6;
	p1 =	por !p0, !p0;
	v12, _, _ =	vpop (xrf2);
	s20 =	spop (v2sf);
	v19 =	vmpcnt.ones.xlane vm0;
	v17 =	vmctz.xlane vm0;
	(pc) =	sbr.rel @p2 .LBB2_29-.Ltmp14, $4  }
0x296: {  	s30 =	smov.u32 s8;
	s6 =	smov.u32 s11;
	vm0 =	vmand vm2, vm1;
	v15 =	vld [tilespmem:s15+$0xFFFFFFF0];
	(v2sf) =	vpush v12, $0xF;
	(xrf0) =	vadd.scan.msk.s32 $0xffff, v18;
	s19 =	spop (v2sf)  }
0x297: {  	s11 =	smov.u32 s29;
	s29 =	smov.u32 s3;
	v18 =	vmpcnt.ones.xlane vm0;
	v16 =	vmctz.xlane vm0;
	(v2sf) =	vpush v22, $0xF;
	(xrf0) =	vadd.scan.msk.s32 $0xffff, v19;
	s8 =	sshra.s32 s19, $0x4  }
0x298: {  	v14 =	vld [tilespmem:s15+$0x0];
	v13, _, _ =	vpop (xrf0);
	s22 =	spop (v2sf);
	(xrf0) =	vadd.scan.msk.s32 $0xffff, v17;
	s19 =	sadd.s32 s8, s7;
	s8 =	smov.u32 s10  }
0x299: {  	s14 =	sadd.s32 $0x20, s14;
	s10 =	smov.u32 s21;
	(v2sf) =	vpush v13, $0xF;
	s3 =	sadd.s32 s3, s22;
	(xrf0) =	vadd.scan.msk.s32 $0xffff, v18  }
0x29a: {  	_ = 	snop  }
0x29b: {  	(xrf2) =	vadd.scan.msk.f32 $0xffff, v15  }
0x29c: {  	v26 =	vld [tilespmem:s14+$0xFFFFFFF0];
	_ =	sdelay $0x1  }
0x29d: {  	v17, _, _ =	vpop (xrf2)  }
0x29e: {  	v18, _, _ =	vpop (xrf0);
	(v2sf) =	vpush v17, $0xF  }
0x29f: {  	(xrf0) =	vadd.scan.msk.s32 $0xffff, v16;
	(v2sf) =	vpush v18, $0xF  }
0x2a0: {  	(xrf0) =	vadd.scan.msk.s32 $0xffff, v26  }
0x2a1: {  	v27, _, _ =	vpop (xrf0)  }
0x2a2: {  	(v2sf) =	vpush v27, $0xF;
	v28, _, _ =	vpop (xrf0)  }
0x2a3: {  	s12 =	spop (v2sf);
	v29, _, _ =	vpop (xrf0);
	(v2sf) =	vpush v28, $0xF  }
0x2a4: {  	s22 =	spop (v2sf);
	(v2sf) =	vpush v29, $0xF;
	v30, _, _ =	vpop (xrf2)  }
0x2a5: {  	s15 =	sadd.f32 s20, s31;
	s20 =	spop (v2sf);
	v31, _, _ =	vpop (xrf0);
	(v2sf) =	vpush v30, $0xF  }
0x2a6: {  	s21 =	spop (v2sf);
	v32, _, _ =	vpop (xrf0);
	(v2sf) =	vpush v31, $0xF  }
0x2a7: {  	s26 =	spop (v2sf);
	(xrf2) =	vadd.scan.msk.f32 $0xffff, v14;
	(v2sf) =	vpush v32, $0xF  }
0x2a8: {  	v20 =	vld [tilespmem:s14+$0x0];
	s14 =	spop (v2sf)  }
0x2a9: {  	v19 =	vmov s3;
	s28 =	spop (v2sf)  }
0x2aa: {  	v19 =	vsub.s32 $0x0, v19;
	v11 =	vadd.f32 s15, v11;
	[smem:$0x7E8] =	sst s28  }
0x2ab: {  	v19 =	vbroadcast v19, $0x0;
	s28 =	sadd.f32 s12, s15  }
0x2ac: {  	v10 =	vsub.s32 v9, v10;
	v11 =	vsub.f32 v8, v11;
	[smem:$0x7E7] =	sst s21;
	s21 =	spop (v2sf)  }
0x2ad: {  	v10 =	vadd.s32 v19, v10;
	(xrf0) =	vadd.scan.msk.s32 $0xffff, v20;
	[smem:$0x7E6] =	sst s26;
	s26 =	sadd.s32 s3, s22;
	v33 =	vadd.f32 s28, v12;
	s23 =	spop (v2sf)  }
0x2ae: {  	vm0 =	vlt.s32 v10, v5;
	vm1 =	vle.f32 v11, v6;
	s22 =	sadd.s32 s26, s21;
	s21 =	spop (v2sf)  }
0x2af: {  	vm0 =	vmand vm0, vm1;
	[dreg:$0x1f] =	wrdreg s26;
	s26 =	ssub.s32 s25, s26;
	v10 =	vsub.f32 v8, v33;
	s21 =	sadd.s32 s22, s21  }
0x2b0: {  	[dreg:$0x1e] =	wrdreg s15;
	v34 =	vmpcnt.ones.xlane vm0;
	v39 =	vmctz.xlane vm0;
	v35 =	vsub.s32 s26, v13;
	s15 =	ssub.s32 s25, s21  }
0x2b1: {  	[smem:$0x7F1] =	sst s22;
	vm4 =	vlt.s32 v35, v5;
	vm2 =	vle.f32 v10, v6;
	v36 =	vsub.s32 s15, v32;
	s15 =	spop (v2sf);
	v14, _, _ =	vpop (xrf2)  }
0x2b2: {  	(xrf0) =	vadd.scan.msk.s32 $0xffff, v34;
	s26 =	sadd.f32 s14, s28;
	v37 =	vmov s22;
	vm5 =	vmand vm4, vm2;
	s22 =	spop (v2sf);
	(v2sf) =	vpush v14, $0xF  }
0x2b3: {  	v40, _, _ =	vpop (xrf0);
	v42 =	vmpcnt.ones.xlane vm5;
	[smem:$0x7E9] =	sst s22;
	s22 =	spop (v2sf)  }
0x2b4: {  	s1 =	simm.s32 @p1 $0x1;
	(xrf0) =	vadd.scan.msk.s32 $0xffff, v39;
	s23 =	sadd.f32 s23, s26;
	(v2sf) =	vpush v40, $0xF;
	s14 =	spop (v2sf)  }
0x2b5: {  	p2 =	seq.s32 s1, $0x0;
	v12 =	vsub.s32 $0x0, v37;
	v38 =	vadd.f32 s26, v17;
	[smem:$0x7F2] =	sst s21;
	(xrf0) =	vadd.scan.msk.s32 $0xffff, v42;
	s12 =	spop (v2sf)  }
0x2b6: {  	p0 =	sgt.s32 s20, $0x0;
	v12 =	vbroadcast v12, $0x0;
	v44 =	vmctz.xlane vm5;
	[smem:$0x7EA] =	sst s12;
	s12 =	spop (v2sf)  }
0x2b7: {  	v41 =	vsub.s32 v9, v18;
	p0 =	por !p2, !p0;
	v10 =	vsub.f32 v8, v38;
	s12 =	sadd.s32 s21, s12;
	s21 =	sadd.f32 s14, s23  }
0x2b8: {  	p3 =	por !p0, !p0;
	v43, _, _ =	vpop (xrf0);
	v12 =	vadd.s32 v12, v41;
	v15 =	vadd.f32 s23, v30;
	(xrf0) =	vadd.scan.msk.s32 $0xffff, v44;
	s14 =	sld [smem:$0x7E6]  }
0x2b9: {  	s1 =	simm.s32 @p3 $0x1;
	vm6 =	vlt.s32 v12, v5;
	vm7 =	vle.f32 v10, v6;
	(v2sf) =	vpush v43, $0xF  }
0x2ba: {  	p4 =	seq.s32 s1, $0x0;
	v52, _, _ =	vpop (xrf0);
	v45 =	vsub.f32 v8, v15;
	vm8 =	vmand vm6, vm7  }
0x2bb: {  	vm9 =	vlt.s32 v36, v5;
	p5 =	sgt.s32 s15, $0x0;
	s15 =	sld [smem:$0x7E7];
	v46 =	vmpcnt.ones.xlane vm8;
	v54, _, _ =	vpop (xrf0);
	(v2sf) =	vpush v52, $0xF;
	p2 =	sgt.s32 s14, $0x0  }
0x2bc: {  	[smem:$0x7F3] =	sst s12;
	v47 =	vmov s12;
	s12 =	simm.s32 @!p3 $0x0;
	(v2sf) =	vpush v54, $0xF;
	v48 =	vadd.f32 s21, v14;
	p0 =	por !p4, !p2  }
0x2bd: {  	vm10 =	vle.f32 v45, v6;
	v50 =	vmctz.xlane vm8;
	v49 =	vsub.s32 $0x0, v47;
	s12 =	simm.s32 @p3 $0x1;
	p4 =	por !p0, !p0  }
0x2be: {  	s7 =	sadd.s32 $0x20, s7;
	vm11 =	vmand vm9, vm10;
	(xrf0) =	vadd.scan.msk.s32 $0xffff, v46;
	v55, _, _ =	vpop (xrf0);
	v11 =	vbroadcast v49, $0x0;
	[smem:$0x7EB] =	sst s12;
	v8 =	vsub.f32 v8, v48;
	s12 =	simm.s32 @!p4 $0x0  }
0x2bf: {  	v51 =	vsub.s32 v9, v40;
	v53 =	vmpcnt.ones.xlane vm11;
	(v2sf) =	vpush v55, $0xF;
	s14 =	sshra.s32 s15, $0x4;
	s1 =	simm.s32 @p4 $0x1;
	s12 =	simm.s32 @p4 $0x1  }
0x2c0: {  	(xrf0) =	vadd.scan.msk.s32 $0xffff, v50;
	s9 =	sadd.s32 s14, s9;
	v9 =	vadd.s32 v11, v51;
	vm13 =	vle.f32 v8, v6;
	v8 =	vmctz.xlane vm11;
	p6 =	seq.s32 s1, $0x0;
	[smem:$0x7EC] =	sst s12  }
0x2c1: {  	(xrf0) =	vadd.scan.msk.s32 $0xffff, v53;
	vm12 =	vlt.s32 v9, v5;
	s14 =	spop (v2sf);
	s12 =	sadd.s32 $0xFFFFFFF0, s19;
	s19 =	sld [smem:$0x7E8]  }
0x2c2: {  	vm14 =	vmand vm12, vm13;
	p0 =	por !p6, !p5;
	p5 =	sgt.s32 s22, $0x0;
	s13 =	smov.u32 @p1 s12  }
0x2c3: {  	v56 =	vmpcnt.ones.xlane vm14;
	s15 =	spop (v2sf);
	p0 =	por !p0, !p0;
	s13 =	smov.u32 @p3 s9  }
0x2c4: {  	(xrf0) =	vadd.scan.msk.s32 $0xffff, v8;
	v8, _, _ =	vpop (xrf0);
	s1 =	simm.s32 @p0 $0x1;
	p3 =	por p0, p0;
	s12 =	sshra.s32 s19, $0x4  }
0x2c5: {  	(xrf0) =	vadd.scan.msk.s32 $0xffff, v56;
	(v2sf) =	vpush v8, $0xF;
	v8 =	vmctz.xlane vm14;
	p6 =	seq.s32 s1, $0x0;
	s20 =	sadd.s32 s12, s7;
	s12 =	simm.s32 @!p0 $0x0  }
0x2c6: {  	v57, _, _ =	vpop (xrf0);
	s12 =	simm.s32 @p0 $0x1;
	s9 =	sadd.s32 $0xFFFFFFF0, s20;
	s20 =	sld [smem:$0x7EA]  }
0x2c7: {  	v58, _, _ =	vpop (xrf0);
	(v2sf) =	vpush v57, $0xF;
	(xrf0) =	vadd.scan.msk.s32 $0xffff, v8;
	p0 =	por !p6, !p5;
	[smem:$0x7ED] =	sst s12;
	s13 =	smov.u32 @p4 s9  }
0x2c8: {  	(v2sf) =	vpush v58, $0xF;
	s9 =	sld [smem:$0x7E9];
	p4 =	por !p0, !p0;
	s19 =	spop (v2sf)  }
0x2c9: {  	s1 =	simm.s32 @p4 $0x1;
	s12 =	simm.s32 @!p4 $0x0;
	p5 =	sgt.s32 s19, $0x0  }
0x2ca: {  	v8, _, _ =	vpop (xrf0);
	s22 =	spop (v2sf);
	s12 =	simm.s32 @p4 $0x1;
	p6 =	seq.s32 s1, $0x0  }
0x2cb: {  	(v2sf) =	vpush v8, $0xF;
	v8, _, _ =	vpop (xrf0);
	s15 =	spop (v2sf);
	s19 =	sshra.s32 s22, $0x4;
	s9 =	sshra.s32 s9, $0x4  }
0x2cc: {  	(v2sf) =	vpush v8, $0xF;
	p0 =	por !p6, !p5;
	p2 =	sgt.s32 s15, $0x0;
	s9 =	sadd.s32 s9, s7  }
0x2cd: {  	s7 =	sadd.s32 $0x20, s7;
	s13 =	smov.u32 @p3 s9;
	v8, _, _ =	vpop (xrf0);
	s9 =	sshra.s32 s20, $0x4  }
0x2ce: {  	p3 =	por !p0, !p0;
	s20 =	spop (v2sf);
	(v2sf) =	vpush v8, $0xF;
	s9 =	sadd.s32 s9, s7  }
0x2cf: {  	s1 =	simm.s32 @p3 $0x1;
	s14 =	simm.s32 @!p3 $0x0;
	s9 =	sadd.s32 $0xFFFFFFF0, s9  }
0x2d0: {  	s14 =	simm.s32 @p3 $0x1;
	s13 =	smov.u32 @p4 s9;
	p4 =	seq.s32 s1, $0x0  }
0x2d1: {  	[smem:$0x7EF] =	sst s14;
	s9 =	sadd.s32 s19, s7;
	p0 =	por !p4, !p2  }
0x2d2: {  	s7 =	sadd.s32 $0x20, s7;
	s14 =	sshra.s32 s20, $0x4;
	p2 =	por !p0, !p0  }
0x2d3: {  	s13 =	smov.u32 @p3 s9;
	s1 =	simm.s32 @p2 $0x1;
	s9 =	simm.s32 @!p2 $0x0  }
0x2d4: {  	p3 =	por p2, p2;
	s22 =	spop (v2sf);
	s9 =	simm.s32 @p2 $0x1  }
0x2d5: {  	p6 =	seq.s32 s1, $0x0;
	p5 =	sgt.s32 s22, $0x0;
	[smem:$0x7F0] =	sst s9  }
0x2d6: {  	s9 =	sadd.s32 s14, s7;
	s15 =	spop (v2sf);
	p0 =	por !p6, !p5  }
0x2d7: {  	s9 =	sadd.s32 $0xFFFFFFF0, s9;
	s19 =	spop (v2sf);
	p6 =	por !p0, !p0  }
0x2d8: {  	s20 =	sshra.s32 s15, $0x4;
	s13 =	smov.u32 @p3 s9;
	s1 =	simm.s32 @p6 $0x1  }
0x2d9: {  	p4 =	sgt.s32 s19, $0x0;
	s9 =	sadd.s32 s20, s7;
	p5 =	seq.s32 s1, $0x0  }
0x2da: {  	s7 =	sadd.s32 $0x20, s7;
	s22 =	spop (v2sf);
	p0 =	por !p5, !p4  }
0x2db: {  	s13 =	smov.u32 @p6 s9;
	s15 =	spop (v2sf);
	p3 =	por !p0, !p0  }
0x2dc: {  	s19 =	sshra.s32 s22, $0x4;
	p2 =	sgt.s32 s15, $0x0;
	s1 =	simm.s32 @p3 $0x1  }
0x2dd: {  	s20 =	sadd.s32 s19, s7;
	p5 =	seq.s32 s1, $0x0;
	s22 =	spop (v2sf)  }
0x2de: {  	s1 =	sadd.s32 $0xFFFFFFF0, s20;
	p0 =	por !p5, !p2;
	s9 =	sshra.s32 s22, $0x4  }
0x2df: {  	s13 =	smov.u32 @p3 s1;
	s1 =	sadd.s32 s9, s7;
	p5 =	por !p0, !p0  }
0x2e0: {  	s13 =	smov.u32 @p5 s1  }
0x2e1: {  	s1 =	sand.u32 $0xFFFFFFF0, s13  }
0x2e2: {  	v8 =	vld [tilespmem:s1+$0x19800];
	_ =	sdelay $0x1  }
0x2e3: {  	[smem:$0x7EE] =	sst s12  }
0x2e4: {  	s12 =	sld [smem:$0x7EB]  }
0x2e5: {  	s14 =	sld [smem:$0x7EC]  }
0x2e6: {  	s0 =	smov.u32 @p1 s8;
	s15 =	sld [smem:$0x7ED];
	(xrf2) =	vadd.scan.msk.f32 $0xffff, v8  }
0x2e7: {  	s5 =	smov.u32 @p1 s6;
	p4 =	seq.s32 s12, $0x1;
	s19 =	sld [smem:$0x7EE]  }
0x2e8: {  	s0 =	smov.u32 @p4 s4;
	s20 =	sld [smem:$0x7EF];
	p0 =	seq.s32 s14, $0x1  }
0x2e9: {  	p2 =	seq.s32 s15, $0x1;
	s22 =	sld [smem:$0x7F0];
	s0 =	smov.u32 @p0 s10  }
0x2ea: {  	s5 =	smov.u32 @p4 s2;
	p1 =	seq.s32 s19, $0x1;
	s0 =	smov.u32 @p2 s30  }
0x2eb: {  	p4 =	seq.s32 s20, $0x1;
	v59 =	vld [tilespmem:s1+$0x18800];
	s0 =	smov.u32 @p1 s31;
	s1 =	rddreg [dreg:$0x1e]  }
0x2ec: {  	s5 =	smov.u32 @p0 s11;
	p0 =	seq.s32 s22, $0x1;
	s0 =	smov.u32 @p4 s1  }
0x2ed: {  	s0 =	smov.u32 @p0 s28  }
0x2ee: {  	s0 =	smov.u32 @p6 s26  }
0x2ef: {  	s0 =	smov.u32 @p3 s23  }
0x2f0: {  	s5 =	smov.u32 @p2 s18;
	s0 =	smov.u32 @p5 s21;
	v60, _, _ =	vpop (xrf2)  }
0x2f1: {  	s5 =	smov.u32 @p1 s29;
	v10 =	vadd.f32 s0, v60;
	s0 =	sld [smem:$0x7F1]  }
0x2f2: {  	s2 =	rddreg [dreg:$0x1f];
	s5 =	smov.u32 @p4 s3  }
0x2f3: {  	s5 =	smov.u32 @p0 s2  }
0x2f4: {  	(xrf0) =	vadd.scan.msk.s32 $0xffff, v59;
	s5 =	smov.u32 @p6 s0;
	s0 =	sld [smem:$0x7F2];
	_ =	sdelay $0x1  }
0x2f5: {  	s28 =	sand.u32 $0xF, s13  }
0x2f6: {  	[tilespmem:$0x18800] =	vst v0;
	v61 =	vmov s28;
	s5 =	smov.u32 @p3 s0;
	s0 =	sld [smem:$0x7F3]  }
0x2f7: {  	[tilespmem:$0x19800] =	vst v1;
	vm15 =	veq.s32 v61, v3  }
0x2f8: {  	[tilespmem:$0x18810] =	vst v0;
	v10 =	vnsel vm15, $0x0, v10  }
0x2f9: {  	[tilespmem:$0x19810] =	vst v1;
	v62, _, _ =	vpop (xrf0);
	(xrf2) =	vadd.scan.msk.f32 $0xffff, v10;
	s5 =	smov.u32 @p5 s0  }
0x2fa: {  	[tilespmem:$0x18820] =	vst v0;
	v8 =	vnsel vm15, $0x0, v8;
	v63 =	vadd.s32 s5, v62  }
0x2fb: {  	[tilespmem:$0x19820] =	vst v1;
	(xrf2) =	vadd.scan.msk.f32 $0xffff, v8;
	v10 =	vnsel vm15, $0x0, v63  }
0x2fc: {  	[tilespmem:$0x18830] =	vst v0;
	(xrf0) =	vadd.scan.msk.s32 $0xffff, v10  }
0x2fd: {  	[tilespmem:$0x19830] =	vst v1;
	v8 =	vnsel vm15, $0x0, v59  }
0x2fe: {  	[tilespmem:$0x18840] =	vst v0;
	(xrf0) =	vadd.scan.msk.s32 $0xffff, v8  }
0x2ff: {  	[tilespmem:$0x19840] =	vst v1  }
0x300: {  	[tilespmem:$0x18850] =	vst v0  }
0x301: {  	[tilespmem:$0x19850] =	vst v1  }
0x302: {  	[tilespmem:$0x18860] =	vst v0;
	v8, _, _ =	vpop (xrf0)  }
0x303: {  	[tilespmem:$0x19860] =	vst v1;
	(v2sf) =	vpush v8, $0xF;
	v8, _, _ =	vpop (xrf2)  }
0x304: {  	[tilespmem:$0x18870] =	vst v0;
	(v2sf) =	vpush v8, $0xF;
	v8, _, _ =	vpop (xrf0)  }
0x305: {  	[tilespmem:$0x19870] =	vst v1;
	(v2sf) =	vpush v8, $0xF;
	v8, _, _ =	vpop (xrf2)  }
0x306: {  	[tilespmem:$0x18880] =	vst v0;
	(v2sf) =	vpush v8, $0xF  }
0x307: {  	[tilespmem:$0x19880] =	vst v1  }
0x308: {  	[tilespmem:$0x18890] =	vst v0  }
0x309: {  	[tilespmem:$0x19890] =	vst v1  }
0x30a: {  	[tilespmem:$0x188A0] =	vst v0  }
0x30b: {  	[tilespmem:$0x198A0] =	vst v1  }
0x30c: {  	[tilespmem:$0x188B0] =	vst v0  }
0x30d: {  	[tilespmem:$0x198B0] =	vst v1;
	s31 =	sld [smem:$0x7F4]  }
0x30e: {  	[tilespmem:$0x188C0] =	vst v0  }
0x30f: {  	[tilespmem:$0x198C0] =	vst v1  }
0x310: {  	[tilespmem:$0x188D0] =	vst v0;
	p0 =	seq.s32 s31, $0x1  }
.Ltmp15:
0x311: {  	[tilespmem:$0x198D0] =	vst v1;
	(pc) =	sbr.rel @p0 .LBB2_34-.Ltmp15, $4  }
0x312: {  	[tilespmem:$0x188E0] =	vst v0;
	s0 =	spop (v2sf)  }
0x313: {  	[tilespmem:$0x198E0] =	vst v1;
	s29 =	sshll.u32 s24, $0xC;
	s2 =	spop (v2sf)  }
0x314: {  	[tilespmem:$0x188F0] =	vst v0;
	s30 =	sadd.s32 $0xFF800000, s29;
	s1 =	spop (v2sf)  }
0x315: {  	[tilespmem:$0x198F0] =	vst v1;
	s7 =	sor.u32 s30, s13;
	s3 =	spop (v2sf)  }
0x316: {  	s4 =	simm.s32 $0x1A800  }
0x317: {  	v8 =	vld [tilespmem:s4+$0x0];
	_ =	sdelay $0x4  }
0x318: {  	v9 =	vsub.f32 v8, v4;
	_ =	sdelay $0x1  }
0x319: {  	v9 =	vmul.f32 $1.442695020e+00, v9  }
0x31a: {  	v10 =	vxor.u32 $0x7FFFFFFF, v8;
	vm0 =	vlt.s32 v8, $0x0  }
0x31b: {  	s5 =	simm.s32 $0x0;
	v10 =	vsel vm0, v10, v8;
	(erf) = vpow2.f32 v9  }
0x31c: {  	v11 =	vor.u32 s5, v3;
	v8 =	vmov s7;
	v9 =	vshra.s32 v10, $0x8  }
0x31d: {  	vm1 =	vlt.s32 v11, v7;
	vm0 =	veq.s32 v9, v8  }
0x31e: {  	s6 =	rddreg [dreg:$0x13];
	vm0 =	vmand vm1, vm0  }
0x31f: {  	p0 =	sne.s32 s6, $0x1;
	v9 =	vand.u32 $0xFF, v10  }
.Ltmp16:
0x320: {  	_ = 	snop;
	(pc) =	sbr.rel @!p0 .LBB2_33-.Ltmp16, $2  }
0x321: {  	_ =	sdelay $0x2  }
0x322: {  	s6 =	sadd.s32 $0xFFFFFFFF, s6;
	[tilespmem:v9+s16+$0x0] =	vst.idx.add.s32.msk vm0, v2;
	v10 =	vpop (erf)  }
.LBB2_32:
0x323: {  	p0 =	sne.s32 s6, $0x1;
	[tilespmem:v9+s17+$0x0] =	vst.idx.add.f32.msk vm0, v10;
	s4 =	sadd.s32 $0x10, s4;
	s5 =	sadd.s32 $0x10, s5  }
0x324: {  	s6 =	sadd.s32 $0xFFFFFFFF, s6;
	v9 =	vld [tilespmem:s4+$0x0];
	_ =	sdelay $0x4  }
0x325: {  	v10 =	vxor.u32 $0x7FFFFFFF, v9;
	vm0 =	vlt.s32 v9, $0x0;
	v11 =	vsub.f32 v9, v4  }
0x326: {  	v9 =	vsel vm0, v10, v9  }
0x327: {  	v10 =	vmul.f32 $1.442695020e+00, v11;
	v11 =	vshra.s32 v9, $0x8  }
0x328: {  	vm0 =	veq.s32 v11, v8  }
0x329: {  	(erf) = vpow2.f32 v10  }
0x32a: {  	v10 =	vor.u32 s5, v3  }
0x32b: {  	vm1 =	vlt.s32 v10, v7  }
0x32c: {  	vm0 =	vmand vm1, vm0  }
0x32d: {  	v9 =	vand.u32 $0xFF, v9  }
.Ltmp17:
0x32e: {  	(pc) =	sbr.rel @p0 .LBB2_32-.Ltmp17, $2  }
0x32f: {  	_ =	sdelay $0x2  }
0x330: {  	[tilespmem:v9+s16+$0x0] =	vst.idx.add.s32.msk vm0, v2;
	v10 =	vpop (erf)  }
.LBB2_33:
0x331: {  	_ =	sdelay $0x4  }
0x332: {  	[tilespmem:v9+s17+$0x0] =	vst.idx.add.f32.msk vm0, v10  }
.LBB2_34:
0x333: {  	s4 =	simm.s32 $0x19810  }
0x334: {  	v7 =	vld [tilespmem:s4+$0xFFFFFFF0];
	_ =	sdelay $0x3  }
0x335: {  	s5 =	simm.s32 $0x18810;
	v8 =	vld [tilespmem:s4+$0x0]  }
0x336: {  	(xrf2) =	vadd.scan.msk.f32 $0xffff, v7;
	v7 =	vld [tilespmem:s5+$0xFFFFFFF0];
	_ =	sdelay $0x3  }
0x337: {  	(xrf2) =	vadd.scan.msk.f32 $0xffff, v8  }
0x338: {  	(xrf0) =	vadd.scan.msk.s32 $0xffff, v7;
	_ =	sdelay $0x1  }
0x339: {  	s8 =	simm.s32 $0x19830;
	v7 =	vld [tilespmem:s5+$0x0]  }
0x33a: {  	v8 =	vld [tilespmem:s8+$0xFFFFFFF0];
	_ =	sdelay $0x1  }
0x33b: {  	v9, _, _ =	vpop (xrf2)  }
0x33c: {  	(v2sf) =	vpush v9, $0xF;
	v11, _, _ =	vpop (xrf0)  }
0x33d: {  	s9 =	simm.s32 $0x18830;
	v10 =	vld [tilespmem:s8+$0x0];
	(xrf0) =	vadd.scan.msk.s32 $0xffff, v7;
	(v2sf) =	vpush v11, $0xF  }
0x33e: {  	(xrf2) =	vadd.scan.msk.f32 $0xffff, v8;
	v8 =	vld [tilespmem:s9+$0xFFFFFFF0]  }
0x33f: {  	s10 =	rddreg [dreg:$0x10];
	v12, _, _ =	vpop (xrf2)  }
0x340: {  	s2 =	ssub.f32 s10, s2;
	(v2sf) =	vpush v12, $0xF;
	_ =	sdelay $0x1  }
0x341: {  	s28 =	simm.f32 $0.0e+00;
	s0 =	ssub.s32 s25, s0;
	s3 =	sadd.f32 s2, s3;
	(xrf2) =	vadd.scan.msk.f32 $0xffff, v10  }
0x342: {  	s11 =	simm.s32 $0x19850;
	s25 =	sadd.s32 s1, s0;
	s0 =	simm.s32 $0x0;
	v13 =	vld [tilespmem:s9+$0x0];
	v9 =	vadd.f32 s28, v9;
	(xrf0) =	vadd.scan.msk.s32 $0xffff, v8;
	v14, _, _ =	vpop (xrf0)  }
0x343: {  	s1 =	ssub.s32 s25, s0;
	v7 =	vmov s3;
	v10 =	vld [tilespmem:s11+$0xFFFFFFF0];
	(v2sf) =	vpush v14, $0xF  }
0x344: {  	v8 =	vsub.f32 v7, v9;
	v9 =	vsub.s32 s1, v11;
	_ =	sdelay $0x2  }
0x345: {  	vm0 =	vlt.s32 v9, v5;
	(xrf0) =	vadd.scan.msk.s32 $0xffff, v13;
	vm1 =	vle.f32 v8, v6;
	v9, _, _ =	vpop (xrf2)  }
0x346: {  	s12 =	simm.s32 $0x18850;
	(xrf2) =	vadd.scan.msk.f32 $0xffff, v10;
	vm0 =	vmand vm0, vm1;
	(v2sf) =	vpush v9, $0xF;
	v10, _, _ =	vpop (xrf0)  }
0x347: {  	v11 =	vld [tilespmem:s12+$0xFFFFFFF0];
	v8 =	vmpcnt.ones.xlane vm0;
	v13 =	vmctz.xlane vm0;
	(v2sf) =	vpush v10, $0xF  }
0x348: {  	s13 =	spop (v2sf)  }
0x349: {  	v16 =	vld [tilespmem:s11+$0x0];
	(xrf0) =	vadd.scan.msk.s32 $0xffff, v8;
	v15, _, _ =	vpop (xrf2);
	s14 =	spop (v2sf)  }
0x34a: {  	(v2sf) =	vpush v15, $0xF;
	s1 =	sadd.f32 s13, s28;
	s4 =	sadd.s32 $0x0, s14  }
0x34b: {  	(xrf0) =	vadd.scan.msk.s32 $0xffff, v13;
	v13, _, _ =	vpop (xrf0);
	v8 =	vmov s4  }
0x34c: {  	(xrf0) =	vadd.scan.msk.s32 $0xffff, v11;
	(v2sf) =	vpush v13, $0xF;
	s15 =	spop (v2sf);
	v11 =	vadd.f32 s1, v12;
	v12 =	vsub.s32 $0x0, v8  }
0x34d: {  	s2 =	sadd.f32 s15, s1;
	v8 =	vmov s25;
	v12 =	vbroadcast v12, $0x0  }
0x34e: {  	v18 =	vld [tilespmem:s12+$0x0];
	(xrf2) =	vadd.scan.msk.f32 $0xffff, v16;
	v14 =	vsub.s32 v8, v14;
	v11 =	vsub.f32 v7, v11  }
0x34f: {  	v17, _, _ =	vpop (xrf0);
	v9 =	vadd.f32 s2, v9;
	v12 =	vadd.s32 v12, v14  }
0x350: {  	s18 =	simm.s32 $0x19870;
	v16, _, _ =	vpop (xrf2);
	(v2sf) =	vpush v17, $0xF;
	s19 =	spop (v2sf);
	vm8 =	vle.f32 v11, v6;
	vm7 =	vlt.s32 v12, v5  }
0x351: {  	v17, _, _ =	vpop (xrf0);
	(v2sf) =	vpush v16, $0xF;
	v11 =	vld [tilespmem:s18+$0xFFFFFFF0];
	s11 =	sadd.s32 s4, s19;
	v9 =	vsub.f32 v7, v9;
	vm0 =	vmand vm7, vm8  }
0x352: {  	(v2sf) =	vpush v17, $0xF;
	s5 =	ssub.s32 s25, s11;
	v14 =	vmpcnt.ones.xlane vm0  }
0x353: {  	(xrf0) =	vadd.scan.msk.s32 $0xffff, v18;
	v10 =	vsub.s32 s5, v10;
	vm2 =	vle.f32 v9, v6;
	v12, _, _ =	vpop (xrf0);
	v9 =	vmctz.xlane vm0  }
0x354: {  	vm9 =	vlt.s32 v10, v5;
	(v2sf) =	vpush v12, $0xF;
	(xrf0) =	vadd.scan.msk.s32 $0xffff, v14  }
0x355: {  	s21 =	simm.s32 $0x18870;
	s20 =	spop (v2sf);
	vm10 =	vmand vm9, vm2;
	(xrf0) =	vadd.scan.msk.s32 $0xffff, v9  }
0x356: {  	s6 =	spop (v2sf);
	(xrf2) =	vadd.scan.msk.f32 $0xffff, v11;
	v11 =	vmpcnt.ones.xlane vm10;
	v14 =	vld [tilespmem:s21+$0xFFFFFFF0];
	v17 =	vmctz.xlane vm10  }
0x357: {  	s10 =	sadd.s32 s11, s6;
	s6 =	sadd.f32 s20, s2  }
0x358: {  	v10, _, _ =	vpop (xrf2);
	v62 =	vmov s10;
	(xrf0) =	vadd.scan.msk.s32 $0xffff, v11  }
0x359: {  	v63 =	vld [tilespmem:s18+$0x0];
	v9, _, _ =	vpop (xrf0);
	v11 =	vadd.f32 s6, v15;
	v15 =	vsub.s32 $0x0, v62;
	s22 =	spop (v2sf);
	(v2sf) =	vpush v10, $0xF  }
0x35a: {  	v15 =	vbroadcast v15, $0x0;
	(xrf0) =	vadd.scan.msk.s32 $0xffff, v17;
	s13 =	sadd.f32 s22, s6;
	(v2sf) =	vpush v9, $0xF;
	v17, _, _ =	vpop (xrf0)  }
0x35b: {  	v13 =	vsub.s32 v8, v13;
	s23 =	spop (v2sf);
	v11 =	vsub.f32 v7, v11;
	(xrf0) =	vadd.scan.msk.s32 $0xffff, v14;
	(v2sf) =	vpush v17, $0xF;
	v14, _, _ =	vpop (xrf0)  }
0x35c: {  	v19 =	vld [tilespmem:s21+$0x0];
	s5 =	sadd.s32 s10, s23;
	v13 =	vadd.s32 v15, v13;
	v16 =	vadd.f32 s13, v16;
	(v2sf) =	vpush v14, $0xF  }
0x35d: {  	[dreg:$0x12] =	wrdreg s3;
	s3 =	ssub.s32 s25, s5;
	vm11 =	vlt.s32 v13, v5  }
0x35e: {  	[dreg:$0x11] =	wrdreg s7;
	s7 =	simm.s32 $0x10;
	p1 =	por $0x1, $0x1;
	(xrf2) =	vadd.scan.msk.f32 $0xffff, v63;
	vm12 =	vle.f32 v11, v6;
	v11 =	vsub.s32 s3, v12;
	v15 =	vsub.f32 v7, v16;
	v12, _, _ =	vpop (xrf0)  }
0x35f: {  	s31 =	simm.f32 $0.0e+00;
	s29 =	simm.s32 $0x0;
	s30 =	simm.s32 $0x0;
	vm0 =	vmand vm11, vm12;
	(v2sf) =	vpush v12, $0xF  }
0x360: {  	s9 =	simm.s32 $0x8;
	s12 =	simm.s32 $0x0;
	s8 =	spop (v2sf);
	vm13 =	vlt.s32 v11, v5;
	v13 =	vmpcnt.ones.xlane vm0;
	vm14 =	vle.f32 v15, v6  }
0x361: {  	s14 =	simm.s32 $0x18890;
	s15 =	simm.s32 $0x19890;
	s18 =	spop (v2sf);
	(xrf0) =	vadd.scan.msk.s32 $0xffff, v19;
	v11, _, _ =	vpop (xrf2);
	v15 =	vmctz.xlane vm0;
	vm15 =	vmand vm13, vm14  }
0x362: {  	p0 =	sgt.s32 s8, $0x0;
	s8 =	simm.s32 $0x10;
	s24 =	spop (v2sf);
	v12, _, _ =	vpop (xrf0);
	(xrf0) =	vadd.scan.msk.s32 $0xffff, v13;
	(v2sf) =	vpush v11, $0xF;
	v16 =	vmpcnt.ones.xlane vm15  }
0x363: {  	p0 =	por !p1, !p0;
	s3 =	sshra.s32 s24, $0x4;
	v14 =	vld [tilespmem:s15+$0xFFFFFFF0];
	(v2sf) =	vpush v12, $0xF;
	v12, _, _ =	vpop (xrf0);
	(xrf0) =	vadd.scan.msk.s32 $0xffff, v15;
	s26 =	spop (v2sf)  }
0x364: {  	p0 =	por !p0, !p0;
	s22 =	sadd.s32 $0x10, s3;
	v13 =	vld [tilespmem:s15+$0x0];
	v15 =	vmctz.xlane vm15;
	(v2sf) =	vpush v12, $0xF;
	(xrf0) =	vadd.scan.msk.s32 $0xffff, v16;
	s3 =	sadd.s32 s5, s26  }
.LBB2_35:
0x365: {  	s9 =	sadd.s32 $0x2, s9  }
0x366: {  	s7 =	sadd.s32 $0x20, s7;
	s19 =	smov.u32 s13;
	s21 =	smov.u32 s4  }
0x367: {  	(xrf0) =	vadd.scan.msk.s32 $0xffff, v15;
	s4 =	smov.u32 s10;
	s10 =	smov.u32 s3;
	s28 =	smov.u32 @p0 s31  }
0x368: {  	s22 =	sadd.s32 $0xFFFFFFF0, s22;
	p1 =	slt.u32 s9, $0xE;
	(xrf2) =	vadd.scan.msk.f32 $0xffff, v14;
	v14, _, _ =	vpop (xrf2);
	s23 =	spop (v2sf)  }
0x369: {  	s0 =	simm.s32 @p0 $0x1;
	s20 =	sadd.f32 s18, s13;
	v15, _, _ =	vpop (xrf0);
	(v2sf) =	vpush v14, $0xF;
	s3 =	spop (v2sf)  }
0x36a: {  	s30 =	smov.u32 @p0 s12;
	v16 =	vld [tilespmem:s14+$0xFFFFFFF0];
	(v2sf) =	vpush v15, $0xF;
	s3 =	sadd.s32 s10, s3;
	v17, _, _ =	vpop (xrf0);
	s13 =	spop (v2sf)  }
0x36b: {  	v20 =	vmov s10;
	p3 =	seq.s32 s0, $0x0;
	(v2sf) =	vpush v17, $0xF;
	v17, _, _ =	vpop (xrf0);
	p2 =	sgt.s32 s13, $0x0;
	s18 =	spop (v2sf)  }
0x36c: {  	v19 =	vadd.f32 s20, v10;
	v22 =	vsub.s32 $0x0, v20;
	s24 =	ssub.s32 s25, s3;
	s13 =	sadd.f32 s23, s20;
	v18, _, _ =	vpop (xrf0);
	(v2sf) =	vpush v17, $0xF;
	p2 =	por !p3, !p2  }
0x36d: {  	s15 =	sadd.s32 $0x20, s15;
	s29 =	smov.u32 @p0 s22;
	v10 =	vmov v14;
	v20 =	vbroadcast v22, $0x0;
	v12 =	vsub.s32 s24, v12;
	s12 =	sshra.s32 s18, $0x4;
	v17 =	vld [tilespmem:s14+$0x0];
	v21, _, _ =	vpop (xrf0)  }
0x36e: {  	v14 =	vsub.f32 v7, v19;
	v11 =	vadd.f32 s13, v11;
	p0 =	por !p2, !p2;
	s8 =	sadd.s32 s12, s8;
	(xrf2) =	vadd.scan.msk.f32 $0xffff, v13;
	v13 =	vsub.s32 v8, v9;
	s18 =	spop (v2sf);
	v9 =	vmovc v15  }
0x36f: {  	s29 =	smov.u32 @p0 s8;
	s0 =	simm.s32 @p0 $0x1;
	(xrf0) =	vadd.scan.msk.s32 $0xffff, v16;
	v13 =	vadd.s32 v20, v13;
	(v2sf) =	vpush v18, $0xF;
	p2 =	sgt.s32 s18, $0x0  }
0x370: {  	vm1 =	vle.f32 v14, v6;
	s30 =	smov.u32 @p0 s21;
	s28 =	smov.u32 @p0 s1;
	v15 =	vsub.f32 v7, v11;
	p3 =	seq.s32 s0, $0x0;
	vm0 =	vlt.s32 v13, v5  }
0x371: {  	vm2 =	vlt.s32 v12, v5;
	s8 =	smov.u32 s7;
	s1 =	smov.u32 s6;
	p0 =	por !p3, !p2;
	vm0 =	vmand vm0, vm1  }
.Ltmp18:
0x372: {  	vm1 =	vle.f32 v15, v6;
	p0 =	por !p0, !p0;
	v11, _, _ =	vpop (xrf2);
	s18 =	spop (v2sf);
	v18 =	vmpcnt.ones.xlane vm0;
	v16 =	vmctz.xlane vm0;
	(pc) =	sbr.rel @p1 .LBB2_35-.Ltmp18, $4  }
0x373: {  	s12 =	smov.u32 s11;
	s6 =	smov.u32 s20;
	vm0 =	vmand vm2, vm1;
	v14 =	vld [tilespmem:s15+$0xFFFFFFF0];
	(v2sf) =	vpush v11, $0xF;
	(xrf0) =	vadd.scan.msk.s32 $0xffff, v17;
	s21 =	spop (v2sf)  }
0x374: {  	s11 =	smov.u32 s5;
	s5 =	smov.u32 s3;
	v17 =	vmpcnt.ones.xlane vm0;
	v15 =	vmctz.xlane vm0;
	(v2sf) =	vpush v21, $0xF;
	(xrf0) =	vadd.scan.msk.s32 $0xffff, v18;
	s20 =	sshra.s32 s21, $0x4  }
0x375: {  	s31 =	smov.u32 s2;
	v13 =	vld [tilespmem:s15+$0x0];
	v12, _, _ =	vpop (xrf0);
	s21 =	spop (v2sf);
	(xrf0) =	vadd.scan.msk.s32 $0xffff, v16;
	s22 =	sadd.s32 s20, s7  }
0x376: {  	s2 =	smov.u32 s19;
	s14 =	sadd.s32 $0x20, s14;
	(v2sf) =	vpush v12, $0xF;
	s3 =	sadd.s32 s3, s21;
	(xrf0) =	vadd.scan.msk.s32 $0xffff, v17  }
0x377: {  	_ = 	snop  }
0x378: {  	(xrf2) =	vadd.scan.msk.f32 $0xffff, v14  }
0x379: {  	v32 =	vld [tilespmem:s14+$0xFFFFFFF0];
	_ =	sdelay $0x3  }
0x37a: {  	(xrf0) =	vadd.scan.msk.s32 $0xffff, v15;
	v33, _, _ =	vpop (xrf2)  }
0x37b: {  	v16, _, _ =	vpop (xrf0);
	(v2sf) =	vpush v33, $0xF;
	(xrf0) =	vadd.scan.msk.s32 $0xffff, v32  }
0x37c: {  	(v2sf) =	vpush v16, $0xF;
	v34, _, _ =	vpop (xrf0)  }
0x37d: {  	(v2sf) =	vpush v34, $0xF;
	v35, _, _ =	vpop (xrf0)  }
0x37e: {  	v17, _, _ =	vpop (xrf0);
	(v2sf) =	vpush v35, $0xF  }
0x37f: {  	s19 =	sadd.f32 s18, s13;
	(v2sf) =	vpush v17, $0xF;
	v36, _, _ =	vpop (xrf2)  }
0x380: {  	v18 =	vmov s3;
	s9 =	spop (v2sf);
	v37, _, _ =	vpop (xrf0);
	(v2sf) =	vpush v36, $0xF  }
0x381: {  	v18 =	vsub.s32 $0x0, v18;
	[smem:$0x7E5] =	sst s19;
	s15 =	spop (v2sf);
	v10 =	vadd.f32 s19, v10;
	(xrf2) =	vadd.scan.msk.f32 $0xffff, v13;
	v38, _, _ =	vpop (xrf0);
	(v2sf) =	vpush v37, $0xF  }
0x382: {  	v18 =	vbroadcast v18, $0x0;
	s19 =	sadd.f32 s9, s19;
	s18 =	spop (v2sf);
	(v2sf) =	vpush v38, $0xF  }
0x383: {  	v39 =	vld [tilespmem:s14+$0x0];
	v9 =	vsub.s32 v8, v9;
	s20 =	spop (v2sf);
	v10 =	vsub.f32 v7, v10  }
0x384: {  	v9 =	vadd.s32 v18, v9;
	v40 =	vadd.f32 s19, v11;
	s23 =	spop (v2sf)  }
0x385: {  	vm0 =	vlt.s32 v9, v5;
	vm1 =	vle.f32 v10, v6;
	[smem:$0x7E0] =	sst s23;
	s23 =	sadd.s32 s3, s15  }
0x386: {  	v9 =	vsub.f32 v7, v40;
	vm0 =	vmand vm0, vm1;
	s15 =	ssub.s32 s25, s23  }
0x387: {  	v41 =	vmpcnt.ones.xlane vm0;
	v42 =	vsub.s32 s15, v12;
	s24 =	spop (v2sf)  }
0x388: {  	(xrf0) =	vadd.scan.msk.s32 $0xffff, v39;
	vm9 =	vle.f32 v9, v6;
	vm8 =	vlt.s32 v42, v5;
	s26 =	spop (v2sf)  }
0x389: {  	v43 =	vmctz.xlane vm0;
	(xrf0) =	vadd.scan.msk.s32 $0xffff, v41;
	s15 =	sadd.f32 s24, s19;
	vm0 =	vmand vm8, vm9;
	s9 =	spop (v2sf)  }
0x38a: {  	[smem:$0x7E1] =	sst s26;
	v46 =	vmpcnt.ones.xlane vm0;
	s26 =	sadd.s32 s23, s9;
	s14 =	spop (v2sf)  }
0x38b: {  	s0 =	simm.s32 @p0 $0x1;
	s28 =	smov.u32 @p0 s31;
	(xrf0) =	vadd.scan.msk.s32 $0xffff, v43;
	v47, _, _ =	vpop (xrf2);
	v44 =	vmov s26;
	s9 =	spop (v2sf)  }
0x38c: {  	p2 =	seq.s32 s0, $0x0;
	[smem:$0x7DF] =	sst s20;
	v45 =	vadd.f32 s15, v33;
	(v2sf) =	vpush v47, $0xF;
	(xrf0) =	vadd.scan.msk.s32 $0xffff, v46;
	v10 =	vsub.s32 $0x0, v44;
	s24 =	spop (v2sf)  }
0x38d: {  	p1 =	sgt.s32 s18, $0x0;
	v10 =	vbroadcast v10, $0x0;
	s21 =	sadd.f32 s14, s15;
	s20 =	spop (v2sf)  }
0x38e: {  	v48 =	vsub.s32 v8, v16;
	p1 =	por !p2, !p1;
	v50, _, _ =	vpop (xrf0);
	v9 =	vsub.f32 v7, v45;
	[smem:$0x7E2] =	sst s20;
	s14 =	spop (v2sf)  }
0x38f: {  	v49 =	vmctz.xlane vm0;
	(v2sf) =	vpush v50, $0xF;
	v53, _, _ =	vpop (xrf0);
	v10 =	vadd.s32 v10, v48;
	s20 =	sadd.s32 s26, s9;
	[smem:$0x7E3] =	sst s14;
	s14 =	spop (v2sf)  }
0x390: {  	s31 =	sld [smem:$0x7E0];
	(v2sf) =	vpush v53, $0xF;
	vm11 =	vle.f32 v9, v6;
	vm10 =	vlt.s32 v10, v5;
	s9 =	ssub.s32 s25, s20;
	s18 =	spop (v2sf)  }
0x391: {  	(xrf0) =	vadd.scan.msk.s32 $0xffff, v49;
	v54, _, _ =	vpop (xrf0);
	v51 =	vadd.f32 s21, v36;
	vm0 =	vmand vm10, vm11;
	v52 =	vsub.s32 s9, v38;
	s9 =	sadd.s32 $0xFFFFFFF0, s22;
	[smem:$0x7E4] =	sst s18;
	s22 =	spop (v2sf)  }
0x392: {  	p1 =	por !p1, !p1;
	(v2sf) =	vpush v54, $0xF;
	v58, _, _ =	vpop (xrf0);
	v55 =	vmpcnt.ones.xlane vm0;
	s18 =	sadd.s32 s20, s22;
	s22 =	sadd.f32 s14, s21  }
0x393: {  	s30 =	smov.u32 @p0 s12;
	s0 =	simm.s32 @p1 $0x1;
	v13 =	vsub.f32 v7, v51;
	(v2sf) =	vpush v58, $0xF;
	s14 =	sld [smem:$0x7DF]  }
0x394: {  	s30 =	smov.u32 @p1 s4;
	s28 =	smov.u32 @p1 s1;
	p4 =	seq.s32 s0, $0x0;
	v56 =	vmctz.xlane vm0;
	vm12 =	vlt.s32 v52, v5;
	(xrf0) =	vadd.scan.msk.s32 $0xffff, v55;
	v57 =	vmov s18  }
0x395: {  	p3 =	sgt.s32 s31, $0x0;
	p5 =	sgt.s32 s24, $0x0;
	s31 =	sld [smem:$0x7E3];
	vm2 =	vle.f32 v13, v6;
	v12 =	vadd.f32 s22, v47;
	v10 =	vsub.s32 $0x0, v57  }
0x396: {  	s29 =	smov.u32 @p0 s9;
	p0 =	por !p4, !p3;
	vm13 =	vmand vm12, vm2;
	(xrf0) =	vadd.scan.msk.s32 $0xffff, v56;
	s9 =	sshra.s32 s14, $0x4;
	v60 =	vbroadcast v10, $0x0  }
0x397: {  	v61 =	vsub.s32 v8, v50;
	v62, _, _ =	vpop (xrf0);
	p0 =	por !p0, !p0;
	v59 =	vmpcnt.ones.xlane vm13;
	s8 =	sadd.s32 s9, s8;
	v7 =	vsub.f32 v7, v12;
	s9 =	sld [smem:$0x7E1]  }
0x398: {  	(v2sf) =	vpush v62, $0xF;
	s0 =	simm.s32 @p0 $0x1;
	s28 =	smov.u32 @p0 s2;
	s2 =	sld [smem:$0x7E5];
	v8 =	vadd.s32 v60, v61  }
0x399: {  	v63 =	vmctz.xlane vm13;
	s30 =	smov.u32 @p0 s11;
	p3 =	sgt.s32 s31, $0x0;
	(xrf0) =	vadd.scan.msk.s32 $0xffff, v59;
	s14 =	sld [smem:$0x7E2];
	vm14 =	vlt.s32 v8, v5;
	vm15 =	vle.f32 v7, v6  }
0x39a: {  	s29 =	smov.u32 @p1 s8;
	s8 =	sadd.s32 $0x20, s7;
	v5, _, _ =	vpop (xrf0);
	s7 =	sshra.s32 s9, $0x4;
	vm0 =	vmand vm14, vm15  }
0x39b: {  	p6 =	seq.s32 s0, $0x0;
	s4 =	spop (v2sf);
	(xrf0) =	vadd.scan.msk.s32 $0xffff, v63;
	(v2sf) =	vpush v5, $0xF;
	s12 =	sadd.s32 s7, s8;
	v5 =	vmpcnt.ones.xlane vm0  }
0x39c: {  	p1 =	por !p6, !p5;
	s24 =	sadd.s32 $0x20, s8;
	v6, _, _ =	vpop (xrf0);
	s1 =	sadd.s32 $0xFFFFFFF0, s12  }
0x39d: {  	v7 =	vmctz.xlane vm0;
	(v2sf) =	vpush v6, $0xF;
	s29 =	smov.u32 @p0 s1;
	s1 =	sshra.s32 s14, $0x4;
	p0 =	por !p1, !p1  }
0x39e: {  	s4 =	sadd.s32 $0x20, s24;
	(xrf0) =	vadd.scan.msk.s32 $0xffff, v5;
	s1 =	sadd.s32 s1, s8;
	s0 =	simm.s32 @p0 $0x1  }
0x39f: {  	s28 =	smov.u32 @p0 s6;
	s6 =	spop (v2sf);
	s29 =	smov.u32 @p0 s1;
	v5, _, _ =	vpop (xrf0);
	(xrf0) =	vadd.scan.msk.s32 $0xffff, v7  }
0x3a0: {  	p4 =	seq.s32 s0, $0x0;
	s1 =	sld [smem:$0x7E4];
	s7 =	spop (v2sf);
	(v2sf) =	vpush v5, $0xF  }
0x3a1: {  	s30 =	smov.u32 @p0 s10;
	p1 =	por !p4, !p3;
	v5, _, _ =	vpop (xrf0);
	s8 =	spop (v2sf)  }
0x3a2: {  	p5 =	sgt.s32 s7, $0x0;
	p0 =	por !p1, !p1;
	(v2sf) =	vpush v5, $0xF;
	s9 =	sshra.s32 s8, $0x4  }
0x3a3: {  	s10 =	spop (v2sf);
	s1 =	sshra.s32 s1, $0x4;
	s0 =	simm.s32 @p0 $0x1  }
0x3a4: {  	s28 =	smov.u32 @p0 s13;
	s1 =	sadd.s32 s1, s24;
	p6 =	seq.s32 s0, $0x0;
	v5, _, _ =	vpop (xrf0)  }
0x3a5: {  	s30 =	smov.u32 @p0 s5;
	s1 =	sadd.s32 $0xFFFFFFF0, s1;
	p1 =	por !p6, !p5;
	(v2sf) =	vpush v5, $0xF;
	v5, _, _ =	vpop (xrf0)  }
0x3a6: {  	p3 =	sgt.s32 s10, $0x0;
	s29 =	smov.u32 @p0 s1;
	p0 =	por !p1, !p1;
	(v2sf) =	vpush v5, $0xF  }
0x3a7: {  	s11 =	spop (v2sf);
	s1 =	sadd.s32 s9, s24;
	s0 =	simm.s32 @p0 $0x1  }
0x3a8: {  	s29 =	smov.u32 @p0 s1;
	s1 =	sshra.s32 s11, $0x4;
	p4 =	seq.s32 s0, $0x0  }
0x3a9: {  	s30 =	smov.u32 @p0 s3;
	s1 =	sadd.s32 s1, s4;
	p1 =	por !p4, !p3  }
0x3aa: {  	s28 =	smov.u32 @p0 s2;
	s1 =	sadd.s32 $0xFFFFFFF0, s1;
	p0 =	por !p1, !p1  }
0x3ab: {  	s12 =	spop (v2sf);
	s0 =	simm.s32 @p0 $0x1;
	s28 =	smov.u32 @p0 s19  }
0x3ac: {  	p5 =	sgt.s32 s12, $0x0;
	s13 =	spop (v2sf);
	p6 =	seq.s32 s0, $0x0  }
0x3ad: {  	s29 =	smov.u32 @p0 s1;
	s30 =	smov.u32 @p0 s23;
	p1 =	por !p6, !p5  }
0x3ae: {  	s23 =	sadd.s32 $0x20, s4;
	s14 =	sshra.s32 s13, $0x4;
	p1 =	por !p1, !p1  }
0x3af: {  	s1 =	sadd.s32 s14, s4;
	s0 =	simm.s32 @p1 $0x1;
	s19 =	spop (v2sf)  }
0x3b0: {  	s29 =	smov.u32 @p1 s1;
	p4 =	seq.s32 s0, $0x0;
	p3 =	sgt.s32 s19, $0x0  }
0x3b1: {  	s28 =	smov.u32 @p1 s15;
	s24 =	spop (v2sf);
	p0 =	por !p4, !p3  }
0x3b2: {  	s30 =	smov.u32 @p1 s26;
	s1 =	sshra.s32 s24, $0x4;
	p0 =	por !p0, !p0  }
0x3b3: {  	s1 =	sadd.s32 s1, s23;
	s28 =	smov.u32 @p0 s21;
	s0 =	simm.s32 @p0 $0x1  }
.Ltmp19:
0x3b4: {  	s26 =	spop (v2sf);
	s1 =	sadd.s32 $0xFFFFFFF0, s1;
	(pc) =	sbr.rel .LBB2_37-.Ltmp19, $4  }
0x3b5: {  	p5 =	sgt.s32 s26, $0x0;
	p6 =	seq.s32 s0, $0x0;
	s31 =	spop (v2sf)  }
0x3b6: {  	s30 =	smov.u32 @p0 s20;
	p1 =	por !p6, !p5;
	s0 =	sshra.s32 s31, $0x4  }
0x3b7: {  	s29 =	smov.u32 @p0 s1;
	p1 =	por !p1, !p1;
	s0 =	sadd.s32 s0, s23  }
0x3b8: {  	s30 =	smov.u32 @p1 s18;
	s28 =	smov.u32 @p1 s22;
	s29 =	smov.u32 @p1 s0  }
.LBB2_13:
0x3b9: {  	s0 =	simm.s32 $0x20  }
0x3ba: {  	v7 =	vld [tilespmem:s0+$0xFFFFFFE0];
	_ =	sdelay $0x4  }
0x3bb: {  	v9 =	vsub.f32 v7, v4;
	_ =	sdelay $0x1  }
0x3bc: {  	v9 =	vmul.f32 $1.442695020e+00, v9  }
0x3bd: {  	v10 =	vxor.u32 $0x7FFFFFFF, v7;
	vm0 =	vlt.s32 v7, $0x0  }
0x3be: {  	v7 =	vsel vm0, v10, v7;
	(erf) = vpow2.f32 v9  }
0x3bf: {  	v9 =	vshra.s32 v7, $0x14  }
0x3c0: {  	v9 =	vadd.s32 $0x800, v9  }
0x3c1: {  	v7 =	vshrl.u32 v7, $0x8;
	vm0 =	veq.s32 v9, v8  }
0x3c2: {  	v7 =	vand.u32 $0xFFF, v7;
	_ =	sdelay $0x4  }
0x3c3: {  	[tilespmem:v7+s16+$0x0] =	vst.idx.add.s32.msk vm0, v2;
	v9 =	vpop (erf)  }
0x3c4: {  	[tilespmem:v7+s17+$0x0] =	vst.idx.add.f32.msk vm0, v9  }
0x3c5: {  	v7 =	vld [tilespmem:s0+$0xFFFFFFF0];
	_ =	sdelay $0x4  }
0x3c6: {  	v9 =	vsub.f32 v7, v4;
	_ =	sdelay $0x1  }
0x3c7: {  	v9 =	vmul.f32 $1.442695020e+00, v9  }
0x3c8: {  	v10 =	vxor.u32 $0x7FFFFFFF, v7;
	vm0 =	vlt.s32 v7, $0x0  }
0x3c9: {  	v7 =	vsel vm0, v10, v7;
	(erf) = vpow2.f32 v9  }
0x3ca: {  	v9 =	vshra.s32 v7, $0x14  }
0x3cb: {  	v9 =	vadd.s32 $0x800, v9  }
0x3cc: {  	v7 =	vshrl.u32 v7, $0x8;
	vm0 =	veq.s32 v9, v8  }
0x3cd: {  	v7 =	vand.u32 $0xFFF, v7;
	_ =	sdelay $0x4  }
0x3ce: {  	[tilespmem:v7+s16+$0x0] =	vst.idx.add.s32.msk vm0, v2;
	v9 =	vpop (erf)  }
0x3cf: {  	[tilespmem:v7+s17+$0x0] =	vst.idx.add.f32.msk vm0, v9  }
0x3d0: {  	v7 =	vld [tilespmem:s0+$0x0];
	_ =	sdelay $0x4  }
0x3d1: {  	v9 =	vsub.f32 v7, v4;
	_ =	sdelay $0x1  }
0x3d2: {  	v9 =	vmul.f32 $1.442695020e+00, v9  }
0x3d3: {  	v10 =	vxor.u32 $0x7FFFFFFF, v7;
	vm0 =	vlt.s32 v7, $0x0  }
0x3d4: {  	v7 =	vsel vm0, v10, v7;
	(erf) = vpow2.f32 v9  }
0x3d5: {  	v9 =	vshra.s32 v7, $0x14  }
0x3d6: {  	v9 =	vadd.s32 $0x800, v9  }
0x3d7: {  	v7 =	vshrl.u32 v7, $0x8;
	vm0 =	veq.s32 v9, v8  }
0x3d8: {  	v7 =	vand.u32 $0xFFF, v7;
	_ =	sdelay $0x4  }
0x3d9: {  	[tilespmem:v7+s16+$0x0] =	vst.idx.add.s32.msk vm0, v2;
	v9 =	vpop (erf)  }
0x3da: {  	[tilespmem:v7+s17+$0x0] =	vst.idx.add.f32.msk vm0, v9  }
0x3db: {  	v7 =	vld [tilespmem:s0+$0x10];
	_ =	sdelay $0x4  }
0x3dc: {  	v9 =	vsub.f32 v7, v4;
	_ =	sdelay $0x1  }
0x3dd: {  	v9 =	vmul.f32 $1.442695020e+00, v9  }
0x3de: {  	v10 =	vxor.u32 $0x7FFFFFFF, v7;
	vm0 =	vlt.s32 v7, $0x0  }
0x3df: {  	v7 =	vsel vm0, v10, v7;
	(erf) = vpow2.f32 v9  }
0x3e0: {  	v9 =	vshra.s32 v7, $0x14  }
0x3e1: {  	v9 =	vadd.s32 $0x800, v9  }
0x3e2: {  	v7 =	vshrl.u32 v7, $0x8;
	vm0 =	veq.s32 v9, v8  }
0x3e3: {  	v7 =	vand.u32 $0xFFF, v7;
	_ =	sdelay $0x4  }
0x3e4: {  	s1 =	simm.s32 $0x0;
	[tilespmem:v7+s16+$0x0] =	vst.idx.add.s32.msk vm0, v2;
	v9 =	vpop (erf)  }
.LBB2_14:
0x3e5: {  	s1 =	sadd.s32 $0x4, s1;
	[tilespmem:v7+s17+$0x0] =	vst.idx.add.f32.msk vm0, v9;
	s0 =	sadd.s32 $0x40, s0  }
0x3e6: {  	v7 =	vld [tilespmem:s0+$0xFFFFFFE0];
	p0 =	slt.u32 s1, $0x1864;
	_ =	sdelay $0x4  }
0x3e7: {  	v9 =	vxor.u32 $0x7FFFFFFF, v7;
	vm0 =	vlt.s32 v7, $0x0;
	v10 =	vsub.f32 v7, v4  }
0x3e8: {  	v7 =	vsel vm0, v9, v7  }
0x3e9: {  	v9 =	vmul.f32 $1.442695020e+00, v10;
	v10 =	vshra.s32 v7, $0x14;
	v7 =	vshrl.u32 v7, $0x8  }
0x3ea: {  	v10 =	vadd.s32 $0x800, v10  }
0x3eb: {  	(erf) = vpow2.f32 v9;
	_ =	sdelay $0x2  }
0x3ec: {  	vm0 =	veq.s32 v10, v8  }
0x3ed: {  	v7 =	vand.u32 $0xFFF, v7;
	_ =	sdelay $0x4  }
0x3ee: {  	[tilespmem:v7+s16+$0x0] =	vst.idx.add.s32.msk vm0, v2;
	v9 =	vpop (erf)  }
0x3ef: {  	[tilespmem:v7+s17+$0x0] =	vst.idx.add.f32.msk vm0, v9  }
0x3f0: {  	v7 =	vld [tilespmem:s0+$0xFFFFFFF0];
	_ =	sdelay $0x4  }
0x3f1: {  	v9 =	vxor.u32 $0x7FFFFFFF, v7;
	vm0 =	vlt.s32 v7, $0x0;
	v10 =	vsub.f32 v7, v4  }
0x3f2: {  	v7 =	vsel vm0, v9, v7  }
0x3f3: {  	v9 =	vmul.f32 $1.442695020e+00, v10;
	v10 =	vshra.s32 v7, $0x14;
	v7 =	vshrl.u32 v7, $0x8  }
0x3f4: {  	v10 =	vadd.s32 $0x800, v10  }
0x3f5: {  	(erf) = vpow2.f32 v9;
	_ =	sdelay $0x2  }
0x3f6: {  	vm0 =	veq.s32 v10, v8  }
0x3f7: {  	v7 =	vand.u32 $0xFFF, v7;
	_ =	sdelay $0x4  }
0x3f8: {  	[tilespmem:v7+s16+$0x0] =	vst.idx.add.s32.msk vm0, v2;
	v9 =	vpop (erf)  }
0x3f9: {  	[tilespmem:v7+s17+$0x0] =	vst.idx.add.f32.msk vm0, v9  }
0x3fa: {  	v7 =	vld [tilespmem:s0+$0x0];
	_ =	sdelay $0x4  }
0x3fb: {  	v9 =	vxor.u32 $0x7FFFFFFF, v7;
	vm0 =	vlt.s32 v7, $0x0;
	v10 =	vsub.f32 v7, v4  }
0x3fc: {  	v7 =	vsel vm0, v9, v7  }
0x3fd: {  	v9 =	vmul.f32 $1.442695020e+00, v10;
	v10 =	vshra.s32 v7, $0x14;
	v7 =	vshrl.u32 v7, $0x8  }
0x3fe: {  	v10 =	vadd.s32 $0x800, v10  }
0x3ff: {  	(erf) = vpow2.f32 v9;
	_ =	sdelay $0x2  }
0x400: {  	vm0 =	veq.s32 v10, v8  }
0x401: {  	v7 =	vand.u32 $0xFFF, v7;
	_ =	sdelay $0x4  }
0x402: {  	[tilespmem:v7+s16+$0x0] =	vst.idx.add.s32.msk vm0, v2;
	v9 =	vpop (erf)  }
0x403: {  	[tilespmem:v7+s17+$0x0] =	vst.idx.add.f32.msk vm0, v9  }
0x404: {  	v7 =	vld [tilespmem:s0+$0x10];
	_ =	sdelay $0x4  }
0x405: {  	v9 =	vxor.u32 $0x7FFFFFFF, v7;
	vm0 =	vlt.s32 v7, $0x0;
	v10 =	vsub.f32 v7, v4  }
0x406: {  	v7 =	vsel vm0, v9, v7  }
0x407: {  	v9 =	vmul.f32 $1.442695020e+00, v10;
	v10 =	vshra.s32 v7, $0x14;
	v7 =	vshrl.u32 v7, $0x8  }
0x408: {  	v10 =	vadd.s32 $0x800, v10  }
0x409: {  	(erf) = vpow2.f32 v9;
	_ =	sdelay $0x2  }
0x40a: {  	vm0 =	veq.s32 v10, v8  }
0x40b: {  	v7 =	vand.u32 $0xFFF, v7  }
.Ltmp20:
0x40c: {  	(pc) =	sbr.rel @p0 .LBB2_14-.Ltmp20, $2  }
0x40d: {  	_ =	sdelay $0x2  }
0x40e: {  	[tilespmem:v7+s16+$0x0] =	vst.idx.add.s32.msk vm0, v2;
	v9 =	vpop (erf)  }
0x40f: {  	_ =	sdelay $0x4  }
0x410: {  	[tilespmem:v7+s17+$0x0] =	vst.idx.add.f32.msk vm0, v9  }
0x411: {  	v7 =	vld [tilespmem:$0x18680];
	_ =	sdelay $0x4  }
0x412: {  	v9 =	vsub.f32 v7, v4;
	_ =	sdelay $0x1  }
0x413: {  	v9 =	vmul.f32 $1.442695020e+00, v9  }
0x414: {  	v10 =	vxor.u32 $0x7FFFFFFF, v7;
	vm14 =	vlt.s32 v7, $0x0  }
0x415: {  	v7 =	vsel vm14, v10, v7;
	(erf) = vpow2.f32 v9  }
0x416: {  	v9 =	vshra.s32 v7, $0x14  }
0x417: {  	v9 =	vadd.s32 $0x800, v9  }
0x418: {  	v7 =	vshrl.u32 v7, $0x8;
	vm15 =	veq.s32 v9, v8  }
0x419: {  	v7 =	vand.u32 $0xFFF, v7;
	_ =	sdelay $0x4  }
0x41a: {  	[tilespmem:v7+s16+$0x0] =	vst.idx.add.s32.msk vm15, v2;
	v9 =	vpop (erf)  }
0x41b: {  	[tilespmem:v7+s17+$0x0] =	vst.idx.add.f32.msk vm15, v9  }
0x41c: {  	v7 =	vld [tilespmem:$0x18690];
	_ =	sdelay $0x4  }
0x41d: {  	v9 =	vsub.f32 v7, v4;
	_ =	sdelay $0x1  }
0x41e: {  	v9 =	vmul.f32 $1.442695020e+00, v9  }
0x41f: {  	v10 =	vxor.u32 $0x7FFFFFFF, v7;
	vm4 =	vlt.s32 v7, $0x0  }
0x420: {  	v7 =	vsel vm4, v10, v7;
	(erf) = vpow2.f32 v9  }
0x421: {  	v9 =	vshra.s32 v7, $0x14  }
0x422: {  	v9 =	vadd.s32 $0x800, v9  }
0x423: {  	v7 =	vshrl.u32 v7, $0x8;
	vm5 =	veq.s32 v9, v8  }
0x424: {  	v7 =	vand.u32 $0xFFF, v7;
	_ =	sdelay $0x4  }
0x425: {  	[tilespmem:v7+s16+$0x0] =	vst.idx.add.s32.msk vm5, v2;
	v8 =	vpop (erf)  }
0x426: {  	s0 =	simm.s32 $0x19810;
	[tilespmem:v7+s17+$0x0] =	vst.idx.add.f32.msk vm5, v8  }
0x427: {  	v7 =	vld [tilespmem:s0+$0xFFFFFFF0];
	_ =	sdelay $0x3  }
0x428: {  	s1 =	simm.s32 $0x18810;
	v8 =	vld [tilespmem:s0+$0x0]  }
0x429: {  	(xrf2) =	vadd.scan.msk.f32 $0xffff, v7;
	v7 =	vld [tilespmem:s1+$0xFFFFFFF0];
	_ =	sdelay $0x3  }
0x42a: {  	(xrf2) =	vadd.scan.msk.f32 $0xffff, v8  }
0x42b: {  	(xrf0) =	vadd.scan.msk.s32 $0xffff, v7;
	_ =	sdelay $0x1  }
0x42c: {  	s6 =	simm.s32 $0x19830;
	v7 =	vld [tilespmem:s1+$0x0]  }
0x42d: {  	v8 =	vld [tilespmem:s6+$0xFFFFFFF0];
	_ =	sdelay $0x1  }
0x42e: {  	v9, _, _ =	vpop (xrf2)  }
0x42f: {  	(v2sf) =	vpush v9, $0xF;
	v11, _, _ =	vpop (xrf0)  }
0x430: {  	s7 =	simm.s32 $0x18830;
	v10 =	vld [tilespmem:s6+$0x0];
	(xrf0) =	vadd.scan.msk.s32 $0xffff, v7;
	(v2sf) =	vpush v11, $0xF  }
0x431: {  	(xrf2) =	vadd.scan.msk.f32 $0xffff, v8;
	v8 =	vld [tilespmem:s7+$0xFFFFFFF0]  }
0x432: {  	v12, _, _ =	vpop (xrf2)  }
0x433: {  	(v2sf) =	vpush v12, $0xF;
	_ =	sdelay $0x1  }
0x434: {  	s28 =	simm.f32 $0.0e+00;
	(xrf2) =	vadd.scan.msk.f32 $0xffff, v10  }
0x435: {  	s8 =	simm.s32 $0x19850;
	s18 =	simm.s32 $0x0;
	v13 =	vld [tilespmem:s7+$0x0];
	v9 =	vadd.f32 s28, v9;
	(xrf0) =	vadd.scan.msk.s32 $0xffff, v8;
	v14, _, _ =	vpop (xrf0)  }
0x436: {  	s9 =	ssub.s32 s25, s18;
	v7 =	vmov s5;
	v10 =	vld [tilespmem:s8+$0xFFFFFFF0];
	(v2sf) =	vpush v14, $0xF  }
0x437: {  	v8 =	vsub.f32 v7, v9;
	v9 =	vsub.s32 s9, v11;
	_ =	sdelay $0x2  }
0x438: {  	vm6 =	vlt.s32 v9, v5;
	(xrf0) =	vadd.scan.msk.s32 $0xffff, v13;
	vm1 =	vle.f32 v8, v6;
	v9, _, _ =	vpop (xrf2)  }
0x439: {  	s2 =	simm.s32 $0x18850;
	(xrf2) =	vadd.scan.msk.f32 $0xffff, v10;
	vm0 =	vmand vm6, vm1;
	(v2sf) =	vpush v9, $0xF;
	v10, _, _ =	vpop (xrf0)  }
0x43a: {  	v11 =	vld [tilespmem:s2+$0xFFFFFFF0];
	v8 =	vmpcnt.ones.xlane vm0;
	v13 =	vmctz.xlane vm0;
	(v2sf) =	vpush v10, $0xF  }
0x43b: {  	s10 =	spop (v2sf)  }
0x43c: {  	v16 =	vld [tilespmem:s8+$0x0];
	(xrf0) =	vadd.scan.msk.s32 $0xffff, v8;
	v15, _, _ =	vpop (xrf2);
	s11 =	spop (v2sf)  }
0x43d: {  	(v2sf) =	vpush v15, $0xF;
	s0 =	sadd.f32 s10, s28;
	s31 =	sadd.s32 $0x0, s11  }
0x43e: {  	(xrf0) =	vadd.scan.msk.s32 $0xffff, v13;
	v13, _, _ =	vpop (xrf0);
	v8 =	vmov s31  }
0x43f: {  	(xrf0) =	vadd.scan.msk.s32 $0xffff, v11;
	(v2sf) =	vpush v13, $0xF;
	s12 =	spop (v2sf);
	v11 =	vadd.f32 s0, v12;
	v12 =	vsub.s32 $0x0, v8  }
0x440: {  	s4 =	sadd.f32 s12, s0;
	v8 =	vmov s25;
	v12 =	vbroadcast v12, $0x0  }
0x441: {  	v18 =	vld [tilespmem:s2+$0x0];
	(xrf2) =	vadd.scan.msk.f32 $0xffff, v16;
	v14 =	vsub.s32 v8, v14;
	v11 =	vsub.f32 v7, v11  }
0x442: {  	v17, _, _ =	vpop (xrf0);
	v9 =	vadd.f32 s4, v9;
	v12 =	vadd.s32 v12, v14  }
0x443: {  	s3 =	simm.s32 $0x19870;
	v16, _, _ =	vpop (xrf2);
	(v2sf) =	vpush v17, $0xF;
	s13 =	spop (v2sf);
	vm8 =	vle.f32 v11, v6;
	vm7 =	vlt.s32 v12, v5  }
0x444: {  	v17, _, _ =	vpop (xrf0);
	(v2sf) =	vpush v16, $0xF;
	v11 =	vld [tilespmem:s3+$0xFFFFFFF0];
	s1 =	sadd.s32 s31, s13;
	v9 =	vsub.f32 v7, v9;
	vm0 =	vmand vm7, vm8  }
0x445: {  	(v2sf) =	vpush v17, $0xF;
	s14 =	ssub.s32 s25, s1;
	v14 =	vmpcnt.ones.xlane vm0  }
0x446: {  	(xrf0) =	vadd.scan.msk.s32 $0xffff, v18;
	v10 =	vsub.s32 s14, v10;
	vm2 =	vle.f32 v9, v6;
	v12, _, _ =	vpop (xrf0);
	v9 =	vmctz.xlane vm0  }
0x447: {  	vm9 =	vlt.s32 v10, v5;
	(v2sf) =	vpush v12, $0xF;
	(xrf0) =	vadd.scan.msk.s32 $0xffff, v14  }
0x448: {  	s6 =	simm.s32 $0x18870;
	s15 =	spop (v2sf);
	vm10 =	vmand vm9, vm2;
	(xrf0) =	vadd.scan.msk.s32 $0xffff, v9  }
0x449: {  	s19 =	spop (v2sf);
	(xrf2) =	vadd.scan.msk.f32 $0xffff, v11;
	v11 =	vmpcnt.ones.xlane vm10;
	v14 =	vld [tilespmem:s6+$0xFFFFFFF0];
	v17 =	vmctz.xlane vm10  }
0x44a: {  	s11 =	sadd.f32 s15, s4;
	s2 =	sadd.s32 s1, s19  }
0x44b: {  	v10, _, _ =	vpop (xrf2);
	v62 =	vmov s2;
	(xrf0) =	vadd.scan.msk.s32 $0xffff, v11  }
0x44c: {  	v63 =	vld [tilespmem:s3+$0x0];
	(v2sf) =	vpush v10, $0xF;
	v9, _, _ =	vpop (xrf0);
	v11 =	vadd.f32 s11, v15;
	v15 =	vsub.s32 $0x0, v62;
	s20 =	spop (v2sf)  }
0x44d: {  	(v2sf) =	vpush v9, $0xF;
	v15 =	vbroadcast v15, $0x0;
	(xrf0) =	vadd.scan.msk.s32 $0xffff, v17;
	s10 =	sadd.f32 s20, s11;
	v17, _, _ =	vpop (xrf0)  }
0x44e: {  	v13 =	vsub.s32 v8, v13;
	s21 =	spop (v2sf);
	v11 =	vsub.f32 v7, v11;
	(xrf0) =	vadd.scan.msk.s32 $0xffff, v14;
	(v2sf) =	vpush v17, $0xF;
	v14, _, _ =	vpop (xrf0)  }
0x44f: {  	v19 =	vld [tilespmem:s6+$0x0];
	s13 =	sadd.s32 s2, s21;
	v13 =	vadd.s32 v15, v13;
	v16 =	vadd.f32 s10, v16;
	(v2sf) =	vpush v14, $0xF  }
0x450: {  	s3 =	ssub.s32 s25, s13;
	vm11 =	vlt.s32 v13, v5  }
0x451: {  	p1 =	por $0x1, $0x1;
	s30 =	simm.s32 $0x0;
	(xrf2) =	vadd.scan.msk.f32 $0xffff, v63;
	vm12 =	vle.f32 v11, v6;
	v11 =	vsub.s32 s3, v12;
	v15 =	vsub.f32 v7, v16;
	v12, _, _ =	vpop (xrf0)  }
0x452: {  	s29 =	simm.s32 $0x0;
	s7 =	simm.f32 $0.0e+00;
	s22 =	spop (v2sf);
	vm0 =	vmand vm11, vm12;
	(v2sf) =	vpush v12, $0xF  }
0x453: {  	s5 =	simm.s32 $0x0;
	s8 =	simm.s32 $0x10;
	p0 =	sgt.s32 s22, $0x0;
	vm13 =	vlt.s32 v11, v5;
	v13 =	vmpcnt.ones.xlane vm0;
	vm14 =	vle.f32 v15, v6  }
0x454: {  	s9 =	simm.s32 $0x8;
	s14 =	spop (v2sf);
	p0 =	por !p1, !p0;
	(xrf0) =	vadd.scan.msk.s32 $0xffff, v19;
	v11, _, _ =	vpop (xrf2);
	v15 =	vmctz.xlane vm0;
	vm15 =	vmand vm13, vm14  }
0x455: {  	s12 =	simm.s32 $0x19890;
	s23 =	spop (v2sf);
	p0 =	por !p0, !p0;
	v12, _, _ =	vpop (xrf0);
	(xrf0) =	vadd.scan.msk.s32 $0xffff, v13;
	(v2sf) =	vpush v11, $0xF;
	v16 =	vmpcnt.ones.xlane vm15  }
0x456: {  	s3 =	sshra.s32 s23, $0x4;
	v14 =	vld [tilespmem:s12+$0xFFFFFFF0];
	s23 =	simm.s32 $0x10;
	(v2sf) =	vpush v12, $0xF;
	v12, _, _ =	vpop (xrf0);
	(xrf0) =	vadd.scan.msk.s32 $0xffff, v15;
	s26 =	spop (v2sf)  }
0x457: {  	s19 =	sadd.s32 $0x10, s3;
	s3 =	simm.s32 $0x18890;
	v13 =	vld [tilespmem:s12+$0x0];
	v15 =	vmctz.xlane vm15;
	(v2sf) =	vpush v12, $0xF;
	(xrf0) =	vadd.scan.msk.s32 $0xffff, v16;
	s6 =	sadd.s32 s13, s26  }
.LBB2_16:
0x458: {  	s9 =	sadd.s32 $0x2, s9  }
0x459: {  	s8 =	sadd.s32 $0x20, s8;
	s15 =	smov.u32 s10;
	s20 =	smov.u32 s31  }
0x45a: {  	(xrf0) =	vadd.scan.msk.s32 $0xffff, v15;
	s31 =	smov.u32 s2;
	s2 =	smov.u32 s6;
	s28 =	smov.u32 @p0 s7  }
0x45b: {  	s19 =	sadd.s32 $0xFFFFFFF0, s19;
	p1 =	slt.u32 s9, $0xFE;
	(xrf2) =	vadd.scan.msk.f32 $0xffff, v14;
	v14, _, _ =	vpop (xrf2);
	s21 =	spop (v2sf)  }
0x45c: {  	s18 =	simm.s32 @p0 $0x1;
	s7 =	sadd.f32 s14, s10;
	v15, _, _ =	vpop (xrf0);
	(v2sf) =	vpush v14, $0xF;
	s6 =	spop (v2sf)  }
0x45d: {  	s29 =	smov.u32 @p0 s5;
	v16 =	vld [tilespmem:s3+$0xFFFFFFF0];
	(v2sf) =	vpush v15, $0xF;
	s6 =	sadd.s32 s2, s6;
	v17, _, _ =	vpop (xrf0);
	s10 =	spop (v2sf)  }
0x45e: {  	v20 =	vmov s2;
	p3 =	seq.s32 s18, $0x0;
	(v2sf) =	vpush v17, $0xF;
	v17, _, _ =	vpop (xrf0);
	p2 =	sgt.s32 s10, $0x0;
	s14 =	spop (v2sf)  }
0x45f: {  	v19 =	vadd.f32 s7, v10;
	v22 =	vsub.s32 $0x0, v20;
	s22 =	ssub.s32 s25, s6;
	s10 =	sadd.f32 s21, s7;
	v18, _, _ =	vpop (xrf0);
	(v2sf) =	vpush v17, $0xF;
	p2 =	por !p3, !p2  }
0x460: {  	s12 =	sadd.s32 $0x20, s12;
	s30 =	smov.u32 @p0 s19;
	v10 =	vmov v14;
	v20 =	vbroadcast v22, $0x0;
	v12 =	vsub.s32 s22, v12;
	s5 =	sshra.s32 s14, $0x4;
	v17 =	vld [tilespmem:s3+$0x0];
	v21, _, _ =	vpop (xrf0)  }
0x461: {  	v14 =	vsub.f32 v7, v19;
	v11 =	vadd.f32 s10, v11;
	p0 =	por !p2, !p2;
	s5 =	sadd.s32 s5, s23;
	(xrf2) =	vadd.scan.msk.f32 $0xffff, v13;
	v13 =	vsub.s32 v8, v9;
	s14 =	spop (v2sf);
	v9 =	vmovc v15  }
0x462: {  	s30 =	smov.u32 @p0 s5;
	s18 =	simm.s32 @p0 $0x1;
	(xrf0) =	vadd.scan.msk.s32 $0xffff, v16;
	v13 =	vadd.s32 v20, v13;
	(v2sf) =	vpush v18, $0xF;
	p2 =	sgt.s32 s14, $0x0  }
0x463: {  	vm1 =	vle.f32 v14, v6;
	s29 =	smov.u32 @p0 s20;
	s28 =	smov.u32 @p0 s0;
	v15 =	vsub.f32 v7, v11;
	p3 =	seq.s32 s18, $0x0;
	vm0 =	vlt.s32 v13, v5  }
0x464: {  	vm2 =	vlt.s32 v12, v5;
	s23 =	smov.u32 s8;
	s0 =	smov.u32 s11;
	p0 =	por !p3, !p2;
	vm0 =	vmand vm0, vm1  }
.Ltmp21:
0x465: {  	vm1 =	vle.f32 v15, v6;
	p0 =	por !p0, !p0;
	v11, _, _ =	vpop (xrf2);
	s14 =	spop (v2sf);
	v18 =	vmpcnt.ones.xlane vm0;
	v16 =	vmctz.xlane vm0;
	(pc) =	sbr.rel @p1 .LBB2_16-.Ltmp21, $4  }
0x466: {  	s11 =	smov.u32 s7;
	s5 =	smov.u32 s1;
	vm0 =	vmand vm2, vm1;
	v14 =	vld [tilespmem:s12+$0xFFFFFFF0];
	(v2sf) =	vpush v11, $0xF;
	(xrf0) =	vadd.scan.msk.s32 $0xffff, v17;
	s19 =	spop (v2sf)  }
0x467: {  	s1 =	smov.u32 s13;
	s13 =	smov.u32 s6;
	v17 =	vmpcnt.ones.xlane vm0;
	v15 =	vmctz.xlane vm0;
	(v2sf) =	vpush v21, $0xF;
	(xrf0) =	vadd.scan.msk.s32 $0xffff, v18;
	s7 =	sshra.s32 s19, $0x4  }
0x468: {  	v13 =	vld [tilespmem:s12+$0x0];
	v12, _, _ =	vpop (xrf0);
	s20 =	spop (v2sf);
	(xrf0) =	vadd.scan.msk.s32 $0xffff, v16;
	s19 =	sadd.s32 s7, s8;
	s7 =	smov.u32 s4  }
0x469: {  	s3 =	sadd.s32 $0x20, s3;
	s4 =	smov.u32 s15;
	(v2sf) =	vpush v12, $0xF;
	s6 =	sadd.s32 s6, s20;
	(xrf0) =	vadd.scan.msk.s32 $0xffff, v17  }
0x46a: {  	_ = 	snop  }
0x46b: {  	(xrf2) =	vadd.scan.msk.f32 $0xffff, v14  }
0x46c: {  	v47 =	vld [tilespmem:s3+$0xFFFFFFF0];
	_ =	sdelay $0x3  }
0x46d: {  	(xrf0) =	vadd.scan.msk.s32 $0xffff, v15;
	v48, _, _ =	vpop (xrf2)  }
0x46e: {  	v16, _, _ =	vpop (xrf0);
	(v2sf) =	vpush v48, $0xF;
	(xrf0) =	vadd.scan.msk.s32 $0xffff, v47  }
0x46f: {  	(v2sf) =	vpush v16, $0xF;
	v49, _, _ =	vpop (xrf0)  }
0x470: {  	(v2sf) =	vpush v49, $0xF;
	v50, _, _ =	vpop (xrf0)  }
0x471: {  	s12 =	sadd.f32 s14, s10;
	v17, _, _ =	vpop (xrf0);
	(v2sf) =	vpush v50, $0xF  }
0x472: {  	s9 =	spop (v2sf);
	(v2sf) =	vpush v17, $0xF;
	v51, _, _ =	vpop (xrf2)  }
0x473: {  	v18 =	vmov s6;
	s15 =	sadd.f32 s9, s12;
	v52, _, _ =	vpop (xrf0);
	(v2sf) =	vpush v51, $0xF  }
0x474: {  	v18 =	vsub.s32 $0x0, v18;
	v10 =	vadd.f32 s12, v10;
	v53, _, _ =	vpop (xrf0);
	(v2sf) =	vpush v52, $0xF  }
0x475: {  	v19 =	vld [tilespmem:s3+$0x0];
	s22 =	spop (v2sf);
	v18 =	vbroadcast v18, $0x0;
	(xrf2) =	vadd.scan.msk.f32 $0xffff, v13;
	v11 =	vadd.f32 s15, v11;
	(v2sf) =	vpush v53, $0xF  }
0x476: {  	v9 =	vsub.s32 v8, v9;
	[dreg:$0x15] =	wrdreg s12;
	s12 =	sadd.s32 s6, s22;
	v10 =	vsub.f32 v7, v10  }
0x477: {  	s21 =	spop (v2sf);
	v9 =	vadd.s32 v18, v9;
	s9 =	ssub.s32 s25, s12;
	v11 =	vsub.f32 v7, v11  }
0x478: {  	s26 =	spop (v2sf);
	vm0 =	vlt.s32 v9, v5;
	v9 =	vsub.s32 s9, v12;
	vm1 =	vle.f32 v10, v6  }
0x479: {  	s3 =	smov.u32 s15;
	[smem:$0x7D8] =	sst s26;
	s26 =	spop (v2sf);
	vm0 =	vmand vm0, vm1;
	vm1 =	vlt.s32 v9, v5;
	vm2 =	vle.f32 v11, v6  }
0x47a: {  	[dreg:$0x17] =	wrdreg s3;
	v9 =	vmpcnt.ones.xlane vm0;
	v10 =	vmctz.xlane vm0;
	vm0 =	vmand vm1, vm2;
	s14 =	spop (v2sf);
	(xrf0) =	vadd.scan.msk.s32 $0xffff, v19  }
0x47b: {  	s18 =	simm.s32 @p0 $0x1;
	v11 =	vmpcnt.ones.xlane vm0;
	s20 =	spop (v2sf);
	s3 =	sadd.f32 s14, s3  }
0x47c: {  	p2 =	seq.s32 s18, $0x0;
	[dreg:$0x16] =	wrdreg s12;
	(xrf0) =	vadd.scan.msk.s32 $0xffff, v9;
	s22 =	spop (v2sf)  }
0x47d: {  	[smem:$0x7D9] =	sst s20;
	(xrf0) =	vadd.scan.msk.s32 $0xffff, v10;
	v10 =	vadd.f32 s3, v48;
	s9 =	sadd.s32 s12, s22;
	s15 =	spop (v2sf)  }
0x47e: {  	p1 =	sgt.s32 s21, $0x0;
	[dreg:$0x19] =	wrdreg s3;
	v9 =	vmov s9;
	s14 =	spop (v2sf)  }
0x47f: {  	p1 =	por !p2, !p1;
	(xrf0) =	vadd.scan.msk.s32 $0xffff, v11;
	v11, _, _ =	vpop (xrf2);
	[dreg:$0x18] =	wrdreg s9;
	v10 =	vsub.f32 v7, v10;
	v9 =	vsub.s32 $0x0, v9;
	s20 =	spop (v2sf)  }
0x480: {  	(v2sf) =	vpush v11, $0xF;
	v54, _, _ =	vpop (xrf0);
	v9 =	vbroadcast v9, $0x0;
	s3 =	sadd.f32 s15, s3;
	s12 =	sadd.s32 s9, s14;
	s22 =	spop (v2sf)  }
0x481: {  	v55 =	vsub.s32 v8, v16;
	(v2sf) =	vpush v54, $0xF;
	vm2 =	vle.f32 v10, v6;
	s9 =	ssub.s32 s25, s12;
	[smem:$0x7DA] =	sst s22;
	s22 =	spop (v2sf)  }
0x482: {  	p3 =	por !p1, !p1;
	v57, _, _ =	vpop (xrf0);
	v9 =	vadd.s32 v9, v55;
	v14 =	vadd.f32 s3, v51;
	v56 =	vsub.s32 s9, v53;
	s14 =	spop (v2sf)  }
0x483: {  	s18 =	simm.s32 @p3 $0x1;
	p2 =	sgt.s32 s26, $0x0;
	v10, _, _ =	vpop (xrf0);
	vm1 =	vlt.s32 v9, v5;
	v9 =	vmctz.xlane vm0;
	s15 =	spop (v2sf);
	(v2sf) =	vpush v57, $0xF  }
0x484: {  	p4 =	seq.s32 s18, $0x0;
	vm0 =	vmand vm1, vm2;
	s14 =	sadd.f32 s14, s3;
	s9 =	spop (v2sf);
	(v2sf) =	vpush v10, $0xF;
	v10 =	vsub.f32 v7, v14  }
0x485: {  	p1 =	por !p4, !p2;
	vm1 =	vlt.s32 v56, v5;
	v59 =	vmpcnt.ones.xlane vm0;
	s9 =	sadd.s32 s12, s9  }
0x486: {  	p4 =	por !p1, !p1;
	v58, _, _ =	vpop (xrf0);
	(xrf0) =	vadd.scan.msk.s32 $0xffff, v9;
	v9 =	vmov s9;
	vm2 =	vle.f32 v10, v6;
	v10 =	vadd.f32 s14, v11  }
0x487: {  	s18 =	simm.s32 @p4 $0x1;
	[dreg:$0x1b] =	wrdreg s3;
	(xrf0) =	vadd.scan.msk.s32 $0xffff, v59;
	s3 =	simm.s32 @!p3 $0x0;
	(v2sf) =	vpush v58, $0xF;
	v11 =	vmctz.xlane vm0;
	v9 =	vsub.s32 $0x0, v9  }
0x488: {  	p6 =	seq.s32 s18, $0x0;
	p5 =	sgt.s32 s20, $0x0;
	s3 =	simm.s32 @p3 $0x1;
	vm0 =	vmand vm1, vm2;
	v9 =	vbroadcast v9, $0x0;
	v7 =	vsub.f32 v7, v10  }
0x489: {  	v8 =	vsub.s32 v8, v54;
	p1 =	por !p6, !p5;
	[smem:$0x7DC] =	sst s3;
	s3 =	simm.s32 @!p4 $0x0;
	v60 =	vmpcnt.ones.xlane vm0;
	(xrf0) =	vadd.scan.msk.s32 $0xffff, v11  }
0x48a: {  	p1 =	por !p1, !p1;
	s3 =	simm.s32 @p4 $0x1;
	v8 =	vadd.s32 v9, v8  }
0x48b: {  	[smem:$0x7DD] =	sst s3;
	s3 =	simm.s32 @!p1 $0x0;
	(xrf0) =	vadd.scan.msk.s32 $0xffff, v60;
	vm2 =	vle.f32 v7, v6;
	vm1 =	vlt.s32 v8, v5  }
0x48c: {  	p5 =	sgt.s32 s22, $0x0;
	[dreg:$0x1c] =	wrdreg s9;
	s3 =	simm.s32 @p1 $0x1;
	v8 =	vmctz.xlane vm0;
	v7, _, _ =	vpop (xrf0);
	vm0 =	vmand vm1, vm2  }
0x48d: {  	s18 =	simm.s32 @p1 $0x1;
	[smem:$0x7DE] =	sst s3;
	s3 =	sadd.s32 $0xFFFFFFF0, s19;
	(v2sf) =	vpush v7, $0xF;
	v7, _, _ =	vpop (xrf0);
	v9 =	vmpcnt.ones.xlane vm0  }
0x48e: {  	p6 =	seq.s32 s18, $0x0;
	s30 =	smov.u32 @p0 s3;
	s3 =	sld [smem:$0x7D8];
	(xrf0) =	vadd.scan.msk.s32 $0xffff, v8;
	(v2sf) =	vpush v7, $0xF  }
0x48f: {  	s21 =	smov.u32 s14;
	s20 =	spop (v2sf);
	s14 =	sld [smem:$0x7D9];
	v7, _, _ =	vpop (xrf0);
	(xrf0) =	vadd.scan.msk.s32 $0xffff, v9  }
0x490: {  	s26 =	sadd.s32 $0x20, s8;
	s20 =	sld [smem:$0x7DA];
	p1 =	por !p6, !p5;
	(v2sf) =	vpush v7, $0xF;
	v7 =	vmctz.xlane vm0  }
0x491: {  	s22 =	spop (v2sf);
	p5 =	por !p1, !p1;
	s3 =	sshra.s32 s3, $0x4;
	v8, _, _ =	vpop (xrf0)  }
0x492: {  	s18 =	simm.s32 @p5 $0x1;
	s3 =	sadd.s32 s3, s23;
	(v2sf) =	vpush v8, $0xF;
	(xrf0) =	vadd.scan.msk.s32 $0xffff, v7;
	s9 =	spop (v2sf)  }
0x493: {  	p6 =	seq.s32 s18, $0x0;
	s30 =	smov.u32 @p3 s3;
	p3 =	sgt.s32 s9, $0x0  }
0x494: {  	[dreg:$0x1a] =	wrdreg s12;
	s12 =	sshra.s32 s20, $0x4;
	v7, _, _ =	vpop (xrf0);
	p1 =	por !p6, !p3  }
0x495: {  	s8 =	spop (v2sf);
	s9 =	sshra.s32 s14, $0x4;
	(v2sf) =	vpush v7, $0xF;
	v7, _, _ =	vpop (xrf0);
	p6 =	por !p1, !p1  }
0x496: {  	s19 =	spop (v2sf);
	s9 =	sadd.s32 s9, s26;
	(v2sf) =	vpush v7, $0xF;
	s18 =	simm.s32 @p6 $0x1  }
0x497: {  	p2 =	sgt.s32 s19, $0x0;
	s9 =	sadd.s32 $0xFFFFFFF0, s9;
	p3 =	seq.s32 s18, $0x0  }
0x498: {  	s3 =	sadd.s32 $0x20, s26;
	s30 =	smov.u32 @p4 s9;
	v7, _, _ =	vpop (xrf0);
	p1 =	por !p3, !p2  }
0x499: {  	s9 =	sadd.s32 s12, s26;
	s26 =	sld [smem:$0x7DE];
	(v2sf) =	vpush v7, $0xF;
	p1 =	por !p1, !p1  }
0x49a: {  	s22 =	sshra.s32 s15, $0x4;
	s8 =	sshra.s32 s8, $0x4;
	s12 =	simm.s32 @!p1 $0x0  }
0x49b: {  	s14 =	sadd.s32 s22, s3;
	s8 =	sadd.s32 s8, s3;
	s12 =	simm.s32 @p1 $0x1  }
0x49c: {  	p3 =	seq.s32 s26, $0x1;
	[smem:$0x7DB] =	sst s12;
	s12 =	spop (v2sf)  }
0x49d: {  	s18 =	simm.s32 @p1 $0x1;
	s30 =	smov.u32 @p3 s9;
	s23 =	spop (v2sf)  }
0x49e: {  	s9 =	sadd.s32 $0xFFFFFFF0, s14;
	p4 =	seq.s32 s18, $0x0;
	p2 =	sgt.s32 s23, $0x0  }
0x49f: {  	s3 =	sadd.s32 $0x20, s3;
	s30 =	smov.u32 @p5 s9;
	p1 =	por !p4, !p2  }
0x4a0: {  	s30 =	smov.u32 @p6 s8;
	s19 =	spop (v2sf);
	p2 =	por !p1, !p1  }
0x4a1: {  	s22 =	sshra.s32 s12, $0x4;
	s20 =	spop (v2sf);
	s18 =	simm.s32 @p2 $0x1  }
0x4a2: {  	s8 =	sadd.s32 s22, s3;
	p3 =	sgt.s32 s20, $0x0;
	p4 =	seq.s32 s18, $0x0  }
0x4a3: {  	s15 =	sld [smem:$0x7DB];
	s8 =	sadd.s32 $0xFFFFFFF0, s8;
	p1 =	por !p4, !p3  }
0x4a4: {  	s9 =	sshra.s32 s19, $0x4;
	s23 =	spop (v2sf);
	p1 =	por !p1, !p1  }
0x4a5: {  	s12 =	sshra.s32 s23, $0x4;
	s18 =	simm.s32 @p1 $0x1;
	s26 =	spop (v2sf)  }
0x4a6: {  	p3 =	sgt.s32 s26, $0x0;
	p4 =	seq.s32 s18, $0x0;
	s18 =	sadd.s32 $0x20, s3  }
0x4a7: {  	s3 =	sadd.s32 s9, s3;
	p3 =	por !p4, !p3;
	p4 =	seq.s32 s15, $0x1  }
0x4a8: {  	s19 =	sadd.s32 s12, s18;
	s20 =	spop (v2sf);
	s30 =	smov.u32 @p4 s8  }
0x4a9: {  	s22 =	sshra.s32 s20, $0x4;
	s30 =	smov.u32 @p2 s3;
	s3 =	sadd.s32 $0xFFFFFFF0, s19  }
0x4aa: {  	p3 =	por !p3, !p3;
	s30 =	smov.u32 @p1 s3;
	s3 =	sadd.s32 s22, s18  }
0x4ab: {  	s30 =	smov.u32 @p3 s3  }
0x4ac: {  	s3 =	sand.u32 $0xFFFFFFF0, s30  }
0x4ad: {  	v7 =	vld [tilespmem:s3+$0x18800]  }
0x4ae: {  	v8 =	vld [tilespmem:s3+$0x19800];
	[tilespmem:$0x18800] =	vst v0  }
0x4af: {  	[tilespmem:$0x19800] =	vst v1  }
0x4b0: {  	[tilespmem:$0x18810] =	vst v0  }
0x4b1: {  	[tilespmem:$0x19810] =	vst v1  }
0x4b2: {  	[tilespmem:$0x18820] =	vst v0  }
0x4b3: {  	[tilespmem:$0x19820] =	vst v1  }
0x4b4: {  	[tilespmem:$0x18830] =	vst v0  }
0x4b5: {  	[tilespmem:$0x19830] =	vst v1  }
0x4b6: {  	[tilespmem:$0x18840] =	vst v0  }
0x4b7: {  	[tilespmem:$0x19840] =	vst v1  }
0x4b8: {  	[tilespmem:$0x18850] =	vst v0  }
0x4b9: {  	[tilespmem:$0x19850] =	vst v1  }
0x4ba: {  	[tilespmem:$0x18860] =	vst v0  }
0x4bb: {  	[tilespmem:$0x19860] =	vst v1  }
0x4bc: {  	[tilespmem:$0x18870] =	vst v0  }
0x4bd: {  	[tilespmem:$0x19870] =	vst v1  }
0x4be: {  	[tilespmem:$0x18880] =	vst v0  }
0x4bf: {  	[tilespmem:$0x19880] =	vst v1  }
0x4c0: {  	[tilespmem:$0x18890] =	vst v0  }
0x4c1: {  	[tilespmem:$0x19890] =	vst v1  }
0x4c2: {  	[tilespmem:$0x188A0] =	vst v0  }
0x4c3: {  	[tilespmem:$0x198A0] =	vst v1  }
0x4c4: {  	[tilespmem:$0x188B0] =	vst v0  }
0x4c5: {  	[tilespmem:$0x198B0] =	vst v1  }
0x4c6: {  	[tilespmem:$0x188C0] =	vst v0  }
0x4c7: {  	[tilespmem:$0x198C0] =	vst v1  }
0x4c8: {  	[tilespmem:$0x188D0] =	vst v0  }
0x4c9: {  	[tilespmem:$0x198D0] =	vst v1  }
0x4ca: {  	[tilespmem:$0x188E0] =	vst v0  }
0x4cb: {  	[tilespmem:$0x198E0] =	vst v1  }
0x4cc: {  	[tilespmem:$0x188F0] =	vst v0  }
0x4cd: {  	s8 =	simm.s32 $0x20;
	[tilespmem:$0x198F0] =	vst v1  }
0x4ce: {  	v9 =	vld [tilespmem:s8+$0xFFFFFFE0];
	_ =	sdelay $0x4  }
0x4cf: {  	v10 =	vsub.f32 v9, v4;
	_ =	sdelay $0x1  }
0x4d0: {  	v10 =	vmul.f32 $1.442695020e+00, v10  }
0x4d1: {  	s23 =	sshll.u32 s24, $0xC  }
0x4d2: {  	s3 =	sadd.s32 $0xFF800000, s23;
	v11 =	vxor.u32 $0x7FFFFFFF, v9;
	vm0 =	vlt.s32 v9, $0x0;
	(erf) = vpow2.f32 v10  }
0x4d3: {  	s3 =	sor.u32 s3, s30;
	v10 =	vsel vm0, v11, v9  }
0x4d4: {  	v9 =	vmov s3;
	v11 =	vshra.s32 v10, $0x8  }
0x4d5: {  	vm0 =	veq.s32 v11, v9  }
0x4d6: {  	v10 =	vand.u32 $0xFF, v10;
	_ =	sdelay $0x4  }
0x4d7: {  	[tilespmem:v10+s16+$0x0] =	vst.idx.add.s32.msk vm0, v2;
	v11 =	vpop (erf)  }
0x4d8: {  	[tilespmem:v10+s17+$0x0] =	vst.idx.add.f32.msk vm0, v11  }
0x4d9: {  	v10 =	vld [tilespmem:s8+$0xFFFFFFF0];
	_ =	sdelay $0x4  }
0x4da: {  	v11 =	vsub.f32 v10, v4;
	_ =	sdelay $0x1  }
0x4db: {  	v11 =	vmul.f32 $1.442695020e+00, v11;
	_ =	sdelay $0x1  }
0x4dc: {  	v61 =	vxor.u32 $0x7FFFFFFF, v10;
	vm0 =	vlt.s32 v10, $0x0;
	(erf) = vpow2.f32 v11  }
0x4dd: {  	v10 =	vsel vm0, v61, v10  }
0x4de: {  	v11 =	vshra.s32 v10, $0x8  }
0x4df: {  	vm0 =	veq.s32 v11, v9  }
0x4e0: {  	v10 =	vand.u32 $0xFF, v10;
	_ =	sdelay $0x4  }
0x4e1: {  	[tilespmem:v10+s16+$0x0] =	vst.idx.add.s32.msk vm0, v2;
	v11 =	vpop (erf)  }
0x4e2: {  	[tilespmem:v10+s17+$0x0] =	vst.idx.add.f32.msk vm0, v11  }
0x4e3: {  	v10 =	vld [tilespmem:s8+$0x0];
	_ =	sdelay $0x4  }
0x4e4: {  	v11 =	vsub.f32 v10, v4;
	_ =	sdelay $0x1  }
0x4e5: {  	v11 =	vmul.f32 $1.442695020e+00, v11;
	_ =	sdelay $0x1  }
0x4e6: {  	v62 =	vxor.u32 $0x7FFFFFFF, v10;
	vm0 =	vlt.s32 v10, $0x0;
	(erf) = vpow2.f32 v11  }
0x4e7: {  	v10 =	vsel vm0, v62, v10  }
0x4e8: {  	v11 =	vshra.s32 v10, $0x8  }
0x4e9: {  	vm0 =	veq.s32 v11, v9  }
0x4ea: {  	v10 =	vand.u32 $0xFF, v10;
	_ =	sdelay $0x4  }
0x4eb: {  	[tilespmem:v10+s16+$0x0] =	vst.idx.add.s32.msk vm0, v2;
	v11 =	vpop (erf)  }
0x4ec: {  	[tilespmem:v10+s17+$0x0] =	vst.idx.add.f32.msk vm0, v11  }
0x4ed: {  	s24 =	sld [smem:$0x7DC];
	v10 =	vld [tilespmem:s8+$0x10];
	_ =	sdelay $0x1  }
0x4ee: {  	s28 =	smov.u32 @p0 s7  }
0x4ef: {  	s29 =	smov.u32 @p0 s5;
	s26 =	sld [smem:$0x7DD];
	p0 =	seq.s32 s24, $0x1  }
0x4f0: {  	s29 =	smov.u32 @p0 s31;
	s31 =	sld [smem:$0x7DE]  }
0x4f1: {  	v11 =	vsub.f32 v10, v4  }
0x4f2: {  	s28 =	smov.u32 @p0 s0;
	p0 =	seq.s32 s26, $0x1  }
0x4f3: {  	s28 =	smov.u32 @p0 s4;
	s29 =	smov.u32 @p0 s1;
	p0 =	seq.s32 s31, $0x1;
	v11 =	vmul.f32 $1.442695020e+00, v11  }
0x4f4: {  	s28 =	smov.u32 @p0 s11  }
0x4f5: {  	s0 =	rddreg [dreg:$0x15];
	s28 =	smov.u32 @p5 s10;
	v63 =	vxor.u32 $0x7FFFFFFF, v10;
	vm0 =	vlt.s32 v10, $0x0;
	(erf) = vpow2.f32 v11  }
0x4f6: {  	s29 =	smov.u32 @p0 s2;
	s28 =	smov.u32 @p6 s0;
	s0 =	rddreg [dreg:$0x17];
	v10 =	vsel vm0, v63, v10  }
0x4f7: {  	s29 =	smov.u32 @p5 s13;
	[dreg:$0x11] =	wrdreg s3;
	v11 =	vshra.s32 v10, $0x8  }
0x4f8: {  	s29 =	smov.u32 @p6 s6;
	s28 =	smov.u32 @p4 s0;
	s0 =	rddreg [dreg:$0x16];
	vm0 =	veq.s32 v11, v9  }
0x4f9: {  	s29 =	smov.u32 @p4 s0;
	s0 =	rddreg [dreg:$0x18];
	v10 =	vand.u32 $0xFF, v10  }
0x4fa: {  	s29 =	smov.u32 @p2 s0;
	s0 =	rddreg [dreg:$0x19]  }
0x4fb: {  	s28 =	smov.u32 @p2 s0;
	s0 =	rddreg [dreg:$0x1b]  }
0x4fc: {  	s28 =	smov.u32 @p1 s0;
	s0 =	rddreg [dreg:$0x1a]  }
0x4fd: {  	s29 =	smov.u32 @p1 s0;
	s0 =	rddreg [dreg:$0x1c]  }
0x4fe: {  	s28 =	smov.u32 @p3 s21;
	s29 =	smov.u32 @p3 s0;
	s0 =	simm.s32 $0x0;
	[tilespmem:v10+s16+$0x0] =	vst.idx.add.s32.msk vm0, v2;
	v11 =	vpop (erf)  }
.LBB2_18:
0x4ff: {  	s0 =	sadd.s32 $0x4, s0;
	[tilespmem:v10+s17+$0x0] =	vst.idx.add.f32.msk vm0, v11;
	s8 =	sadd.s32 $0x40, s8  }
0x500: {  	v10 =	vld [tilespmem:s8+$0xFFFFFFE0];
	p0 =	slt.u32 s0, $0x1864;
	_ =	sdelay $0x4  }
0x501: {  	v11 =	vxor.u32 $0x7FFFFFFF, v10;
	vm0 =	vlt.s32 v10, $0x0;
	v12 =	vsub.f32 v10, v4  }
0x502: {  	v10 =	vsel vm0, v11, v10  }
0x503: {  	v11 =	vmul.f32 $1.442695020e+00, v12;
	v12 =	vshra.s32 v10, $0x8;
	_ =	sdelay $0x1  }
0x504: {  	(erf) = vpow2.f32 v11;
	_ =	sdelay $0x2  }
0x505: {  	vm0 =	veq.s32 v12, v9  }
0x506: {  	v10 =	vand.u32 $0xFF, v10;
	_ =	sdelay $0x4  }
0x507: {  	[tilespmem:v10+s16+$0x0] =	vst.idx.add.s32.msk vm0, v2;
	v11 =	vpop (erf)  }
0x508: {  	[tilespmem:v10+s17+$0x0] =	vst.idx.add.f32.msk vm0, v11  }
0x509: {  	v10 =	vld [tilespmem:s8+$0xFFFFFFF0];
	_ =	sdelay $0x4  }
0x50a: {  	v11 =	vxor.u32 $0x7FFFFFFF, v10;
	vm0 =	vlt.s32 v10, $0x0;
	v12 =	vsub.f32 v10, v4  }
0x50b: {  	v10 =	vsel vm0, v11, v10  }
0x50c: {  	v11 =	vmul.f32 $1.442695020e+00, v12;
	v12 =	vshra.s32 v10, $0x8;
	_ =	sdelay $0x1  }
0x50d: {  	(erf) = vpow2.f32 v11;
	_ =	sdelay $0x2  }
0x50e: {  	vm0 =	veq.s32 v12, v9  }
0x50f: {  	v10 =	vand.u32 $0xFF, v10;
	_ =	sdelay $0x4  }
0x510: {  	[tilespmem:v10+s16+$0x0] =	vst.idx.add.s32.msk vm0, v2;
	v11 =	vpop (erf)  }
0x511: {  	[tilespmem:v10+s17+$0x0] =	vst.idx.add.f32.msk vm0, v11  }
0x512: {  	v10 =	vld [tilespmem:s8+$0x0];
	_ =	sdelay $0x4  }
0x513: {  	v11 =	vxor.u32 $0x7FFFFFFF, v10;
	vm0 =	vlt.s32 v10, $0x0;
	v12 =	vsub.f32 v10, v4  }
0x514: {  	v10 =	vsel vm0, v11, v10  }
0x515: {  	v11 =	vmul.f32 $1.442695020e+00, v12;
	v12 =	vshra.s32 v10, $0x8;
	_ =	sdelay $0x1  }
0x516: {  	(erf) = vpow2.f32 v11;
	_ =	sdelay $0x2  }
0x517: {  	vm0 =	veq.s32 v12, v9  }
0x518: {  	v10 =	vand.u32 $0xFF, v10;
	_ =	sdelay $0x4  }
0x519: {  	[tilespmem:v10+s16+$0x0] =	vst.idx.add.s32.msk vm0, v2;
	v11 =	vpop (erf)  }
0x51a: {  	[tilespmem:v10+s17+$0x0] =	vst.idx.add.f32.msk vm0, v11  }
0x51b: {  	v10 =	vld [tilespmem:s8+$0x10];
	_ =	sdelay $0x4  }
0x51c: {  	v11 =	vxor.u32 $0x7FFFFFFF, v10;
	vm0 =	vlt.s32 v10, $0x0;
	v12 =	vsub.f32 v10, v4  }
0x51d: {  	v10 =	vsel vm0, v11, v10  }
0x51e: {  	v11 =	vmul.f32 $1.442695020e+00, v12;
	v12 =	vshra.s32 v10, $0x8;
	_ =	sdelay $0x1  }
0x51f: {  	(erf) = vpow2.f32 v11;
	_ =	sdelay $0x2  }
0x520: {  	vm0 =	veq.s32 v12, v9  }
0x521: {  	v10 =	vand.u32 $0xFF, v10  }
.Ltmp22:
0x522: {  	(pc) =	sbr.rel @p0 .LBB2_18-.Ltmp22, $2  }
0x523: {  	_ =	sdelay $0x2  }
0x524: {  	[tilespmem:v10+s16+$0x0] =	vst.idx.add.s32.msk vm0, v2;
	v11 =	vpop (erf)  }
0x525: {  	_ =	sdelay $0x4  }
0x526: {  	[tilespmem:v10+s17+$0x0] =	vst.idx.add.f32.msk vm0, v11  }
0x527: {  	v10 =	vld [tilespmem:$0x18680];
	_ =	sdelay $0x4  }
0x528: {  	v11 =	vsub.f32 v10, v4;
	_ =	sdelay $0x1  }
0x529: {  	v11 =	vmul.f32 $1.442695020e+00, v11;
	_ =	sdelay $0x1  }
0x52a: {  	v12 =	vxor.u32 $0x7FFFFFFF, v10;
	vm13 =	vlt.s32 v10, $0x0;
	(erf) = vpow2.f32 v11  }
0x52b: {  	v10 =	vsel vm13, v12, v10  }
0x52c: {  	v11 =	vshra.s32 v10, $0x8  }
0x52d: {  	vm14 =	veq.s32 v11, v9  }
0x52e: {  	v10 =	vand.u32 $0xFF, v10;
	_ =	sdelay $0x3  }
0x52f: {  	(xrf2) =	vadd.scan.msk.f32 $0xffff, v8  }
0x530: {  	[tilespmem:v10+s16+$0x0] =	vst.idx.add.s32.msk vm14, v2;
	v11 =	vpop (erf)  }
0x531: {  	[tilespmem:v10+s17+$0x0] =	vst.idx.add.f32.msk vm14, v11  }
0x532: {  	v10 =	vld [tilespmem:$0x18690];
	_ =	sdelay $0x4  }
0x533: {  	(xrf0) =	vadd.scan.msk.s32 $0xffff, v7;
	v11 =	vsub.f32 v10, v4  }
0x534: {  	s0 =	sand.u32 $0xF, s30  }
0x535: {  	v12 =	vmov s0;
	v13, _, _ =	vpop (xrf2);
	v11 =	vmul.f32 $1.442695020e+00, v11  }
0x536: {  	vm15 =	veq.s32 v12, v3;
	v13 =	vadd.f32 s28, v13;
	v12 =	vxor.u32 $0x7FFFFFFF, v10  }
0x537: {  	vm1 =	vlt.s32 v10, $0x0;
	(erf) = vpow2.f32 v11  }
0x538: {  	v10 =	vsel vm1, v12, v10;
	v11 =	vnsel vm15, $0x0, v13  }
0x539: {  	v12, _, _ =	vpop (xrf0);
	(xrf2) =	vadd.scan.msk.f32 $0xffff, v11;
	v11 =	vshra.s32 v10, $0x8  }
0x53a: {  	v8 =	vnsel vm15, $0x0, v8;
	v12 =	vadd.s32 s29, v12;
	vm4 =	veq.s32 v11, v9  }
0x53b: {  	v9 =	vnsel vm15, $0x0, v12;
	(xrf2) =	vadd.scan.msk.f32 $0xffff, v8;
	v8 =	vand.u32 $0xFF, v10  }
0x53c: {  	(xrf0) =	vadd.scan.msk.s32 $0xffff, v9  }
0x53d: {  	v7 =	vnsel vm15, $0x0, v7  }
0x53e: {  	(xrf0) =	vadd.scan.msk.s32 $0xffff, v7;
	_ =	sdelay $0x1  }
0x53f: {  	[tilespmem:v8+s16+$0x0] =	vst.idx.add.s32.msk vm4, v2;
	v7 =	vpop (erf)  }
0x540: {  	s7 =	simm.s32 $0x19810;
	[tilespmem:v8+s17+$0x0] =	vst.idx.add.f32.msk vm4, v7  }
0x541: {  	v7, _, _ =	vpop (xrf0);
	v8 =	vld [tilespmem:s7+$0xFFFFFFF0]  }
0x542: {  	(v2sf) =	vpush v7, $0xF;
	v7, _, _ =	vpop (xrf2)  }
0x543: {  	(v2sf) =	vpush v7, $0xF;
	v7, _, _ =	vpop (xrf0)  }
0x544: {  	(v2sf) =	vpush v7, $0xF;
	v7, _, _ =	vpop (xrf2)  }
0x545: {  	s1 =	simm.s32 $0x18810;
	(v2sf) =	vpush v7, $0xF;
	v7 =	vld [tilespmem:s7+$0x0]  }
0x546: {  	(xrf2) =	vadd.scan.msk.f32 $0xffff, v8;
	v8 =	vld [tilespmem:s1+$0xFFFFFFF0];
	_ =	sdelay $0x3  }
0x547: {  	(xrf2) =	vadd.scan.msk.f32 $0xffff, v7  }
0x548: {  	(xrf0) =	vadd.scan.msk.s32 $0xffff, v8;
	_ =	sdelay $0x1  }
0x549: {  	s8 =	simm.s32 $0x19830;
	v7 =	vld [tilespmem:s1+$0x0]  }
0x54a: {  	v8 =	vld [tilespmem:s8+$0xFFFFFFF0];
	_ =	sdelay $0x1  }
0x54b: {  	v9, _, _ =	vpop (xrf2)  }
0x54c: {  	v10 =	vld [tilespmem:s8+$0x0];
	(v2sf) =	vpush v9, $0xF;
	v11, _, _ =	vpop (xrf0)  }
0x54d: {  	s10 =	simm.s32 $0x18830;
	(xrf0) =	vadd.scan.msk.s32 $0xffff, v7;
	(v2sf) =	vpush v11, $0xF  }
0x54e: {  	s9 =	spop (v2sf);
	(xrf2) =	vadd.scan.msk.f32 $0xffff, v8;
	v8 =	vld [tilespmem:s10+$0xFFFFFFF0]  }
0x54f: {  	s3 =	rddreg [dreg:$0x10];
	s2 =	spop (v2sf);
	v12, _, _ =	vpop (xrf2)  }
0x550: {  	s2 =	ssub.f32 s3, s2;
	s11 =	spop (v2sf);
	(v2sf) =	vpush v12, $0xF  }
0x551: {  	(xrf2) =	vadd.scan.msk.f32 $0xffff, v10;
	s4 =	spop (v2sf)  }
0x552: {  	s28 =	simm.f32 $0.0e+00;
	s0 =	ssub.s32 s25, s9;
	s4 =	sadd.f32 s2, s4  }
0x553: {  	s12 =	simm.s32 $0x19850;
	v13 =	vld [tilespmem:s10+$0x0];
	v9 =	vadd.f32 s28, v9;
	s25 =	sadd.s32 s11, s0;
	s0 =	simm.s32 $0x0;
	v14, _, _ =	vpop (xrf0);
	(xrf0) =	vadd.scan.msk.s32 $0xffff, v8  }
0x554: {  	v10 =	vld [tilespmem:s12+$0xFFFFFFF0];
	s13 =	ssub.s32 s25, s0;
	(v2sf) =	vpush v14, $0xF;
	v7 =	vmov s4  }
0x555: {  	v8 =	vsub.f32 v7, v9;
	v9 =	vsub.s32 s13, v11;
	_ =	sdelay $0x2  }
0x556: {  	(xrf0) =	vadd.scan.msk.s32 $0xffff, v13;
	vm5 =	vlt.s32 v9, v5;
	vm6 =	vle.f32 v8, v6;
	v9, _, _ =	vpop (xrf2)  }
0x557: {  	s14 =	simm.s32 $0x18850;
	(xrf2) =	vadd.scan.msk.f32 $0xffff, v10;
	vm0 =	vmand vm5, vm6;
	(v2sf) =	vpush v9, $0xF;
	v10, _, _ =	vpop (xrf0)  }
0x558: {  	v11 =	vld [tilespmem:s14+$0xFFFFFFF0];
	v8 =	vmpcnt.ones.xlane vm0;
	v13 =	vmctz.xlane vm0;
	(v2sf) =	vpush v10, $0xF  }
0x559: {  	v15, _, _ =	vpop (xrf2);
	s15 =	spop (v2sf)  }
0x55a: {  	v16 =	vld [tilespmem:s12+$0x0];
	[dreg:$0x12] =	wrdreg s4;
	(xrf0) =	vadd.scan.msk.s32 $0xffff, v8;
	(v2sf) =	vpush v15, $0xF;
	s18 =	spop (v2sf)  }
0x55b: {  	s1 =	sadd.f32 s15, s28;
	s4 =	sadd.s32 $0x0, s18  }
0x55c: {  	(xrf0) =	vadd.scan.msk.s32 $0xffff, v13;
	v13, _, _ =	vpop (xrf0);
	v8 =	vmov s4  }
0x55d: {  	(xrf0) =	vadd.scan.msk.s32 $0xffff, v11;
	(v2sf) =	vpush v13, $0xF;
	v11 =	vadd.f32 s1, v12;
	s19 =	spop (v2sf);
	v12 =	vsub.s32 $0x0, v8  }
0x55e: {  	v8 =	vmov s25;
	s2 =	sadd.f32 s19, s1;
	v12 =	vbroadcast v12, $0x0  }
0x55f: {  	v18 =	vld [tilespmem:s14+$0x0];
	(xrf2) =	vadd.scan.msk.f32 $0xffff, v16;
	v14 =	vsub.s32 v8, v14;
	v11 =	vsub.f32 v7, v11  }
0x560: {  	v17, _, _ =	vpop (xrf0);
	v9 =	vadd.f32 s2, v9;
	v12 =	vadd.s32 v12, v14  }
0x561: {  	s20 =	simm.s32 $0x19870;
	v16, _, _ =	vpop (xrf2);
	(v2sf) =	vpush v17, $0xF;
	s5 =	spop (v2sf);
	vm8 =	vle.f32 v11, v6;
	vm7 =	vlt.s32 v12, v5  }
0x562: {  	v17, _, _ =	vpop (xrf0);
	(v2sf) =	vpush v16, $0xF;
	s11 =	sadd.s32 s4, s5;
	v11 =	vld [tilespmem:s20+$0xFFFFFFF0];
	v9 =	vsub.f32 v7, v9;
	vm0 =	vmand vm7, vm8  }
0x563: {  	(v2sf) =	vpush v17, $0xF;
	s5 =	ssub.s32 s25, s11;
	v14 =	vmpcnt.ones.xlane vm0  }
0x564: {  	(xrf0) =	vadd.scan.msk.s32 $0xffff, v18;
	v10 =	vsub.s32 s5, v10;
	v12, _, _ =	vpop (xrf0);
	vm2 =	vle.f32 v9, v6;
	v9 =	vmctz.xlane vm0  }
0x565: {  	vm9 =	vlt.s32 v10, v5;
	(v2sf) =	vpush v12, $0xF;
	(xrf0) =	vadd.scan.msk.s32 $0xffff, v14  }
0x566: {  	s7 =	simm.s32 $0x18870;
	s21 =	spop (v2sf);
	vm10 =	vmand vm9, vm2;
	(xrf0) =	vadd.scan.msk.s32 $0xffff, v9  }
0x567: {  	s6 =	spop (v2sf);
	(xrf2) =	vadd.scan.msk.f32 $0xffff, v11;
	v11 =	vmpcnt.ones.xlane vm10;
	v14 =	vld [tilespmem:s7+$0xFFFFFFF0];
	v17 =	vmctz.xlane vm10  }
0x568: {  	s10 =	sadd.s32 s11, s6;
	s6 =	sadd.f32 s21, s2  }
0x569: {  	v10, _, _ =	vpop (xrf2);
	s22 =	spop (v2sf);
	(xrf0) =	vadd.scan.msk.s32 $0xffff, v11  }
0x56a: {  	v63 =	vld [tilespmem:s20+$0x0];
	(v2sf) =	vpush v10, $0xF;
	v62 =	vmov s10;
	v9, _, _ =	vpop (xrf0);
	s13 =	sadd.f32 s22, s6  }
0x56b: {  	v11 =	vadd.f32 s6, v15;
	v15 =	vsub.s32 $0x0, v62;
	(v2sf) =	vpush v9, $0xF;
	(xrf0) =	vadd.scan.msk.s32 $0xffff, v17;
	v17, _, _ =	vpop (xrf0)  }
0x56c: {  	v15 =	vbroadcast v15, $0x0;
	s23 =	spop (v2sf);
	v16 =	vadd.f32 s13, v16;
	(xrf0) =	vadd.scan.msk.s32 $0xffff, v14;
	(v2sf) =	vpush v17, $0xF;
	v14, _, _ =	vpop (xrf0)  }
0x56d: {  	v19 =	vld [tilespmem:s7+$0x0];
	v13 =	vsub.s32 v8, v13;
	v11 =	vsub.f32 v7, v11;
	s5 =	sadd.s32 s10, s23;
	(v2sf) =	vpush v14, $0xF  }
0x56e: {  	v13 =	vadd.s32 v15, v13;
	s3 =	ssub.s32 s25, s5;
	v15 =	vsub.f32 v7, v16  }
0x56f: {  	p1 =	por $0x1, $0x1;
	s31 =	simm.f32 $0.0e+00;
	(xrf2) =	vadd.scan.msk.f32 $0xffff, v63;
	vm11 =	vlt.s32 v13, v5;
	vm12 =	vle.f32 v11, v6;
	v11 =	vsub.s32 s3, v12;
	v12, _, _ =	vpop (xrf0)  }
0x570: {  	s30 =	simm.s32 $0x0;
	s29 =	simm.s32 $0x0;
	s9 =	simm.s32 $0x8;
	vm0 =	vmand vm11, vm12;
	(v2sf) =	vpush v12, $0xF  }
0x571: {  	s12 =	simm.s32 $0x0;
	s14 =	simm.s32 $0x18890;
	s8 =	spop (v2sf);
	vm13 =	vlt.s32 v11, v5;
	vm14 =	vle.f32 v15, v6;
	v13 =	vmpcnt.ones.xlane vm0  }
0x572: {  	s15 =	simm.s32 $0x19890;
	s7 =	simm.s32 $0x10;
	(xrf0) =	vadd.scan.msk.s32 $0xffff, v19;
	s18 =	spop (v2sf);
	v15 =	vmctz.xlane vm0;
	vm15 =	vmand vm13, vm14;
	v11, _, _ =	vpop (xrf2)  }
0x573: {  	p0 =	sgt.s32 s8, $0x0;
	s8 =	simm.s32 $0x10;
	s24 =	spop (v2sf);
	v12, _, _ =	vpop (xrf0);
	v16 =	vmpcnt.ones.xlane vm15;
	(xrf0) =	vadd.scan.msk.s32 $0xffff, v13;
	(v2sf) =	vpush v11, $0xF  }
0x574: {  	v14 =	vld [tilespmem:s15+$0xFFFFFFF0];
	p0 =	por !p1, !p0;
	s3 =	sshra.s32 s24, $0x4;
	(v2sf) =	vpush v12, $0xF;
	v12, _, _ =	vpop (xrf0);
	(xrf0) =	vadd.scan.msk.s32 $0xffff, v15;
	s26 =	spop (v2sf)  }
0x575: {  	p0 =	por !p0, !p0;
	v13 =	vld [tilespmem:s15+$0x0];
	s22 =	sadd.s32 $0x10, s3;
	v15 =	vmctz.xlane vm15;
	(v2sf) =	vpush v12, $0xF;
	(xrf0) =	vadd.scan.msk.s32 $0xffff, v16;
	s3 =	sadd.s32 s5, s26  }
.LBB2_20:
0x576: {  	s9 =	sadd.s32 $0x2, s9  }
0x577: {  	s7 =	sadd.s32 $0x20, s7;
	s19 =	smov.u32 s13;
	s21 =	smov.u32 s4  }
0x578: {  	(xrf0) =	vadd.scan.msk.s32 $0xffff, v15;
	s4 =	smov.u32 s10;
	s10 =	smov.u32 s3;
	s28 =	smov.u32 @p0 s31  }
0x579: {  	s22 =	sadd.s32 $0xFFFFFFF0, s22;
	p1 =	slt.u32 s9, $0xE;
	(xrf2) =	vadd.scan.msk.f32 $0xffff, v14;
	v14, _, _ =	vpop (xrf2);
	s23 =	spop (v2sf)  }
0x57a: {  	s0 =	simm.s32 @p0 $0x1;
	s20 =	sadd.f32 s18, s13;
	v15, _, _ =	vpop (xrf0);
	(v2sf) =	vpush v14, $0xF;
	s3 =	spop (v2sf)  }
0x57b: {  	s30 =	smov.u32 @p0 s12;
	v16 =	vld [tilespmem:s14+$0xFFFFFFF0];
	(v2sf) =	vpush v15, $0xF;
	s3 =	sadd.s32 s10, s3;
	v17, _, _ =	vpop (xrf0);
	s13 =	spop (v2sf)  }
0x57c: {  	v20 =	vmov s10;
	p3 =	seq.s32 s0, $0x0;
	(v2sf) =	vpush v17, $0xF;
	v17, _, _ =	vpop (xrf0);
	p2 =	sgt.s32 s13, $0x0;
	s18 =	spop (v2sf)  }
0x57d: {  	v19 =	vadd.f32 s20, v10;
	v22 =	vsub.s32 $0x0, v20;
	s24 =	ssub.s32 s25, s3;
	s13 =	sadd.f32 s23, s20;
	v18, _, _ =	vpop (xrf0);
	(v2sf) =	vpush v17, $0xF;
	p2 =	por !p3, !p2  }
0x57e: {  	s15 =	sadd.s32 $0x20, s15;
	s29 =	smov.u32 @p0 s22;
	v10 =	vmov v14;
	v20 =	vbroadcast v22, $0x0;
	v12 =	vsub.s32 s24, v12;
	s12 =	sshra.s32 s18, $0x4;
	v17 =	vld [tilespmem:s14+$0x0];
	v21, _, _ =	vpop (xrf0)  }
0x57f: {  	v14 =	vsub.f32 v7, v19;
	v11 =	vadd.f32 s13, v11;
	p0 =	por !p2, !p2;
	s8 =	sadd.s32 s12, s8;
	(xrf2) =	vadd.scan.msk.f32 $0xffff, v13;
	v13 =	vsub.s32 v8, v9;
	s18 =	spop (v2sf);
	v9 =	vmovc v15  }
0x580: {  	s29 =	smov.u32 @p0 s8;
	s0 =	simm.s32 @p0 $0x1;
	(xrf0) =	vadd.scan.msk.s32 $0xffff, v16;
	v13 =	vadd.s32 v20, v13;
	(v2sf) =	vpush v18, $0xF;
	p2 =	sgt.s32 s18, $0x0  }
0x581: {  	vm1 =	vle.f32 v14, v6;
	s30 =	smov.u32 @p0 s21;
	s28 =	smov.u32 @p0 s1;
	v15 =	vsub.f32 v7, v11;
	p3 =	seq.s32 s0, $0x0;
	vm0 =	vlt.s32 v13, v5  }
0x582: {  	vm2 =	vlt.s32 v12, v5;
	s8 =	smov.u32 s7;
	s1 =	smov.u32 s6;
	p0 =	por !p3, !p2;
	vm0 =	vmand vm0, vm1  }
.Ltmp23:
0x583: {  	vm1 =	vle.f32 v15, v6;
	p0 =	por !p0, !p0;
	v11, _, _ =	vpop (xrf2);
	s18 =	spop (v2sf);
	v18 =	vmpcnt.ones.xlane vm0;
	v16 =	vmctz.xlane vm0;
	(pc) =	sbr.rel @p1 .LBB2_20-.Ltmp23, $4  }
0x584: {  	s12 =	smov.u32 s11;
	s6 =	smov.u32 s20;
	vm0 =	vmand vm2, vm1;
	v14 =	vld [tilespmem:s15+$0xFFFFFFF0];
	(v2sf) =	vpush v11, $0xF;
	(xrf0) =	vadd.scan.msk.s32 $0xffff, v17;
	s21 =	spop (v2sf)  }
0x585: {  	s11 =	smov.u32 s5;
	s5 =	smov.u32 s3;
	v17 =	vmpcnt.ones.xlane vm0;
	v15 =	vmctz.xlane vm0;
	(v2sf) =	vpush v21, $0xF;
	(xrf0) =	vadd.scan.msk.s32 $0xffff, v18;
	s20 =	sshra.s32 s21, $0x4  }
0x586: {  	s31 =	smov.u32 s2;
	v13 =	vld [tilespmem:s15+$0x0];
	v12, _, _ =	vpop (xrf0);
	s21 =	spop (v2sf);
	(xrf0) =	vadd.scan.msk.s32 $0xffff, v16;
	s22 =	sadd.s32 s20, s7  }
0x587: {  	s2 =	smov.u32 s19;
	s14 =	sadd.s32 $0x20, s14;
	(v2sf) =	vpush v12, $0xF;
	s3 =	sadd.s32 s3, s21;
	(xrf0) =	vadd.scan.msk.s32 $0xffff, v17  }
0x588: {  	_ = 	snop  }
0x589: {  	(xrf2) =	vadd.scan.msk.f32 $0xffff, v14  }
0x58a: {  	v32 =	vld [tilespmem:s14+$0xFFFFFFF0];
	_ =	sdelay $0x3  }
0x58b: {  	(xrf0) =	vadd.scan.msk.s32 $0xffff, v15;
	v33, _, _ =	vpop (xrf2)  }
0x58c: {  	v16, _, _ =	vpop (xrf0);
	(v2sf) =	vpush v33, $0xF;
	(xrf0) =	vadd.scan.msk.s32 $0xffff, v32  }
0x58d: {  	(v2sf) =	vpush v16, $0xF;
	v34, _, _ =	vpop (xrf0)  }
0x58e: {  	(v2sf) =	vpush v34, $0xF;
	v35, _, _ =	vpop (xrf0)  }
0x58f: {  	v17, _, _ =	vpop (xrf0);
	(v2sf) =	vpush v35, $0xF  }
0x590: {  	s19 =	sadd.f32 s18, s13;
	(v2sf) =	vpush v17, $0xF;
	v36, _, _ =	vpop (xrf2)  }
0x591: {  	v18 =	vmov s3;
	s9 =	spop (v2sf);
	v37, _, _ =	vpop (xrf0);
	(v2sf) =	vpush v36, $0xF  }
0x592: {  	v18 =	vsub.s32 $0x0, v18;
	[smem:$0x7D7] =	sst s19;
	s15 =	spop (v2sf);
	v10 =	vadd.f32 s19, v10;
	v38, _, _ =	vpop (xrf0);
	(v2sf) =	vpush v37, $0xF  }
0x593: {  	v18 =	vbroadcast v18, $0x0;
	s19 =	sadd.f32 s9, s19;
	s18 =	spop (v2sf);
	(xrf2) =	vadd.scan.msk.f32 $0xffff, v13;
	(v2sf) =	vpush v38, $0xF  }
0x594: {  	v39 =	vld [tilespmem:s14+$0x0];
	v9 =	vsub.s32 v8, v9;
	s20 =	spop (v2sf);
	v10 =	vsub.f32 v7, v10  }
0x595: {  	v9 =	vadd.s32 v18, v9;
	v40 =	vadd.f32 s19, v11;
	s23 =	spop (v2sf)  }
0x596: {  	vm0 =	vlt.s32 v9, v5;
	vm1 =	vle.f32 v10, v6;
	[smem:$0x7D2] =	sst s23;
	s23 =	sadd.s32 s3, s15  }
0x597: {  	v9 =	vsub.f32 v7, v40;
	vm0 =	vmand vm0, vm1;
	s15 =	ssub.s32 s25, s23  }
0x598: {  	v41 =	vmpcnt.ones.xlane vm0;
	v42 =	vsub.s32 s15, v12;
	s24 =	spop (v2sf)  }
0x599: {  	(xrf0) =	vadd.scan.msk.s32 $0xffff, v39;
	vm9 =	vle.f32 v9, v6;
	vm8 =	vlt.s32 v42, v5;
	s26 =	spop (v2sf)  }
0x59a: {  	v43 =	vmctz.xlane vm0;
	(xrf0) =	vadd.scan.msk.s32 $0xffff, v41;
	s15 =	sadd.f32 s24, s19;
	vm0 =	vmand vm8, vm9;
	s9 =	spop (v2sf)  }
0x59b: {  	[smem:$0x7D3] =	sst s26;
	v46 =	vmpcnt.ones.xlane vm0;
	s26 =	sadd.s32 s23, s9;
	s14 =	spop (v2sf)  }
0x59c: {  	s0 =	simm.s32 @p0 $0x1;
	(xrf0) =	vadd.scan.msk.s32 $0xffff, v43;
	v44 =	vmov s26;
	s9 =	spop (v2sf)  }
0x59d: {  	s28 =	smov.u32 @p0 s31;
	[smem:$0x7D1] =	sst s20;
	v47, _, _ =	vpop (xrf2);
	v45 =	vadd.f32 s15, v33;
	(xrf0) =	vadd.scan.msk.s32 $0xffff, v46;
	v10 =	vsub.s32 $0x0, v44;
	s24 =	spop (v2sf)  }
0x59e: {  	p2 =	seq.s32 s0, $0x0;
	(v2sf) =	vpush v47, $0xF;
	v10 =	vbroadcast v10, $0x0;
	s21 =	sadd.f32 s14, s15;
	s20 =	spop (v2sf)  }
0x59f: {  	v48 =	vsub.s32 v8, v16;
	p1 =	sgt.s32 s18, $0x0;
	v50, _, _ =	vpop (xrf0);
	v9 =	vsub.f32 v7, v45;
	[smem:$0x7D4] =	sst s20;
	s14 =	spop (v2sf)  }
0x5a0: {  	v49 =	vmctz.xlane vm0;
	(v2sf) =	vpush v50, $0xF;
	v53, _, _ =	vpop (xrf0);
	v10 =	vadd.s32 v10, v48;
	s20 =	sadd.s32 s26, s9;
	[smem:$0x7D5] =	sst s14;
	s14 =	spop (v2sf)  }
0x5a1: {  	s31 =	sld [smem:$0x7D2];
	(v2sf) =	vpush v53, $0xF;
	vm11 =	vle.f32 v9, v6;
	vm10 =	vlt.s32 v10, v5;
	s9 =	ssub.s32 s25, s20;
	s18 =	spop (v2sf)  }
0x5a2: {  	(xrf0) =	vadd.scan.msk.s32 $0xffff, v49;
	v54, _, _ =	vpop (xrf0);
	v51 =	vadd.f32 s21, v36;
	vm0 =	vmand vm10, vm11;
	v52 =	vsub.s32 s9, v38;
	s9 =	sadd.s32 $0xFFFFFFF0, s22;
	[smem:$0x7D6] =	sst s18;
	s22 =	spop (v2sf)  }
0x5a3: {  	p1 =	por !p2, !p1;
	(v2sf) =	vpush v54, $0xF;
	v58, _, _ =	vpop (xrf0);
	v55 =	vmpcnt.ones.xlane vm0;
	s18 =	sadd.s32 s20, s22;
	s22 =	sadd.f32 s14, s21  }
0x5a4: {  	s30 =	smov.u32 @p0 s12;
	p1 =	por !p1, !p1;
	v13 =	vsub.f32 v7, v51;
	(v2sf) =	vpush v58, $0xF;
	s14 =	sld [smem:$0x7D1]  }
0x5a5: {  	s0 =	simm.s32 @p1 $0x1;
	s30 =	smov.u32 @p1 s4;
	s28 =	smov.u32 @p1 s1;
	v56 =	vmctz.xlane vm0;
	vm12 =	vlt.s32 v52, v5;
	(xrf0) =	vadd.scan.msk.s32 $0xffff, v55;
	v57 =	vmov s18  }
0x5a6: {  	p4 =	seq.s32 s0, $0x0;
	p3 =	sgt.s32 s31, $0x0;
	s31 =	sld [smem:$0x7D5];
	vm2 =	vle.f32 v13, v6;
	v12 =	vadd.f32 s22, v47;
	v10 =	vsub.s32 $0x0, v57  }
0x5a7: {  	s29 =	smov.u32 @p0 s9;
	p0 =	por !p4, !p3;
	vm13 =	vmand vm12, vm2;
	s9 =	sshra.s32 s14, $0x4;
	v60 =	vbroadcast v10, $0x0  }
0x5a8: {  	v61 =	vsub.s32 v8, v50;
	v62, _, _ =	vpop (xrf0);
	p0 =	por !p0, !p0;
	v59 =	vmpcnt.ones.xlane vm13;
	(xrf0) =	vadd.scan.msk.s32 $0xffff, v56;
	s8 =	sadd.s32 s9, s8;
	v7 =	vsub.f32 v7, v12;
	s9 =	sld [smem:$0x7D3]  }
0x5a9: {  	p5 =	sgt.s32 s24, $0x0;
	(v2sf) =	vpush v62, $0xF;
	s0 =	simm.s32 @p0 $0x1;
	s28 =	smov.u32 @p0 s2;
	v8 =	vadd.s32 v60, v61  }
0x5aa: {  	v63 =	vmctz.xlane vm13;
	s30 =	smov.u32 @p0 s11;
	p3 =	sgt.s32 s31, $0x0;
	(xrf0) =	vadd.scan.msk.s32 $0xffff, v59;
	s14 =	sld [smem:$0x7D4];
	vm14 =	vlt.s32 v8, v5;
	vm15 =	vle.f32 v7, v6  }
0x5ab: {  	s29 =	smov.u32 @p1 s8;
	s8 =	sadd.s32 $0x20, s7;
	v5, _, _ =	vpop (xrf0);
	s7 =	sshra.s32 s9, $0x4;
	vm0 =	vmand vm14, vm15  }
0x5ac: {  	s2 =	sld [smem:$0x7D7];
	p6 =	seq.s32 s0, $0x0;
	(xrf0) =	vadd.scan.msk.s32 $0xffff, v63;
	(v2sf) =	vpush v5, $0xF;
	s12 =	sadd.s32 s7, s8;
	v5 =	vmpcnt.ones.xlane vm0  }
0x5ad: {  	s4 =	spop (v2sf);
	p1 =	por !p6, !p5;
	s1 =	sadd.s32 $0xFFFFFFF0, s12  }
0x5ae: {  	s24 =	sadd.s32 $0x20, s8;
	v6, _, _ =	vpop (xrf0);
	v7 =	vmctz.xlane vm0;
	s29 =	smov.u32 @p0 s1;
	s1 =	sshra.s32 s14, $0x4  }
0x5af: {  	s4 =	sadd.s32 $0x20, s24;
	(v2sf) =	vpush v6, $0xF;
	p0 =	por !p1, !p1;
	(xrf0) =	vadd.scan.msk.s32 $0xffff, v5;
	s1 =	sadd.s32 s1, s8  }
0x5b0: {  	s0 =	simm.s32 @p0 $0x1;
	s28 =	smov.u32 @p0 s6;
	s6 =	spop (v2sf);
	v5, _, _ =	vpop (xrf0);
	(xrf0) =	vadd.scan.msk.s32 $0xffff, v7  }
0x5b1: {  	s29 =	smov.u32 @p0 s1;
	p4 =	seq.s32 s0, $0x0;
	s1 =	sld [smem:$0x7D6];
	(v2sf) =	vpush v5, $0xF  }
0x5b2: {  	s30 =	smov.u32 @p0 s10;
	s7 =	spop (v2sf);
	p1 =	por !p4, !p3;
	v5, _, _ =	vpop (xrf0)  }
0x5b3: {  	p5 =	sgt.s32 s7, $0x0;
	s8 =	spop (v2sf);
	p0 =	por !p1, !p1;
	(v2sf) =	vpush v5, $0xF  }
0x5b4: {  	s9 =	sshra.s32 s8, $0x4;
	s1 =	sshra.s32 s1, $0x4;
	s0 =	simm.s32 @p0 $0x1  }
0x5b5: {  	s10 =	spop (v2sf);
	s1 =	sadd.s32 s1, s24;
	p6 =	seq.s32 s0, $0x0;
	v5, _, _ =	vpop (xrf0)  }
0x5b6: {  	s28 =	smov.u32 @p0 s13;
	s1 =	sadd.s32 $0xFFFFFFF0, s1;
	p1 =	por !p6, !p5;
	(v2sf) =	vpush v5, $0xF;
	v5, _, _ =	vpop (xrf0)  }
0x5b7: {  	s30 =	smov.u32 @p0 s5;
	s29 =	smov.u32 @p0 s1;
	p0 =	por !p1, !p1;
	(v2sf) =	vpush v5, $0xF  }
0x5b8: {  	p3 =	sgt.s32 s10, $0x0;
	s1 =	sadd.s32 s9, s24;
	s0 =	simm.s32 @p0 $0x1  }
0x5b9: {  	s11 =	spop (v2sf);
	s29 =	smov.u32 @p0 s1;
	p4 =	seq.s32 s0, $0x0  }
0x5ba: {  	s30 =	smov.u32 @p0 s3;
	s1 =	sshra.s32 s11, $0x4;
	p1 =	por !p4, !p3  }
0x5bb: {  	s28 =	smov.u32 @p0 s2;
	s1 =	sadd.s32 s1, s4;
	p0 =	por !p1, !p1  }
0x5bc: {  	s1 =	sadd.s32 $0xFFFFFFF0, s1;
	s12 =	spop (v2sf);
	s0 =	simm.s32 @p0 $0x1  }
0x5bd: {  	s28 =	smov.u32 @p0 s19;
	p5 =	sgt.s32 s12, $0x0;
	p6 =	seq.s32 s0, $0x0  }
0x5be: {  	s13 =	spop (v2sf);
	s29 =	smov.u32 @p0 s1;
	p1 =	por !p6, !p5  }
0x5bf: {  	s30 =	smov.u32 @p0 s23;
	s23 =	sadd.s32 $0x20, s4;
	p1 =	por !p1, !p1  }
0x5c0: {  	s14 =	sshra.s32 s13, $0x4;
	s0 =	simm.s32 @p1 $0x1;
	s19 =	spop (v2sf)  }
0x5c1: {  	s1 =	sadd.s32 s14, s4;
	p4 =	seq.s32 s0, $0x0;
	p3 =	sgt.s32 s19, $0x0  }
0x5c2: {  	s29 =	smov.u32 @p1 s1;
	s24 =	spop (v2sf);
	p0 =	por !p4, !p3  }
0x5c3: {  	s28 =	smov.u32 @p1 s15;
	s1 =	sshra.s32 s24, $0x4;
	p0 =	por !p0, !p0  }
0x5c4: {  	s30 =	smov.u32 @p1 s26;
	s1 =	sadd.s32 s1, s23;
	s28 =	smov.u32 @p0 s21  }
0x5c5: {  	s0 =	simm.s32 @p0 $0x1;
	s26 =	spop (v2sf);
	s1 =	sadd.s32 $0xFFFFFFF0, s1  }
0x5c6: {  	p5 =	sgt.s32 s26, $0x0;
	p6 =	seq.s32 s0, $0x0;
	s31 =	spop (v2sf)  }
0x5c7: {  	s30 =	smov.u32 @p0 s20;
	p1 =	por !p6, !p5;
	s0 =	sshra.s32 s31, $0x4  }
0x5c8: {  	s29 =	smov.u32 @p0 s1;
	p1 =	por !p1, !p1;
	s0 =	sadd.s32 s0, s23  }
0x5c9: {  	s30 =	smov.u32 @p1 s18;
	s28 =	smov.u32 @p1 s22;
	s29 =	smov.u32 @p1 s0  }
.LBB2_37:
0x5ca: {  	s0 =	sand.u32 $0xFFFFFFF0, s29  }
0x5cb: {  	v5 =	vld [tilespmem:s0+$0x19800];
	_ =	sdelay $0x4  }
0x5cc: {  	(xrf2) =	vadd.scan.msk.f32 $0xffff, v5;
	_ =	sdelay $0x2  }
0x5cd: {  	v6 =	vld [tilespmem:s0+$0x18800];
	_ =	sdelay $0x4  }
0x5ce: {  	(xrf0) =	vadd.scan.msk.s32 $0xffff, v6;
	_ =	sdelay $0x1  }
0x5cf: {  	s21 =	sand.u32 $0xF, s29;
	v5, _, _ =	vpop (xrf2)  }
0x5d0: {  	v7 =	vmov s21;
	v5 =	vadd.f32 s28, v5  }
0x5d1: {  	vm0 =	veq.s32 v7, v3  }
0x5d2: {  	v5 =	vnsel vm0, $0x0, v5  }
0x5d3: {  	v7, _, _ =	vpop (xrf0);
	(xrf2) =	vadd.scan.msk.f32 $0xffff, v5  }
0x5d4: {  	s22 =	rddreg [dreg:$0x11];
	v5 =	vadd.s32 s30, v7  }
0x5d5: {  	s0 =	sshll.u32 s22, $0x8;
	v5 =	vnsel vm0, $0x0, v5  }
0x5d6: {  	s0 =	sor.u32 s29, s0;
	(xrf0) =	vadd.scan.msk.s32 $0xffff, v5  }
0x5d7: {  	v5 =	vmov s0  }
0x5d8: {  	v7 =	vxor.u32 $0x7FFFFFFF, v5;
	vm1 =	vlt.s32 v5, $0x0  }
0x5d9: {  	v6 =	vnsel vm0, $0x0, v6;
	v7 =	vnsel vm1, s0, v7  }
0x5da: {  	v7 =	vsub.f32 v7, v4  }
0x5db: {  	(xrf0) =	vadd.scan.msk.s32 $0xffff, v6  }
0x5dc: {  	v7 =	vmul.f32 $1.442695020e+00, v7;
	v6, _, _ =	vpop (xrf0)  }
0x5dd: {  	(v2sf) =	vpush v6, $0xF;
	v6, _, _ =	vpop (xrf2)  }
0x5de: {  	(erf) = vpow2.f32 v7;
	(v2sf) =	vpush v6, $0xF;
	_ =	sdelay $0x2  }
0x5df: {  	v6, _, _ =	vpop (xrf0)  }
0x5e0: {  	(v2sf) =	vpush v6, $0xF;
	_ =	sdelay $0x4  }
0x5e1: {  	v7 =	vpop (erf)  }
0x5e2: {  	(erf) = vrcp.f32 v7;
	_ =	sdelay $0x3  }
0x5e3: {  	s1 =	spop (v2sf)  }
0x5e4: {  	s2 =	rddreg [dreg:$0x12];
	s23 =	spop (v2sf)  }
0x5e5: {  	s2 =	ssub.f32 s2, s23  }
0x5e6: {  	s24 =	rddreg [dreg:$0xd]  }
0x5e7: {  	s3 =	ssub.f32 s24, s2  }
0x5e8: {  	s26 =	spop (v2sf);
	v8 =	vpop (erf)  }
0x5e9: {  	s4 =	scvt.s32.f32 s26;
	v8 =	vmul.f32 s3, v8;
	_ =	sdelay $0x1  }
0x5ea: {  	vm14 =	vmmov $0x1;
	v8 =	vmin.f32 v8, s4  }
0x5eb: {  	v9 =	vnsel vm14, $0x0, v7;
	v8 =	vtrunc.f32 v8  }
0x5ec: {  	(xrf2) =	vadd.scan.msk.f32 $0xffff, v9;
	v8 =	vcvt.f32.s32 v8  }
0x5ed: {  	v6 =	vbroadcast v6, $0xF  }
0x5ee: {  	vm15 =	vgt.f32 v7, $0.0e+00;
	v8 =	vadd.s32 $0x1, v8  }
0x5ef: {  	v6 =	vsel vm15, v8, v6  }
0x5f0: {  	v6 =	vnsel vm14, $0x0, v6  }
0x5f1: {  	(xrf0) =	vadd.scan.msk.s32 $0xffff, v6;
	_ =	sdelay $0x4  }
0x5f2: {  	v6, _, _ =	vpop (xrf2)  }
0x5f3: {  	(v2sf) =	vpush v6, $0xF;
	v6, _, _ =	vpop (xrf0)  }
0x5f4: {  	(v2sf) =	vpush v6, $0xF;
	_ =	sdelay $0xd  }
0x5f5: {  	s28 =	spop (v2sf)  }
0x5f6: {  	s4 =	spop (v2sf)  }
0x5f7: {  	s5 =	smov.u32 s26;
	p0 =	slt.s32 s4, s26  }
0x5f8: {  	s5 =	smov.u32 @p0 s4  }
0x5f9: {  	p0 =	sgt.s32 s5, $0x1  }
0x5fa: {  	s1 =	ssub.s32 s25, s1;
	s5 =	simm.s32 @!p0 $0x1  }
0x5fb: {  	s4 =	sadd.s32 s1, s5;
	s5 =	rddreg [dreg:$0xf]  }
0x5fc: {  	p0 =	slt.s32 s5, s4  }
0x5fd: {  	s6 =	rddreg [dreg:$0xe];
	s4 =	smov.u32 @p0 s5  }
0x5fe: {  	s5 =	smax.f32 s6, $-1.000000000e+09;
	p0 =	slt.s32 s4, $0x186A0  }
0x5ff: {  	s6 =	smov.u32 @p0 s5  }
0x600: {  	v7 =	vmov s6  }
0x601: {  	v6 =	vsub.f32 $-1.000000000e+09, v7  }
0x602: {  	v4 =	vsub.f32 v4, v7  }
0x603: {  	v6 =	vmul.f32 $1.442695020e+00, v6  }
0x604: {  	v4 =	vmul.f32 $1.442695020e+00, v4  }
0x605: {  	(erf) = vpow2.f32 v6  }
0x606: {  	(erf) = vpow2.f32 v4;
	_ =	sdelay $0x7  }
0x607: {  	v4 =	vpop (erf)  }
0x608: {  	v4 =	vnsel vm14, $0x0, v4;
	v6 =	vpop (erf)  }
0x609: {  	(xrf2) =	vadd.scan.msk.f32 $0xffff, v4;
	v4 =	vnsel vm14, $0x0, v6  }
0x60a: {  	(xrf2) =	vadd.scan.msk.f32 $0xffff, v4;
	_ =	sdelay $0x8  }
0x60b: {  	v4, _, _ =	vpop (xrf2)  }
0x60c: {  	(v2sf) =	vpush v4, $0xF;
	v4, _, _ =	vpop (xrf2)  }
0x60d: {  	(v2sf) =	vpush v4, $0xF;
	_ =	sdelay $0x8  }
0x60e: {  	s1 =	ssub.s32 s4, s1  }
0x60f: {  	s29 =	scvt.s32.f32 s1;
	_ =	sdelay $0x1  }
0x610: {  	s3 =	smul.f32 s29, s28;
	_ =	sdelay $0x1  }
0x611: {  	s30 =	ssub.s32 $0x186A0, s4;
	s2 =	sadd.f32 s3, s2;
	s5 =	spop (v2sf)  }
0x612: {  	s3 =	scvt.s32.f32 s30;
	s31 =	spop (v2sf)  }
0x613: {  	s5 =	simm.s32 @!p0 $0x0;
	s2 =	smul.f32 s31, s2  }
0x614: {  	s3 =	smul.f32 s3, s5;
	_ =	sdelay $0x1  }
0x615: {  	s2 =	sadd.f32 s3, s2;
	_ =	sdelay $0x1  }
0x616: {  	v4 =	vmov s2  }
0x617: {  	(erf) = vrcp.f32 v4;
	_ =	sdelay $0x4  }
0x618: {  	p0 =	sne.s32 s1, s26  }
.Ltmp24:
0x619: {  	_ = 	snop;
	(pc) =	sbr.rel @p0 .LBB2_38-.Ltmp24, $3  }
0x61a: {  	_ =	sdelay $0x1  }
0x61b: {  	v6 =	vpop (erf)  }
0x61c: {  	s6 =	simm.s32 $0x400;
	v4 =	vmul.f32 s5, v6  }
0x61d: {  	s0 =	simm.s32 $0x40  }
0x61e: {  	v8 =	vld [tilespmem:s0+$0xFFFFFFC0]  }
0x61f: {  	v9 =	vld [tilespmem:s0+$0xFFFFFFF0];
	_ =	sdelay $0x3  }
0x620: {  	v12 =	vld [tilespmem:s0+$0x0];
	v10 =	vsub.f32 v8, v7  }
0x621: {  	v13 =	vld [tilespmem:s0+$0x30];
	v11 =	vsub.f32 v9, v7  }
0x622: {  	v10 =	vmul.f32 $1.442695020e+00, v10  }
0x623: {  	v11 =	vmul.f32 $1.442695020e+00, v11  }
0x624: {  	v15 =	vld [tilespmem:s0+$0xFFFFFFD0];
	v14 =	vxor.u32 $0x7FFFFFFF, v8;
	(erf) = vpow2.f32 v10  }
0x625: {  	vm0 =	vlt.s32 v8, $0x0;
	vm1 =	vlt.s32 v9, $0x0;
	(erf) = vpow2.f32 v11  }
0x626: {  	v16 =	vxor.u32 $0x7FFFFFFF, v13;
	v11 =	vsel vm0, v14, v8;
	v14 =	vsub.f32 v12, v7  }
0x627: {  	v17 =	vsub.f32 v13, v7;
	v19 =	vxor.u32 $0x7FFFFFFF, v12;
	v10 =	vld [tilespmem:s0+$0xFFFFFFE0];
	v8 =	vxor.u32 $0x7FFFFFFF, v9  }
0x628: {  	vm0 =	vlt.s32 v13, $0x0;
	v18 =	vsel vm1, v8, v9;
	v8 =	vld [tilespmem:s0+$0x10];
	v14 =	vmul.f32 $1.442695020e+00, v14  }
0x629: {  	v17 =	vmul.f32 $1.442695020e+00, v17;
	v16 =	vsel vm0, v16, v13;
	v13 =	vsub.f32 v15, v7  }
0x62a: {  	vm1 =	vlt.s32 v11, v5;
	vm0 =	vlt.s32 v12, $0x0;
	v9 =	vld [tilespmem:s0+$0x20];
	(erf) = vpow2.f32 v14  }
0x62b: {  	v11 =	vsel vm0, v19, v12;
	v13 =	vmul.f32 $1.442695020e+00, v13;
	(erf) = vpow2.f32 v17  }
0x62c: {  	vm0 =	vlt.s32 v15, $0x0;
	v12 =	vsub.f32 v10, v7;
	v14 =	vxor.u32 $0x7FFFFFFF, v15  }
0x62d: {  	v14 =	vsel vm0, v14, v15;
	v62 =	vsub.f32 v8, v7;
	v63 =	vpop (erf);
	(erf) = vpow2.f32 v13  }
0x62e: {  	v12 =	vmul.f32 $1.442695020e+00, v12;
	vm0 =	vlt.s32 v14, v5;
	v13 =	vmul.f32 v63, v6;
	v15 =	vpop (erf)  }
0x62f: {  	v17 =	vmul.f32 $1.442695020e+00, v62;
	v14 =	vmul.f32 v15, v6;
	v15 =	vsub.f32 v9, v7  }
0x630: {  	vm2 =	vlt.s32 v18, v5;
	(erf) = vpow2.f32 v12;
	v13 =	vsel vm1, v4, v13  }
0x631: {  	s1 =	simm.s32 $0x0;
	s2 =	simm.s32 $0xC0;
	(erf) = vpow2.f32 v17;
	[tilespmem:s0+$0xFFFFFFC0] =	vst v13;
	v12 =	vsel vm2, v4, v14;
	v13 =	vmul.f32 $1.442695020e+00, v15  }
0x632: {  	s3 =	simm.s32 $0x0;
	s4 =	simm.s32 $0x1;
	s5 =	simm.s32 $0x80;
	vm1 =	vlt.s32 v16, v5;
	vm2 =	vlt.s32 v9, $0x0;
	[tilespmem:s0+$0xFFFFFFF0] =	vst v12;
	v12 =	vxor.u32 $0x7FFFFFFF, v9  }
.LBB2_42:
0x633: {  	v14 =	vld [tilespmem:s2+$0xFFFFFFC0];
	s1 =	sadd.s32 $0x8, s1;
	v17 =	vxor.u32 $0x7FFFFFFF, v10;
	vm3 =	vlt.s32 v10, $0x0;
	v16 =	vpop (erf);
	(erf) = vpow2.f32 v13  }
0x634: {  	vm4 =	vlt.s32 v11, v5;
	v13 =	vld [tilespmem:s2+$0xFFFFFFF0];
	p0 =	slt.u32 s1, $0x1860;
	v10 =	vsel vm3, v17, v10;
	v17 =	vmul.f32 v16, v6;
	v15 =	vpop (erf)  }
0x635: {  	vm5 =	vlt.s32 v8, $0x0;
	v16 =	vxor.u32 $0x7FFFFFFF, v8;
	v15 =	vmul.f32 v15, v6  }
0x636: {  	vm3 =	vlt.s32 v10, v5;
	v8 =	vsel vm5, v16, v8;
	v10 =	vsel vm4, v4, v17;
	v11 =	vpop (erf)  }
0x637: {  	vm4 =	vlt.s32 v8, v5;
	v8 =	vsel vm2, v12, v9;
	[tilespmem:s0+$0x0] =	vst v10;
	v9 =	vsel vm1, v4, v15  }
0x638: {  	v11 =	vmul.f32 v11, v6;
	v10 =	vxor.u32 $0x7FFFFFFF, v14;
	v12 =	vsub.f32 v14, v7;
	[tilespmem:s0+$0x30] =	vst v9  }
0x639: {  	vm1 =	vlt.s32 v14, $0x0;
	vm2 =	vlt.s32 v13, $0x0;
	v9 =	vsub.f32 v13, v7;
	v15 =	vld [tilespmem:s2+$0x0];
	v16 =	vpop (erf)  }
0x63a: {  	v14 =	vsel vm1, v10, v14;
	v11 =	vsel vm0, v4, v11;
	v10 =	vmul.f32 $1.442695020e+00, v12;
	v12 =	vld [tilespmem:s2+$0x30]  }
0x63b: {  	v17 =	vxor.u32 $0x7FFFFFFF, v13;
	v9 =	vmul.f32 $1.442695020e+00, v9;
	[tilespmem:s0+$0xFFFFFFD0] =	vst v11;
	v11 =	vmul.f32 v16, v6;
	v16 =	vpop (erf)  }
0x63c: {  	vm0 =	vlt.s32 v8, v5;
	v18 =	vld [tilespmem:s2+$0xFFFFFFD0];
	(erf) = vpow2.f32 v10;
	v10 =	vmul.f32 v16, v6;
	v8 =	vpop (erf)  }
0x63d: {  	v13 =	vsel vm2, v17, v13;
	(erf) = vpow2.f32 v9;
	v9 =	vsel vm3, v4, v11  }
0x63e: {  	v16 =	vmul.f32 v8, v6;
	v11 =	vsub.f32 v15, v7;
	[tilespmem:s0+$0xFFFFFFE0] =	vst v9;
	v9 =	vsel vm4, v4, v10  }
0x63f: {  	v10 =	vld [tilespmem:s2+$0xFFFFFFE0];
	v17 =	vxor.u32 $0x7FFFFFFF, v12;
	vm1 =	vlt.s32 v12, $0x0;
	v19 =	vsub.f32 v12, v7;
	[tilespmem:s0+$0x10] =	vst v9  }
0x640: {  	v9 =	vsel vm0, v4, v16;
	v11 =	vmul.f32 $1.442695020e+00, v11;
	v8 =	vld [tilespmem:s2+$0x10];
	v12 =	vsel vm1, v17, v12  }
0x641: {  	v17 =	vxor.u32 $0x7FFFFFFF, v15;
	v16 =	vsub.f32 v18, v7;
	v19 =	vmul.f32 $1.442695020e+00, v19;
	[tilespmem:s0+$0x20] =	vst v9;
	s0 =	smov.u32 s2  }
0x642: {  	vm0 =	vlt.s32 v15, $0x0;
	vm1 =	vlt.s32 v14, v5;
	v9 =	vld [tilespmem:s2+$0x20];
	(erf) = vpow2.f32 v11  }
0x643: {  	v11 =	vsel vm0, v17, v15;
	v14 =	vmul.f32 $1.442695020e+00, v16;
	(erf) = vpow2.f32 v19  }
0x644: {  	vm2 =	vlt.s32 v13, v5;
	vm0 =	vlt.s32 v18, $0x0;
	v15 =	vsub.f32 v10, v7  }
0x645: {  	v13 =	vxor.u32 $0x7FFFFFFF, v18;
	v16 =	vsub.f32 v8, v7;
	v17 =	vpop (erf);
	(erf) = vpow2.f32 v14  }
.Ltmp25:
0x646: {  	v13 =	vsel vm0, v13, v18;
	v14 =	vmul.f32 v17, v6;
	v15 =	vmul.f32 $1.442695020e+00, v15;
	v17 =	vpop (erf);
	(pc) =	sbr.rel @p0 .LBB2_42-.Ltmp25, $4  }
0x647: {  	vm0 =	vlt.s32 v13, v5;
	v13 =	vmul.f32 v17, v6;
	v17 =	vsub.f32 v9, v7  }
0x648: {  	v16 =	vmul.f32 $1.442695020e+00, v16;
	v14 =	vsel vm1, v4, v14;
	(erf) = vpow2.f32 v15  }
0x649: {  	vm1 =	vlt.s32 v12, v5;
	[tilespmem:s2+$0xFFFFFFC0] =	vst v14;
	v14 =	vsel vm2, v4, v13;
	v13 =	vmul.f32 $1.442695020e+00, v17  }
0x64a: {  	v12 =	vxor.u32 $0x7FFFFFFF, v9;
	vm2 =	vlt.s32 v9, $0x0;
	s2 =	sadd.s32 $0x80, s2;
	[tilespmem:s0+$0xFFFFFFF0] =	vst v14;
	(erf) = vpow2.f32 v16  }
0x64b: {  	(erf) = vpow2.f32 v13;
	_ =	sdelay $0x3  }
0x64c: {  	v43 =	vpop (erf);
	v14 =	vxor.u32 $0x7FFFFFFF, v10;
	vm3 =	vlt.s32 v10, $0x0  }
0x64d: {  	vm9 =	vlt.s32 v11, v5;
	v46 =	vxor.u32 $0x7FFFFFFF, v8;
	v44 =	vmul.f32 v43, v6;
	v45 =	vpop (erf)  }
0x64e: {  	vm4 =	vlt.s32 v8, $0x0;
	v9 =	vsel vm2, v12, v9;
	v13 =	vmul.f32 v45, v6;
	v15 =	vpop (erf)  }
0x64f: {  	v10 =	vsel vm3, v14, v10;
	v11 =	vsel vm9, v4, v44;
	v47 =	vmul.f32 v15, v6;
	v48 =	vpop (erf)  }
0x650: {  	v8 =	vsel vm4, v46, v8;
	[tilespmem:s0+$0x0] =	vst v11;
	v49 =	vsel vm1, v4, v13;
	v50 =	vmul.f32 v48, v6;
	v51 =	vpop (erf)  }
0x651: {  	vm10 =	vlt.s32 v10, v5;
	[tilespmem:s0+$0x30] =	vst v49;
	v52 =	vsel vm0, v4, v47;
	v53 =	vmul.f32 v51, v6;
	v54 =	vpop (erf)  }
0x652: {  	vm11 =	vlt.s32 v8, v5;
	[tilespmem:s0+$0xFFFFFFD0] =	vst v52;
	v55 =	vsel vm10, v4, v50;
	v56 =	vmul.f32 v54, v6  }
0x653: {  	vm12 =	vlt.s32 v9, v5;
	[tilespmem:s0+$0xFFFFFFE0] =	vst v55;
	v57 =	vsel vm11, v4, v53  }
0x654: {  	[tilespmem:s0+$0x10] =	vst v57;
	v58 =	vsel vm12, v4, v56  }
0x655: {  	[tilespmem:s0+$0x20] =	vst v58  }
0x656: {  	v8 =	vld [tilespmem:$0x18680]  }
0x657: {  	v59 =	vld [tilespmem:$0x18690];
	_ =	sdelay $0x3  }
0x658: {  	v60 =	vsub.f32 v8, v7  }
0x659: {  	v7 =	vsub.f32 v59, v7  }
0x65a: {  	v10 =	vmul.f32 $1.442695020e+00, v60  }
0x65b: {  	v7 =	vmul.f32 $1.442695020e+00, v7  }
0x65c: {  	(erf) = vpow2.f32 v10  }
0x65d: {  	(erf) = vpow2.f32 v7;
	_ =	sdelay $0x7  }
.Ltmp26:
0x65e: {  	vm13 =	vlt.s32 v8, $0x0;
	v62 =	vxor.u32 $0x7FFFFFFF, v59;
	v7 =	vxor.u32 $0x7FFFFFFF, v8;
	v61 =	vpop (erf);
	(pc) =	sbr.rel .LBB2_44-.Ltmp26, $4  }
0x65f: {  	vm14 =	vlt.s32 v59, $0x0;
	v7 =	vsel vm13, v7, v8;
	v8 =	vmul.f32 v61, v6;
	v63 =	vpop (erf)  }
0x660: {  	vm15 =	vlt.s32 v7, v5;
	v7 =	vsel vm14, v62, v59;
	v6 =	vmul.f32 v63, v6  }
0x661: {  	vm0 =	vlt.s32 v7, v5;
	v8 =	vsel vm15, v4, v8  }
0x662: {  	[tilespmem:$0x18680] =	vst v8;
	v4 =	vsel vm0, v4, v6  }
.LBB2_38:
0x663: {  	s0 =	simm.s32 $0x20  }
0x664: {  	v9 =	vld [tilespmem:s0+$0xFFFFFFF0];
	_ =	sdelay $0x2  }
0x665: {  	v10 =	vld [tilespmem:s0+$0xFFFFFFE0];
	_ =	sdelay $0x1  }
0x666: {  	v11 =	vxor.u32 $0x7FFFFFFF, v9;
	vm0 =	vlt.s32 v9, $0x0  }
0x667: {  	v11 =	vsel vm0, v11, v9  }
0x668: {  	vm1 =	veq.s32 v11, v5  }
0x669: {  	v15 =	vsub.f32 v10, v7;
	v13 =	vsel vm1, $0x1, v0  }
0x66a: {  	v14 =	vxor.u32 $0x7FFFFFFF, v10;
	vm0 =	vlt.s32 v10, $0x0;
	(xrf0) =	vadd.scan.msk.s32 $0xffff, v13  }
0x66b: {  	v13 =	vsel vm0, v14, v10;
	v14 =	vmul.f32 $1.442695020e+00, v15  }
0x66c: {  	v9 =	vsub.f32 v9, v7;
	vm0 =	veq.s32 v13, v5  }
0x66d: {  	v10 =	vld [tilespmem:s0+$0x0];
	v15 =	vsel vm0, $0x1, v0;
	(erf) = vpow2.f32 v14  }
0x66e: {  	v9 =	vmul.f32 $1.442695020e+00, v9;
	v16 =	vmpcnt.ones.xlane vm0;
	(xrf0) =	vadd.scan.msk.s32 $0xffff, v15  }
0x66f: {  	v12 =	vimm.s32 $0x0;
	v14 =	vmpcnt.ones.xlane vm1  }
0x670: {  	vm2 =	vgt.s32 v11, v5;
	(erf) = vpow2.f32 v9;
	v11 =	vadd.s32 v12, v16;
	v15, _, _ =	vpop (xrf0)  }
0x671: {  	v8 =	vmov s1;
	v9 =	vadd.s32 v11, v14;
	v15 =	vadd.s32 v11, v15;
	v11 =	vld [tilespmem:s0+$0x10]  }
0x672: {  	v63 =	vxor.u32 $0x7FFFFFFF, v10;
	vm3 =	vlt.s32 v10, $0x0;
	v17 =	vsub.f32 v10, v7  }
0x673: {  	v10 =	vsel vm3, v63, v10;
	vm3 =	vgt.s32 v13, v5;
	vm4 =	vle.s32 v15, v8  }
0x674: {  	s3 =	simm.s32 $0x0;
	s4 =	simm.s32 $0x1;
	v13 =	vmul.f32 $1.442695020e+00, v17;
	vm4 =	vmand vm1, vm4;
	vm1 =	veq.s32 v10, v5;
	v14, _, _ =	vpop (xrf0)  }
0x675: {  	s5 =	simm.s32 $0x80;
	s1 =	simm.s32 $0x0;
	s2 =	simm.s32 $0x60;
	v12 =	vadd.s32 v12, v14;
	vm2 =	vmor vm2, vm4;
	v14 =	vsel vm1, $0x1, v0  }
.LBB2_39:
0x676: {  	v15 =	vld [tilespmem:s2+$0xFFFFFFF0];
	s1 =	sadd.s32 $0x4, s1;
	vm4 =	vle.s32 v12, v8;
	v12 =	vsub.f32 v11, v7;
	v16 =	vpop (erf);
	(erf) = vpow2.f32 v13  }
0x677: {  	p0 =	slt.u32 s1, $0x1864;
	vm0 =	vmand vm0, vm4;
	v13 =	vmul.f32 v16, v6;
	vm4 =	vlt.s32 v11, $0x0;
	(xrf0) =	vadd.scan.msk.s32 $0xffff, v14  }
0x678: {  	v17 =	vxor.u32 $0x7FFFFFFF, v11;
	vm0 =	vmor vm3, vm0;
	v12 =	vmul.f32 $1.442695020e+00, v12  }
0x679: {  	v16 =	vmpcnt.ones.xlane vm1;
	v11 =	vsel vm4, v17, v11;
	v13 =	vsel vm0, v13, v4;
	v14 =	vpop (erf)  }
0x67a: {  	vm3 =	veq.s32 v11, v5;
	[tilespmem:s0+$0xFFFFFFE0] =	vst v13;
	v20 =	vmul.f32 v14, v6;
	(erf) = vpow2.f32 v12  }
0x67b: {  	v14 =	vsel vm3, $0x1, v0;
	v17 =	vmpcnt.ones.xlane vm3;
	v12 =	vsub.f32 v15, v7  }
0x67c: {  	v16 =	vadd.s32 v9, v16;
	v18 =	vld [tilespmem:s2+$0xFFFFFFE0];
	v19 =	vsel vm2, v20, v4;
	(xrf0) =	vadd.scan.msk.s32 $0xffff, v14  }
0x67d: {  	vm0 =	vlt.s32 v15, $0x0;
	v14 =	vxor.u32 $0x7FFFFFFF, v15;
	v17 =	vadd.s32 v16, v17;
	[tilespmem:s0+$0xFFFFFFF0] =	vst v19;
	v13, _, _ =	vpop (xrf0)  }
0x67e: {  	vm5 =	vgt.s32 v10, v5;
	v12 =	vmul.f32 $1.442695020e+00, v12;
	v13 =	vadd.s32 v9, v13  }
0x67f: {  	vm4 =	vgt.s32 v11, v5;
	v10 =	vsel vm0, v14, v15;
	vm0 =	vle.s32 v13, v8;
	v9 =	vpop (erf)  }
0x680: {  	vm2 =	veq.s32 v10, v5;
	vm0 =	vmand vm1, vm0;
	v9 =	vmul.f32 v9, v6  }
0x681: {  	v15 =	vsel vm2, $0x1, v0;
	v11 =	vsub.f32 v18, v7;
	vm0 =	vmor vm5, vm0  }
0x682: {  	v14 =	vxor.u32 $0x7FFFFFFF, v18;
	vm1 =	vlt.s32 v18, $0x0;
	(xrf0) =	vadd.scan.msk.s32 $0xffff, v15;
	v9 =	vsel vm0, v9, v4;
	v13, _, _ =	vpop (xrf0)  }
0x683: {  	v14 =	vsel vm1, v14, v18;
	v11 =	vmul.f32 $1.442695020e+00, v11;
	[tilespmem:s0+$0x0] =	vst v9;
	v9 =	vadd.s32 v16, v13;
	v13 =	vpop (erf)  }
0x684: {  	vm0 =	veq.s32 v14, v5;
	v15 =	vld [tilespmem:s2+$0x0];
	vm1 =	vle.s32 v9, v8;
	v9 =	vmul.f32 v13, v6  }
0x685: {  	v13 =	vsel vm0, $0x1, v0;
	(erf) = vpow2.f32 v11;
	vm1 =	vmand vm3, vm1  }
0x686: {  	v11 =	vmpcnt.ones.xlane vm0;
	(xrf0) =	vadd.scan.msk.s32 $0xffff, v13;
	vm1 =	vmor vm4, vm1  }
0x687: {  	vm4 =	vgt.s32 v10, v5;
	v9 =	vsel vm1, v9, v4  }
0x688: {  	v13 =	vmpcnt.ones.xlane vm2;
	v10 =	vadd.s32 v17, v11;
	v16, _, _ =	vpop (xrf0);
	(erf) = vpow2.f32 v12;
	[tilespmem:s0+$0x10] =	vst v9;
	s0 =	smov.u32 s2  }
.Ltmp27:
0x689: {  	v12 =	vxor.u32 $0x7FFFFFFF, v15;
	vm1 =	vlt.s32 v15, $0x0;
	v18 =	vsub.f32 v15, v7;
	v11 =	vld [tilespmem:s2+$0x10];
	(pc) =	sbr.rel @p0 .LBB2_39-.Ltmp27, $4  }
0x68a: {  	v9 =	vadd.s32 v10, v13;
	v16 =	vadd.s32 v10, v16;
	v10 =	vsel vm1, v12, v15  }
0x68b: {  	vm3 =	vgt.s32 v14, v5;
	vm1 =	vle.s32 v16, v8;
	v13 =	vmul.f32 $1.442695020e+00, v18  }
0x68c: {  	vm2 =	vmand vm2, vm1;
	vm1 =	veq.s32 v10, v5;
	v12, _, _ =	vpop (xrf0)  }
0x68d: {  	s2 =	sadd.s32 $0x40, s2;
	vm2 =	vmor vm4, vm2;
	v14 =	vsel vm1, $0x1, v0;
	v12 =	vadd.s32 v17, v12  }
0x68e: {  	v15 =	vsub.f32 v11, v7  }
0x68f: {  	vm4 =	vlt.s32 v11, $0x0;
	v16 =	vxor.u32 $0x7FFFFFFF, v11  }
0x690: {  	v11 =	vsel vm4, v16, v11;
	v15 =	vmul.f32 $1.442695020e+00, v15  }
0x691: {  	(erf) = vpow2.f32 v13;
	vm4 =	veq.s32 v11, v5  }
0x692: {  	(xrf0) =	vadd.scan.msk.s32 $0xffff, v14;
	v41 =	vsel vm4, $0x1, v0;
	(erf) = vpow2.f32 v15  }
0x693: {  	(xrf0) =	vadd.scan.msk.s32 $0xffff, v41;
	_ =	sdelay $0x2  }
0x694: {  	v42 =	vpop (erf);
	vm5 =	vle.s32 v12, v8;
	v46 =	vmpcnt.ones.xlane vm1  }
0x695: {  	vm13 =	vgt.s32 v10, v5;
	vm0 =	vmand vm0, vm5;
	v44 =	vmul.f32 v42, v6;
	v43 =	vpop (erf)  }
0x696: {  	vm0 =	vmor vm3, vm0;
	v14 =	vadd.s32 v9, v46;
	v45 =	vmul.f32 v43, v6;
	v47, _, _ =	vpop (xrf0)  }
0x697: {  	vm15 =	vgt.s32 v11, v5;
	v12 =	vsel vm0, v44, v4;
	v48 =	vadd.s32 v9, v47;
	v49, _, _ =	vpop (xrf0)  }
0x698: {  	v13 =	vsel vm2, v45, v4;
	vm14 =	vle.s32 v48, v8;
	v50 =	vpop (erf);
	v10 =	vadd.s32 v14, v49  }
0x699: {  	vm5 =	vmand vm1, vm14;
	v9 =	vmul.f32 v50, v6;
	vm6 =	vle.s32 v10, v8;
	v51 =	vpop (erf)  }
0x69a: {  	[tilespmem:s0+$0xFFFFFFE0] =	vst v12;
	vm0 =	vmor vm13, vm5;
	vm7 =	vmand vm4, vm6;
	v52 =	vmul.f32 v51, v6  }
0x69b: {  	[tilespmem:s0+$0xFFFFFFF0] =	vst v13;
	v9 =	vsel vm0, v9, v4;
	vm8 =	vmor vm15, vm7  }
0x69c: {  	[tilespmem:s0+$0x0] =	vst v9;
	v53 =	vsel vm8, v52, v4  }
0x69d: {  	[tilespmem:s0+$0x10] =	vst v53  }
0x69e: {  	v9 =	vld [tilespmem:$0x18680]  }
0x69f: {  	v54 =	vld [tilespmem:$0x18690];
	_ =	sdelay $0x4  }
0x6a0: {  	v55 =	vxor.u32 $0x7FFFFFFF, v9;
	vm9 =	vlt.s32 v9, $0x0;
	v56 =	vxor.u32 $0x7FFFFFFF, v54  }
0x6a1: {  	vm10 =	vlt.s32 v54, $0x0;
	v11 =	vsel vm9, v55, v9;
	v9 =	vsub.f32 v9, v7  }
0x6a2: {  	v7 =	vsub.f32 v54, v7;
	v10 =	vsel vm10, v56, v54;
	vm0 =	veq.s32 v11, v5  }
0x6a3: {  	vm1 =	veq.s32 v10, v5;
	v9 =	vmul.f32 $1.442695020e+00, v9;
	v57 =	vsel vm0, $0x1, v0  }
0x6a4: {  	v7 =	vmul.f32 $1.442695020e+00, v7;
	v58 =	vsel vm1, $0x1, v0;
	(xrf0) =	vadd.scan.msk.s32 $0xffff, v57  }
0x6a5: {  	(erf) = vpow2.f32 v9;
	(xrf0) =	vadd.scan.msk.s32 $0xffff, v58  }
0x6a6: {  	(erf) = vpow2.f32 v7;
	_ =	sdelay $0x1  }
0x6a7: {  	v7 =	vmpcnt.ones.xlane vm4  }
0x6a8: {  	v60 =	vmpcnt.ones.xlane vm0  }
0x6a9: {  	v7 =	vadd.s32 v14, v7;
	v59, _, _ =	vpop (xrf0)  }
0x6aa: {  	v9 =	vadd.s32 v7, v59;
	v7 =	vadd.s32 v7, v60;
	v61, _, _ =	vpop (xrf0)  }
0x6ab: {  	v7 =	vadd.s32 v61, v7;
	_ =	sdelay $0x1  }
.Ltmp28:
0x6ac: {  	vm12 =	vgt.s32 v11, v5;
	vm14 =	vgt.s32 v10, v5;
	vm11 =	vle.s32 v9, v8;
	v62 =	vpop (erf);
	(pc) =	sbr.rel .LBB2_44-.Ltmp28, $4  }
0x6ad: {  	vm0 =	vmand vm0, vm11;
	vm13 =	vle.s32 v7, v8;
	v63 =	vmul.f32 v62, v6;
	v7 =	vpop (erf)  }
0x6ae: {  	vm0 =	vmor vm12, vm0;
	vm1 =	vmand vm1, vm13;
	v5 =	vmul.f32 v7, v6  }
0x6af: {  	vm15 =	vmor vm14, vm1;
	v6 =	vsel vm0, v63, v4  }
0x6b0: {  	[tilespmem:$0x18680] =	vst v6;
	v4 =	vsel vm15, v5, v4  }
.LBB2_46:
0x6b1: {  	_ =	sfence.sel $0x180000  }
0x6b2: {  	[bflag:$0x0] =	sbarrier.arrive $0xFFFF  }
0x6b3: {  	_ =	strace $0x90000047  }
0x6b4: {  	s0 =	stileid.u32;
	[bflag:$0x2] =	sbarrier.arrive $0xFFFF  }
0x6b5: {  	p0 =	sne.s32 s0, $0x0;
	s0 =	rddreg [dreg:$0x3]  }
0x6b6: {  	s0 =	sadd.s32 @!p0 $0x100000, s0  }
0x6b7: {  	[sflag:s0] =	ssyncadd.tile.s32 @!p0 $0x1;
	_ =	shalt  }
.Lfunc_end2:
_tile_overlayer_lowered:
.L_overlay_start_2:
0x6b8: {  	(tag) =	ssettag $0x2  }
0x6b9: {  	s0 =	rddreg [dreg:$0x0];
	s2 =	stileid.u32  }
0x6ba: {  	s1 =	rddreg [dreg:$0x1];
	p0 =	sne.s32 s2, $0x0  }
0x6bb: {  	s3 =	rddreg [dreg:$0x2];
	[bflag:$0x3] =	sbarrier.arrive $0xFFFF;
	s2 =	simm.s32 @!p0 $0x1C01  }
0x6bc: {  	[timem:s3], [sflag:s2] =	dma.local @!p0 [hbm:s0], s1  }
0x6bd: {  	s0 =	simm.s32 @!p0 $0x1  }
0x6be: {  	_ =	swait.ge @!p0 [sflag:s0], s1  }
0x6bf: {  	s1 =	ssub.s32 @!p0 $0x0, s1;
	[sflag:s0] =	ssyncset.done @!p0 $0x0  }
0x6c0: {  	[sflag:s0] =	ssyncadd.s32 @!p0 s1  }
0x6c1: {  	[bflag:$0x3] =	sbarrier.arrive $0xFFFF  }
0x6c2: {  	_ =	shalt  }

</sc_bundles>
